<compile_context>
chip_gen: v7x
topology: tpu7x:2x2x1
jax: 0.10.2.dev20260603
libtpu: 0.0.44.dev20260713+nightly
codegen_flags: <defaults>
</compile_context>

<pallas_src>
import functools

import jax
import jax.numpy as jnp
from jax import lax
from jax.experimental import pallas as pl
from jax.experimental.pallas import tpu as pltpu
from jax.experimental.pallas import tpu_sc as plsc

_TOPK = 100
_NMS_IOU = 0.7
_PRE_TOPK = 10000
_G = 16
_BS = 8
_NQ = 1000
_NQP = 1024
_NC = 91
_NTOT = _NQ * _NC
_NPT = 91008
_NGR = _NPT // _G
_HB = 8192
_HB2 = 2048
_SBUF = 2048
_TB = 2048
_KMAX = 128
_BATCH_TARGET = 128


def _make_sc():
    mesh = plsc.VectorSubcoreMesh(core_axis_name="c", subcore_axis_name="s")

    @functools.partial(
        pl.kernel, mesh=mesh,
        out_type=jax.ShapeDtypeStruct((_BS, _KMAX), jnp.int32),
        scratch_types=[
            pltpu.VMEM((_NPT,), jnp.float32),
            pltpu.VMEM((_HB,), jnp.int32),
            pltpu.VMEM((_HB2,), jnp.int32),
            pltpu.VMEM((_NQP,), jnp.float32),
            pltpu.VMEM((_NQP,), jnp.float32),
            pltpu.VMEM((_NQP,), jnp.float32),
            pltpu.VMEM((_NQP,), jnp.float32),
            pltpu.VMEM((_NQP,), jnp.float32),
            pltpu.VMEM((_NQP,), jnp.int32),
            pltpu.VMEM((_SBUF,), jnp.int32),
            pltpu.VMEM((_SBUF,), jnp.int32),
            pltpu.VMEM((_SBUF,), jnp.int32),
            pltpu.VMEM((_SBUF,), jnp.int32),
            pltpu.VMEM((_TB,), jnp.int32),
            pltpu.VMEM((_TB,), jnp.int32),
            pltpu.VMEM((_KMAX * _G,), jnp.float32),
            pltpu.VMEM((_KMAX * _G,), jnp.float32),
            pltpu.VMEM((_KMAX * _G,), jnp.float32),
            pltpu.VMEM((_KMAX * _G,), jnp.float32),
            pltpu.VMEM((_KMAX * _G,), jnp.float32),
            pltpu.VMEM((_KMAX,), jnp.int32),
            pltpu.VMEM((_KMAX,), jnp.int32),
        ],
        compiler_params=pltpu.CompilerParams(needs_layout_passes=False),
    )
    def sck(prob_hbm, boxt_hbm, out_hbm,
            scf, hist, hist2, bx1, by1, bx2, by2, mq, qmark,
            sbits, sidx, obits, oidx, tbits, tidx,
            kx1, ky1, kx2, ky2, karea, keepv, suppv):
        nc_ = plsc.get_sparse_core_info().num_cores
        wid = lax.axis_index("s") * nc_ + lax.axis_index("c")

        @pl.when(wid < _BS)
        def _work():
            iota = lax.iota(jnp.int32, _G)
            lane0 = iota == 0
            allm = iota == iota
            zeros = iota * 0
            ones = zeros + 1

            def ext(v, l):
                return jnp.sum(jnp.where(iota == l, v, 0))

            def extf(v, l):
                return jnp.sum(jnp.where(iota == l, v, 0.0))

            def spl(s):
                return jnp.where(allm, s, s)

            pltpu.sync_copy(prob_hbm.at[wid], scf)
            pltpu.sync_copy(boxt_hbm.at[wid, 0], bx1)
            pltpu.sync_copy(boxt_hbm.at[wid, 1], by1)
            pltpu.sync_copy(boxt_hbm.at[wid, 2], bx2)
            pltpu.sync_copy(boxt_hbm.at[wid, 3], by2)

            def mq_body(g, _):
                s = g * _G
                v = jnp.maximum(jnp.maximum(bx1[pl.ds(s, _G)],
                                            by1[pl.ds(s, _G)]),
                                jnp.maximum(bx2[pl.ds(s, _G)],
                                            by2[pl.ds(s, _G)]))
                mq[pl.ds(s, _G)] = v
                qmark[pl.ds(s, _G)] = zeros
                return _
            lax.fori_loop(0, _NQP // _G, mq_body, 0)

            def hz(g, _):
                for u in range(8):
                    hist[pl.ds((g * 8 + u) * _G, _G)] = zeros
                return _
            lax.fori_loop(0, _HB // _G // 8, hz, 0)

            def h1(g, _):
                for u in range(4):
                    s = (g * 4 + u) * _G
                    bits = plsc.bitcast(scf[pl.ds(s, _G)], jnp.int32)
                    b = lax.shift_right_logical(bits, 17)
                    plsc.addupdate_scatter(hist, [b], ones, mask=allm)
                return _
            lax.fori_loop(0, _NGR // 4, h1, 0)

            def walk(hist_ref, ngroups, hi_bin, t1, t2):
                def wcond(c):
                    i, _cum, _b1, _g1, b2, _g2 = c
                    return (i < ngroups) & (b2 < 0)

                def wb(c):
                    i, cum, b1, g1, b2, g2 = c
                    gidx = (hi_bin // _G) - 1 - i
                    v = hist_ref[pl.ds(gidx * _G, _G)]
                    tot = jnp.sum(v)
                    cs = plsc.cumsum(v)
                    suf = cum + tot - cs + v
                    hit1 = (cum < t1) & (cum + tot >= t1)
                    l1 = jnp.max(jnp.where(suf >= t1, iota, jnp.int32(-1)))
                    nb1 = jnp.where(hit1, gidx * _G + l1, b1)
                    ng1 = jnp.where(hit1, ext(suf, l1) - ext(v, l1), g1)
                    hit2 = (cum < t2) & (cum + tot >= t2)
                    l2 = jnp.max(jnp.where(suf >= t2, iota, jnp.int32(-1)))
                    nb2 = jnp.where(hit2, gidx * _G + l2, b2)
                    ng2 = jnp.where(hit2, ext(suf, l2) - ext(v, l2), g2)
                    return i + 1, cum + tot, nb1, ng1, nb2, ng2
                init = (jnp.int32(0), jnp.int32(0), jnp.int32(-1),
                        jnp.int32(0), jnp.int32(-1), jnp.int32(0))
                out = lax.while_loop(wcond, wb, init)
                return out[1:]

            _, sb_bin, sb_gt, b10k, b10k_gt = walk(
                hist, _HB // _G, _HB, _BATCH_TARGET, _PRE_TOPK)
            rank = _PRE_TOPK - b10k_gt

            lo_bin0 = jnp.maximum(sb_bin, b10k + 1)
            hi_bits0 = jnp.int32(0x7FFFFFFF)
            lo_bits0 = lo_bin0 * 131072

            def compact(lo_bits, hi_bits, with_tau):
                def c2(g, c):
                    ns, nt = c
                    for u in range(4):
                        s = (g * 4 + u) * _G
                        bits = plsc.bitcast(scf[pl.ds(s, _G)], jnp.int32)
                        gi = s + iota
                        ms = (bits >= lo_bits) & (bits < hi_bits)
                        cs = plsc.cumsum(jnp.where(ms, 1, 0))
                        pos = ns + cs - 1
                        okm = ms & (pos < _SBUF)
                        plsc.store_scatter(sbits, [pos], bits, mask=okm)
                        plsc.store_scatter(sidx, [pos], gi, mask=okm)
                        ns = jnp.minimum(ns + ext(cs, _G - 1), _SBUF)
                        if with_tau:
                            b = lax.shift_right_logical(bits, 17)
                            mt = b == b10k
                            ct = plsc.cumsum(jnp.where(mt, 1, 0))
                            post = nt + ct - 1
                            okt = mt & (post < _TB)
                            plsc.store_scatter(tbits, [post], bits, mask=okt)
                            plsc.store_scatter(tidx, [post], gi, mask=okt)
                            nt = jnp.minimum(nt + ext(ct, _G - 1), _TB)
                            mh = b > b10k
                            q = gi // _NC
                            plsc.addupdate_scatter(qmark, [q], ones, mask=mh)
                    return ns, nt
                return lax.fori_loop(0, _NGR // 4, c2, (jnp.int32(0),
                                                        jnp.int32(0)))

            ns0, nt = compact(lo_bits0, hi_bits0, True)

            def h2z(g, _):
                hist2[pl.ds(g * _G, _G)] = zeros
                return _
            lax.fori_loop(0, _HB2 // _G, h2z, 0)
            ntg = (nt + _G - 1) // _G

            def h2(g, c):
                bits = tbits[pl.ds(g * _G, _G)]
                valid = (g * _G + iota) < nt
                d2 = lax.shift_right_logical(bits, 6) & 0x7FF
                plsc.addupdate_scatter(hist2, [d2], ones, mask=valid)
                return c
            lax.fori_loop(0, ntg, h2, 0)
            _, d2s, d2gt, _, _ = walk(hist2, _HB2 // _G, _HB2, rank, 999999)
            rank2 = rank - d2gt

            def h3z(g, _):
                hist2[pl.ds(g * _G, _G)] = zeros
                return _
            lax.fori_loop(0, 4, h3z, 0)

            def h3(g, c):
                bits = tbits[pl.ds(g * _G, _G)]
                valid = ((g * _G + iota) < nt) & \
                    ((lax.shift_right_logical(bits, 6) & 0x7FF) == d2s)
                d3 = bits & 0x3F
                plsc.addupdate_scatter(hist2, [d3], ones, mask=valid)
                return c
            lax.fori_loop(0, ntg, h3, 0)
            _, d3s, d3gt, _, _ = walk(hist2, 4, 64, rank2, 999999)
            tau_bits = b10k * 131072 + d2s * 64 + d3s
            need = _PRE_TOPK - (b10k_gt + d2gt + d3gt)

            def markt(g, neq):
                bits = tbits[pl.ds(g * _G, _G)]
                gi = tidx[pl.ds(g * _G, _G)]
                valid = (g * _G + iota) < nt
                eq = valid & (bits == tau_bits)
                cs = plsc.cumsum(jnp.where(eq, 1, 0))
                mark = valid & ((bits > tau_bits)
                                | (eq & ((neq + cs) <= need)))
                q = gi // _NC
                plsc.addupdate_scatter(qmark, [q], ones, mask=mark)
                return neq + ext(cs, _G - 1)
            lax.fori_loop(0, ntg, markt, jnp.int32(0))

            def mx(g, m):
                s = g * _G
                v = jnp.where(qmark[pl.ds(s, _G)] > 0, mq[pl.ds(s, _G)],
                              jnp.float32(-3.0e38))
                return jnp.maximum(m, jnp.max(v))
            max_coord = lax.fori_loop(0, _NQP // _G, mx, jnp.float32(-3.0e38))
            offsc = max_coord + 1.0

            def sort_batch(ns):
                def sb(i, _):
                    grp = (i // _G) * _G
                    ib = ext(sbits[pl.ds(grp, _G)], i - grp)

                    def cnt(j, a):
                        v = sbits[pl.ds(j * _G, _G)]
                        jj = j * _G + iota
                        before = (v > ib) | ((v == ib) & (jj < i))
                        before = before & (jj < ns)
                        return a + jnp.where(before, 1, 0)
                    av = lax.fori_loop(0, (ns + _G - 1) // _G, cnt, zeros)
                    r = jnp.sum(av)
                    plsc.store_scatter(obits, [spl(r)], spl(ib),
                                       mask=lane0)
                    plsc.store_scatter(
                        oidx, [spl(r)],
                        spl(ext(sidx[pl.ds(grp, _G)], i - grp)), mask=lane0)
                    return _
                lax.fori_loop(0, ns, sb, 0)

            def nms_batch(ns, kc, sc_):
                ng = (ns + _G - 1) // _G

                def group_body(carry):
                    g, kc, sc_ = carry
                    base = g * _G
                    inb0 = (base + iota) < ns
                    gi = jnp.where(inb0, oidx[pl.ds(base, _G)], 0)
                    q = gi // _NC
                    lbl = gi - q * _NC
                    off = lbl.astype(jnp.float32) * offsc
                    gx1 = plsc.load_gather(bx1, [q]) + off
                    gy1 = plsc.load_gather(by1, [q]) + off
                    gx2 = plsc.load_gather(bx2, [q]) + off
                    gy2 = plsc.load_gather(by2, [q]) + off
                    garea = (gx2 - gx1) * (gy2 - gy1)
                    inb = inb0

                    def vs_kept(k, surv):
                        row = k * _G
                        xx1 = jnp.maximum(kx1[pl.ds(row, _G)], gx1)
                        yy1 = jnp.maximum(ky1[pl.ds(row, _G)], gy1)
                        xx2 = jnp.minimum(kx2[pl.ds(row, _G)], gx2)
                        yy2 = jnp.minimum(ky2[pl.ds(row, _G)], gy2)
                        inter = (jnp.maximum(xx2 - xx1, 0.0)
                                 * jnp.maximum(yy2 - yy1, 0.0))
                        iou = inter / (karea[pl.ds(row, _G)] + garea
                                       - inter + 1e-12)
                        return jnp.where(iou > _NMS_IOU, 0, surv)

                    surv0 = jnp.where(inb, 1, 0)
                    surv0 = lax.fori_loop(0, kc, vs_kept, surv0)

                    def lane_body(l, c):
                        surv, kc, sc_ = c
                        sl = ext(surv, l)
                        validj = ext(jnp.where(inb, 1, 0), l) > 0
                        is_keep = (sl > 0) & (kc < _TOPK)
                        gidx = ext(gi, l)
                        xj1 = extf(gx1, l); yj1 = extf(gy1, l)
                        xj2 = extf(gx2, l); yj2 = extf(gy2, l)
                        aj = extf(garea, l)
                        mk = is_keep & allm
                        row = kc * _G
                        plsc.store_scatter(kx1, [row + iota], spl(xj1),
                                           mask=mk)
                        plsc.store_scatter(ky1, [row + iota], spl(yj1),
                                           mask=mk)
                        plsc.store_scatter(kx2, [row + iota], spl(xj2),
                                           mask=mk)
                        plsc.store_scatter(ky2, [row + iota], spl(yj2),
                                           mask=mk)
                        plsc.store_scatter(karea, [row + iota], spl(aj),
                                           mask=mk)
                        plsc.store_scatter(keepv, [spl(kc)], spl(gidx),
                                           mask=is_keep & lane0)
                        sxx1 = jnp.maximum(spl(xj1), gx1)
                        syy1 = jnp.maximum(spl(yj1), gy1)
                        sxx2 = jnp.minimum(spl(xj2), gx2)
                        syy2 = jnp.minimum(spl(yj2), gy2)
                        sint = (jnp.maximum(sxx2 - sxx1, 0.0)
                                * jnp.maximum(syy2 - syy1, 0.0))
                        siou = sint / (spl(aj) + garea - sint + 1e-12)
                        kill = (siou > _NMS_IOU) & (iota > l) & is_keep
                        surv2 = jnp.where(kill, 0, surv)
                        is_supp = validj & (sl == 0)
                        plsc.store_scatter(suppv, [spl(sc_)], spl(gidx),
                                           mask=is_supp & lane0
                                           & (sc_ < _KMAX))
                        return (surv2,
                                kc + jnp.where(is_keep, 1, 0),
                                jnp.minimum(sc_ + jnp.where(is_supp, 1, 0),
                                            _KMAX - 1))

                    _, kc, sc_ = lax.fori_loop(0, _G, lane_body,
                                               (surv0, kc, sc_))
                    return g + 1, kc, sc_

                def group_cond(carry):
                    g, kc, _ = carry
                    return (g < ng) & (kc < _TOPK)

                _, kc, sc_ = lax.while_loop(group_cond, group_body,
                                            (jnp.int32(0), kc, sc_))
                return kc, sc_

            sort_batch(ns0)
            kc, sc_ = nms_batch(ns0, jnp.int32(0), jnp.int32(0))

            def ext_cond(carry):
                kc, sc_, lo_bits, _hi = carry
                return (kc < _TOPK) & (lo_bits > tau_bits)

            def ext_body(carry):
                kc, sc_, lo_bits, _hi = carry
                hi_bin = lax.shift_right_logical(lo_bits, 17)
                def wb(i, c):
                    cum, nb = c
                    gidx = (hi_bin - 1 - i) // 1
                    v = ext(hist[pl.ds((gidx // _G) * _G, _G)],
                            gidx - (gidx // _G) * _G)
                    hit = (cum < _BATCH_TARGET) & (cum + v >= _BATCH_TARGET)
                    nb2 = jnp.where(hit & (nb < 0), gidx, nb)
                    return cum + v, nb2
                nbins = hi_bin - (b10k + 1)
                cum, nb = lax.fori_loop(0, jnp.maximum(nbins, 0), wb,
                                        (jnp.int32(0), jnp.int32(-1)))
                new_lo = jnp.where(nb < 0, tau_bits, nb * 131072)
                ns, _ = compact(new_lo, lo_bits, False)
                sort_batch(ns)
                kc, sc_ = nms_batch(ns, kc, sc_)
                return kc, sc_, new_lo, lo_bits

            kc, sc_, _, _ = lax.while_loop(
                ext_cond, ext_body, (kc, sc_, lo_bits0, hi_bits0))

            @pl.when(kc < _TOPK)
            def _pad():
                def fill(t, _):
                    j = t - kc
                    val = ext(suppv[pl.ds((j // _G) * _G, _G)], j % _G)
                    plsc.store_scatter(keepv, [spl(t)], spl(val),
                                       mask=lane0)
                    return _
                lax.fori_loop(kc, _TOPK, fill, 0)

            pltpu.sync_copy(keepv, out_hbm.at[wid])

    return sck


_make_sc = functools.cache(_make_sc)


@jax.jit
def kernel(pred_logits, pred_boxes, target_sizes):
    bs, nq, nc = pred_logits.shape
    prob = jax.nn.sigmoid(pred_logits).reshape(bs, nq * nc)
    prob_p = jnp.pad(prob, ((0, 0), (0, _NPT - nq * nc)))

    cx = pred_boxes[..., 0]; cy = pred_boxes[..., 1]
    w = pred_boxes[..., 2]; h = pred_boxes[..., 3]
    img_h = target_sizes[:, 0].astype(jnp.float32)
    img_w = target_sizes[:, 1].astype(jnp.float32)
    x1 = (cx - 0.5 * w) * img_w[:, None]
    y1 = (cy - 0.5 * h) * img_h[:, None]
    x2 = (cx + 0.5 * w) * img_w[:, None]
    y2 = (cy + 0.5 * h) * img_h[:, None]
    boxt = jnp.stack([x1, y1, x2, y2], axis=1)
    boxt = jnp.pad(boxt, ((0, 0), (0, 0), (0, _NQP - nq)))

    keep_gidx = _make_sc()(prob_p, boxt)

    keep = keep_gidx[:, :_TOPK]
    scores_out = jnp.take_along_axis(prob, keep, axis=1)
    labels_out = keep % nc
    q = keep // nc
    xy = jnp.stack([x1, y1, x2, y2], axis=-1)
    boxes_out = jnp.take_along_axis(xy, q[..., None], axis=1)
    return scores_out, labels_out, boxes_out

# --- scband reference (transcript-rebuilt; emitter-appended) ---
"""Pipeline reference for scband-nmspost-process-70463233458602 (READ-ONLY COPY).

The authoritative reference and input builder live on the scoring server;
editing this copy changes nothing except your own understanding.
"""

import jax, jax.numpy as jnp
import numpy as np

TOPK = 100
NMS_IOU = 0.7
PRE_TOPK = 10000

def setup_inputs(seed: int = 0) -> dict:
    key = jax.random.key(seed)
    k1, k2, k3 = jax.random.split(key, 3)
    pred_logits = jax.random.normal(k1, (8, 1000, 91), dtype=jnp.float32)
    pred_boxes = jax.random.uniform(k2, (8, 1000, 4), dtype=jnp.float32)
    target_sizes = jax.random.randint(k3, (8, 2), 0, 1333).astype(jnp.int32)
    return {"pred_logits": pred_logits, "pred_boxes": pred_boxes, "target_sizes": target_sizes}

def box_cxcywh_to_xyxy(x):
    cx = x[..., 0:1]; cy = x[..., 1:2]; w = x[..., 2:3]; h = x[..., 3:4]
    return jnp.concatenate([cx - 0.5 * w, cy - 0.5 * h, cx + 0.5 * w, cy + 0.5 * h], axis=-1)

def nms_keep_mask(boxes, iou_threshold):
    # boxes: [N,4] already sorted by descending score; greedy NMS keep mask
    boxes = jax.lax.stop_gradient(boxes)
    N = boxes.shape[0]
    x1 = boxes[:, 0]; y1 = boxes[:, 1]; x2 = boxes[:, 2]; y2 = boxes[:, 3]
    areas = (x2 - x1) * (y2 - y1)
    idxs = jnp.arange(N)
    def body(i, keep):
        xx1 = jnp.maximum(x1[i], x1); yy1 = jnp.maximum(y1[i], y1)
        xx2 = jnp.minimum(x2[i], x2); yy2 = jnp.minimum(y2[i], y2)
        inter = jnp.maximum(xx2 - xx1, 0.0) * jnp.maximum(yy2 - yy1, 0.0)
        iou = inter / (areas[i] + areas - inter + 1e-12)
        suppress = (iou > iou_threshold) & (idxs > i) & keep[i]
        return keep & (~suppress)
    return jax.lax.fori_loop(0, N, body, jnp.ones((N,), dtype=bool))

def process_image(box, score, lbls):
    # pre-topk 10000 candidates
    top_scores, pre_idx = jax.lax.top_k(score, PRE_TOPK)
    box = box[pre_idx]; lbls = lbls[pre_idx]; score = top_scores
    # batched (class-aware) NMS via per-class coordinate offset trick (== torchvision.batched_nms)
    max_coord = jax.lax.stop_gradient(box).max()
    offsets = lbls.astype(box.dtype) * (max_coord + 1.0)
    keep = nms_keep_mask(box + offsets[:, None], NMS_IOU)
    # first TOPK kept indices in score order (scores distinct, order stable)
    masked = jnp.where(keep, jax.lax.stop_gradient(score), -jnp.inf)
    _, keep_inds = jax.lax.top_k(masked, TOPK)
    return score[keep_inds], lbls[keep_inds], box[keep_inds]

def reference(pred_logits, pred_boxes, target_sizes):
    bs, nq, nc = pred_logits.shape
    prob = jax.nn.sigmoid(pred_logits)
    all_scores = prob.reshape(bs, nq * nc)
    all_indexes = jnp.arange(nq * nc)
    all_boxes_idx = all_indexes // nc
    all_labels = all_indexes % nc
    boxes = box_cxcywh_to_xyxy(pred_boxes)
    boxes = jnp.take(boxes, all_boxes_idx, axis=1)
    img_h = target_sizes[:, 0].astype(jnp.float32); img_w = target_sizes[:, 1].astype(jnp.float32)
    scale_fct = jnp.stack([img_w, img_h, img_w, img_h], axis=1)
    boxes = boxes * scale_fct[:, None, :]
    lbls = jnp.broadcast_to(all_labels[None, :], (bs, nq * nc))
    scores_out, labels_out, boxes_out = jax.vmap(process_image)(boxes, all_scores, lbls)
    return scores_out, labels_out, boxes_out

if __name__ == "__main__":
    import jax
    _d = setup_inputs()
    print(jax.jit(kernel)(*tuple(_d.values())))

</pallas_src>

<mosaic_0001>
#map = affine_map<(d0, d1) -> (0, 0)>
#map1 = affine_map<(d0, d1) -> (0, 0, 0)>
module attributes {stable_mosaic.version = 14 : i64} {
  func.func @sck(%arg0: i32, %arg1: i32, %arg2: memref<8x91008xf32, #tpu.memory_space<hbm>>, %arg3: memref<8x4x1024xf32, #tpu.memory_space<hbm>>, %arg4: memref<8x128xi32, #tpu.memory_space<hbm>>, %arg5: memref<91008xf32, #tpu.memory_space<vmem>>, %arg6: memref<8192xi32, #tpu.memory_space<vmem>>, %arg7: memref<2048xi32, #tpu.memory_space<vmem>>, %arg8: memref<1024xf32, #tpu.memory_space<vmem>>, %arg9: memref<1024xf32, #tpu.memory_space<vmem>>, %arg10: memref<1024xf32, #tpu.memory_space<vmem>>, %arg11: memref<1024xf32, #tpu.memory_space<vmem>>, %arg12: memref<1024xf32, #tpu.memory_space<vmem>>, %arg13: memref<1024xi32, #tpu.memory_space<vmem>>, %arg14: memref<2048xi32, #tpu.memory_space<vmem>>, %arg15: memref<2048xi32, #tpu.memory_space<vmem>>, %arg16: memref<2048xi32, #tpu.memory_space<vmem>>, %arg17: memref<2048xi32, #tpu.memory_space<vmem>>, %arg18: memref<2048xi32, #tpu.memory_space<vmem>>, %arg19: memref<2048xi32, #tpu.memory_space<vmem>>, %arg20: memref<2048xf32, #tpu.memory_space<vmem>>, %arg21: memref<2048xf32, #tpu.memory_space<vmem>>, %arg22: memref<2048xf32, #tpu.memory_space<vmem>>, %arg23: memref<2048xf32, #tpu.memory_space<vmem>>, %arg24: memref<2048xf32, #tpu.memory_space<vmem>>, %arg25: memref<128xi32, #tpu.memory_space<vmem>>, %arg26: memref<128xi32, #tpu.memory_space<vmem>>) attributes {dimension_semantics = [#tpu.dimension_semantics<core_parallel>, #tpu.dimension_semantics<subcore_parallel>], iteration_bounds = array<i64: 2, 16>, scalar_prefetch = 0 : i64, scratch_operands = 22 : i64, tpu.core_type = #tpu.core_type<sc_vector_subcore>, window_params = [{transform_indices = #map}, {transform_indices = #map1}, {transform_indices = #map}]} {
    %mul3A = arith.constant 2 : i32
    %mul3A_0 = arith.muli %arg1, %mul3A : i32
    %add3A = arith.addi %mul3A_0, %arg0 : i32
    %lt3A = arith.constant 8 : i32
    %lt3A_1 = arith.cmpi slt, %add3A, %lt3A : i32
    %convert_element_type3A = arith.extui %lt3A_1 : i1 to i32
    %cond3A = arith.constant 0 : i32
    %cond3A_2 = arith.cmpi ne, %convert_element_type3A, %cond3A : i32
    scf.if %cond3A_2 {
      %iota3A = tpu.iota {dimensions = array<i32: 0>} : vector<16xi32>
      %eq3A = arith.constant 0 : i32
      %eq3A_3 = vector.broadcast %eq3A : i32 to vector<16xi32>
      %eq3A_4 = arith.cmpi eq, %iota3A, %eq3A_3 : vector<16xi32>
      %eq3A_5 = arith.cmpi eq, %iota3A, %iota3A : vector<16xi32>
      %mul3A_6 = arith.constant 0 : i32
      %mul3A_7 = vector.broadcast %mul3A_6 : i32 to vector<16xi32>
      %mul3A_8 = arith.muli %iota3A, %mul3A_7 : vector<16xi32>
      %add3A_9 = arith.constant 1 : i32
      %add3A_10 = vector.broadcast %add3A_9 : i32 to vector<16xi32>
      %add3A_11 = arith.addi %mul3A_8, %add3A_10 : vector<16xi32>
      "tpu.region"() ({
        %run_scoped3A_200 = tpu.sem_alloc : memref<!tpu.dma_semaphore, #tpu.memory_space<semaphore_mem>>
        %dma_start3A = arith.constant 0 : i32
        %dma_start3A_201 = tpu.memref_slice %arg2[%add3A, %dma_start3A] : memref<8x91008xf32, #tpu.memory_space<hbm>> -> memref<1x91008xf32, #tpu.memory_space<hbm>>
        %dma_start3A_202 = tpu.memref_squeeze %dma_start3A_201 : memref<1x91008xf32, #tpu.memory_space<hbm>> -> memref<91008xf32, #tpu.memory_space<hbm>>
        %dma_start3A_203 = arith.constant 0 : i32
        %dma_start3A_204 = tpu.memref_slice %arg2[%add3A, %dma_start3A_203] : memref<8x91008xf32, #tpu.memory_space<hbm>> -> memref<1x91008xf32, #tpu.memory_space<hbm>>
        %dma_start3A_205 = tpu.memref_squeeze %dma_start3A_204 : memref<1x91008xf32, #tpu.memory_space<hbm>> -> memref<91008xf32, #tpu.memory_space<hbm>>
        tpu.enqueue_dma source(%dma_start3A_205 : memref<91008xf32, #tpu.memory_space<hbm>>) target(%arg5 : memref<91008xf32, #tpu.memory_space<vmem>>) target_semaphore(%run_scoped3A_200 : memref<!tpu.dma_semaphore, #tpu.memory_space<semaphore_mem>>)
        %dma_wait3A = arith.constant 0 : i32
        %dma_wait3A_206 = tpu.memref_slice %arg2[%add3A, %dma_wait3A] : memref<8x91008xf32, #tpu.memory_space<hbm>> -> memref<1x91008xf32, #tpu.memory_space<hbm>>
        %dma_wait3A_207 = tpu.memref_squeeze %dma_wait3A_206 : memref<1x91008xf32, #tpu.memory_space<hbm>> -> memref<91008xf32, #tpu.memory_space<hbm>>
        %dma_wait3A_208 = arith.constant 0 : i32
        %dma_wait3A_209 = tpu.memref_slice %arg2[%add3A, %dma_wait3A_208] : memref<8x91008xf32, #tpu.memory_space<hbm>> -> memref<1x91008xf32, #tpu.memory_space<hbm>>
        %dma_wait3A_210 = tpu.memref_squeeze %dma_wait3A_209 : memref<1x91008xf32, #tpu.memory_space<hbm>> -> memref<91008xf32, #tpu.memory_space<hbm>>
        tpu.wait_dma2 semaphore(%run_scoped3A_200 : memref<!tpu.dma_semaphore, #tpu.memory_space<semaphore_mem>>) src(%dma_wait3A_210 : memref<91008xf32, #tpu.memory_space<hbm>>) dst(%arg5 : memref<91008xf32, #tpu.memory_space<vmem>>)
        tpu.yield
      }) : () -> ()
      %run_scoped3A = arith.constant 0 : i32
      "tpu.region"() ({
        %run_scoped3A_200 = tpu.sem_alloc : memref<!tpu.dma_semaphore, #tpu.memory_space<semaphore_mem>>
        %dma_start3A = arith.constant 0 : i32
        %dma_start3A_201 = tpu.memref_slice %arg3[%add3A, %run_scoped3A, %dma_start3A] : memref<8x4x1024xf32, #tpu.memory_space<hbm>> -> memref<1x1x1024xf32, #tpu.memory_space<hbm>>
        %dma_start3A_202 = tpu.memref_squeeze %dma_start3A_201 : memref<1x1x1024xf32, #tpu.memory_space<hbm>> -> memref<1024xf32, #tpu.memory_space<hbm>>
        %dma_start3A_203 = arith.constant 0 : i32
        %dma_start3A_204 = tpu.memref_slice %arg3[%add3A, %run_scoped3A, %dma_start3A_203] : memref<8x4x1024xf32, #tpu.memory_space<hbm>> -> memref<1x1x1024xf32, #tpu.memory_space<hbm>>
        %dma_start3A_205 = tpu.memref_squeeze %dma_start3A_204 : memref<1x1x1024xf32, #tpu.memory_space<hbm>> -> memref<1024xf32, #tpu.memory_space<hbm>>
        tpu.enqueue_dma source(%dma_start3A_205 : memref<1024xf32, #tpu.memory_space<hbm>>) target(%arg8 : memref<1024xf32, #tpu.memory_space<vmem>>) target_semaphore(%run_scoped3A_200 : memref<!tpu.dma_semaphore, #tpu.memory_space<semaphore_mem>>)
        %dma_wait3A = arith.constant 0 : i32
        %dma_wait3A_206 = tpu.memref_slice %arg3[%add3A, %run_scoped3A, %dma_wait3A] : memref<8x4x1024xf32, #tpu.memory_space<hbm>> -> memref<1x1x1024xf32, #tpu.memory_space<hbm>>
        %dma_wait3A_207 = tpu.memref_squeeze %dma_wait3A_206 : memref<1x1x1024xf32, #tpu.memory_space<hbm>> -> memref<1024xf32, #tpu.memory_space<hbm>>
        %dma_wait3A_208 = arith.constant 0 : i32
        %dma_wait3A_209 = tpu.memref_slice %arg3[%add3A, %run_scoped3A, %dma_wait3A_208] : memref<8x4x1024xf32, #tpu.memory_space<hbm>> -> memref<1x1x1024xf32, #tpu.memory_space<hbm>>
        %dma_wait3A_210 = tpu.memref_squeeze %dma_wait3A_209 : memref<1x1x1024xf32, #tpu.memory_space<hbm>> -> memref<1024xf32, #tpu.memory_space<hbm>>
        tpu.wait_dma2 semaphore(%run_scoped3A_200 : memref<!tpu.dma_semaphore, #tpu.memory_space<semaphore_mem>>) src(%dma_wait3A_210 : memref<1024xf32, #tpu.memory_space<hbm>>) dst(%arg8 : memref<1024xf32, #tpu.memory_space<vmem>>)
        tpu.yield
      }) : () -> ()
      %run_scoped3A_12 = arith.constant 1 : i32
      "tpu.region"() ({
        %run_scoped3A_200 = tpu.sem_alloc : memref<!tpu.dma_semaphore, #tpu.memory_space<semaphore_mem>>
        %dma_start3A = arith.constant 0 : i32
        %dma_start3A_201 = tpu.memref_slice %arg3[%add3A, %run_scoped3A_12, %dma_start3A] : memref<8x4x1024xf32, #tpu.memory_space<hbm>> -> memref<1x1x1024xf32, #tpu.memory_space<hbm>>
        %dma_start3A_202 = tpu.memref_squeeze %dma_start3A_201 : memref<1x1x1024xf32, #tpu.memory_space<hbm>> -> memref<1024xf32, #tpu.memory_space<hbm>>
        %dma_start3A_203 = arith.constant 0 : i32
        %dma_start3A_204 = tpu.memref_slice %arg3[%add3A, %run_scoped3A_12, %dma_start3A_203] : memref<8x4x1024xf32, #tpu.memory_space<hbm>> -> memref<1x1x1024xf32, #tpu.memory_space<hbm>>
        %dma_start3A_205 = tpu.memref_squeeze %dma_start3A_204 : memref<1x1x1024xf32, #tpu.memory_space<hbm>> -> memref<1024xf32, #tpu.memory_space<hbm>>
        tpu.enqueue_dma source(%dma_start3A_205 : memref<1024xf32, #tpu.memory_space<hbm>>) target(%arg9 : memref<1024xf32, #tpu.memory_space<vmem>>) target_semaphore(%run_scoped3A_200 : memref<!tpu.dma_semaphore, #tpu.memory_space<semaphore_mem>>)
        %dma_wait3A = arith.constant 0 : i32
        %dma_wait3A_206 = tpu.memref_slice %arg3[%add3A, %run_scoped3A_12, %dma_wait3A] : memref<8x4x1024xf32, #tpu.memory_space<hbm>> -> memref<1x1x1024xf32, #tpu.memory_space<hbm>>
        %dma_wait3A_207 = tpu.memref_squeeze %dma_wait3A_206 : memref<1x1x1024xf32, #tpu.memory_space<hbm>> -> memref<1024xf32, #tpu.memory_space<hbm>>
        %dma_wait3A_208 = arith.constant 0 : i32
        %dma_wait3A_209 = tpu.memref_slice %arg3[%add3A, %run_scoped3A_12, %dma_wait3A_208] : memref<8x4x1024xf32, #tpu.memory_space<hbm>> -> memref<1x1x1024xf32, #tpu.memory_space<hbm>>
        %dma_wait3A_210 = tpu.memref_squeeze %dma_wait3A_209 : memref<1x1x1024xf32, #tpu.memory_space<hbm>> -> memref<1024xf32, #tpu.memory_space<hbm>>
        tpu.wait_dma2 semaphore(%run_scoped3A_200 : memref<!tpu.dma_semaphore, #tpu.memory_space<semaphore_mem>>) src(%dma_wait3A_210 : memref<1024xf32, #tpu.memory_space<hbm>>) dst(%arg9 : memref<1024xf32, #tpu.memory_space<vmem>>)
        tpu.yield
      }) : () -> ()
      %run_scoped3A_13 = arith.constant 2 : i32
      "tpu.region"() ({
        %run_scoped3A_200 = tpu.sem_alloc : memref<!tpu.dma_semaphore, #tpu.memory_space<semaphore_mem>>
        %dma_start3A = arith.constant 0 : i32
        %dma_start3A_201 = tpu.memref_slice %arg3[%add3A, %run_scoped3A_13, %dma_start3A] : memref<8x4x1024xf32, #tpu.memory_space<hbm>> -> memref<1x1x1024xf32, #tpu.memory_space<hbm>>
        %dma_start3A_202 = tpu.memref_squeeze %dma_start3A_201 : memref<1x1x1024xf32, #tpu.memory_space<hbm>> -> memref<1024xf32, #tpu.memory_space<hbm>>
        %dma_start3A_203 = arith.constant 0 : i32
        %dma_start3A_204 = tpu.memref_slice %arg3[%add3A, %run_scoped3A_13, %dma_start3A_203] : memref<8x4x1024xf32, #tpu.memory_space<hbm>> -> memref<1x1x1024xf32, #tpu.memory_space<hbm>>
        %dma_start3A_205 = tpu.memref_squeeze %dma_start3A_204 : memref<1x1x1024xf32, #tpu.memory_space<hbm>> -> memref<1024xf32, #tpu.memory_space<hbm>>
        tpu.enqueue_dma source(%dma_start3A_205 : memref<1024xf32, #tpu.memory_space<hbm>>) target(%arg10 : memref<1024xf32, #tpu.memory_space<vmem>>) target_semaphore(%run_scoped3A_200 : memref<!tpu.dma_semaphore, #tpu.memory_space<semaphore_mem>>)
        %dma_wait3A = arith.constant 0 : i32
        %dma_wait3A_206 = tpu.memref_slice %arg3[%add3A, %run_scoped3A_13, %dma_wait3A] : memref<8x4x1024xf32, #tpu.memory_space<hbm>> -> memref<1x1x1024xf32, #tpu.memory_space<hbm>>
        %dma_wait3A_207 = tpu.memref_squeeze %dma_wait3A_206 : memref<1x1x1024xf32, #tpu.memory_space<hbm>> -> memref<1024xf32, #tpu.memory_space<hbm>>
        %dma_wait3A_208 = arith.constant 0 : i32
        %dma_wait3A_209 = tpu.memref_slice %arg3[%add3A, %run_scoped3A_13, %dma_wait3A_208] : memref<8x4x1024xf32, #tpu.memory_space<hbm>> -> memref<1x1x1024xf32, #tpu.memory_space<hbm>>
        %dma_wait3A_210 = tpu.memref_squeeze %dma_wait3A_209 : memref<1x1x1024xf32, #tpu.memory_space<hbm>> -> memref<1024xf32, #tpu.memory_space<hbm>>
        tpu.wait_dma2 semaphore(%run_scoped3A_200 : memref<!tpu.dma_semaphore, #tpu.memory_space<semaphore_mem>>) src(%dma_wait3A_210 : memref<1024xf32, #tpu.memory_space<hbm>>) dst(%arg10 : memref<1024xf32, #tpu.memory_space<vmem>>)
        tpu.yield
      }) : () -> ()
      %run_scoped3A_14 = arith.constant 3 : i32
      "tpu.region"() ({
        %run_scoped3A_200 = tpu.sem_alloc : memref<!tpu.dma_semaphore, #tpu.memory_space<semaphore_mem>>
        %dma_start3A = arith.constant 0 : i32
        %dma_start3A_201 = tpu.memref_slice %arg3[%add3A, %run_scoped3A_14, %dma_start3A] : memref<8x4x1024xf32, #tpu.memory_space<hbm>> -> memref<1x1x1024xf32, #tpu.memory_space<hbm>>
        %dma_start3A_202 = tpu.memref_squeeze %dma_start3A_201 : memref<1x1x1024xf32, #tpu.memory_space<hbm>> -> memref<1024xf32, #tpu.memory_space<hbm>>
        %dma_start3A_203 = arith.constant 0 : i32
        %dma_start3A_204 = tpu.memref_slice %arg3[%add3A, %run_scoped3A_14, %dma_start3A_203] : memref<8x4x1024xf32, #tpu.memory_space<hbm>> -> memref<1x1x1024xf32, #tpu.memory_space<hbm>>
        %dma_start3A_205 = tpu.memref_squeeze %dma_start3A_204 : memref<1x1x1024xf32, #tpu.memory_space<hbm>> -> memref<1024xf32, #tpu.memory_space<hbm>>
        tpu.enqueue_dma source(%dma_start3A_205 : memref<1024xf32, #tpu.memory_space<hbm>>) target(%arg11 : memref<1024xf32, #tpu.memory_space<vmem>>) target_semaphore(%run_scoped3A_200 : memref<!tpu.dma_semaphore, #tpu.memory_space<semaphore_mem>>)
        %dma_wait3A = arith.constant 0 : i32
        %dma_wait3A_206 = tpu.memref_slice %arg3[%add3A, %run_scoped3A_14, %dma_wait3A] : memref<8x4x1024xf32, #tpu.memory_space<hbm>> -> memref<1x1x1024xf32, #tpu.memory_space<hbm>>
        %dma_wait3A_207 = tpu.memref_squeeze %dma_wait3A_206 : memref<1x1x1024xf32, #tpu.memory_space<hbm>> -> memref<1024xf32, #tpu.memory_space<hbm>>
        %dma_wait3A_208 = arith.constant 0 : i32
        %dma_wait3A_209 = tpu.memref_slice %arg3[%add3A, %run_scoped3A_14, %dma_wait3A_208] : memref<8x4x1024xf32, #tpu.memory_space<hbm>> -> memref<1x1x1024xf32, #tpu.memory_space<hbm>>
        %dma_wait3A_210 = tpu.memref_squeeze %dma_wait3A_209 : memref<1x1x1024xf32, #tpu.memory_space<hbm>> -> memref<1024xf32, #tpu.memory_space<hbm>>
        tpu.wait_dma2 semaphore(%run_scoped3A_200 : memref<!tpu.dma_semaphore, #tpu.memory_space<semaphore_mem>>) src(%dma_wait3A_210 : memref<1024xf32, #tpu.memory_space<hbm>>) dst(%arg11 : memref<1024xf32, #tpu.memory_space<vmem>>)
        tpu.yield
      }) : () -> ()
      %scan3A = arith.constant 0 : i32
      %scan3A_15 = arith.constant 0 : i32
      %scan3A_16 = arith.constant 64 : i32
      %scan3A_17 = arith.addi %scan3A_15, %scan3A_16 : i32
      %scan3A_18 = arith.constant 1 : i32
      scf.for %scan3A_200 = %scan3A_15 to %scan3A_17 step %scan3A_18  : i32 {
        %mul3A_201 = arith.constant 16 : i32
        %mul3A_202 = arith.muli %scan3A_200, %mul3A_201 : i32
        %get3A = arith.index_cast %mul3A_202 : i32 to index
        %get3A_203 = tpu.vector_load %arg8[%get3A] {strides = array<i32>} : memref<1024xf32, #tpu.memory_space<vmem>>, vector<16xf32>,
        %get3A_204 = arith.index_cast %mul3A_202 : i32 to index
        %get3A_205 = tpu.vector_load %arg9[%get3A_204] {strides = array<i32>} : memref<1024xf32, #tpu.memory_space<vmem>>, vector<16xf32>,
        %max3A_206 = arith.maximumf %get3A_203, %get3A_205 : vector<16xf32>
        %get3A_207 = arith.index_cast %mul3A_202 : i32 to index
        %get3A_208 = tpu.vector_load %arg10[%get3A_207] {strides = array<i32>} : memref<1024xf32, #tpu.memory_space<vmem>>, vector<16xf32>,
        %get3A_209 = arith.index_cast %mul3A_202 : i32 to index
        %get3A_210 = tpu.vector_load %arg11[%get3A_209] {strides = array<i32>} : memref<1024xf32, #tpu.memory_space<vmem>>, vector<16xf32>,
        %max3A_211 = arith.maximumf %get3A_208, %get3A_210 : vector<16xf32>
        %max3A_212 = arith.maximumf %max3A_206, %max3A_211 : vector<16xf32>
        %swap3A = arith.index_cast %mul3A_202 : i32 to index
        %swap3A_213 = tpu.vector_load %arg12[%swap3A] {strides = array<i32>} : memref<1024xf32, #tpu.memory_space<vmem>>, vector<16xf32>,
        tpu.vector_store %arg12[%swap3A], %max3A_212 {strides = array<i32>} : memref<1024xf32, #tpu.memory_space<vmem>>, vector<16xf32>,
        %swap3A_214 = arith.index_cast %mul3A_202 : i32 to index
        %swap3A_215 = tpu.vector_load %arg13[%swap3A_214] {strides = array<i32>} : memref<1024xi32, #tpu.memory_space<vmem>>, vector<16xi32>,
        tpu.vector_store %arg13[%swap3A_214], %mul3A_8 {strides = array<i32>} : memref<1024xi32, #tpu.memory_space<vmem>>, vector<16xi32>,
      }
      %scan3A_19 = arith.constant 64 : i32
      %scan3A_20 = arith.constant 0 : i32
      %scan3A_21 = arith.constant 0 : i32
      %scan3A_22 = arith.constant 64 : i32
      %scan3A_23 = arith.addi %scan3A_21, %scan3A_22 : i32
      %scan3A_24 = arith.constant 1 : i32
      scf.for %scan3A_200 = %scan3A_21 to %scan3A_23 step %scan3A_24  : i32 {
        %mul3A_201 = arith.constant 8 : i32
        %mul3A_202 = arith.muli %scan3A_200, %mul3A_201 : i32
        %add3A_203 = arith.constant 0 : i32
        %add3A_204 = arith.addi %mul3A_202, %add3A_203 : i32
        %mul3A_205 = arith.constant 16 : i32
        %mul3A_206 = arith.muli %add3A_204, %mul3A_205 : i32
        %swap3A = arith.index_cast %mul3A_206 : i32 to index
        %swap3A_207 = tpu.vector_load %arg6[%swap3A] {strides = array<i32>} : memref<8192xi32, #tpu.memory_space<vmem>>, vector<16xi32>,
        tpu.vector_store %arg6[%swap3A], %mul3A_8 {strides = array<i32>} : memref<8192xi32, #tpu.memory_space<vmem>>, vector<16xi32>,
        %mul3A_208 = arith.constant 8 : i32
        %mul3A_209 = arith.muli %scan3A_200, %mul3A_208 : i32
        %add3A_210 = arith.constant 1 : i32
        %add3A_211 = arith.addi %mul3A_209, %add3A_210 : i32
        %mul3A_212 = arith.constant 16 : i32
        %mul3A_213 = arith.muli %add3A_211, %mul3A_212 : i32
        %swap3A_214 = arith.index_cast %mul3A_213 : i32 to index
        %swap3A_215 = tpu.vector_load %arg6[%swap3A_214] {strides = array<i32>} : memref<8192xi32, #tpu.memory_space<vmem>>, vector<16xi32>,
        tpu.vector_store %arg6[%swap3A_214], %mul3A_8 {strides = array<i32>} : memref<8192xi32, #tpu.memory_space<vmem>>, vector<16xi32>,
        %mul3A_216 = arith.constant 8 : i32
        %mul3A_217 = arith.muli %scan3A_200, %mul3A_216 : i32
        %add3A_218 = arith.constant 2 : i32
        %add3A_219 = arith.addi %mul3A_217, %add3A_218 : i32
        %mul3A_220 = arith.constant 16 : i32
        %mul3A_221 = arith.muli %add3A_219, %mul3A_220 : i32
        %swap3A_222 = arith.index_cast %mul3A_221 : i32 to index
        %swap3A_223 = tpu.vector_load %arg6[%swap3A_222] {strides = array<i32>} : memref<8192xi32, #tpu.memory_space<vmem>>, vector<16xi32>,
        tpu.vector_store %arg6[%swap3A_222], %mul3A_8 {strides = array<i32>} : memref<8192xi32, #tpu.memory_space<vmem>>, vector<16xi32>,
        %mul3A_224 = arith.constant 8 : i32
        %mul3A_225 = arith.muli %scan3A_200, %mul3A_224 : i32
        %add3A_226 = arith.constant 3 : i32
        %add3A_227 = arith.addi %mul3A_225, %add3A_226 : i32
        %mul3A_228 = arith.constant 16 : i32
        %mul3A_229 = arith.muli %add3A_227, %mul3A_228 : i32
        %swap3A_230 = arith.index_cast %mul3A_229 : i32 to index
        %swap3A_231 = tpu.vector_load %arg6[%swap3A_230] {strides = array<i32>} : memref<8192xi32, #tpu.memory_space<vmem>>, vector<16xi32>,
        tpu.vector_store %arg6[%swap3A_230], %mul3A_8 {strides = array<i32>} : memref<8192xi32, #tpu.memory_space<vmem>>, vector<16xi32>,
        %mul3A_232 = arith.constant 8 : i32
        %mul3A_233 = arith.muli %scan3A_200, %mul3A_232 : i32
        %add3A_234 = arith.constant 4 : i32
        %add3A_235 = arith.addi %mul3A_233, %add3A_234 : i32
        %mul3A_236 = arith.constant 16 : i32
        %mul3A_237 = arith.muli %add3A_235, %mul3A_236 : i32
        %swap3A_238 = arith.index_cast %mul3A_237 : i32 to index
        %swap3A_239 = tpu.vector_load %arg6[%swap3A_238] {strides = array<i32>} : memref<8192xi32, #tpu.memory_space<vmem>>, vector<16xi32>,
        tpu.vector_store %arg6[%swap3A_238], %mul3A_8 {strides = array<i32>} : memref<8192xi32, #tpu.memory_space<vmem>>, vector<16xi32>,
        %mul3A_240 = arith.constant 8 : i32
        %mul3A_241 = arith.muli %scan3A_200, %mul3A_240 : i32
        %add3A_242 = arith.constant 5 : i32
        %add3A_243 = arith.addi %mul3A_241, %add3A_242 : i32
        %mul3A_244 = arith.constant 16 : i32
        %mul3A_245 = arith.muli %add3A_243, %mul3A_244 : i32
        %swap3A_246 = arith.index_cast %mul3A_245 : i32 to index
        %swap3A_247 = tpu.vector_load %arg6[%swap3A_246] {strides = array<i32>} : memref<8192xi32, #tpu.memory_space<vmem>>, vector<16xi32>,
        tpu.vector_store %arg6[%swap3A_246], %mul3A_8 {strides = array<i32>} : memref<8192xi32, #tpu.memory_space<vmem>>, vector<16xi32>,
        %mul3A_248 = arith.constant 8 : i32
        %mul3A_249 = arith.muli %scan3A_200, %mul3A_248 : i32
        %add3A_250 = arith.constant 6 : i32
        %add3A_251 = arith.addi %mul3A_249, %add3A_250 : i32
        %mul3A_252 = arith.constant 16 : i32
        %mul3A_253 = arith.muli %add3A_251, %mul3A_252 : i32
        %swap3A_254 = arith.index_cast %mul3A_253 : i32 to index
        %swap3A_255 = tpu.vector_load %arg6[%swap3A_254] {strides = array<i32>} : memref<8192xi32, #tpu.memory_space<vmem>>, vector<16xi32>,
        tpu.vector_store %arg6[%swap3A_254], %mul3A_8 {strides = array<i32>} : memref<8192xi32, #tpu.memory_space<vmem>>, vector<16xi32>,
        %mul3A_256 = arith.constant 8 : i32
        %mul3A_257 = arith.muli %scan3A_200, %mul3A_256 : i32
        %add3A_258 = arith.constant 7 : i32
        %add3A_259 = arith.addi %mul3A_257, %add3A_258 : i32
        %mul3A_260 = arith.constant 16 : i32
        %mul3A_261 = arith.muli %add3A_259, %mul3A_260 : i32
        %swap3A_262 = arith.index_cast %mul3A_261 : i32 to index
        %swap3A_263 = tpu.vector_load %arg6[%swap3A_262] {strides = array<i32>} : memref<8192xi32, #tpu.memory_space<vmem>>, vector<16xi32>,
        tpu.vector_store %arg6[%swap3A_262], %mul3A_8 {strides = array<i32>} : memref<8192xi32, #tpu.memory_space<vmem>>, vector<16xi32>,
      }
      %scan3A_25 = arith.constant 64 : i32
      %scan3A_26 = arith.constant 0 : i32
      %scan3A_27 = arith.constant 0 : i32
      %scan3A_28 = arith.constant 1422 : i32
      %scan3A_29 = arith.addi %scan3A_27, %scan3A_28 : i32
      %scan3A_30 = arith.constant 1 : i32
      scf.for %scan3A_200 = %scan3A_27 to %scan3A_29 step %scan3A_30  : i32 {
        %mul3A_201 = arith.constant 4 : i32
        %mul3A_202 = arith.muli %scan3A_200, %mul3A_201 : i32
        %add3A_203 = arith.constant 0 : i32
        %add3A_204 = arith.addi %mul3A_202, %add3A_203 : i32
        %mul3A_205 = arith.constant 16 : i32
        %mul3A_206 = arith.muli %add3A_204, %mul3A_205 : i32
        %get3A = arith.index_cast %mul3A_206 : i32 to index
        %get3A_207 = tpu.vector_load %arg5[%get3A] {strides = array<i32>} : memref<91008xf32, #tpu.memory_space<vmem>>, vector<16xf32>,
        %bitcast3A = vector.bitcast %get3A_207 : vector<16xf32> to vector<16xi32>
        %shift_right_logical3A = arith.constant 17 : i32
        %shift_right_logical3A_208 = vector.broadcast %shift_right_logical3A : i32 to vector<16xi32>
        %shift_right_logical3A_209 = arith.shrui %bitcast3A, %shift_right_logical3A_208 : vector<16xi32>
        tpu.vector_store_idx %arg6[%shift_right_logical3A_209], %add3A_11 masked %eq3A_5 {add = true} : memref<8192xi32, #tpu.memory_space<vmem>>[vector<16xi32>], vector<16xi32>, vector<16xi1>
        %mul3A_210 = arith.constant 4 : i32
        %mul3A_211 = arith.muli %scan3A_200, %mul3A_210 : i32
        %add3A_212 = arith.constant 1 : i32
        %add3A_213 = arith.addi %mul3A_211, %add3A_212 : i32
        %mul3A_214 = arith.constant 16 : i32
        %mul3A_215 = arith.muli %add3A_213, %mul3A_214 : i32
        %get3A_216 = arith.index_cast %mul3A_215 : i32 to index
        %get3A_217 = tpu.vector_load %arg5[%get3A_216] {strides = array<i32>} : memref<91008xf32, #tpu.memory_space<vmem>>, vector<16xf32>,
        %bitcast3A_218 = vector.bitcast %get3A_217 : vector<16xf32> to vector<16xi32>
        %shift_right_logical3A_219 = arith.constant 17 : i32
        %shift_right_logical3A_220 = vector.broadcast %shift_right_logical3A_219 : i32 to vector<16xi32>
        %shift_right_logical3A_221 = arith.shrui %bitcast3A_218, %shift_right_logical3A_220 : vector<16xi32>
        tpu.vector_store_idx %arg6[%shift_right_logical3A_221], %add3A_11 masked %eq3A_5 {add = true} : memref<8192xi32, #tpu.memory_space<vmem>>[vector<16xi32>], vector<16xi32>, vector<16xi1>
        %mul3A_222 = arith.constant 4 : i32
        %mul3A_223 = arith.muli %scan3A_200, %mul3A_222 : i32
        %add3A_224 = arith.constant 2 : i32
        %add3A_225 = arith.addi %mul3A_223, %add3A_224 : i32
        %mul3A_226 = arith.constant 16 : i32
        %mul3A_227 = arith.muli %add3A_225, %mul3A_226 : i32
        %get3A_228 = arith.index_cast %mul3A_227 : i32 to index
        %get3A_229 = tpu.vector_load %arg5[%get3A_228] {strides = array<i32>} : memref<91008xf32, #tpu.memory_space<vmem>>, vector<16xf32>,
        %bitcast3A_230 = vector.bitcast %get3A_229 : vector<16xf32> to vector<16xi32>
        %shift_right_logical3A_231 = arith.constant 17 : i32
        %shift_right_logical3A_232 = vector.broadcast %shift_right_logical3A_231 : i32 to vector<16xi32>
        %shift_right_logical3A_233 = arith.shrui %bitcast3A_230, %shift_right_logical3A_232 : vector<16xi32>
        tpu.vector_store_idx %arg6[%shift_right_logical3A_233], %add3A_11 masked %eq3A_5 {add = true} : memref<8192xi32, #tpu.memory_space<vmem>>[vector<16xi32>], vector<16xi32>, vector<16xi1>
        %mul3A_234 = arith.constant 4 : i32
        %mul3A_235 = arith.muli %scan3A_200, %mul3A_234 : i32
        %add3A_236 = arith.constant 3 : i32
        %add3A_237 = arith.addi %mul3A_235, %add3A_236 : i32
        %mul3A_238 = arith.constant 16 : i32
        %mul3A_239 = arith.muli %add3A_237, %mul3A_238 : i32
        %get3A_240 = arith.index_cast %mul3A_239 : i32 to index
        %get3A_241 = tpu.vector_load %arg5[%get3A_240] {strides = array<i32>} : memref<91008xf32, #tpu.memory_space<vmem>>, vector<16xf32>,
        %bitcast3A_242 = vector.bitcast %get3A_241 : vector<16xf32> to vector<16xi32>
        %shift_right_logical3A_243 = arith.constant 17 : i32
        %shift_right_logical3A_244 = vector.broadcast %shift_right_logical3A_243 : i32 to vector<16xi32>
        %shift_right_logical3A_245 = arith.shrui %bitcast3A_242, %shift_right_logical3A_244 : vector<16xi32>
        tpu.vector_store_idx %arg6[%shift_right_logical3A_245], %add3A_11 masked %eq3A_5 {add = true} : memref<8192xi32, #tpu.memory_space<vmem>>[vector<16xi32>], vector<16xi32>, vector<16xi1>
      }
      %scan3A_31 = arith.constant 1422 : i32
      %while3A = arith.constant 0 : i32
      %while3A_32 = arith.constant 0 : i32
      %while3A_33 = arith.constant -1 : i32
      %while3A_34 = arith.constant 0 : i32
      %while3A_35 = arith.constant -1 : i32
      %while3A_36 = arith.constant 0 : i32
      %while3A_37:6 = scf.while (%while3A_200 = %while3A, %while3A_201 = %while3A_32, %while3A_202 = %while3A_33, %while3A_203 = %while3A_34, %while3A_204 = %while3A_35, %while3A_205 = %while3A_36) : (i32, i32, i32, i32, i32, i32) -> (i32, i32, i32, i32, i32, i32) {
        %lt3A_206 = arith.constant 512 : i32
        %lt3A_207 = arith.cmpi slt, %while3A_200, %lt3A_206 : i32
        %lt3A_208 = arith.constant 0 : i32
        %lt3A_209 = arith.cmpi slt, %while3A_204, %lt3A_208 : i32
        %and3A_210 = arith.andi %lt3A_207, %lt3A_209 : i1
        scf.condition(%and3A_210) %while3A_200, %while3A_201, %while3A_202, %while3A_203, %while3A_204, %while3A_205 : i32, i32, i32, i32, i32, i32
      } do {
      ^bb0(%while3A_200: i32, %while3A_201: i32, %while3A_202: i32, %while3A_203: i32, %while3A_204: i32, %while3A_205: i32):
        %sub3A_206 = arith.constant 511 : i32
        %sub3A_207 = arith.subi %sub3A_206, %while3A_200 : i32
        %mul3A_208 = arith.constant 16 : i32
        %mul3A_209 = arith.muli %sub3A_207, %mul3A_208 : i32
        %get3A = arith.index_cast %mul3A_209 : i32 to index
        %get3A_210 = tpu.vector_load %arg6[%get3A] {strides = array<i32>} : memref<8192xi32, #tpu.memory_space<vmem>>, vector<16xi32>,
        %reduce_sum3A = arith.constant true
        %reduce_sum3A_211 = vector.broadcast %reduce_sum3A : i1 to vector<16xi1>
        %reduce_sum3A_212 = tpu.scan <sum>, %get3A_210 masked %reduce_sum3A_211 : vector<16xi32>, vector<16xi1> -> vector<16xi32>
        %reduce_sum3A_213 = vector.extract %reduce_sum3A_212[15] : i32 from vector<16xi32>
        %broadcast_in_dim3A = arith.constant true
        %broadcast_in_dim3A_214 = vector.broadcast %broadcast_in_dim3A : i1 to vector<16xi1>
        %masked_cumsum3A = tpu.scan <sum>, %get3A_210 masked %broadcast_in_dim3A_214 : vector<16xi32>, vector<16xi1> -> vector<16xi32>
        %add3A_215 = arith.addi %while3A_201, %reduce_sum3A_213 : i32
        %sub3A_216 = vector.broadcast %add3A_215 : i32 to vector<16xi32>
        %sub3A_217 = arith.subi %sub3A_216, %masked_cumsum3A : vector<16xi32>
        %add3A_218 = arith.addi %sub3A_217, %get3A_210 : vector<16xi32>
        %lt3A_219 = arith.constant 128 : i32
        %lt3A_220 = arith.cmpi slt, %while3A_201, %lt3A_219 : i32
        %add3A_221 = arith.addi %while3A_201, %reduce_sum3A_213 : i32
        %ge3A = arith.constant 128 : i32
        %ge3A_222 = arith.cmpi sge, %add3A_221, %ge3A : i32
        %and3A_223 = arith.andi %lt3A_220, %ge3A_222 : i1
        %ge3A_224 = arith.constant 128 : i32
        %ge3A_225 = vector.broadcast %ge3A_224 : i32 to vector<16xi32>
        %ge3A_226 = arith.cmpi sge, %add3A_218, %ge3A_225 : vector<16xi32>
        %jit3A_227 = arith.constant -1 : i32
        %broadcast_in_dim3A_228 = vector.broadcast %jit3A_227 : i32 to vector<16xi32>
        %select_n3A_229 = arith.select %ge3A_226, %iota3A, %broadcast_in_dim3A_228 : vector<16xi1>, vector<16xi32>
        %reduce_max3A = arith.constant true
        %reduce_max3A_230 = vector.broadcast %reduce_max3A : i1 to vector<16xi1>
        %reduce_max3A_231 = arith.constant -2147483648 : i32
        %reduce_max3A_232 = vector.broadcast %reduce_max3A_231 : i32 to vector<16xi32>
        %reduce_max3A_233 = arith.xori %select_n3A_229, %reduce_max3A_232 : vector<16xi32>
        %reduce_max3A_234 = tpu.scan <max>, %reduce_max3A_233 masked %reduce_max3A_230 : vector<16xi32>, vector<16xi1> -> vector<16xi32>
        %reduce_max3A_235 = arith.xori %reduce_max3A_234, %reduce_max3A_232 : vector<16xi32>
        %reduce_max3A_236 = vector.extract %reduce_max3A_235[15] : i32 from vector<16xi32>
        %mul3A_237 = arith.constant 16 : i32
        %mul3A_238 = arith.muli %sub3A_207, %mul3A_237 : i32
        %add3A_239 = arith.addi %mul3A_238, %reduce_max3A_236 : i32
        %select_n3A_240 = arith.select %and3A_223, %add3A_239, %while3A_202 : i32
        %eq3A_241 = vector.broadcast %reduce_max3A_236 : i32 to vector<16xi32>
        %eq3A_242 = arith.cmpi eq, %iota3A, %eq3A_241 : vector<16xi32>
        %jit3A_243 = arith.constant 0 : i32
        %broadcast_in_dim3A_244 = vector.broadcast %jit3A_243 : i32 to vector<16xi32>
        %select_n3A_245 = arith.select %eq3A_242, %add3A_218, %broadcast_in_dim3A_244 : vector<16xi1>, vector<16xi32>
        %reduce_sum3A_246 = arith.constant true
        %reduce_sum3A_247 = vector.broadcast %reduce_sum3A_246 : i1 to vector<16xi1>
        %reduce_sum3A_248 = tpu.scan <sum>, %select_n3A_245 masked %reduce_sum3A_247 : vector<16xi32>, vector<16xi1> -> vector<16xi32>
        %reduce_sum3A_249 = vector.extract %reduce_sum3A_248[15] : i32 from vector<16xi32>
        %eq3A_250 = vector.broadcast %reduce_max3A_236 : i32 to vector<16xi32>
        %eq3A_251 = arith.cmpi eq, %iota3A, %eq3A_250 : vector<16xi32>
        %jit3A_252 = arith.constant 0 : i32
        %broadcast_in_dim3A_253 = vector.broadcast %jit3A_252 : i32 to vector<16xi32>
        %select_n3A_254 = arith.select %eq3A_251, %get3A_210, %broadcast_in_dim3A_253 : vector<16xi1>, vector<16xi32>
        %reduce_sum3A_255 = arith.constant true
        %reduce_sum3A_256 = vector.broadcast %reduce_sum3A_255 : i1 to vector<16xi1>
        %reduce_sum3A_257 = tpu.scan <sum>, %select_n3A_254 masked %reduce_sum3A_256 : vector<16xi32>, vector<16xi1> -> vector<16xi32>
        %reduce_sum3A_258 = vector.extract %reduce_sum3A_257[15] : i32 from vector<16xi32>
        %sub3A_259 = arith.subi %reduce_sum3A_249, %reduce_sum3A_258 : i32
        %select_n3A_260 = arith.select %and3A_223, %sub3A_259, %while3A_203 : i32
        %lt3A_261 = arith.constant 10000 : i32
        %lt3A_262 = arith.cmpi slt, %while3A_201, %lt3A_261 : i32
        %add3A_263 = arith.addi %while3A_201, %reduce_sum3A_213 : i32
        %ge3A_264 = arith.constant 10000 : i32
        %ge3A_265 = arith.cmpi sge, %add3A_263, %ge3A_264 : i32
        %and3A_266 = arith.andi %lt3A_262, %ge3A_265 : i1
        %ge3A_267 = arith.constant 10000 : i32
        %ge3A_268 = vector.broadcast %ge3A_267 : i32 to vector<16xi32>
        %ge3A_269 = arith.cmpi sge, %add3A_218, %ge3A_268 : vector<16xi32>
        %jit3A_270 = arith.constant -1 : i32
        %broadcast_in_dim3A_271 = vector.broadcast %jit3A_270 : i32 to vector<16xi32>
        %select_n3A_272 = arith.select %ge3A_269, %iota3A, %broadcast_in_dim3A_271 : vector<16xi1>, vector<16xi32>
        %reduce_max3A_273 = arith.constant true
        %reduce_max3A_274 = vector.broadcast %reduce_max3A_273 : i1 to vector<16xi1>
        %reduce_max3A_275 = arith.constant -2147483648 : i32
        %reduce_max3A_276 = vector.broadcast %reduce_max3A_275 : i32 to vector<16xi32>
        %reduce_max3A_277 = arith.xori %select_n3A_272, %reduce_max3A_276 : vector<16xi32>
        %reduce_max3A_278 = tpu.scan <max>, %reduce_max3A_277 masked %reduce_max3A_274 : vector<16xi32>, vector<16xi1> -> vector<16xi32>
        %reduce_max3A_279 = arith.xori %reduce_max3A_278, %reduce_max3A_276 : vector<16xi32>
        %reduce_max3A_280 = vector.extract %reduce_max3A_279[15] : i32 from vector<16xi32>
        %mul3A_281 = arith.constant 16 : i32
        %mul3A_282 = arith.muli %sub3A_207, %mul3A_281 : i32
        %add3A_283 = arith.addi %mul3A_282, %reduce_max3A_280 : i32
        %select_n3A_284 = arith.select %and3A_266, %add3A_283, %while3A_204 : i32
        %eq3A_285 = vector.broadcast %reduce_max3A_280 : i32 to vector<16xi32>
        %eq3A_286 = arith.cmpi eq, %iota3A, %eq3A_285 : vector<16xi32>
        %jit3A_287 = arith.constant 0 : i32
        %broadcast_in_dim3A_288 = vector.broadcast %jit3A_287 : i32 to vector<16xi32>
        %select_n3A_289 = arith.select %eq3A_286, %add3A_218, %broadcast_in_dim3A_288 : vector<16xi1>, vector<16xi32>
        %reduce_sum3A_290 = arith.constant true
        %reduce_sum3A_291 = vector.broadcast %reduce_sum3A_290 : i1 to vector<16xi1>
        %reduce_sum3A_292 = tpu.scan <sum>, %select_n3A_289 masked %reduce_sum3A_291 : vector<16xi32>, vector<16xi1> -> vector<16xi32>
        %reduce_sum3A_293 = vector.extract %reduce_sum3A_292[15] : i32 from vector<16xi32>
        %eq3A_294 = vector.broadcast %reduce_max3A_280 : i32 to vector<16xi32>
        %eq3A_295 = arith.cmpi eq, %iota3A, %eq3A_294 : vector<16xi32>
        %jit3A_296 = arith.constant 0 : i32
        %broadcast_in_dim3A_297 = vector.broadcast %jit3A_296 : i32 to vector<16xi32>
        %select_n3A_298 = arith.select %eq3A_295, %get3A_210, %broadcast_in_dim3A_297 : vector<16xi1>, vector<16xi32>
        %reduce_sum3A_299 = arith.constant true
        %reduce_sum3A_300 = vector.broadcast %reduce_sum3A_299 : i1 to vector<16xi1>
        %reduce_sum3A_301 = tpu.scan <sum>, %select_n3A_298 masked %reduce_sum3A_300 : vector<16xi32>, vector<16xi1> -> vector<16xi32>
        %reduce_sum3A_302 = vector.extract %reduce_sum3A_301[15] : i32 from vector<16xi32>
        %sub3A_303 = arith.subi %reduce_sum3A_293, %reduce_sum3A_302 : i32
        %select_n3A_304 = arith.select %and3A_266, %sub3A_303, %while3A_205 : i32
        %add3A_305 = arith.constant 1 : i32
        %add3A_306 = arith.addi %while3A_200, %add3A_305 : i32
        %add3A_307 = arith.addi %while3A_201, %reduce_sum3A_213 : i32
        scf.yield %add3A_306, %add3A_307, %select_n3A_240, %select_n3A_260, %select_n3A_284, %select_n3A_304 : i32, i32, i32, i32, i32, i32
      }
      %sub3A = arith.constant 10000 : i32
      %sub3A_38 = arith.subi %sub3A, %while3A_37#5 : i32
      %add3A_39 = arith.constant 1 : i32
      %add3A_40 = arith.addi %while3A_37#4, %add3A_39 : i32
      %max3A = arith.maxsi %while3A_37#2, %add3A_40 : i32
      %mul3A_41 = arith.constant 131072 : i32
      %mul3A_42 = arith.muli %max3A, %mul3A_41 : i32
      %scan3A_43 = arith.constant 2147483647 : i32
      %scan3A_44 = arith.constant 0 : i32
      %scan3A_45 = arith.constant 0 : i32
      %scan3A_46 = arith.constant 0 : i32
      %scan3A_47 = arith.constant 1422 : i32
      %scan3A_48 = arith.addi %scan3A_46, %scan3A_47 : i32
      %scan3A_49 = arith.constant 1 : i32
      %scan3A_50:2 = scf.for %scan3A_200 = %scan3A_46 to %scan3A_48 step %scan3A_49 iter_args(%scan3A_201 = %scan3A_44, %scan3A_202 = %scan3A_45) -> (i32, i32)  : i32 {
        %mul3A_203 = arith.constant 4 : i32
        %mul3A_204 = arith.muli %scan3A_200, %mul3A_203 : i32
        %add3A_205 = arith.constant 0 : i32
        %add3A_206 = arith.addi %mul3A_204, %add3A_205 : i32
        %mul3A_207 = arith.constant 16 : i32
        %mul3A_208 = arith.muli %add3A_206, %mul3A_207 : i32
        %get3A = arith.index_cast %mul3A_208 : i32 to index
        %get3A_209 = tpu.vector_load %arg5[%get3A] {strides = array<i32>} : memref<91008xf32, #tpu.memory_space<vmem>>, vector<16xf32>,
        %bitcast3A = vector.bitcast %get3A_209 : vector<16xf32> to vector<16xi32>
        %add3A_210 = vector.broadcast %mul3A_208 : i32 to vector<16xi32>
        %add3A_211 = arith.addi %add3A_210, %iota3A : vector<16xi32>
        %ge3A = vector.broadcast %mul3A_42 : i32 to vector<16xi32>
        %ge3A_212 = arith.cmpi sge, %bitcast3A, %ge3A : vector<16xi32>
        %lt3A_213 = vector.broadcast %scan3A_43 : i32 to vector<16xi32>
        %lt3A_214 = arith.cmpi slt, %bitcast3A, %lt3A_213 : vector<16xi32>
        %and3A_215 = arith.andi %ge3A_212, %lt3A_214 : vector<16xi1>
        %jit3A_216 = arith.constant 1 : i32
        %jit3A_217 = arith.constant 0 : i32
        %broadcast_in_dim3A = vector.broadcast %jit3A_216 : i32 to vector<16xi32>
        %broadcast_in_dim3A_218 = vector.broadcast %jit3A_217 : i32 to vector<16xi32>
        %select_n3A_219 = arith.select %and3A_215, %broadcast_in_dim3A, %broadcast_in_dim3A_218 : vector<16xi1>, vector<16xi32>
        %broadcast_in_dim3A_220 = arith.constant true
        %broadcast_in_dim3A_221 = vector.broadcast %broadcast_in_dim3A_220 : i1 to vector<16xi1>
        %masked_cumsum3A = tpu.scan <sum>, %select_n3A_219 masked %broadcast_in_dim3A_221 : vector<16xi32>, vector<16xi1> -> vector<16xi32>
        %add3A_222 = vector.broadcast %scan3A_201 : i32 to vector<16xi32>
        %add3A_223 = arith.addi %add3A_222, %masked_cumsum3A : vector<16xi32>
        %sub3A_224 = arith.constant 1 : i32
        %sub3A_225 = vector.broadcast %sub3A_224 : i32 to vector<16xi32>
        %sub3A_226 = arith.subi %add3A_223, %sub3A_225 : vector<16xi32>
        %lt3A_227 = arith.constant 2048 : i32
        %lt3A_228 = vector.broadcast %lt3A_227 : i32 to vector<16xi32>
        %lt3A_229 = arith.cmpi slt, %sub3A_226, %lt3A_228 : vector<16xi32>
        %and3A_230 = arith.andi %and3A_215, %lt3A_229 : vector<16xi1>
        tpu.vector_store_idx %arg14[%sub3A_226], %bitcast3A masked %and3A_230 : memref<2048xi32, #tpu.memory_space<vmem>>[vector<16xi32>], vector<16xi32>, vector<16xi1>
        tpu.vector_store_idx %arg15[%sub3A_226], %add3A_211 masked %and3A_230 : memref<2048xi32, #tpu.memory_space<vmem>>[vector<16xi32>], vector<16xi32>, vector<16xi1>
        %eq3A_231 = arith.constant 15 : i32
        %eq3A_232 = vector.broadcast %eq3A_231 : i32 to vector<16xi32>
        %eq3A_233 = arith.cmpi eq, %iota3A, %eq3A_232 : vector<16xi32>
        %jit3A_234 = arith.constant 0 : i32
        %broadcast_in_dim3A_235 = vector.broadcast %jit3A_234 : i32 to vector<16xi32>
        %select_n3A_236 = arith.select %eq3A_233, %masked_cumsum3A, %broadcast_in_dim3A_235 : vector<16xi1>, vector<16xi32>
        %reduce_sum3A = arith.constant true
        %reduce_sum3A_237 = vector.broadcast %reduce_sum3A : i1 to vector<16xi1>
        %reduce_sum3A_238 = tpu.scan <sum>, %select_n3A_236 masked %reduce_sum3A_237 : vector<16xi32>, vector<16xi1> -> vector<16xi32>
        %reduce_sum3A_239 = vector.extract %reduce_sum3A_238[15] : i32 from vector<16xi32>
        %add3A_240 = arith.addi %scan3A_201, %reduce_sum3A_239 : i32
        %min3A = arith.constant 2048 : i32
        %min3A_241 = arith.minsi %add3A_240, %min3A : i32
        %shift_right_logical3A = arith.constant 17 : i32
        %shift_right_logical3A_242 = vector.broadcast %shift_right_logical3A : i32 to vector<16xi32>
        %shift_right_logical3A_243 = arith.shrui %bitcast3A, %shift_right_logical3A_242 : vector<16xi32>
        %eq3A_244 = vector.broadcast %while3A_37#4 : i32 to vector<16xi32>
        %eq3A_245 = arith.cmpi eq, %shift_right_logical3A_243, %eq3A_244 : vector<16xi32>
        %jit3A_246 = arith.constant 1 : i32
        %jit3A_247 = arith.constant 0 : i32
        %broadcast_in_dim3A_248 = vector.broadcast %jit3A_246 : i32 to vector<16xi32>
        %broadcast_in_dim3A_249 = vector.broadcast %jit3A_247 : i32 to vector<16xi32>
        %select_n3A_250 = arith.select %eq3A_245, %broadcast_in_dim3A_248, %broadcast_in_dim3A_249 : vector<16xi1>, vector<16xi32>
        %broadcast_in_dim3A_251 = arith.constant true
        %broadcast_in_dim3A_252 = vector.broadcast %broadcast_in_dim3A_251 : i1 to vector<16xi1>
        %masked_cumsum3A_253 = tpu.scan <sum>, %select_n3A_250 masked %broadcast_in_dim3A_252 : vector<16xi32>, vector<16xi1> -> vector<16xi32>
        %add3A_254 = vector.broadcast %scan3A_202 : i32 to vector<16xi32>
        %add3A_255 = arith.addi %add3A_254, %masked_cumsum3A_253 : vector<16xi32>
        %sub3A_256 = arith.constant 1 : i32
        %sub3A_257 = vector.broadcast %sub3A_256 : i32 to vector<16xi32>
        %sub3A_258 = arith.subi %add3A_255, %sub3A_257 : vector<16xi32>
        %lt3A_259 = arith.constant 2048 : i32
        %lt3A_260 = vector.broadcast %lt3A_259 : i32 to vector<16xi32>
        %lt3A_261 = arith.cmpi slt, %sub3A_258, %lt3A_260 : vector<16xi32>
        %and3A_262 = arith.andi %eq3A_245, %lt3A_261 : vector<16xi1>
        tpu.vector_store_idx %arg18[%sub3A_258], %bitcast3A masked %and3A_262 : memref<2048xi32, #tpu.memory_space<vmem>>[vector<16xi32>], vector<16xi32>, vector<16xi1>
        tpu.vector_store_idx %arg19[%sub3A_258], %add3A_211 masked %and3A_262 : memref<2048xi32, #tpu.memory_space<vmem>>[vector<16xi32>], vector<16xi32>, vector<16xi1>
        %eq3A_263 = arith.constant 15 : i32
        %eq3A_264 = vector.broadcast %eq3A_263 : i32 to vector<16xi32>
        %eq3A_265 = arith.cmpi eq, %iota3A, %eq3A_264 : vector<16xi32>
        %jit3A_266 = arith.constant 0 : i32
        %broadcast_in_dim3A_267 = vector.broadcast %jit3A_266 : i32 to vector<16xi32>
        %select_n3A_268 = arith.select %eq3A_265, %masked_cumsum3A_253, %broadcast_in_dim3A_267 : vector<16xi1>, vector<16xi32>
        %reduce_sum3A_269 = arith.constant true
        %reduce_sum3A_270 = vector.broadcast %reduce_sum3A_269 : i1 to vector<16xi1>
        %reduce_sum3A_271 = tpu.scan <sum>, %select_n3A_268 masked %reduce_sum3A_270 : vector<16xi32>, vector<16xi1> -> vector<16xi32>
        %reduce_sum3A_272 = vector.extract %reduce_sum3A_271[15] : i32 from vector<16xi32>
        %add3A_273 = arith.addi %scan3A_202, %reduce_sum3A_272 : i32
        %min3A_274 = arith.constant 2048 : i32
        %min3A_275 = arith.minsi %add3A_273, %min3A_274 : i32
        %gt3A = vector.broadcast %while3A_37#4 : i32 to vector<16xi32>
        %gt3A_276 = arith.cmpi sgt, %shift_right_logical3A_243, %gt3A : vector<16xi32>
        %jit3A_277 = arith.constant 91 : i32
        %div3A_278 = vector.broadcast %jit3A_277 : i32 to vector<16xi32>
        %div3A_279 = arith.divsi %add3A_211, %div3A_278 : vector<16xi32>
        %sign3A_280 = arith.constant 0 : i32
        %sign3A_281 = vector.broadcast %sign3A_280 : i32 to vector<16xi32>
        %sign3A_282 = arith.cmpi sgt, %add3A_211, %sign3A_281 : vector<16xi32>
        %sign3A_283 = arith.extui %sign3A_282 : vector<16xi1> to vector<16xi32>
        %sign3A_284 = arith.constant 0 : i32
        %sign3A_285 = vector.broadcast %sign3A_284 : i32 to vector<16xi32>
        %sign3A_286 = arith.cmpi slt, %add3A_211, %sign3A_285 : vector<16xi32>
        %sign3A_287 = arith.extui %sign3A_286 : vector<16xi1> to vector<16xi32>
        %sign3A_288 = arith.subi %sign3A_283, %sign3A_287 : vector<16xi32>
        %sign3A_289 = arith.constant 0 : i32
        %sign3A_290 = arith.cmpi sgt, %jit3A_277, %sign3A_289 : i32
        %sign3A_291 = arith.extui %sign3A_290 : i1 to i32
        %sign3A_292 = arith.constant 0 : i32
        %sign3A_293 = arith.cmpi slt, %jit3A_277, %sign3A_292 : i32
        %sign3A_294 = arith.extui %sign3A_293 : i1 to i32
        %sign3A_295 = arith.subi %sign3A_291, %sign3A_294 : i32
        %ne3A_296 = vector.broadcast %sign3A_295 : i32 to vector<16xi32>
        %ne3A_297 = arith.cmpi ne, %sign3A_288, %ne3A_296 : vector<16xi32>
        %rem3A_298 = vector.broadcast %jit3A_277 : i32 to vector<16xi32>
        %rem3A_299 = arith.remsi %add3A_211, %rem3A_298 : vector<16xi32>
        %ne3A_300 = arith.constant 0 : i32
        %ne3A_301 = vector.broadcast %ne3A_300 : i32 to vector<16xi32>
        %ne3A_302 = arith.cmpi ne, %rem3A_299, %ne3A_301 : vector<16xi32>
        %and3A_303 = arith.andi %ne3A_297, %ne3A_302 : vector<16xi1>
        %sub3A_304 = arith.constant 1 : i32
        %sub3A_305 = vector.broadcast %sub3A_304 : i32 to vector<16xi32>
        %sub3A_306 = arith.subi %div3A_279, %sub3A_305 : vector<16xi32>
        %select_n3A_307 = arith.select %and3A_303, %sub3A_306, %div3A_279 : vector<16xi1>, vector<16xi32>
        tpu.vector_store_idx %arg13[%select_n3A_307], %add3A_11 masked %gt3A_276 {add = true} : memref<1024xi32, #tpu.memory_space<vmem>>[vector<16xi32>], vector<16xi32>, vector<16xi1>
        %mul3A_308 = arith.constant 4 : i32
        %mul3A_309 = arith.muli %scan3A_200, %mul3A_308 : i32
        %add3A_310 = arith.constant 1 : i32
        %add3A_311 = arith.addi %mul3A_309, %add3A_310 : i32
        %mul3A_312 = arith.constant 16 : i32
        %mul3A_313 = arith.muli %add3A_311, %mul3A_312 : i32
        %get3A_314 = arith.index_cast %mul3A_313 : i32 to index
        %get3A_315 = tpu.vector_load %arg5[%get3A_314] {strides = array<i32>} : memref<91008xf32, #tpu.memory_space<vmem>>, vector<16xf32>,
        %bitcast3A_316 = vector.bitcast %get3A_315 : vector<16xf32> to vector<16xi32>
        %add3A_317 = vector.broadcast %mul3A_313 : i32 to vector<16xi32>
        %add3A_318 = arith.addi %add3A_317, %iota3A : vector<16xi32>
        %ge3A_319 = vector.broadcast %mul3A_42 : i32 to vector<16xi32>
        %ge3A_320 = arith.cmpi sge, %bitcast3A_316, %ge3A_319 : vector<16xi32>
        %lt3A_321 = vector.broadcast %scan3A_43 : i32 to vector<16xi32>
        %lt3A_322 = arith.cmpi slt, %bitcast3A_316, %lt3A_321 : vector<16xi32>
        %and3A_323 = arith.andi %ge3A_320, %lt3A_322 : vector<16xi1>
        %jit3A_324 = arith.constant 1 : i32
        %jit3A_325 = arith.constant 0 : i32
        %broadcast_in_dim3A_326 = vector.broadcast %jit3A_324 : i32 to vector<16xi32>
        %broadcast_in_dim3A_327 = vector.broadcast %jit3A_325 : i32 to vector<16xi32>
        %select_n3A_328 = arith.select %and3A_323, %broadcast_in_dim3A_326, %broadcast_in_dim3A_327 : vector<16xi1>, vector<16xi32>
        %broadcast_in_dim3A_329 = arith.constant true
        %broadcast_in_dim3A_330 = vector.broadcast %broadcast_in_dim3A_329 : i1 to vector<16xi1>
        %masked_cumsum3A_331 = tpu.scan <sum>, %select_n3A_328 masked %broadcast_in_dim3A_330 : vector<16xi32>, vector<16xi1> -> vector<16xi32>
        %add3A_332 = vector.broadcast %min3A_241 : i32 to vector<16xi32>
        %add3A_333 = arith.addi %add3A_332, %masked_cumsum3A_331 : vector<16xi32>
        %sub3A_334 = arith.constant 1 : i32
        %sub3A_335 = vector.broadcast %sub3A_334 : i32 to vector<16xi32>
        %sub3A_336 = arith.subi %add3A_333, %sub3A_335 : vector<16xi32>
        %lt3A_337 = arith.constant 2048 : i32
        %lt3A_338 = vector.broadcast %lt3A_337 : i32 to vector<16xi32>
        %lt3A_339 = arith.cmpi slt, %sub3A_336, %lt3A_338 : vector<16xi32>
        %and3A_340 = arith.andi %and3A_323, %lt3A_339 : vector<16xi1>
        tpu.vector_store_idx %arg14[%sub3A_336], %bitcast3A_316 masked %and3A_340 : memref<2048xi32, #tpu.memory_space<vmem>>[vector<16xi32>], vector<16xi32>, vector<16xi1>
        tpu.vector_store_idx %arg15[%sub3A_336], %add3A_318 masked %and3A_340 : memref<2048xi32, #tpu.memory_space<vmem>>[vector<16xi32>], vector<16xi32>, vector<16xi1>
        %eq3A_341 = arith.constant 15 : i32
        %eq3A_342 = vector.broadcast %eq3A_341 : i32 to vector<16xi32>
        %eq3A_343 = arith.cmpi eq, %iota3A, %eq3A_342 : vector<16xi32>
        %jit3A_344 = arith.constant 0 : i32
        %broadcast_in_dim3A_345 = vector.broadcast %jit3A_344 : i32 to vector<16xi32>
        %select_n3A_346 = arith.select %eq3A_343, %masked_cumsum3A_331, %broadcast_in_dim3A_345 : vector<16xi1>, vector<16xi32>
        %reduce_sum3A_347 = arith.constant true
        %reduce_sum3A_348 = vector.broadcast %reduce_sum3A_347 : i1 to vector<16xi1>
        %reduce_sum3A_349 = tpu.scan <sum>, %select_n3A_346 masked %reduce_sum3A_348 : vector<16xi32>, vector<16xi1> -> vector<16xi32>
        %reduce_sum3A_350 = vector.extract %reduce_sum3A_349[15] : i32 from vector<16xi32>
        %add3A_351 = arith.addi %min3A_241, %reduce_sum3A_350 : i32
        %min3A_352 = arith.constant 2048 : i32
        %min3A_353 = arith.minsi %add3A_351, %min3A_352 : i32
        %shift_right_logical3A_354 = arith.constant 17 : i32
        %shift_right_logical3A_355 = vector.broadcast %shift_right_logical3A_354 : i32 to vector<16xi32>
        %shift_right_logical3A_356 = arith.shrui %bitcast3A_316, %shift_right_logical3A_355 : vector<16xi32>
        %eq3A_357 = vector.broadcast %while3A_37#4 : i32 to vector<16xi32>
        %eq3A_358 = arith.cmpi eq, %shift_right_logical3A_356, %eq3A_357 : vector<16xi32>
        %jit3A_359 = arith.constant 1 : i32
        %jit3A_360 = arith.constant 0 : i32
        %broadcast_in_dim3A_361 = vector.broadcast %jit3A_359 : i32 to vector<16xi32>
        %broadcast_in_dim3A_362 = vector.broadcast %jit3A_360 : i32 to vector<16xi32>
        %select_n3A_363 = arith.select %eq3A_358, %broadcast_in_dim3A_361, %broadcast_in_dim3A_362 : vector<16xi1>, vector<16xi32>
        %broadcast_in_dim3A_364 = arith.constant true
        %broadcast_in_dim3A_365 = vector.broadcast %broadcast_in_dim3A_364 : i1 to vector<16xi1>
        %masked_cumsum3A_366 = tpu.scan <sum>, %select_n3A_363 masked %broadcast_in_dim3A_365 : vector<16xi32>, vector<16xi1> -> vector<16xi32>
        %add3A_367 = vector.broadcast %min3A_275 : i32 to vector<16xi32>
        %add3A_368 = arith.addi %add3A_367, %masked_cumsum3A_366 : vector<16xi32>
        %sub3A_369 = arith.constant 1 : i32
        %sub3A_370 = vector.broadcast %sub3A_369 : i32 to vector<16xi32>
        %sub3A_371 = arith.subi %add3A_368, %sub3A_370 : vector<16xi32>
        %lt3A_372 = arith.constant 2048 : i32
        %lt3A_373 = vector.broadcast %lt3A_372 : i32 to vector<16xi32>
        %lt3A_374 = arith.cmpi slt, %sub3A_371, %lt3A_373 : vector<16xi32>
        %and3A_375 = arith.andi %eq3A_358, %lt3A_374 : vector<16xi1>
        tpu.vector_store_idx %arg18[%sub3A_371], %bitcast3A_316 masked %and3A_375 : memref<2048xi32, #tpu.memory_space<vmem>>[vector<16xi32>], vector<16xi32>, vector<16xi1>
        tpu.vector_store_idx %arg19[%sub3A_371], %add3A_318 masked %and3A_375 : memref<2048xi32, #tpu.memory_space<vmem>>[vector<16xi32>], vector<16xi32>, vector<16xi1>
        %eq3A_376 = arith.constant 15 : i32
        %eq3A_377 = vector.broadcast %eq3A_376 : i32 to vector<16xi32>
        %eq3A_378 = arith.cmpi eq, %iota3A, %eq3A_377 : vector<16xi32>
        %jit3A_379 = arith.constant 0 : i32
        %broadcast_in_dim3A_380 = vector.broadcast %jit3A_379 : i32 to vector<16xi32>
        %select_n3A_381 = arith.select %eq3A_378, %masked_cumsum3A_366, %broadcast_in_dim3A_380 : vector<16xi1>, vector<16xi32>
        %reduce_sum3A_382 = arith.constant true
        %reduce_sum3A_383 = vector.broadcast %reduce_sum3A_382 : i1 to vector<16xi1>
        %reduce_sum3A_384 = tpu.scan <sum>, %select_n3A_381 masked %reduce_sum3A_383 : vector<16xi32>, vector<16xi1> -> vector<16xi32>
        %reduce_sum3A_385 = vector.extract %reduce_sum3A_384[15] : i32 from vector<16xi32>
        %add3A_386 = arith.addi %min3A_275, %reduce_sum3A_385 : i32
        %min3A_387 = arith.constant 2048 : i32
        %min3A_388 = arith.minsi %add3A_386, %min3A_387 : i32
        %gt3A_389 = vector.broadcast %while3A_37#4 : i32 to vector<16xi32>
        %gt3A_390 = arith.cmpi sgt, %shift_right_logical3A_356, %gt3A_389 : vector<16xi32>
        %jit3A_391 = arith.constant 91 : i32
        %div3A_392 = vector.broadcast %jit3A_391 : i32 to vector<16xi32>
        %div3A_393 = arith.divsi %add3A_318, %div3A_392 : vector<16xi32>
        %sign3A_394 = arith.constant 0 : i32
        %sign3A_395 = vector.broadcast %sign3A_394 : i32 to vector<16xi32>
        %sign3A_396 = arith.cmpi sgt, %add3A_318, %sign3A_395 : vector<16xi32>
        %sign3A_397 = arith.extui %sign3A_396 : vector<16xi1> to vector<16xi32>
        %sign3A_398 = arith.constant 0 : i32
        %sign3A_399 = vector.broadcast %sign3A_398 : i32 to vector<16xi32>
        %sign3A_400 = arith.cmpi slt, %add3A_318, %sign3A_399 : vector<16xi32>
        %sign3A_401 = arith.extui %sign3A_400 : vector<16xi1> to vector<16xi32>
        %sign3A_402 = arith.subi %sign3A_397, %sign3A_401 : vector<16xi32>
        %sign3A_403 = arith.constant 0 : i32
        %sign3A_404 = arith.cmpi sgt, %jit3A_391, %sign3A_403 : i32
        %sign3A_405 = arith.extui %sign3A_404 : i1 to i32
        %sign3A_406 = arith.constant 0 : i32
        %sign3A_407 = arith.cmpi slt, %jit3A_391, %sign3A_406 : i32
        %sign3A_408 = arith.extui %sign3A_407 : i1 to i32
        %sign3A_409 = arith.subi %sign3A_405, %sign3A_408 : i32
        %ne3A_410 = vector.broadcast %sign3A_409 : i32 to vector<16xi32>
        %ne3A_411 = arith.cmpi ne, %sign3A_402, %ne3A_410 : vector<16xi32>
        %rem3A_412 = vector.broadcast %jit3A_391 : i32 to vector<16xi32>
        %rem3A_413 = arith.remsi %add3A_318, %rem3A_412 : vector<16xi32>
        %ne3A_414 = arith.constant 0 : i32
        %ne3A_415 = vector.broadcast %ne3A_414 : i32 to vector<16xi32>
        %ne3A_416 = arith.cmpi ne, %rem3A_413, %ne3A_415 : vector<16xi32>
        %and3A_417 = arith.andi %ne3A_411, %ne3A_416 : vector<16xi1>
        %sub3A_418 = arith.constant 1 : i32
        %sub3A_419 = vector.broadcast %sub3A_418 : i32 to vector<16xi32>
        %sub3A_420 = arith.subi %div3A_393, %sub3A_419 : vector<16xi32>
        %select_n3A_421 = arith.select %and3A_417, %sub3A_420, %div3A_393 : vector<16xi1>, vector<16xi32>
        tpu.vector_store_idx %arg13[%select_n3A_421], %add3A_11 masked %gt3A_390 {add = true} : memref<1024xi32, #tpu.memory_space<vmem>>[vector<16xi32>], vector<16xi32>, vector<16xi1>
        %mul3A_422 = arith.constant 4 : i32
        %mul3A_423 = arith.muli %scan3A_200, %mul3A_422 : i32
        %add3A_424 = arith.constant 2 : i32
        %add3A_425 = arith.addi %mul3A_423, %add3A_424 : i32
        %mul3A_426 = arith.constant 16 : i32
        %mul3A_427 = arith.muli %add3A_425, %mul3A_426 : i32
        %get3A_428 = arith.index_cast %mul3A_427 : i32 to index
        %get3A_429 = tpu.vector_load %arg5[%get3A_428] {strides = array<i32>} : memref<91008xf32, #tpu.memory_space<vmem>>, vector<16xf32>,
        %bitcast3A_430 = vector.bitcast %get3A_429 : vector<16xf32> to vector<16xi32>
        %add3A_431 = vector.broadcast %mul3A_427 : i32 to vector<16xi32>
        %add3A_432 = arith.addi %add3A_431, %iota3A : vector<16xi32>
        %ge3A_433 = vector.broadcast %mul3A_42 : i32 to vector<16xi32>
        %ge3A_434 = arith.cmpi sge, %bitcast3A_430, %ge3A_433 : vector<16xi32>
        %lt3A_435 = vector.broadcast %scan3A_43 : i32 to vector<16xi32>
        %lt3A_436 = arith.cmpi slt, %bitcast3A_430, %lt3A_435 : vector<16xi32>
        %and3A_437 = arith.andi %ge3A_434, %lt3A_436 : vector<16xi1>
        %jit3A_438 = arith.constant 1 : i32
        %jit3A_439 = arith.constant 0 : i32
        %broadcast_in_dim3A_440 = vector.broadcast %jit3A_438 : i32 to vector<16xi32>
        %broadcast_in_dim3A_441 = vector.broadcast %jit3A_439 : i32 to vector<16xi32>
        %select_n3A_442 = arith.select %and3A_437, %broadcast_in_dim3A_440, %broadcast_in_dim3A_441 : vector<16xi1>, vector<16xi32>
        %broadcast_in_dim3A_443 = arith.constant true
        %broadcast_in_dim3A_444 = vector.broadcast %broadcast_in_dim3A_443 : i1 to vector<16xi1>
        %masked_cumsum3A_445 = tpu.scan <sum>, %select_n3A_442 masked %broadcast_in_dim3A_444 : vector<16xi32>, vector<16xi1> -> vector<16xi32>
        %add3A_446 = vector.broadcast %min3A_353 : i32 to vector<16xi32>
        %add3A_447 = arith.addi %add3A_446, %masked_cumsum3A_445 : vector<16xi32>
        %sub3A_448 = arith.constant 1 : i32
        %sub3A_449 = vector.broadcast %sub3A_448 : i32 to vector<16xi32>
        %sub3A_450 = arith.subi %add3A_447, %sub3A_449 : vector<16xi32>
        %lt3A_451 = arith.constant 2048 : i32
        %lt3A_452 = vector.broadcast %lt3A_451 : i32 to vector<16xi32>
        %lt3A_453 = arith.cmpi slt, %sub3A_450, %lt3A_452 : vector<16xi32>
        %and3A_454 = arith.andi %and3A_437, %lt3A_453 : vector<16xi1>
        tpu.vector_store_idx %arg14[%sub3A_450], %bitcast3A_430 masked %and3A_454 : memref<2048xi32, #tpu.memory_space<vmem>>[vector<16xi32>], vector<16xi32>, vector<16xi1>
        tpu.vector_store_idx %arg15[%sub3A_450], %add3A_432 masked %and3A_454 : memref<2048xi32, #tpu.memory_space<vmem>>[vector<16xi32>], vector<16xi32>, vector<16xi1>
        %eq3A_455 = arith.constant 15 : i32
        %eq3A_456 = vector.broadcast %eq3A_455 : i32 to vector<16xi32>
        %eq3A_457 = arith.cmpi eq, %iota3A, %eq3A_456 : vector<16xi32>
        %jit3A_458 = arith.constant 0 : i32
        %broadcast_in_dim3A_459 = vector.broadcast %jit3A_458 : i32 to vector<16xi32>
        %select_n3A_460 = arith.select %eq3A_457, %masked_cumsum3A_445, %broadcast_in_dim3A_459 : vector<16xi1>, vector<16xi32>
        %reduce_sum3A_461 = arith.constant true
        %reduce_sum3A_462 = vector.broadcast %reduce_sum3A_461 : i1 to vector<16xi1>
        %reduce_sum3A_463 = tpu.scan <sum>, %select_n3A_460 masked %reduce_sum3A_462 : vector<16xi32>, vector<16xi1> -> vector<16xi32>
        %reduce_sum3A_464 = vector.extract %reduce_sum3A_463[15] : i32 from vector<16xi32>
        %add3A_465 = arith.addi %min3A_353, %reduce_sum3A_464 : i32
        %min3A_466 = arith.constant 2048 : i32
        %min3A_467 = arith.minsi %add3A_465, %min3A_466 : i32
        %shift_right_logical3A_468 = arith.constant 17 : i32
        %shift_right_logical3A_469 = vector.broadcast %shift_right_logical3A_468 : i32 to vector<16xi32>
        %shift_right_logical3A_470 = arith.shrui %bitcast3A_430, %shift_right_logical3A_469 : vector<16xi32>
        %eq3A_471 = vector.broadcast %while3A_37#4 : i32 to vector<16xi32>
        %eq3A_472 = arith.cmpi eq, %shift_right_logical3A_470, %eq3A_471 : vector<16xi32>
        %jit3A_473 = arith.constant 1 : i32
        %jit3A_474 = arith.constant 0 : i32
        %broadcast_in_dim3A_475 = vector.broadcast %jit3A_473 : i32 to vector<16xi32>
        %broadcast_in_dim3A_476 = vector.broadcast %jit3A_474 : i32 to vector<16xi32>
        %select_n3A_477 = arith.select %eq3A_472, %broadcast_in_dim3A_475, %broadcast_in_dim3A_476 : vector<16xi1>, vector<16xi32>
        %broadcast_in_dim3A_478 = arith.constant true
        %broadcast_in_dim3A_479 = vector.broadcast %broadcast_in_dim3A_478 : i1 to vector<16xi1>
        %masked_cumsum3A_480 = tpu.scan <sum>, %select_n3A_477 masked %broadcast_in_dim3A_479 : vector<16xi32>, vector<16xi1> -> vector<16xi32>
        %add3A_481 = vector.broadcast %min3A_388 : i32 to vector<16xi32>
        %add3A_482 = arith.addi %add3A_481, %masked_cumsum3A_480 : vector<16xi32>
        %sub3A_483 = arith.constant 1 : i32
        %sub3A_484 = vector.broadcast %sub3A_483 : i32 to vector<16xi32>
        %sub3A_485 = arith.subi %add3A_482, %sub3A_484 : vector<16xi32>
        %lt3A_486 = arith.constant 2048 : i32
        %lt3A_487 = vector.broadcast %lt3A_486 : i32 to vector<16xi32>
        %lt3A_488 = arith.cmpi slt, %sub3A_485, %lt3A_487 : vector<16xi32>
        %and3A_489 = arith.andi %eq3A_472, %lt3A_488 : vector<16xi1>
        tpu.vector_store_idx %arg18[%sub3A_485], %bitcast3A_430 masked %and3A_489 : memref<2048xi32, #tpu.memory_space<vmem>>[vector<16xi32>], vector<16xi32>, vector<16xi1>
        tpu.vector_store_idx %arg19[%sub3A_485], %add3A_432 masked %and3A_489 : memref<2048xi32, #tpu.memory_space<vmem>>[vector<16xi32>], vector<16xi32>, vector<16xi1>
        %eq3A_490 = arith.constant 15 : i32
        %eq3A_491 = vector.broadcast %eq3A_490 : i32 to vector<16xi32>
        %eq3A_492 = arith.cmpi eq, %iota3A, %eq3A_491 : vector<16xi32>
        %jit3A_493 = arith.constant 0 : i32
        %broadcast_in_dim3A_494 = vector.broadcast %jit3A_493 : i32 to vector<16xi32>
        %select_n3A_495 = arith.select %eq3A_492, %masked_cumsum3A_480, %broadcast_in_dim3A_494 : vector<16xi1>, vector<16xi32>
        %reduce_sum3A_496 = arith.constant true
        %reduce_sum3A_497 = vector.broadcast %reduce_sum3A_496 : i1 to vector<16xi1>
        %reduce_sum3A_498 = tpu.scan <sum>, %select_n3A_495 masked %reduce_sum3A_497 : vector<16xi32>, vector<16xi1> -> vector<16xi32>
        %reduce_sum3A_499 = vector.extract %reduce_sum3A_498[15] : i32 from vector<16xi32>
        %add3A_500 = arith.addi %min3A_388, %reduce_sum3A_499 : i32
        %min3A_501 = arith.constant 2048 : i32
        %min3A_502 = arith.minsi %add3A_500, %min3A_501 : i32
        %gt3A_503 = vector.broadcast %while3A_37#4 : i32 to vector<16xi32>
        %gt3A_504 = arith.cmpi sgt, %shift_right_logical3A_470, %gt3A_503 : vector<16xi32>
        %jit3A_505 = arith.constant 91 : i32
        %div3A_506 = vector.broadcast %jit3A_505 : i32 to vector<16xi32>
        %div3A_507 = arith.divsi %add3A_432, %div3A_506 : vector<16xi32>
        %sign3A_508 = arith.constant 0 : i32
        %sign3A_509 = vector.broadcast %sign3A_508 : i32 to vector<16xi32>
        %sign3A_510 = arith.cmpi sgt, %add3A_432, %sign3A_509 : vector<16xi32>
        %sign3A_511 = arith.extui %sign3A_510 : vector<16xi1> to vector<16xi32>
        %sign3A_512 = arith.constant 0 : i32
        %sign3A_513 = vector.broadcast %sign3A_512 : i32 to vector<16xi32>
        %sign3A_514 = arith.cmpi slt, %add3A_432, %sign3A_513 : vector<16xi32>
        %sign3A_515 = arith.extui %sign3A_514 : vector<16xi1> to vector<16xi32>
        %sign3A_516 = arith.subi %sign3A_511, %sign3A_515 : vector<16xi32>
        %sign3A_517 = arith.constant 0 : i32
        %sign3A_518 = arith.cmpi sgt, %jit3A_505, %sign3A_517 : i32
        %sign3A_519 = arith.extui %sign3A_518 : i1 to i32
        %sign3A_520 = arith.constant 0 : i32
        %sign3A_521 = arith.cmpi slt, %jit3A_505, %sign3A_520 : i32
        %sign3A_522 = arith.extui %sign3A_521 : i1 to i32
        %sign3A_523 = arith.subi %sign3A_519, %sign3A_522 : i32
        %ne3A_524 = vector.broadcast %sign3A_523 : i32 to vector<16xi32>
        %ne3A_525 = arith.cmpi ne, %sign3A_516, %ne3A_524 : vector<16xi32>
        %rem3A_526 = vector.broadcast %jit3A_505 : i32 to vector<16xi32>
        %rem3A_527 = arith.remsi %add3A_432, %rem3A_526 : vector<16xi32>
        %ne3A_528 = arith.constant 0 : i32
        %ne3A_529 = vector.broadcast %ne3A_528 : i32 to vector<16xi32>
        %ne3A_530 = arith.cmpi ne, %rem3A_527, %ne3A_529 : vector<16xi32>
        %and3A_531 = arith.andi %ne3A_525, %ne3A_530 : vector<16xi1>
        %sub3A_532 = arith.constant 1 : i32
        %sub3A_533 = vector.broadcast %sub3A_532 : i32 to vector<16xi32>
        %sub3A_534 = arith.subi %div3A_507, %sub3A_533 : vector<16xi32>
        %select_n3A_535 = arith.select %and3A_531, %sub3A_534, %div3A_507 : vector<16xi1>, vector<16xi32>
        tpu.vector_store_idx %arg13[%select_n3A_535], %add3A_11 masked %gt3A_504 {add = true} : memref<1024xi32, #tpu.memory_space<vmem>>[vector<16xi32>], vector<16xi32>, vector<16xi1>
        %mul3A_536 = arith.constant 4 : i32
        %mul3A_537 = arith.muli %scan3A_200, %mul3A_536 : i32
        %add3A_538 = arith.constant 3 : i32
        %add3A_539 = arith.addi %mul3A_537, %add3A_538 : i32
        %mul3A_540 = arith.constant 16 : i32
        %mul3A_541 = arith.muli %add3A_539, %mul3A_540 : i32
        %get3A_542 = arith.index_cast %mul3A_541 : i32 to index
        %get3A_543 = tpu.vector_load %arg5[%get3A_542] {strides = array<i32>} : memref<91008xf32, #tpu.memory_space<vmem>>, vector<16xf32>,
        %bitcast3A_544 = vector.bitcast %get3A_543 : vector<16xf32> to vector<16xi32>
        %add3A_545 = vector.broadcast %mul3A_541 : i32 to vector<16xi32>
        %add3A_546 = arith.addi %add3A_545, %iota3A : vector<16xi32>
        %ge3A_547 = vector.broadcast %mul3A_42 : i32 to vector<16xi32>
        %ge3A_548 = arith.cmpi sge, %bitcast3A_544, %ge3A_547 : vector<16xi32>
        %lt3A_549 = vector.broadcast %scan3A_43 : i32 to vector<16xi32>
        %lt3A_550 = arith.cmpi slt, %bitcast3A_544, %lt3A_549 : vector<16xi32>
        %and3A_551 = arith.andi %ge3A_548, %lt3A_550 : vector<16xi1>
        %jit3A_552 = arith.constant 1 : i32
        %jit3A_553 = arith.constant 0 : i32
        %broadcast_in_dim3A_554 = vector.broadcast %jit3A_552 : i32 to vector<16xi32>
        %broadcast_in_dim3A_555 = vector.broadcast %jit3A_553 : i32 to vector<16xi32>
        %select_n3A_556 = arith.select %and3A_551, %broadcast_in_dim3A_554, %broadcast_in_dim3A_555 : vector<16xi1>, vector<16xi32>
        %broadcast_in_dim3A_557 = arith.constant true
        %broadcast_in_dim3A_558 = vector.broadcast %broadcast_in_dim3A_557 : i1 to vector<16xi1>
        %masked_cumsum3A_559 = tpu.scan <sum>, %select_n3A_556 masked %broadcast_in_dim3A_558 : vector<16xi32>, vector<16xi1> -> vector<16xi32>
        %add3A_560 = vector.broadcast %min3A_467 : i32 to vector<16xi32>
        %add3A_561 = arith.addi %add3A_560, %masked_cumsum3A_559 : vector<16xi32>
        %sub3A_562 = arith.constant 1 : i32
        %sub3A_563 = vector.broadcast %sub3A_562 : i32 to vector<16xi32>
        %sub3A_564 = arith.subi %add3A_561, %sub3A_563 : vector<16xi32>
        %lt3A_565 = arith.constant 2048 : i32
        %lt3A_566 = vector.broadcast %lt3A_565 : i32 to vector<16xi32>
        %lt3A_567 = arith.cmpi slt, %sub3A_564, %lt3A_566 : vector<16xi32>
        %and3A_568 = arith.andi %and3A_551, %lt3A_567 : vector<16xi1>
        tpu.vector_store_idx %arg14[%sub3A_564], %bitcast3A_544 masked %and3A_568 : memref<2048xi32, #tpu.memory_space<vmem>>[vector<16xi32>], vector<16xi32>, vector<16xi1>
        tpu.vector_store_idx %arg15[%sub3A_564], %add3A_546 masked %and3A_568 : memref<2048xi32, #tpu.memory_space<vmem>>[vector<16xi32>], vector<16xi32>, vector<16xi1>
        %eq3A_569 = arith.constant 15 : i32
        %eq3A_570 = vector.broadcast %eq3A_569 : i32 to vector<16xi32>
        %eq3A_571 = arith.cmpi eq, %iota3A, %eq3A_570 : vector<16xi32>
        %jit3A_572 = arith.constant 0 : i32
        %broadcast_in_dim3A_573 = vector.broadcast %jit3A_572 : i32 to vector<16xi32>
        %select_n3A_574 = arith.select %eq3A_571, %masked_cumsum3A_559, %broadcast_in_dim3A_573 : vector<16xi1>, vector<16xi32>
        %reduce_sum3A_575 = arith.constant true
        %reduce_sum3A_576 = vector.broadcast %reduce_sum3A_575 : i1 to vector<16xi1>
        %reduce_sum3A_577 = tpu.scan <sum>, %select_n3A_574 masked %reduce_sum3A_576 : vector<16xi32>, vector<16xi1> -> vector<16xi32>
        %reduce_sum3A_578 = vector.extract %reduce_sum3A_577[15] : i32 from vector<16xi32>
        %add3A_579 = arith.addi %min3A_467, %reduce_sum3A_578 : i32
        %min3A_580 = arith.constant 2048 : i32
        %min3A_581 = arith.minsi %add3A_579, %min3A_580 : i32
        %shift_right_logical3A_582 = arith.constant 17 : i32
        %shift_right_logical3A_583 = vector.broadcast %shift_right_logical3A_582 : i32 to vector<16xi32>
        %shift_right_logical3A_584 = arith.shrui %bitcast3A_544, %shift_right_logical3A_583 : vector<16xi32>
        %eq3A_585 = vector.broadcast %while3A_37#4 : i32 to vector<16xi32>
        %eq3A_586 = arith.cmpi eq, %shift_right_logical3A_584, %eq3A_585 : vector<16xi32>
        %jit3A_587 = arith.constant 1 : i32
        %jit3A_588 = arith.constant 0 : i32
        %broadcast_in_dim3A_589 = vector.broadcast %jit3A_587 : i32 to vector<16xi32>
        %broadcast_in_dim3A_590 = vector.broadcast %jit3A_588 : i32 to vector<16xi32>
        %select_n3A_591 = arith.select %eq3A_586, %broadcast_in_dim3A_589, %broadcast_in_dim3A_590 : vector<16xi1>, vector<16xi32>
        %broadcast_in_dim3A_592 = arith.constant true
        %broadcast_in_dim3A_593 = vector.broadcast %broadcast_in_dim3A_592 : i1 to vector<16xi1>
        %masked_cumsum3A_594 = tpu.scan <sum>, %select_n3A_591 masked %broadcast_in_dim3A_593 : vector<16xi32>, vector<16xi1> -> vector<16xi32>
        %add3A_595 = vector.broadcast %min3A_502 : i32 to vector<16xi32>
        %add3A_596 = arith.addi %add3A_595, %masked_cumsum3A_594 : vector<16xi32>
        %sub3A_597 = arith.constant 1 : i32
        %sub3A_598 = vector.broadcast %sub3A_597 : i32 to vector<16xi32>
        %sub3A_599 = arith.subi %add3A_596, %sub3A_598 : vector<16xi32>
        %lt3A_600 = arith.constant 2048 : i32
        %lt3A_601 = vector.broadcast %lt3A_600 : i32 to vector<16xi32>
        %lt3A_602 = arith.cmpi slt, %sub3A_599, %lt3A_601 : vector<16xi32>
        %and3A_603 = arith.andi %eq3A_586, %lt3A_602 : vector<16xi1>
        tpu.vector_store_idx %arg18[%sub3A_599], %bitcast3A_544 masked %and3A_603 : memref<2048xi32, #tpu.memory_space<vmem>>[vector<16xi32>], vector<16xi32>, vector<16xi1>
        tpu.vector_store_idx %arg19[%sub3A_599], %add3A_546 masked %and3A_603 : memref<2048xi32, #tpu.memory_space<vmem>>[vector<16xi32>], vector<16xi32>, vector<16xi1>
        %eq3A_604 = arith.constant 15 : i32
        %eq3A_605 = vector.broadcast %eq3A_604 : i32 to vector<16xi32>
        %eq3A_606 = arith.cmpi eq, %iota3A, %eq3A_605 : vector<16xi32>
        %jit3A_607 = arith.constant 0 : i32
        %broadcast_in_dim3A_608 = vector.broadcast %jit3A_607 : i32 to vector<16xi32>
        %select_n3A_609 = arith.select %eq3A_606, %masked_cumsum3A_594, %broadcast_in_dim3A_608 : vector<16xi1>, vector<16xi32>
        %reduce_sum3A_610 = arith.constant true
        %reduce_sum3A_611 = vector.broadcast %reduce_sum3A_610 : i1 to vector<16xi1>
        %reduce_sum3A_612 = tpu.scan <sum>, %select_n3A_609 masked %reduce_sum3A_611 : vector<16xi32>, vector<16xi1> -> vector<16xi32>
        %reduce_sum3A_613 = vector.extract %reduce_sum3A_612[15] : i32 from vector<16xi32>
        %add3A_614 = arith.addi %min3A_502, %reduce_sum3A_613 : i32
        %min3A_615 = arith.constant 2048 : i32
        %min3A_616 = arith.minsi %add3A_614, %min3A_615 : i32
        %gt3A_617 = vector.broadcast %while3A_37#4 : i32 to vector<16xi32>
        %gt3A_618 = arith.cmpi sgt, %shift_right_logical3A_584, %gt3A_617 : vector<16xi32>
        %jit3A_619 = arith.constant 91 : i32
        %div3A_620 = vector.broadcast %jit3A_619 : i32 to vector<16xi32>
        %div3A_621 = arith.divsi %add3A_546, %div3A_620 : vector<16xi32>
        %sign3A_622 = arith.constant 0 : i32
        %sign3A_623 = vector.broadcast %sign3A_622 : i32 to vector<16xi32>
        %sign3A_624 = arith.cmpi sgt, %add3A_546, %sign3A_623 : vector<16xi32>
        %sign3A_625 = arith.extui %sign3A_624 : vector<16xi1> to vector<16xi32>
        %sign3A_626 = arith.constant 0 : i32
        %sign3A_627 = vector.broadcast %sign3A_626 : i32 to vector<16xi32>
        %sign3A_628 = arith.cmpi slt, %add3A_546, %sign3A_627 : vector<16xi32>
        %sign3A_629 = arith.extui %sign3A_628 : vector<16xi1> to vector<16xi32>
        %sign3A_630 = arith.subi %sign3A_625, %sign3A_629 : vector<16xi32>
        %sign3A_631 = arith.constant 0 : i32
        %sign3A_632 = arith.cmpi sgt, %jit3A_619, %sign3A_631 : i32
        %sign3A_633 = arith.extui %sign3A_632 : i1 to i32
        %sign3A_634 = arith.constant 0 : i32
        %sign3A_635 = arith.cmpi slt, %jit3A_619, %sign3A_634 : i32
        %sign3A_636 = arith.extui %sign3A_635 : i1 to i32
        %sign3A_637 = arith.subi %sign3A_633, %sign3A_636 : i32
        %ne3A_638 = vector.broadcast %sign3A_637 : i32 to vector<16xi32>
        %ne3A_639 = arith.cmpi ne, %sign3A_630, %ne3A_638 : vector<16xi32>
        %rem3A_640 = vector.broadcast %jit3A_619 : i32 to vector<16xi32>
        %rem3A_641 = arith.remsi %add3A_546, %rem3A_640 : vector<16xi32>
        %ne3A_642 = arith.constant 0 : i32
        %ne3A_643 = vector.broadcast %ne3A_642 : i32 to vector<16xi32>
        %ne3A_644 = arith.cmpi ne, %rem3A_641, %ne3A_643 : vector<16xi32>
        %and3A_645 = arith.andi %ne3A_639, %ne3A_644 : vector<16xi1>
        %sub3A_646 = arith.constant 1 : i32
        %sub3A_647 = vector.broadcast %sub3A_646 : i32 to vector<16xi32>
        %sub3A_648 = arith.subi %div3A_621, %sub3A_647 : vector<16xi32>
        %select_n3A_649 = arith.select %and3A_645, %sub3A_648, %div3A_621 : vector<16xi1>, vector<16xi32>
        tpu.vector_store_idx %arg13[%select_n3A_649], %add3A_11 masked %gt3A_618 {add = true} : memref<1024xi32, #tpu.memory_space<vmem>>[vector<16xi32>], vector<16xi32>, vector<16xi1>
        scf.yield %min3A_581, %min3A_616 : i32, i32
      }
      %scan3A_51 = arith.constant 1422 : i32
      %scan3A_52 = arith.constant 0 : i32
      %scan3A_53 = arith.constant 0 : i32
      %scan3A_54 = arith.constant 128 : i32
      %scan3A_55 = arith.addi %scan3A_53, %scan3A_54 : i32
      %scan3A_56 = arith.constant 1 : i32
      scf.for %scan3A_200 = %scan3A_53 to %scan3A_55 step %scan3A_56  : i32 {
        %mul3A_201 = arith.constant 16 : i32
        %mul3A_202 = arith.muli %scan3A_200, %mul3A_201 : i32
        %swap3A = arith.index_cast %mul3A_202 : i32 to index
        %swap3A_203 = tpu.vector_load %arg7[%swap3A] {strides = array<i32>} : memref<2048xi32, #tpu.memory_space<vmem>>, vector<16xi32>,
        tpu.vector_store %arg7[%swap3A], %mul3A_8 {strides = array<i32>} : memref<2048xi32, #tpu.memory_space<vmem>>, vector<16xi32>,
      }
      %scan3A_57 = arith.constant 128 : i32
      %add3A_58 = arith.constant 16 : i32
      %add3A_59 = arith.addi %scan3A_50#1, %add3A_58 : i32
      %sub3A_60 = arith.constant 1 : i32
      %sub3A_61 = arith.subi %add3A_59, %sub3A_60 : i32
      %jit3A = arith.constant 16 : i32
      %div3A = arith.divsi %sub3A_61, %jit3A : i32
      %sign3A = arith.constant 0 : i32
      %sign3A_62 = arith.cmpi sgt, %sub3A_61, %sign3A : i32
      %sign3A_63 = arith.extui %sign3A_62 : i1 to i32
      %sign3A_64 = arith.constant 0 : i32
      %sign3A_65 = arith.cmpi slt, %sub3A_61, %sign3A_64 : i32
      %sign3A_66 = arith.extui %sign3A_65 : i1 to i32
      %sign3A_67 = arith.subi %sign3A_63, %sign3A_66 : i32
      %sign3A_68 = arith.constant 0 : i32
      %sign3A_69 = arith.cmpi sgt, %jit3A, %sign3A_68 : i32
      %sign3A_70 = arith.extui %sign3A_69 : i1 to i32
      %sign3A_71 = arith.constant 0 : i32
      %sign3A_72 = arith.cmpi slt, %jit3A, %sign3A_71 : i32
      %sign3A_73 = arith.extui %sign3A_72 : i1 to i32
      %sign3A_74 = arith.subi %sign3A_70, %sign3A_73 : i32
      %ne3A = arith.cmpi ne, %sign3A_67, %sign3A_74 : i32
      %rem3A = arith.remsi %sub3A_61, %jit3A : i32
      %ne3A_75 = arith.constant 0 : i32
      %ne3A_76 = arith.cmpi ne, %rem3A, %ne3A_75 : i32
      %and3A = arith.andi %ne3A, %ne3A_76 : i1
      %sub3A_77 = arith.constant 1 : i32
      %sub3A_78 = arith.subi %div3A, %sub3A_77 : i32
      %select_n3A = arith.select %and3A, %sub3A_78, %div3A : i32
      %while3A_79 = arith.constant 0 : i32
      %while3A_80 = arith.constant 0 : i32
      %while3A_81 = arith.subi %select_n3A, %while3A_80 : i32
      %while3A_82 = arith.addi %while3A_80, %while3A_81 : i32
      %while3A_83 = arith.constant 1 : i32
      %while3A_84 = arith.divsi %while3A_81, %while3A_83 : i32
      %while3A_85 = arith.muli %while3A_84, %while3A_83 : i32
      %while3A_86 = arith.addi %while3A_80, %while3A_85 : i32
      %while3A_87 = arith.constant 1 : i32
      scf.for %while3A_200 = %while3A_80 to %while3A_86 step %while3A_87  : i32 {
        %mul3A_201 = arith.constant 16 : i32
        %mul3A_202 = arith.muli %while3A_200, %mul3A_201 : i32
        %get3A = arith.index_cast %mul3A_202 : i32 to index
        %get3A_203 = tpu.vector_load %arg18[%get3A] {strides = array<i32>} : memref<2048xi32, #tpu.memory_space<vmem>>, vector<16xi32>,
        %mul3A_204 = arith.constant 16 : i32
        %mul3A_205 = arith.muli %while3A_200, %mul3A_204 : i32
        %add3A_206 = vector.broadcast %mul3A_205 : i32 to vector<16xi32>
        %add3A_207 = arith.addi %add3A_206, %iota3A : vector<16xi32>
        %lt3A_208 = vector.broadcast %scan3A_50#1 : i32 to vector<16xi32>
        %lt3A_209 = arith.cmpi slt, %add3A_207, %lt3A_208 : vector<16xi32>
        %shift_right_logical3A = arith.constant 6 : i32
        %shift_right_logical3A_210 = vector.broadcast %shift_right_logical3A : i32 to vector<16xi32>
        %shift_right_logical3A_211 = arith.shrui %get3A_203, %shift_right_logical3A_210 : vector<16xi32>
        %and3A_212 = arith.constant 2047 : i32
        %and3A_213 = vector.broadcast %and3A_212 : i32 to vector<16xi32>
        %and3A_214 = arith.andi %shift_right_logical3A_211, %and3A_213 : vector<16xi32>
        tpu.vector_store_idx %arg7[%and3A_214], %add3A_11 masked %lt3A_209 {add = true} : memref<2048xi32, #tpu.memory_space<vmem>>[vector<16xi32>], vector<16xi32>, vector<16xi1>
      }
      %while3A_88 = arith.constant 1 : i32
      scf.for %while3A_200 = %while3A_86 to %while3A_82 step %while3A_88  : i32 {
        %mul3A_201 = arith.constant 16 : i32
        %mul3A_202 = arith.muli %while3A_200, %mul3A_201 : i32
        %get3A = arith.index_cast %mul3A_202 : i32 to index
        %get3A_203 = tpu.vector_load %arg18[%get3A] {strides = array<i32>} : memref<2048xi32, #tpu.memory_space<vmem>>, vector<16xi32>,
        %mul3A_204 = arith.constant 16 : i32
        %mul3A_205 = arith.muli %while3A_200, %mul3A_204 : i32
        %add3A_206 = vector.broadcast %mul3A_205 : i32 to vector<16xi32>
        %add3A_207 = arith.addi %add3A_206, %iota3A : vector<16xi32>
        %lt3A_208 = vector.broadcast %scan3A_50#1 : i32 to vector<16xi32>
        %lt3A_209 = arith.cmpi slt, %add3A_207, %lt3A_208 : vector<16xi32>
        %shift_right_logical3A = arith.constant 6 : i32
        %shift_right_logical3A_210 = vector.broadcast %shift_right_logical3A : i32 to vector<16xi32>
        %shift_right_logical3A_211 = arith.shrui %get3A_203, %shift_right_logical3A_210 : vector<16xi32>
        %and3A_212 = arith.constant 2047 : i32
        %and3A_213 = vector.broadcast %and3A_212 : i32 to vector<16xi32>
        %and3A_214 = arith.andi %shift_right_logical3A_211, %and3A_213 : vector<16xi32>
        tpu.vector_store_idx %arg7[%and3A_214], %add3A_11 masked %lt3A_209 {add = true} : memref<2048xi32, #tpu.memory_space<vmem>>[vector<16xi32>], vector<16xi32>, vector<16xi1>
      }
      %while3A_89 = arith.constant 0 : i32
      %while3A_90 = arith.constant 0 : i32
      %while3A_91 = arith.constant -1 : i32
      %while3A_92 = arith.constant 0 : i32
      %while3A_93 = arith.constant -1 : i32
      %while3A_94 = arith.constant 0 : i32
      %while3A_95:6 = scf.while (%while3A_200 = %while3A_89, %while3A_201 = %while3A_90, %while3A_202 = %while3A_91, %while3A_203 = %while3A_92, %while3A_204 = %while3A_93, %while3A_205 = %while3A_94) : (i32, i32, i32, i32, i32, i32) -> (i32, i32, i32, i32, i32, i32) {
        %lt3A_206 = arith.constant 128 : i32
        %lt3A_207 = arith.cmpi slt, %while3A_200, %lt3A_206 : i32
        %lt3A_208 = arith.constant 0 : i32
        %lt3A_209 = arith.cmpi slt, %while3A_204, %lt3A_208 : i32
        %and3A_210 = arith.andi %lt3A_207, %lt3A_209 : i1
        scf.condition(%and3A_210) %while3A_200, %while3A_201, %while3A_202, %while3A_203, %while3A_204, %while3A_205 : i32, i32, i32, i32, i32, i32
      } do {
      ^bb0(%while3A_200: i32, %while3A_201: i32, %while3A_202: i32, %while3A_203: i32, %while3A_204: i32, %while3A_205: i32):
        %sub3A_206 = arith.constant 127 : i32
        %sub3A_207 = arith.subi %sub3A_206, %while3A_200 : i32
        %mul3A_208 = arith.constant 16 : i32
        %mul3A_209 = arith.muli %sub3A_207, %mul3A_208 : i32
        %get3A = arith.index_cast %mul3A_209 : i32 to index
        %get3A_210 = tpu.vector_load %arg7[%get3A] {strides = array<i32>} : memref<2048xi32, #tpu.memory_space<vmem>>, vector<16xi32>,
        %reduce_sum3A = arith.constant true
        %reduce_sum3A_211 = vector.broadcast %reduce_sum3A : i1 to vector<16xi1>
        %reduce_sum3A_212 = tpu.scan <sum>, %get3A_210 masked %reduce_sum3A_211 : vector<16xi32>, vector<16xi1> -> vector<16xi32>
        %reduce_sum3A_213 = vector.extract %reduce_sum3A_212[15] : i32 from vector<16xi32>
        %broadcast_in_dim3A = arith.constant true
        %broadcast_in_dim3A_214 = vector.broadcast %broadcast_in_dim3A : i1 to vector<16xi1>
        %masked_cumsum3A = tpu.scan <sum>, %get3A_210 masked %broadcast_in_dim3A_214 : vector<16xi32>, vector<16xi1> -> vector<16xi32>
        %add3A_215 = arith.addi %while3A_201, %reduce_sum3A_213 : i32
        %sub3A_216 = vector.broadcast %add3A_215 : i32 to vector<16xi32>
        %sub3A_217 = arith.subi %sub3A_216, %masked_cumsum3A : vector<16xi32>
        %add3A_218 = arith.addi %sub3A_217, %get3A_210 : vector<16xi32>
        %lt3A_219 = arith.cmpi slt, %while3A_201, %sub3A_38 : i32
        %add3A_220 = arith.addi %while3A_201, %reduce_sum3A_213 : i32
        %ge3A = arith.cmpi sge, %add3A_220, %sub3A_38 : i32
        %and3A_221 = arith.andi %lt3A_219, %ge3A : i1
        %ge3A_222 = vector.broadcast %sub3A_38 : i32 to vector<16xi32>
        %ge3A_223 = arith.cmpi sge, %add3A_218, %ge3A_222 : vector<16xi32>
        %jit3A_224 = arith.constant -1 : i32
        %broadcast_in_dim3A_225 = vector.broadcast %jit3A_224 : i32 to vector<16xi32>
        %select_n3A_226 = arith.select %ge3A_223, %iota3A, %broadcast_in_dim3A_225 : vector<16xi1>, vector<16xi32>
        %reduce_max3A = arith.constant true
        %reduce_max3A_227 = vector.broadcast %reduce_max3A : i1 to vector<16xi1>
        %reduce_max3A_228 = arith.constant -2147483648 : i32
        %reduce_max3A_229 = vector.broadcast %reduce_max3A_228 : i32 to vector<16xi32>
        %reduce_max3A_230 = arith.xori %select_n3A_226, %reduce_max3A_229 : vector<16xi32>
        %reduce_max3A_231 = tpu.scan <max>, %reduce_max3A_230 masked %reduce_max3A_227 : vector<16xi32>, vector<16xi1> -> vector<16xi32>
        %reduce_max3A_232 = arith.xori %reduce_max3A_231, %reduce_max3A_229 : vector<16xi32>
        %reduce_max3A_233 = vector.extract %reduce_max3A_232[15] : i32 from vector<16xi32>
        %mul3A_234 = arith.constant 16 : i32
        %mul3A_235 = arith.muli %sub3A_207, %mul3A_234 : i32
        %add3A_236 = arith.addi %mul3A_235, %reduce_max3A_233 : i32
        %select_n3A_237 = arith.select %and3A_221, %add3A_236, %while3A_202 : i32
        %eq3A_238 = vector.broadcast %reduce_max3A_233 : i32 to vector<16xi32>
        %eq3A_239 = arith.cmpi eq, %iota3A, %eq3A_238 : vector<16xi32>
        %jit3A_240 = arith.constant 0 : i32
        %broadcast_in_dim3A_241 = vector.broadcast %jit3A_240 : i32 to vector<16xi32>
        %select_n3A_242 = arith.select %eq3A_239, %add3A_218, %broadcast_in_dim3A_241 : vector<16xi1>, vector<16xi32>
        %reduce_sum3A_243 = arith.constant true
        %reduce_sum3A_244 = vector.broadcast %reduce_sum3A_243 : i1 to vector<16xi1>
        %reduce_sum3A_245 = tpu.scan <sum>, %select_n3A_242 masked %reduce_sum3A_244 : vector<16xi32>, vector<16xi1> -> vector<16xi32>
        %reduce_sum3A_246 = vector.extract %reduce_sum3A_245[15] : i32 from vector<16xi32>
        %eq3A_247 = vector.broadcast %reduce_max3A_233 : i32 to vector<16xi32>
        %eq3A_248 = arith.cmpi eq, %iota3A, %eq3A_247 : vector<16xi32>
        %jit3A_249 = arith.constant 0 : i32
        %broadcast_in_dim3A_250 = vector.broadcast %jit3A_249 : i32 to vector<16xi32>
        %select_n3A_251 = arith.select %eq3A_248, %get3A_210, %broadcast_in_dim3A_250 : vector<16xi1>, vector<16xi32>
        %reduce_sum3A_252 = arith.constant true
        %reduce_sum3A_253 = vector.broadcast %reduce_sum3A_252 : i1 to vector<16xi1>
        %reduce_sum3A_254 = tpu.scan <sum>, %select_n3A_251 masked %reduce_sum3A_253 : vector<16xi32>, vector<16xi1> -> vector<16xi32>
        %reduce_sum3A_255 = vector.extract %reduce_sum3A_254[15] : i32 from vector<16xi32>
        %sub3A_256 = arith.subi %reduce_sum3A_246, %reduce_sum3A_255 : i32
        %select_n3A_257 = arith.select %and3A_221, %sub3A_256, %while3A_203 : i32
        %lt3A_258 = arith.constant 999999 : i32
        %lt3A_259 = arith.cmpi slt, %while3A_201, %lt3A_258 : i32
        %add3A_260 = arith.addi %while3A_201, %reduce_sum3A_213 : i32
        %ge3A_261 = arith.constant 999999 : i32
        %ge3A_262 = arith.cmpi sge, %add3A_260, %ge3A_261 : i32
        %and3A_263 = arith.andi %lt3A_259, %ge3A_262 : i1
        %ge3A_264 = arith.constant 999999 : i32
        %ge3A_265 = vector.broadcast %ge3A_264 : i32 to vector<16xi32>
        %ge3A_266 = arith.cmpi sge, %add3A_218, %ge3A_265 : vector<16xi32>
        %jit3A_267 = arith.constant -1 : i32
        %broadcast_in_dim3A_268 = vector.broadcast %jit3A_267 : i32 to vector<16xi32>
        %select_n3A_269 = arith.select %ge3A_266, %iota3A, %broadcast_in_dim3A_268 : vector<16xi1>, vector<16xi32>
        %reduce_max3A_270 = arith.constant true
        %reduce_max3A_271 = vector.broadcast %reduce_max3A_270 : i1 to vector<16xi1>
        %reduce_max3A_272 = arith.constant -2147483648 : i32
        %reduce_max3A_273 = vector.broadcast %reduce_max3A_272 : i32 to vector<16xi32>
        %reduce_max3A_274 = arith.xori %select_n3A_269, %reduce_max3A_273 : vector<16xi32>
        %reduce_max3A_275 = tpu.scan <max>, %reduce_max3A_274 masked %reduce_max3A_271 : vector<16xi32>, vector<16xi1> -> vector<16xi32>
        %reduce_max3A_276 = arith.xori %reduce_max3A_275, %reduce_max3A_273 : vector<16xi32>
        %reduce_max3A_277 = vector.extract %reduce_max3A_276[15] : i32 from vector<16xi32>
        %mul3A_278 = arith.constant 16 : i32
        %mul3A_279 = arith.muli %sub3A_207, %mul3A_278 : i32
        %add3A_280 = arith.addi %mul3A_279, %reduce_max3A_277 : i32
        %select_n3A_281 = arith.select %and3A_263, %add3A_280, %while3A_204 : i32
        %eq3A_282 = vector.broadcast %reduce_max3A_277 : i32 to vector<16xi32>
        %eq3A_283 = arith.cmpi eq, %iota3A, %eq3A_282 : vector<16xi32>
        %jit3A_284 = arith.constant 0 : i32
        %broadcast_in_dim3A_285 = vector.broadcast %jit3A_284 : i32 to vector<16xi32>
        %select_n3A_286 = arith.select %eq3A_283, %add3A_218, %broadcast_in_dim3A_285 : vector<16xi1>, vector<16xi32>
        %reduce_sum3A_287 = arith.constant true
        %reduce_sum3A_288 = vector.broadcast %reduce_sum3A_287 : i1 to vector<16xi1>
        %reduce_sum3A_289 = tpu.scan <sum>, %select_n3A_286 masked %reduce_sum3A_288 : vector<16xi32>, vector<16xi1> -> vector<16xi32>
        %reduce_sum3A_290 = vector.extract %reduce_sum3A_289[15] : i32 from vector<16xi32>
        %eq3A_291 = vector.broadcast %reduce_max3A_277 : i32 to vector<16xi32>
        %eq3A_292 = arith.cmpi eq, %iota3A, %eq3A_291 : vector<16xi32>
        %jit3A_293 = arith.constant 0 : i32
        %broadcast_in_dim3A_294 = vector.broadcast %jit3A_293 : i32 to vector<16xi32>
        %select_n3A_295 = arith.select %eq3A_292, %get3A_210, %broadcast_in_dim3A_294 : vector<16xi1>, vector<16xi32>
        %reduce_sum3A_296 = arith.constant true
        %reduce_sum3A_297 = vector.broadcast %reduce_sum3A_296 : i1 to vector<16xi1>
        %reduce_sum3A_298 = tpu.scan <sum>, %select_n3A_295 masked %reduce_sum3A_297 : vector<16xi32>, vector<16xi1> -> vector<16xi32>
        %reduce_sum3A_299 = vector.extract %reduce_sum3A_298[15] : i32 from vector<16xi32>
        %sub3A_300 = arith.subi %reduce_sum3A_290, %reduce_sum3A_299 : i32
        %select_n3A_301 = arith.select %and3A_263, %sub3A_300, %while3A_205 : i32
        %add3A_302 = arith.constant 1 : i32
        %add3A_303 = arith.addi %while3A_200, %add3A_302 : i32
        %add3A_304 = arith.addi %while3A_201, %reduce_sum3A_213 : i32
        scf.yield %add3A_303, %add3A_304, %select_n3A_237, %select_n3A_257, %select_n3A_281, %select_n3A_301 : i32, i32, i32, i32, i32, i32
      }
      %sub3A_96 = arith.subi %sub3A_38, %while3A_95#3 : i32
      %scan3A_97 = arith.constant 0 : i32
      %scan3A_98 = arith.constant 0 : i32
      %scan3A_99 = arith.constant 4 : i32
      %scan3A_100 = arith.addi %scan3A_98, %scan3A_99 : i32
      %scan3A_101 = arith.constant 1 : i32
      scf.for %scan3A_200 = %scan3A_98 to %scan3A_100 step %scan3A_101  : i32 {
        %mul3A_201 = arith.constant 16 : i32
        %mul3A_202 = arith.muli %scan3A_200, %mul3A_201 : i32
        %swap3A = arith.index_cast %mul3A_202 : i32 to index
        %swap3A_203 = tpu.vector_load %arg7[%swap3A] {strides = array<i32>} : memref<2048xi32, #tpu.memory_space<vmem>>, vector<16xi32>,
        tpu.vector_store %arg7[%swap3A], %mul3A_8 {strides = array<i32>} : memref<2048xi32, #tpu.memory_space<vmem>>, vector<16xi32>,
      }
      %scan3A_102 = arith.constant 4 : i32
      %while3A_103 = arith.constant 0 : i32
      %while3A_104 = arith.constant 0 : i32
      %while3A_105 = arith.subi %select_n3A, %while3A_104 : i32
      %while3A_106 = arith.addi %while3A_104, %while3A_105 : i32
      %while3A_107 = arith.constant 1 : i32
      %while3A_108 = arith.divsi %while3A_105, %while3A_107 : i32
      %while3A_109 = arith.muli %while3A_108, %while3A_107 : i32
      %while3A_110 = arith.addi %while3A_104, %while3A_109 : i32
      %while3A_111 = arith.constant 1 : i32
      scf.for %while3A_200 = %while3A_104 to %while3A_110 step %while3A_111  : i32 {
        %mul3A_201 = arith.constant 16 : i32
        %mul3A_202 = arith.muli %while3A_200, %mul3A_201 : i32
        %get3A = arith.index_cast %mul3A_202 : i32 to index
        %get3A_203 = tpu.vector_load %arg18[%get3A] {strides = array<i32>} : memref<2048xi32, #tpu.memory_space<vmem>>, vector<16xi32>,
        %mul3A_204 = arith.constant 16 : i32
        %mul3A_205 = arith.muli %while3A_200, %mul3A_204 : i32
        %add3A_206 = vector.broadcast %mul3A_205 : i32 to vector<16xi32>
        %add3A_207 = arith.addi %add3A_206, %iota3A : vector<16xi32>
        %lt3A_208 = vector.broadcast %scan3A_50#1 : i32 to vector<16xi32>
        %lt3A_209 = arith.cmpi slt, %add3A_207, %lt3A_208 : vector<16xi32>
        %shift_right_logical3A = arith.constant 6 : i32
        %shift_right_logical3A_210 = vector.broadcast %shift_right_logical3A : i32 to vector<16xi32>
        %shift_right_logical3A_211 = arith.shrui %get3A_203, %shift_right_logical3A_210 : vector<16xi32>
        %and3A_212 = arith.constant 2047 : i32
        %and3A_213 = vector.broadcast %and3A_212 : i32 to vector<16xi32>
        %and3A_214 = arith.andi %shift_right_logical3A_211, %and3A_213 : vector<16xi32>
        %eq3A_215 = vector.broadcast %while3A_95#2 : i32 to vector<16xi32>
        %eq3A_216 = arith.cmpi eq, %and3A_214, %eq3A_215 : vector<16xi32>
        %and3A_217 = arith.andi %lt3A_209, %eq3A_216 : vector<16xi1>
        %and3A_218 = arith.constant 63 : i32
        %and3A_219 = vector.broadcast %and3A_218 : i32 to vector<16xi32>
        %and3A_220 = arith.andi %get3A_203, %and3A_219 : vector<16xi32>
        tpu.vector_store_idx %arg7[%and3A_220], %add3A_11 masked %and3A_217 {add = true} : memref<2048xi32, #tpu.memory_space<vmem>>[vector<16xi32>], vector<16xi32>, vector<16xi1>
      }
      %while3A_112 = arith.constant 1 : i32
      scf.for %while3A_200 = %while3A_110 to %while3A_106 step %while3A_112  : i32 {
        %mul3A_201 = arith.constant 16 : i32
        %mul3A_202 = arith.muli %while3A_200, %mul3A_201 : i32
        %get3A = arith.index_cast %mul3A_202 : i32 to index
        %get3A_203 = tpu.vector_load %arg18[%get3A] {strides = array<i32>} : memref<2048xi32, #tpu.memory_space<vmem>>, vector<16xi32>,
        %mul3A_204 = arith.constant 16 : i32
        %mul3A_205 = arith.muli %while3A_200, %mul3A_204 : i32
        %add3A_206 = vector.broadcast %mul3A_205 : i32 to vector<16xi32>
        %add3A_207 = arith.addi %add3A_206, %iota3A : vector<16xi32>
        %lt3A_208 = vector.broadcast %scan3A_50#1 : i32 to vector<16xi32>
        %lt3A_209 = arith.cmpi slt, %add3A_207, %lt3A_208 : vector<16xi32>
        %shift_right_logical3A = arith.constant 6 : i32
        %shift_right_logical3A_210 = vector.broadcast %shift_right_logical3A : i32 to vector<16xi32>
        %shift_right_logical3A_211 = arith.shrui %get3A_203, %shift_right_logical3A_210 : vector<16xi32>
        %and3A_212 = arith.constant 2047 : i32
        %and3A_213 = vector.broadcast %and3A_212 : i32 to vector<16xi32>
        %and3A_214 = arith.andi %shift_right_logical3A_211, %and3A_213 : vector<16xi32>
        %eq3A_215 = vector.broadcast %while3A_95#2 : i32 to vector<16xi32>
        %eq3A_216 = arith.cmpi eq, %and3A_214, %eq3A_215 : vector<16xi32>
        %and3A_217 = arith.andi %lt3A_209, %eq3A_216 : vector<16xi1>
        %and3A_218 = arith.constant 63 : i32
        %and3A_219 = vector.broadcast %and3A_218 : i32 to vector<16xi32>
        %and3A_220 = arith.andi %get3A_203, %and3A_219 : vector<16xi32>
        tpu.vector_store_idx %arg7[%and3A_220], %add3A_11 masked %and3A_217 {add = true} : memref<2048xi32, #tpu.memory_space<vmem>>[vector<16xi32>], vector<16xi32>, vector<16xi1>
      }
      %while3A_113 = arith.constant 0 : i32
      %while3A_114 = arith.constant 0 : i32
      %while3A_115 = arith.constant -1 : i32
      %while3A_116 = arith.constant 0 : i32
      %while3A_117 = arith.constant -1 : i32
      %while3A_118 = arith.constant 0 : i32
      %while3A_119:6 = scf.while (%while3A_200 = %while3A_113, %while3A_201 = %while3A_114, %while3A_202 = %while3A_115, %while3A_203 = %while3A_116, %while3A_204 = %while3A_117, %while3A_205 = %while3A_118) : (i32, i32, i32, i32, i32, i32) -> (i32, i32, i32, i32, i32, i32) {
        %lt3A_206 = arith.constant 4 : i32
        %lt3A_207 = arith.cmpi slt, %while3A_200, %lt3A_206 : i32
        %lt3A_208 = arith.constant 0 : i32
        %lt3A_209 = arith.cmpi slt, %while3A_204, %lt3A_208 : i32
        %and3A_210 = arith.andi %lt3A_207, %lt3A_209 : i1
        scf.condition(%and3A_210) %while3A_200, %while3A_201, %while3A_202, %while3A_203, %while3A_204, %while3A_205 : i32, i32, i32, i32, i32, i32
      } do {
      ^bb0(%while3A_200: i32, %while3A_201: i32, %while3A_202: i32, %while3A_203: i32, %while3A_204: i32, %while3A_205: i32):
        %sub3A_206 = arith.constant 3 : i32
        %sub3A_207 = arith.subi %sub3A_206, %while3A_200 : i32
        %mul3A_208 = arith.constant 16 : i32
        %mul3A_209 = arith.muli %sub3A_207, %mul3A_208 : i32
        %get3A = arith.index_cast %mul3A_209 : i32 to index
        %get3A_210 = tpu.vector_load %arg7[%get3A] {strides = array<i32>} : memref<2048xi32, #tpu.memory_space<vmem>>, vector<16xi32>,
        %reduce_sum3A = arith.constant true
        %reduce_sum3A_211 = vector.broadcast %reduce_sum3A : i1 to vector<16xi1>
        %reduce_sum3A_212 = tpu.scan <sum>, %get3A_210 masked %reduce_sum3A_211 : vector<16xi32>, vector<16xi1> -> vector<16xi32>
        %reduce_sum3A_213 = vector.extract %reduce_sum3A_212[15] : i32 from vector<16xi32>
        %broadcast_in_dim3A = arith.constant true
        %broadcast_in_dim3A_214 = vector.broadcast %broadcast_in_dim3A : i1 to vector<16xi1>
        %masked_cumsum3A = tpu.scan <sum>, %get3A_210 masked %broadcast_in_dim3A_214 : vector<16xi32>, vector<16xi1> -> vector<16xi32>
        %add3A_215 = arith.addi %while3A_201, %reduce_sum3A_213 : i32
        %sub3A_216 = vector.broadcast %add3A_215 : i32 to vector<16xi32>
        %sub3A_217 = arith.subi %sub3A_216, %masked_cumsum3A : vector<16xi32>
        %add3A_218 = arith.addi %sub3A_217, %get3A_210 : vector<16xi32>
        %lt3A_219 = arith.cmpi slt, %while3A_201, %sub3A_96 : i32
        %add3A_220 = arith.addi %while3A_201, %reduce_sum3A_213 : i32
        %ge3A = arith.cmpi sge, %add3A_220, %sub3A_96 : i32
        %and3A_221 = arith.andi %lt3A_219, %ge3A : i1
        %ge3A_222 = vector.broadcast %sub3A_96 : i32 to vector<16xi32>
        %ge3A_223 = arith.cmpi sge, %add3A_218, %ge3A_222 : vector<16xi32>
        %jit3A_224 = arith.constant -1 : i32
        %broadcast_in_dim3A_225 = vector.broadcast %jit3A_224 : i32 to vector<16xi32>
        %select_n3A_226 = arith.select %ge3A_223, %iota3A, %broadcast_in_dim3A_225 : vector<16xi1>, vector<16xi32>
        %reduce_max3A = arith.constant true
        %reduce_max3A_227 = vector.broadcast %reduce_max3A : i1 to vector<16xi1>
        %reduce_max3A_228 = arith.constant -2147483648 : i32
        %reduce_max3A_229 = vector.broadcast %reduce_max3A_228 : i32 to vector<16xi32>
        %reduce_max3A_230 = arith.xori %select_n3A_226, %reduce_max3A_229 : vector<16xi32>
        %reduce_max3A_231 = tpu.scan <max>, %reduce_max3A_230 masked %reduce_max3A_227 : vector<16xi32>, vector<16xi1> -> vector<16xi32>
        %reduce_max3A_232 = arith.xori %reduce_max3A_231, %reduce_max3A_229 : vector<16xi32>
        %reduce_max3A_233 = vector.extract %reduce_max3A_232[15] : i32 from vector<16xi32>
        %mul3A_234 = arith.constant 16 : i32
        %mul3A_235 = arith.muli %sub3A_207, %mul3A_234 : i32
        %add3A_236 = arith.addi %mul3A_235, %reduce_max3A_233 : i32
        %select_n3A_237 = arith.select %and3A_221, %add3A_236, %while3A_202 : i32
        %eq3A_238 = vector.broadcast %reduce_max3A_233 : i32 to vector<16xi32>
        %eq3A_239 = arith.cmpi eq, %iota3A, %eq3A_238 : vector<16xi32>
        %jit3A_240 = arith.constant 0 : i32
        %broadcast_in_dim3A_241 = vector.broadcast %jit3A_240 : i32 to vector<16xi32>
        %select_n3A_242 = arith.select %eq3A_239, %add3A_218, %broadcast_in_dim3A_241 : vector<16xi1>, vector<16xi32>
        %reduce_sum3A_243 = arith.constant true
        %reduce_sum3A_244 = vector.broadcast %reduce_sum3A_243 : i1 to vector<16xi1>
        %reduce_sum3A_245 = tpu.scan <sum>, %select_n3A_242 masked %reduce_sum3A_244 : vector<16xi32>, vector<16xi1> -> vector<16xi32>
        %reduce_sum3A_246 = vector.extract %reduce_sum3A_245[15] : i32 from vector<16xi32>
        %eq3A_247 = vector.broadcast %reduce_max3A_233 : i32 to vector<16xi32>
        %eq3A_248 = arith.cmpi eq, %iota3A, %eq3A_247 : vector<16xi32>
        %jit3A_249 = arith.constant 0 : i32
        %broadcast_in_dim3A_250 = vector.broadcast %jit3A_249 : i32 to vector<16xi32>
        %select_n3A_251 = arith.select %eq3A_248, %get3A_210, %broadcast_in_dim3A_250 : vector<16xi1>, vector<16xi32>
        %reduce_sum3A_252 = arith.constant true
        %reduce_sum3A_253 = vector.broadcast %reduce_sum3A_252 : i1 to vector<16xi1>
        %reduce_sum3A_254 = tpu.scan <sum>, %select_n3A_251 masked %reduce_sum3A_253 : vector<16xi32>, vector<16xi1> -> vector<16xi32>
        %reduce_sum3A_255 = vector.extract %reduce_sum3A_254[15] : i32 from vector<16xi32>
        %sub3A_256 = arith.subi %reduce_sum3A_246, %reduce_sum3A_255 : i32
        %select_n3A_257 = arith.select %and3A_221, %sub3A_256, %while3A_203 : i32
        %lt3A_258 = arith.constant 999999 : i32
        %lt3A_259 = arith.cmpi slt, %while3A_201, %lt3A_258 : i32
        %add3A_260 = arith.addi %while3A_201, %reduce_sum3A_213 : i32
        %ge3A_261 = arith.constant 999999 : i32
        %ge3A_262 = arith.cmpi sge, %add3A_260, %ge3A_261 : i32
        %and3A_263 = arith.andi %lt3A_259, %ge3A_262 : i1
        %ge3A_264 = arith.constant 999999 : i32
        %ge3A_265 = vector.broadcast %ge3A_264 : i32 to vector<16xi32>
        %ge3A_266 = arith.cmpi sge, %add3A_218, %ge3A_265 : vector<16xi32>
        %jit3A_267 = arith.constant -1 : i32
        %broadcast_in_dim3A_268 = vector.broadcast %jit3A_267 : i32 to vector<16xi32>
        %select_n3A_269 = arith.select %ge3A_266, %iota3A, %broadcast_in_dim3A_268 : vector<16xi1>, vector<16xi32>
        %reduce_max3A_270 = arith.constant true
        %reduce_max3A_271 = vector.broadcast %reduce_max3A_270 : i1 to vector<16xi1>
        %reduce_max3A_272 = arith.constant -2147483648 : i32
        %reduce_max3A_273 = vector.broadcast %reduce_max3A_272 : i32 to vector<16xi32>
        %reduce_max3A_274 = arith.xori %select_n3A_269, %reduce_max3A_273 : vector<16xi32>
        %reduce_max3A_275 = tpu.scan <max>, %reduce_max3A_274 masked %reduce_max3A_271 : vector<16xi32>, vector<16xi1> -> vector<16xi32>
        %reduce_max3A_276 = arith.xori %reduce_max3A_275, %reduce_max3A_273 : vector<16xi32>
        %reduce_max3A_277 = vector.extract %reduce_max3A_276[15] : i32 from vector<16xi32>
        %mul3A_278 = arith.constant 16 : i32
        %mul3A_279 = arith.muli %sub3A_207, %mul3A_278 : i32
        %add3A_280 = arith.addi %mul3A_279, %reduce_max3A_277 : i32
        %select_n3A_281 = arith.select %and3A_263, %add3A_280, %while3A_204 : i32
        %eq3A_282 = vector.broadcast %reduce_max3A_277 : i32 to vector<16xi32>
        %eq3A_283 = arith.cmpi eq, %iota3A, %eq3A_282 : vector<16xi32>
        %jit3A_284 = arith.constant 0 : i32
        %broadcast_in_dim3A_285 = vector.broadcast %jit3A_284 : i32 to vector<16xi32>
        %select_n3A_286 = arith.select %eq3A_283, %add3A_218, %broadcast_in_dim3A_285 : vector<16xi1>, vector<16xi32>
        %reduce_sum3A_287 = arith.constant true
        %reduce_sum3A_288 = vector.broadcast %reduce_sum3A_287 : i1 to vector<16xi1>
        %reduce_sum3A_289 = tpu.scan <sum>, %select_n3A_286 masked %reduce_sum3A_288 : vector<16xi32>, vector<16xi1> -> vector<16xi32>
        %reduce_sum3A_290 = vector.extract %reduce_sum3A_289[15] : i32 from vector<16xi32>
        %eq3A_291 = vector.broadcast %reduce_max3A_277 : i32 to vector<16xi32>
        %eq3A_292 = arith.cmpi eq, %iota3A, %eq3A_291 : vector<16xi32>
        %jit3A_293 = arith.constant 0 : i32
        %broadcast_in_dim3A_294 = vector.broadcast %jit3A_293 : i32 to vector<16xi32>
        %select_n3A_295 = arith.select %eq3A_292, %get3A_210, %broadcast_in_dim3A_294 : vector<16xi1>, vector<16xi32>
        %reduce_sum3A_296 = arith.constant true
        %reduce_sum3A_297 = vector.broadcast %reduce_sum3A_296 : i1 to vector<16xi1>
        %reduce_sum3A_298 = tpu.scan <sum>, %select_n3A_295 masked %reduce_sum3A_297 : vector<16xi32>, vector<16xi1> -> vector<16xi32>
        %reduce_sum3A_299 = vector.extract %reduce_sum3A_298[15] : i32 from vector<16xi32>
        %sub3A_300 = arith.subi %reduce_sum3A_290, %reduce_sum3A_299 : i32
        %select_n3A_301 = arith.select %and3A_263, %sub3A_300, %while3A_205 : i32
        %add3A_302 = arith.constant 1 : i32
        %add3A_303 = arith.addi %while3A_200, %add3A_302 : i32
        %add3A_304 = arith.addi %while3A_201, %reduce_sum3A_213 : i32
        scf.yield %add3A_303, %add3A_304, %select_n3A_237, %select_n3A_257, %select_n3A_281, %select_n3A_301 : i32, i32, i32, i32, i32, i32
      }
      %mul3A_120 = arith.constant 131072 : i32
      %mul3A_121 = arith.muli %while3A_37#4, %mul3A_120 : i32
      %mul3A_122 = arith.constant 64 : i32
      %mul3A_123 = arith.muli %while3A_95#2, %mul3A_122 : i32
      %add3A_124 = arith.addi %mul3A_121, %mul3A_123 : i32
      %add3A_125 = arith.addi %add3A_124, %while3A_119#2 : i32
      %add3A_126 = arith.addi %while3A_37#5, %while3A_95#3 : i32
      %add3A_127 = arith.addi %add3A_126, %while3A_119#3 : i32
      %sub3A_128 = arith.constant 10000 : i32
      %sub3A_129 = arith.subi %sub3A_128, %add3A_127 : i32
      %while3A_130 = arith.constant 0 : i32
      %while3A_131 = arith.constant 0 : i32
      %while3A_132 = arith.subi %select_n3A, %while3A_130 : i32
      %while3A_133 = arith.addi %while3A_130, %while3A_132 : i32
      %while3A_134 = arith.constant 1 : i32
      %while3A_135 = arith.divsi %while3A_132, %while3A_134 : i32
      %while3A_136 = arith.muli %while3A_135, %while3A_134 : i32
      %while3A_137 = arith.addi %while3A_130, %while3A_136 : i32
      %while3A_138 = arith.constant 1 : i32
      %while3A_139 = scf.for %while3A_200 = %while3A_130 to %while3A_137 step %while3A_138 iter_args(%while3A_201 = %while3A_131) -> (i32)  : i32 {
        %mul3A_202 = arith.constant 16 : i32
        %mul3A_203 = arith.muli %while3A_200, %mul3A_202 : i32
        %get3A = arith.index_cast %mul3A_203 : i32 to index
        %get3A_204 = tpu.vector_load %arg18[%get3A] {strides = array<i32>} : memref<2048xi32, #tpu.memory_space<vmem>>, vector<16xi32>,
        %mul3A_205 = arith.constant 16 : i32
        %mul3A_206 = arith.muli %while3A_200, %mul3A_205 : i32
        %get3A_207 = arith.index_cast %mul3A_206 : i32 to index
        %get3A_208 = tpu.vector_load %arg19[%get3A_207] {strides = array<i32>} : memref<2048xi32, #tpu.memory_space<vmem>>, vector<16xi32>,
        %mul3A_209 = arith.constant 16 : i32
        %mul3A_210 = arith.muli %while3A_200, %mul3A_209 : i32
        %add3A_211 = vector.broadcast %mul3A_210 : i32 to vector<16xi32>
        %add3A_212 = arith.addi %add3A_211, %iota3A : vector<16xi32>
        %lt3A_213 = vector.broadcast %scan3A_50#1 : i32 to vector<16xi32>
        %lt3A_214 = arith.cmpi slt, %add3A_212, %lt3A_213 : vector<16xi32>
        %eq3A_215 = vector.broadcast %add3A_125 : i32 to vector<16xi32>
        %eq3A_216 = arith.cmpi eq, %get3A_204, %eq3A_215 : vector<16xi32>
        %and3A_217 = arith.andi %lt3A_214, %eq3A_216 : vector<16xi1>
        %jit3A_218 = arith.constant 1 : i32
        %jit3A_219 = arith.constant 0 : i32
        %broadcast_in_dim3A = vector.broadcast %jit3A_218 : i32 to vector<16xi32>
        %broadcast_in_dim3A_220 = vector.broadcast %jit3A_219 : i32 to vector<16xi32>
        %select_n3A_221 = arith.select %and3A_217, %broadcast_in_dim3A, %broadcast_in_dim3A_220 : vector<16xi1>, vector<16xi32>
        %broadcast_in_dim3A_222 = arith.constant true
        %broadcast_in_dim3A_223 = vector.broadcast %broadcast_in_dim3A_222 : i1 to vector<16xi1>
        %masked_cumsum3A = tpu.scan <sum>, %select_n3A_221 masked %broadcast_in_dim3A_223 : vector<16xi32>, vector<16xi1> -> vector<16xi32>
        %gt3A = vector.broadcast %add3A_125 : i32 to vector<16xi32>
        %gt3A_224 = arith.cmpi sgt, %get3A_204, %gt3A : vector<16xi32>
        %add3A_225 = vector.broadcast %while3A_201 : i32 to vector<16xi32>
        %add3A_226 = arith.addi %add3A_225, %masked_cumsum3A : vector<16xi32>
        %le3A = vector.broadcast %sub3A_129 : i32 to vector<16xi32>
        %le3A_227 = arith.cmpi sle, %add3A_226, %le3A : vector<16xi32>
        %and3A_228 = arith.andi %and3A_217, %le3A_227 : vector<16xi1>
        %or3A = arith.ori %gt3A_224, %and3A_228 : vector<16xi1>
        %and3A_229 = arith.andi %lt3A_214, %or3A : vector<16xi1>
        %jit3A_230 = arith.constant 91 : i32
        %div3A_231 = vector.broadcast %jit3A_230 : i32 to vector<16xi32>
        %div3A_232 = arith.divsi %get3A_208, %div3A_231 : vector<16xi32>
        %sign3A_233 = arith.constant 0 : i32
        %sign3A_234 = vector.broadcast %sign3A_233 : i32 to vector<16xi32>
        %sign3A_235 = arith.cmpi sgt, %get3A_208, %sign3A_234 : vector<16xi32>
        %sign3A_236 = arith.extui %sign3A_235 : vector<16xi1> to vector<16xi32>
        %sign3A_237 = arith.constant 0 : i32
        %sign3A_238 = vector.broadcast %sign3A_237 : i32 to vector<16xi32>
        %sign3A_239 = arith.cmpi slt, %get3A_208, %sign3A_238 : vector<16xi32>
        %sign3A_240 = arith.extui %sign3A_239 : vector<16xi1> to vector<16xi32>
        %sign3A_241 = arith.subi %sign3A_236, %sign3A_240 : vector<16xi32>
        %sign3A_242 = arith.constant 0 : i32
        %sign3A_243 = arith.cmpi sgt, %jit3A_230, %sign3A_242 : i32
        %sign3A_244 = arith.extui %sign3A_243 : i1 to i32
        %sign3A_245 = arith.constant 0 : i32
        %sign3A_246 = arith.cmpi slt, %jit3A_230, %sign3A_245 : i32
        %sign3A_247 = arith.extui %sign3A_246 : i1 to i32
        %sign3A_248 = arith.subi %sign3A_244, %sign3A_247 : i32
        %ne3A_249 = vector.broadcast %sign3A_248 : i32 to vector<16xi32>
        %ne3A_250 = arith.cmpi ne, %sign3A_241, %ne3A_249 : vector<16xi32>
        %rem3A_251 = vector.broadcast %jit3A_230 : i32 to vector<16xi32>
        %rem3A_252 = arith.remsi %get3A_208, %rem3A_251 : vector<16xi32>
        %ne3A_253 = arith.constant 0 : i32
        %ne3A_254 = vector.broadcast %ne3A_253 : i32 to vector<16xi32>
        %ne3A_255 = arith.cmpi ne, %rem3A_252, %ne3A_254 : vector<16xi32>
        %and3A_256 = arith.andi %ne3A_250, %ne3A_255 : vector<16xi1>
        %sub3A_257 = arith.constant 1 : i32
        %sub3A_258 = vector.broadcast %sub3A_257 : i32 to vector<16xi32>
        %sub3A_259 = arith.subi %div3A_232, %sub3A_258 : vector<16xi32>
        %select_n3A_260 = arith.select %and3A_256, %sub3A_259, %div3A_232 : vector<16xi1>, vector<16xi32>
        tpu.vector_store_idx %arg13[%select_n3A_260], %add3A_11 masked %and3A_229 {add = true} : memref<1024xi32, #tpu.memory_space<vmem>>[vector<16xi32>], vector<16xi32>, vector<16xi1>
        %eq3A_261 = arith.constant 15 : i32
        %eq3A_262 = vector.broadcast %eq3A_261 : i32 to vector<16xi32>
        %eq3A_263 = arith.cmpi eq, %iota3A, %eq3A_262 : vector<16xi32>
        %jit3A_264 = arith.constant 0 : i32
        %broadcast_in_dim3A_265 = vector.broadcast %jit3A_264 : i32 to vector<16xi32>
        %select_n3A_266 = arith.select %eq3A_263, %masked_cumsum3A, %broadcast_in_dim3A_265 : vector<16xi1>, vector<16xi32>
        %reduce_sum3A = arith.constant true
        %reduce_sum3A_267 = vector.broadcast %reduce_sum3A : i1 to vector<16xi1>
        %reduce_sum3A_268 = tpu.scan <sum>, %select_n3A_266 masked %reduce_sum3A_267 : vector<16xi32>, vector<16xi1> -> vector<16xi32>
        %reduce_sum3A_269 = vector.extract %reduce_sum3A_268[15] : i32 from vector<16xi32>
        %add3A_270 = arith.addi %while3A_201, %reduce_sum3A_269 : i32
        scf.yield %add3A_270 : i32
      }
      %while3A_140 = arith.constant 1 : i32
      %while3A_141 = scf.for %while3A_200 = %while3A_137 to %while3A_133 step %while3A_140 iter_args(%while3A_201 = %while3A_139) -> (i32)  : i32 {
        %mul3A_202 = arith.constant 16 : i32
        %mul3A_203 = arith.muli %while3A_200, %mul3A_202 : i32
        %get3A = arith.index_cast %mul3A_203 : i32 to index
        %get3A_204 = tpu.vector_load %arg18[%get3A] {strides = array<i32>} : memref<2048xi32, #tpu.memory_space<vmem>>, vector<16xi32>,
        %mul3A_205 = arith.constant 16 : i32
        %mul3A_206 = arith.muli %while3A_200, %mul3A_205 : i32
        %get3A_207 = arith.index_cast %mul3A_206 : i32 to index
        %get3A_208 = tpu.vector_load %arg19[%get3A_207] {strides = array<i32>} : memref<2048xi32, #tpu.memory_space<vmem>>, vector<16xi32>,
        %mul3A_209 = arith.constant 16 : i32
        %mul3A_210 = arith.muli %while3A_200, %mul3A_209 : i32
        %add3A_211 = vector.broadcast %mul3A_210 : i32 to vector<16xi32>
        %add3A_212 = arith.addi %add3A_211, %iota3A : vector<16xi32>
        %lt3A_213 = vector.broadcast %scan3A_50#1 : i32 to vector<16xi32>
        %lt3A_214 = arith.cmpi slt, %add3A_212, %lt3A_213 : vector<16xi32>
        %eq3A_215 = vector.broadcast %add3A_125 : i32 to vector<16xi32>
        %eq3A_216 = arith.cmpi eq, %get3A_204, %eq3A_215 : vector<16xi32>
        %and3A_217 = arith.andi %lt3A_214, %eq3A_216 : vector<16xi1>
        %jit3A_218 = arith.constant 1 : i32
        %jit3A_219 = arith.constant 0 : i32
        %broadcast_in_dim3A = vector.broadcast %jit3A_218 : i32 to vector<16xi32>
        %broadcast_in_dim3A_220 = vector.broadcast %jit3A_219 : i32 to vector<16xi32>
        %select_n3A_221 = arith.select %and3A_217, %broadcast_in_dim3A, %broadcast_in_dim3A_220 : vector<16xi1>, vector<16xi32>
        %broadcast_in_dim3A_222 = arith.constant true
        %broadcast_in_dim3A_223 = vector.broadcast %broadcast_in_dim3A_222 : i1 to vector<16xi1>
        %masked_cumsum3A = tpu.scan <sum>, %select_n3A_221 masked %broadcast_in_dim3A_223 : vector<16xi32>, vector<16xi1> -> vector<16xi32>
        %gt3A = vector.broadcast %add3A_125 : i32 to vector<16xi32>
        %gt3A_224 = arith.cmpi sgt, %get3A_204, %gt3A : vector<16xi32>
        %add3A_225 = vector.broadcast %while3A_201 : i32 to vector<16xi32>
        %add3A_226 = arith.addi %add3A_225, %masked_cumsum3A : vector<16xi32>
        %le3A = vector.broadcast %sub3A_129 : i32 to vector<16xi32>
        %le3A_227 = arith.cmpi sle, %add3A_226, %le3A : vector<16xi32>
        %and3A_228 = arith.andi %and3A_217, %le3A_227 : vector<16xi1>
        %or3A = arith.ori %gt3A_224, %and3A_228 : vector<16xi1>
        %and3A_229 = arith.andi %lt3A_214, %or3A : vector<16xi1>
        %jit3A_230 = arith.constant 91 : i32
        %div3A_231 = vector.broadcast %jit3A_230 : i32 to vector<16xi32>
        %div3A_232 = arith.divsi %get3A_208, %div3A_231 : vector<16xi32>
        %sign3A_233 = arith.constant 0 : i32
        %sign3A_234 = vector.broadcast %sign3A_233 : i32 to vector<16xi32>
        %sign3A_235 = arith.cmpi sgt, %get3A_208, %sign3A_234 : vector<16xi32>
        %sign3A_236 = arith.extui %sign3A_235 : vector<16xi1> to vector<16xi32>
        %sign3A_237 = arith.constant 0 : i32
        %sign3A_238 = vector.broadcast %sign3A_237 : i32 to vector<16xi32>
        %sign3A_239 = arith.cmpi slt, %get3A_208, %sign3A_238 : vector<16xi32>
        %sign3A_240 = arith.extui %sign3A_239 : vector<16xi1> to vector<16xi32>
        %sign3A_241 = arith.subi %sign3A_236, %sign3A_240 : vector<16xi32>
        %sign3A_242 = arith.constant 0 : i32
        %sign3A_243 = arith.cmpi sgt, %jit3A_230, %sign3A_242 : i32
        %sign3A_244 = arith.extui %sign3A_243 : i1 to i32
        %sign3A_245 = arith.constant 0 : i32
        %sign3A_246 = arith.cmpi slt, %jit3A_230, %sign3A_245 : i32
        %sign3A_247 = arith.extui %sign3A_246 : i1 to i32
        %sign3A_248 = arith.subi %sign3A_244, %sign3A_247 : i32
        %ne3A_249 = vector.broadcast %sign3A_248 : i32 to vector<16xi32>
        %ne3A_250 = arith.cmpi ne, %sign3A_241, %ne3A_249 : vector<16xi32>
        %rem3A_251 = vector.broadcast %jit3A_230 : i32 to vector<16xi32>
        %rem3A_252 = arith.remsi %get3A_208, %rem3A_251 : vector<16xi32>
        %ne3A_253 = arith.constant 0 : i32
        %ne3A_254 = vector.broadcast %ne3A_253 : i32 to vector<16xi32>
        %ne3A_255 = arith.cmpi ne, %rem3A_252, %ne3A_254 : vector<16xi32>
        %and3A_256 = arith.andi %ne3A_250, %ne3A_255 : vector<16xi1>
        %sub3A_257 = arith.constant 1 : i32
        %sub3A_258 = vector.broadcast %sub3A_257 : i32 to vector<16xi32>
        %sub3A_259 = arith.subi %div3A_232, %sub3A_258 : vector<16xi32>
        %select_n3A_260 = arith.select %and3A_256, %sub3A_259, %div3A_232 : vector<16xi1>, vector<16xi32>
        tpu.vector_store_idx %arg13[%select_n3A_260], %add3A_11 masked %and3A_229 {add = true} : memref<1024xi32, #tpu.memory_space<vmem>>[vector<16xi32>], vector<16xi32>, vector<16xi1>
        %eq3A_261 = arith.constant 15 : i32
        %eq3A_262 = vector.broadcast %eq3A_261 : i32 to vector<16xi32>
        %eq3A_263 = arith.cmpi eq, %iota3A, %eq3A_262 : vector<16xi32>
        %jit3A_264 = arith.constant 0 : i32
        %broadcast_in_dim3A_265 = vector.broadcast %jit3A_264 : i32 to vector<16xi32>
        %select_n3A_266 = arith.select %eq3A_263, %masked_cumsum3A, %broadcast_in_dim3A_265 : vector<16xi1>, vector<16xi32>
        %reduce_sum3A = arith.constant true
        %reduce_sum3A_267 = vector.broadcast %reduce_sum3A : i1 to vector<16xi1>
        %reduce_sum3A_268 = tpu.scan <sum>, %select_n3A_266 masked %reduce_sum3A_267 : vector<16xi32>, vector<16xi1> -> vector<16xi32>
        %reduce_sum3A_269 = vector.extract %reduce_sum3A_268[15] : i32 from vector<16xi32>
        %add3A_270 = arith.addi %while3A_201, %reduce_sum3A_269 : i32
        scf.yield %add3A_270 : i32
      }
      %scan3A_142 = arith.constant -3.000000e+38 : f32
      %scan3A_143 = arith.constant 0 : i32
      %scan3A_144 = arith.constant 64 : i32
      %scan3A_145 = arith.addi %scan3A_143, %scan3A_144 : i32
      %scan3A_146 = arith.constant 1 : i32
      %scan3A_147 = scf.for %scan3A_200 = %scan3A_143 to %scan3A_145 step %scan3A_146 iter_args(%scan3A_201 = %scan3A_142) -> (f32)  : i32 {
        %mul3A_202 = arith.constant 16 : i32
        %mul3A_203 = arith.muli %scan3A_200, %mul3A_202 : i32
        %get3A = arith.index_cast %mul3A_203 : i32 to index
        %get3A_204 = tpu.vector_load %arg13[%get3A] {strides = array<i32>} : memref<1024xi32, #tpu.memory_space<vmem>>, vector<16xi32>,
        %gt3A = arith.constant 0 : i32
        %gt3A_205 = vector.broadcast %gt3A : i32 to vector<16xi32>
        %gt3A_206 = arith.cmpi sgt, %get3A_204, %gt3A_205 : vector<16xi32>
        %get3A_207 = arith.index_cast %mul3A_203 : i32 to index
        %get3A_208 = tpu.vector_load %arg12[%get3A_207] {strides = array<i32>} : memref<1024xf32, #tpu.memory_space<vmem>>, vector<16xf32>,
        %jit3A_209 = arith.constant -3.000000e+38 : f32
        %broadcast_in_dim3A = vector.broadcast %jit3A_209 : f32 to vector<16xf32>
        %select_n3A_210 = arith.select %gt3A_206, %get3A_208, %broadcast_in_dim3A : vector<16xi1>, vector<16xf32>
        %reduce_max3A = arith.constant true
        %reduce_max3A_211 = vector.broadcast %reduce_max3A : i1 to vector<16xi1>
        %reduce_max3A_212 = tpu.scan <max>, %select_n3A_210 masked %reduce_max3A_211 : vector<16xf32>, vector<16xi1> -> vector<16xf32>
        %reduce_max3A_213 = vector.extract %reduce_max3A_212[15] : f32 from vector<16xf32>
        %max3A_214 = arith.maximumf %scan3A_201, %reduce_max3A_213 : f32
        scf.yield %max3A_214 : f32
      }
      %scan3A_148 = arith.constant 64 : i32
      %add3A_149 = arith.constant 1.000000e+00 : f32
      %add3A_150 = arith.addf %scan3A_147, %add3A_149 : f32
      %while3A_151 = arith.constant 0 : i32
      %while3A_152 = arith.constant 0 : i32
      %while3A_153 = arith.subi %scan3A_50#0, %while3A_152 : i32
      %while3A_154 = arith.addi %while3A_152, %while3A_153 : i32
      %while3A_155 = arith.constant 1 : i32
      %while3A_156 = arith.divsi %while3A_153, %while3A_155 : i32
      %while3A_157 = arith.muli %while3A_156, %while3A_155 : i32
      %while3A_158 = arith.addi %while3A_152, %while3A_157 : i32
      %while3A_159 = arith.constant 1 : i32
      scf.for %while3A_200 = %while3A_152 to %while3A_158 step %while3A_159  : i32 {
        %jit3A_201 = arith.constant 16 : i32
        %div3A_202 = arith.divsi %while3A_200, %jit3A_201 : i32
        %sign3A_203 = arith.constant 0 : i32
        %sign3A_204 = arith.cmpi sgt, %while3A_200, %sign3A_203 : i32
        %sign3A_205 = arith.extui %sign3A_204 : i1 to i32
        %sign3A_206 = arith.constant 0 : i32
        %sign3A_207 = arith.cmpi slt, %while3A_200, %sign3A_206 : i32
        %sign3A_208 = arith.extui %sign3A_207 : i1 to i32
        %sign3A_209 = arith.subi %sign3A_205, %sign3A_208 : i32
        %sign3A_210 = arith.constant 0 : i32
        %sign3A_211 = arith.cmpi sgt, %jit3A_201, %sign3A_210 : i32
        %sign3A_212 = arith.extui %sign3A_211 : i1 to i32
        %sign3A_213 = arith.constant 0 : i32
        %sign3A_214 = arith.cmpi slt, %jit3A_201, %sign3A_213 : i32
        %sign3A_215 = arith.extui %sign3A_214 : i1 to i32
        %sign3A_216 = arith.subi %sign3A_212, %sign3A_215 : i32
        %ne3A_217 = arith.cmpi ne, %sign3A_209, %sign3A_216 : i32
        %rem3A_218 = arith.remsi %while3A_200, %jit3A_201 : i32
        %ne3A_219 = arith.constant 0 : i32
        %ne3A_220 = arith.cmpi ne, %rem3A_218, %ne3A_219 : i32
        %and3A_221 = arith.andi %ne3A_217, %ne3A_220 : i1
        %sub3A_222 = arith.constant 1 : i32
        %sub3A_223 = arith.subi %div3A_202, %sub3A_222 : i32
        %select_n3A_224 = arith.select %and3A_221, %sub3A_223, %div3A_202 : i32
        %mul3A_225 = arith.constant 16 : i32
        %mul3A_226 = arith.muli %select_n3A_224, %mul3A_225 : i32
        %get3A = arith.index_cast %mul3A_226 : i32 to index
        %get3A_227 = tpu.vector_load %arg14[%get3A] {strides = array<i32>} : memref<2048xi32, #tpu.memory_space<vmem>>, vector<16xi32>,
        %sub3A_228 = arith.subi %while3A_200, %mul3A_226 : i32
        %eq3A_229 = vector.broadcast %sub3A_228 : i32 to vector<16xi32>
        %eq3A_230 = arith.cmpi eq, %iota3A, %eq3A_229 : vector<16xi32>
        %jit3A_231 = arith.constant 0 : i32
        %broadcast_in_dim3A = vector.broadcast %jit3A_231 : i32 to vector<16xi32>
        %select_n3A_232 = arith.select %eq3A_230, %get3A_227, %broadcast_in_dim3A : vector<16xi1>, vector<16xi32>
        %reduce_sum3A = arith.constant true
        %reduce_sum3A_233 = vector.broadcast %reduce_sum3A : i1 to vector<16xi1>
        %reduce_sum3A_234 = tpu.scan <sum>, %select_n3A_232 masked %reduce_sum3A_233 : vector<16xi32>, vector<16xi1> -> vector<16xi32>
        %reduce_sum3A_235 = vector.extract %reduce_sum3A_234[15] : i32 from vector<16xi32>
        %add3A_236 = arith.constant 16 : i32
        %add3A_237 = arith.addi %scan3A_50#0, %add3A_236 : i32
        %sub3A_238 = arith.constant 1 : i32
        %sub3A_239 = arith.subi %add3A_237, %sub3A_238 : i32
        %jit3A_240 = arith.constant 16 : i32
        %div3A_241 = arith.divsi %sub3A_239, %jit3A_240 : i32
        %sign3A_242 = arith.constant 0 : i32
        %sign3A_243 = arith.cmpi sgt, %sub3A_239, %sign3A_242 : i32
        %sign3A_244 = arith.extui %sign3A_243 : i1 to i32
        %sign3A_245 = arith.constant 0 : i32
        %sign3A_246 = arith.cmpi slt, %sub3A_239, %sign3A_245 : i32
        %sign3A_247 = arith.extui %sign3A_246 : i1 to i32
        %sign3A_248 = arith.subi %sign3A_244, %sign3A_247 : i32
        %sign3A_249 = arith.constant 0 : i32
        %sign3A_250 = arith.cmpi sgt, %jit3A_240, %sign3A_249 : i32
        %sign3A_251 = arith.extui %sign3A_250 : i1 to i32
        %sign3A_252 = arith.constant 0 : i32
        %sign3A_253 = arith.cmpi slt, %jit3A_240, %sign3A_252 : i32
        %sign3A_254 = arith.extui %sign3A_253 : i1 to i32
        %sign3A_255 = arith.subi %sign3A_251, %sign3A_254 : i32
        %ne3A_256 = arith.cmpi ne, %sign3A_248, %sign3A_255 : i32
        %rem3A_257 = arith.remsi %sub3A_239, %jit3A_240 : i32
        %ne3A_258 = arith.constant 0 : i32
        %ne3A_259 = arith.cmpi ne, %rem3A_257, %ne3A_258 : i32
        %and3A_260 = arith.andi %ne3A_256, %ne3A_259 : i1
        %sub3A_261 = arith.constant 1 : i32
        %sub3A_262 = arith.subi %div3A_241, %sub3A_261 : i32
        %select_n3A_263 = arith.select %and3A_260, %sub3A_262, %div3A_241 : i32
        %while3A_264 = arith.constant 0 : i32
        %while3A_265 = arith.subi %select_n3A_263, %while3A_264 : i32
        %while3A_266 = arith.addi %while3A_264, %while3A_265 : i32
        %while3A_267 = arith.constant 1 : i32
        %while3A_268 = arith.divsi %while3A_265, %while3A_267 : i32
        %while3A_269 = arith.muli %while3A_268, %while3A_267 : i32
        %while3A_270 = arith.addi %while3A_264, %while3A_269 : i32
        %while3A_271 = arith.constant 1 : i32
        %while3A_272 = scf.for %while3A_303 = %while3A_264 to %while3A_270 step %while3A_271 iter_args(%while3A_304 = %mul3A_8) -> (vector<16xi32>)  : i32 {
          %mul3A_305 = arith.constant 16 : i32
          %mul3A_306 = arith.muli %while3A_303, %mul3A_305 : i32
          %get3A_307 = arith.index_cast %mul3A_306 : i32 to index
          %get3A_308 = tpu.vector_load %arg14[%get3A_307] {strides = array<i32>} : memref<2048xi32, #tpu.memory_space<vmem>>, vector<16xi32>,
          %mul3A_309 = arith.constant 16 : i32
          %mul3A_310 = arith.muli %while3A_303, %mul3A_309 : i32
          %add3A_311 = vector.broadcast %mul3A_310 : i32 to vector<16xi32>
          %add3A_312 = arith.addi %add3A_311, %iota3A : vector<16xi32>
          %gt3A = vector.broadcast %reduce_sum3A_235 : i32 to vector<16xi32>
          %gt3A_313 = arith.cmpi sgt, %get3A_308, %gt3A : vector<16xi32>
          %eq3A_314 = vector.broadcast %reduce_sum3A_235 : i32 to vector<16xi32>
          %eq3A_315 = arith.cmpi eq, %get3A_308, %eq3A_314 : vector<16xi32>
          %lt3A_316 = vector.broadcast %while3A_200 : i32 to vector<16xi32>
          %lt3A_317 = arith.cmpi slt, %add3A_312, %lt3A_316 : vector<16xi32>
          %and3A_318 = arith.andi %eq3A_315, %lt3A_317 : vector<16xi1>
          %or3A = arith.ori %gt3A_313, %and3A_318 : vector<16xi1>
          %lt3A_319 = vector.broadcast %scan3A_50#0 : i32 to vector<16xi32>
          %lt3A_320 = arith.cmpi slt, %add3A_312, %lt3A_319 : vector<16xi32>
          %and3A_321 = arith.andi %or3A, %lt3A_320 : vector<16xi1>
          %jit3A_322 = arith.constant 1 : i32
          %jit3A_323 = arith.constant 0 : i32
          %broadcast_in_dim3A_324 = vector.broadcast %jit3A_322 : i32 to vector<16xi32>
          %broadcast_in_dim3A_325 = vector.broadcast %jit3A_323 : i32 to vector<16xi32>
          %select_n3A_326 = arith.select %and3A_321, %broadcast_in_dim3A_324, %broadcast_in_dim3A_325 : vector<16xi1>, vector<16xi32>
          %add3A_327 = arith.addi %while3A_304, %select_n3A_326 : vector<16xi32>
          scf.yield %add3A_327 : vector<16xi32>
        }
        %while3A_273 = arith.constant 1 : i32
        %while3A_274 = scf.for %while3A_303 = %while3A_270 to %while3A_266 step %while3A_273 iter_args(%while3A_304 = %while3A_272) -> (vector<16xi32>)  : i32 {
          %mul3A_305 = arith.constant 16 : i32
          %mul3A_306 = arith.muli %while3A_303, %mul3A_305 : i32
          %get3A_307 = arith.index_cast %mul3A_306 : i32 to index
          %get3A_308 = tpu.vector_load %arg14[%get3A_307] {strides = array<i32>} : memref<2048xi32, #tpu.memory_space<vmem>>, vector<16xi32>,
          %mul3A_309 = arith.constant 16 : i32
          %mul3A_310 = arith.muli %while3A_303, %mul3A_309 : i32
          %add3A_311 = vector.broadcast %mul3A_310 : i32 to vector<16xi32>
          %add3A_312 = arith.addi %add3A_311, %iota3A : vector<16xi32>
          %gt3A = vector.broadcast %reduce_sum3A_235 : i32 to vector<16xi32>
          %gt3A_313 = arith.cmpi sgt, %get3A_308, %gt3A : vector<16xi32>
          %eq3A_314 = vector.broadcast %reduce_sum3A_235 : i32 to vector<16xi32>
          %eq3A_315 = arith.cmpi eq, %get3A_308, %eq3A_314 : vector<16xi32>
          %lt3A_316 = vector.broadcast %while3A_200 : i32 to vector<16xi32>
          %lt3A_317 = arith.cmpi slt, %add3A_312, %lt3A_316 : vector<16xi32>
          %and3A_318 = arith.andi %eq3A_315, %lt3A_317 : vector<16xi1>
          %or3A = arith.ori %gt3A_313, %and3A_318 : vector<16xi1>
          %lt3A_319 = vector.broadcast %scan3A_50#0 : i32 to vector<16xi32>
          %lt3A_320 = arith.cmpi slt, %add3A_312, %lt3A_319 : vector<16xi32>
          %and3A_321 = arith.andi %or3A, %lt3A_320 : vector<16xi1>
          %jit3A_322 = arith.constant 1 : i32
          %jit3A_323 = arith.constant 0 : i32
          %broadcast_in_dim3A_324 = vector.broadcast %jit3A_322 : i32 to vector<16xi32>
          %broadcast_in_dim3A_325 = vector.broadcast %jit3A_323 : i32 to vector<16xi32>
          %select_n3A_326 = arith.select %and3A_321, %broadcast_in_dim3A_324, %broadcast_in_dim3A_325 : vector<16xi1>, vector<16xi32>
          %add3A_327 = arith.addi %while3A_304, %select_n3A_326 : vector<16xi32>
          scf.yield %add3A_327 : vector<16xi32>
        }
        %reduce_sum3A_275 = arith.constant true
        %reduce_sum3A_276 = vector.broadcast %reduce_sum3A_275 : i1 to vector<16xi1>
        %reduce_sum3A_277 = tpu.scan <sum>, %while3A_274 masked %reduce_sum3A_276 : vector<16xi32>, vector<16xi1> -> vector<16xi32>
        %reduce_sum3A_278 = vector.extract %reduce_sum3A_277[15] : i32 from vector<16xi32>
        %broadcast_in_dim3A_279 = vector.broadcast %reduce_sum3A_278 : i32 to vector<16xi32>
        %broadcast_in_dim3A_280 = vector.broadcast %reduce_sum3A_278 : i32 to vector<16xi32>
        %select_n3A_281 = arith.select %eq3A_5, %broadcast_in_dim3A_279, %broadcast_in_dim3A_280 : vector<16xi1>, vector<16xi32>
        %broadcast_in_dim3A_282 = vector.broadcast %reduce_sum3A_235 : i32 to vector<16xi32>
        %broadcast_in_dim3A_283 = vector.broadcast %reduce_sum3A_235 : i32 to vector<16xi32>
        %select_n3A_284 = arith.select %eq3A_5, %broadcast_in_dim3A_282, %broadcast_in_dim3A_283 : vector<16xi1>, vector<16xi32>
        tpu.vector_store_idx %arg16[%select_n3A_281], %select_n3A_284 masked %eq3A_4 : memref<2048xi32, #tpu.memory_space<vmem>>[vector<16xi32>], vector<16xi32>, vector<16xi1>
        %broadcast_in_dim3A_285 = vector.broadcast %reduce_sum3A_278 : i32 to vector<16xi32>
        %broadcast_in_dim3A_286 = vector.broadcast %reduce_sum3A_278 : i32 to vector<16xi32>
        %select_n3A_287 = arith.select %eq3A_5, %broadcast_in_dim3A_285, %broadcast_in_dim3A_286 : vector<16xi1>, vector<16xi32>
        %get3A_288 = arith.index_cast %mul3A_226 : i32 to index
        %get3A_289 = tpu.vector_load %arg15[%get3A_288] {strides = array<i32>} : memref<2048xi32, #tpu.memory_space<vmem>>, vector<16xi32>,
        %sub3A_290 = arith.subi %while3A_200, %mul3A_226 : i32
        %eq3A_291 = vector.broadcast %sub3A_290 : i32 to vector<16xi32>
        %eq3A_292 = arith.cmpi eq, %iota3A, %eq3A_291 : vector<16xi32>
        %jit3A_293 = arith.constant 0 : i32
        %broadcast_in_dim3A_294 = vector.broadcast %jit3A_293 : i32 to vector<16xi32>
        %select_n3A_295 = arith.select %eq3A_292, %get3A_289, %broadcast_in_dim3A_294 : vector<16xi1>, vector<16xi32>
        %reduce_sum3A_296 = arith.constant true
        %reduce_sum3A_297 = vector.broadcast %reduce_sum3A_296 : i1 to vector<16xi1>
        %reduce_sum3A_298 = tpu.scan <sum>, %select_n3A_295 masked %reduce_sum3A_297 : vector<16xi32>, vector<16xi1> -> vector<16xi32>
        %reduce_sum3A_299 = vector.extract %reduce_sum3A_298[15] : i32 from vector<16xi32>
        %broadcast_in_dim3A_300 = vector.broadcast %reduce_sum3A_299 : i32 to vector<16xi32>
        %broadcast_in_dim3A_301 = vector.broadcast %reduce_sum3A_299 : i32 to vector<16xi32>
        %select_n3A_302 = arith.select %eq3A_5, %broadcast_in_dim3A_300, %broadcast_in_dim3A_301 : vector<16xi1>, vector<16xi32>
        tpu.vector_store_idx %arg17[%select_n3A_287], %select_n3A_302 masked %eq3A_4 : memref<2048xi32, #tpu.memory_space<vmem>>[vector<16xi32>], vector<16xi32>, vector<16xi1>
      }
      %while3A_160 = arith.constant 1 : i32
      scf.for %while3A_200 = %while3A_158 to %while3A_154 step %while3A_160  : i32 {
        %jit3A_201 = arith.constant 16 : i32
        %div3A_202 = arith.divsi %while3A_200, %jit3A_201 : i32
        %sign3A_203 = arith.constant 0 : i32
        %sign3A_204 = arith.cmpi sgt, %while3A_200, %sign3A_203 : i32
        %sign3A_205 = arith.extui %sign3A_204 : i1 to i32
        %sign3A_206 = arith.constant 0 : i32
        %sign3A_207 = arith.cmpi slt, %while3A_200, %sign3A_206 : i32
        %sign3A_208 = arith.extui %sign3A_207 : i1 to i32
        %sign3A_209 = arith.subi %sign3A_205, %sign3A_208 : i32
        %sign3A_210 = arith.constant 0 : i32
        %sign3A_211 = arith.cmpi sgt, %jit3A_201, %sign3A_210 : i32
        %sign3A_212 = arith.extui %sign3A_211 : i1 to i32
        %sign3A_213 = arith.constant 0 : i32
        %sign3A_214 = arith.cmpi slt, %jit3A_201, %sign3A_213 : i32
        %sign3A_215 = arith.extui %sign3A_214 : i1 to i32
        %sign3A_216 = arith.subi %sign3A_212, %sign3A_215 : i32
        %ne3A_217 = arith.cmpi ne, %sign3A_209, %sign3A_216 : i32
        %rem3A_218 = arith.remsi %while3A_200, %jit3A_201 : i32
        %ne3A_219 = arith.constant 0 : i32
        %ne3A_220 = arith.cmpi ne, %rem3A_218, %ne3A_219 : i32
        %and3A_221 = arith.andi %ne3A_217, %ne3A_220 : i1
        %sub3A_222 = arith.constant 1 : i32
        %sub3A_223 = arith.subi %div3A_202, %sub3A_222 : i32
        %select_n3A_224 = arith.select %and3A_221, %sub3A_223, %div3A_202 : i32
        %mul3A_225 = arith.constant 16 : i32
        %mul3A_226 = arith.muli %select_n3A_224, %mul3A_225 : i32
        %get3A = arith.index_cast %mul3A_226 : i32 to index
        %get3A_227 = tpu.vector_load %arg14[%get3A] {strides = array<i32>} : memref<2048xi32, #tpu.memory_space<vmem>>, vector<16xi32>,
        %sub3A_228 = arith.subi %while3A_200, %mul3A_226 : i32
        %eq3A_229 = vector.broadcast %sub3A_228 : i32 to vector<16xi32>
        %eq3A_230 = arith.cmpi eq, %iota3A, %eq3A_229 : vector<16xi32>
        %jit3A_231 = arith.constant 0 : i32
        %broadcast_in_dim3A = vector.broadcast %jit3A_231 : i32 to vector<16xi32>
        %select_n3A_232 = arith.select %eq3A_230, %get3A_227, %broadcast_in_dim3A : vector<16xi1>, vector<16xi32>
        %reduce_sum3A = arith.constant true
        %reduce_sum3A_233 = vector.broadcast %reduce_sum3A : i1 to vector<16xi1>
        %reduce_sum3A_234 = tpu.scan <sum>, %select_n3A_232 masked %reduce_sum3A_233 : vector<16xi32>, vector<16xi1> -> vector<16xi32>
        %reduce_sum3A_235 = vector.extract %reduce_sum3A_234[15] : i32 from vector<16xi32>
        %add3A_236 = arith.constant 16 : i32
        %add3A_237 = arith.addi %scan3A_50#0, %add3A_236 : i32
        %sub3A_238 = arith.constant 1 : i32
        %sub3A_239 = arith.subi %add3A_237, %sub3A_238 : i32
        %jit3A_240 = arith.constant 16 : i32
        %div3A_241 = arith.divsi %sub3A_239, %jit3A_240 : i32
        %sign3A_242 = arith.constant 0 : i32
        %sign3A_243 = arith.cmpi sgt, %sub3A_239, %sign3A_242 : i32
        %sign3A_244 = arith.extui %sign3A_243 : i1 to i32
        %sign3A_245 = arith.constant 0 : i32
        %sign3A_246 = arith.cmpi slt, %sub3A_239, %sign3A_245 : i32
        %sign3A_247 = arith.extui %sign3A_246 : i1 to i32
        %sign3A_248 = arith.subi %sign3A_244, %sign3A_247 : i32
        %sign3A_249 = arith.constant 0 : i32
        %sign3A_250 = arith.cmpi sgt, %jit3A_240, %sign3A_249 : i32
        %sign3A_251 = arith.extui %sign3A_250 : i1 to i32
        %sign3A_252 = arith.constant 0 : i32
        %sign3A_253 = arith.cmpi slt, %jit3A_240, %sign3A_252 : i32
        %sign3A_254 = arith.extui %sign3A_253 : i1 to i32
        %sign3A_255 = arith.subi %sign3A_251, %sign3A_254 : i32
        %ne3A_256 = arith.cmpi ne, %sign3A_248, %sign3A_255 : i32
        %rem3A_257 = arith.remsi %sub3A_239, %jit3A_240 : i32
        %ne3A_258 = arith.constant 0 : i32
        %ne3A_259 = arith.cmpi ne, %rem3A_257, %ne3A_258 : i32
        %and3A_260 = arith.andi %ne3A_256, %ne3A_259 : i1
        %sub3A_261 = arith.constant 1 : i32
        %sub3A_262 = arith.subi %div3A_241, %sub3A_261 : i32
        %select_n3A_263 = arith.select %and3A_260, %sub3A_262, %div3A_241 : i32
        %while3A_264 = arith.constant 0 : i32
        %while3A_265 = arith.subi %select_n3A_263, %while3A_264 : i32
        %while3A_266 = arith.addi %while3A_264, %while3A_265 : i32
        %while3A_267 = arith.constant 1 : i32
        %while3A_268 = arith.divsi %while3A_265, %while3A_267 : i32
        %while3A_269 = arith.muli %while3A_268, %while3A_267 : i32
        %while3A_270 = arith.addi %while3A_264, %while3A_269 : i32
        %while3A_271 = arith.constant 1 : i32
        %while3A_272 = scf.for %while3A_303 = %while3A_264 to %while3A_270 step %while3A_271 iter_args(%while3A_304 = %mul3A_8) -> (vector<16xi32>)  : i32 {
          %mul3A_305 = arith.constant 16 : i32
          %mul3A_306 = arith.muli %while3A_303, %mul3A_305 : i32
          %get3A_307 = arith.index_cast %mul3A_306 : i32 to index
          %get3A_308 = tpu.vector_load %arg14[%get3A_307] {strides = array<i32>} : memref<2048xi32, #tpu.memory_space<vmem>>, vector<16xi32>,
          %mul3A_309 = arith.constant 16 : i32
          %mul3A_310 = arith.muli %while3A_303, %mul3A_309 : i32
          %add3A_311 = vector.broadcast %mul3A_310 : i32 to vector<16xi32>
          %add3A_312 = arith.addi %add3A_311, %iota3A : vector<16xi32>
          %gt3A = vector.broadcast %reduce_sum3A_235 : i32 to vector<16xi32>
          %gt3A_313 = arith.cmpi sgt, %get3A_308, %gt3A : vector<16xi32>
          %eq3A_314 = vector.broadcast %reduce_sum3A_235 : i32 to vector<16xi32>
          %eq3A_315 = arith.cmpi eq, %get3A_308, %eq3A_314 : vector<16xi32>
          %lt3A_316 = vector.broadcast %while3A_200 : i32 to vector<16xi32>
          %lt3A_317 = arith.cmpi slt, %add3A_312, %lt3A_316 : vector<16xi32>
          %and3A_318 = arith.andi %eq3A_315, %lt3A_317 : vector<16xi1>
          %or3A = arith.ori %gt3A_313, %and3A_318 : vector<16xi1>
          %lt3A_319 = vector.broadcast %scan3A_50#0 : i32 to vector<16xi32>
          %lt3A_320 = arith.cmpi slt, %add3A_312, %lt3A_319 : vector<16xi32>
          %and3A_321 = arith.andi %or3A, %lt3A_320 : vector<16xi1>
          %jit3A_322 = arith.constant 1 : i32
          %jit3A_323 = arith.constant 0 : i32
          %broadcast_in_dim3A_324 = vector.broadcast %jit3A_322 : i32 to vector<16xi32>
          %broadcast_in_dim3A_325 = vector.broadcast %jit3A_323 : i32 to vector<16xi32>
          %select_n3A_326 = arith.select %and3A_321, %broadcast_in_dim3A_324, %broadcast_in_dim3A_325 : vector<16xi1>, vector<16xi32>
          %add3A_327 = arith.addi %while3A_304, %select_n3A_326 : vector<16xi32>
          scf.yield %add3A_327 : vector<16xi32>
        }
        %while3A_273 = arith.constant 1 : i32
        %while3A_274 = scf.for %while3A_303 = %while3A_270 to %while3A_266 step %while3A_273 iter_args(%while3A_304 = %while3A_272) -> (vector<16xi32>)  : i32 {
          %mul3A_305 = arith.constant 16 : i32
          %mul3A_306 = arith.muli %while3A_303, %mul3A_305 : i32
          %get3A_307 = arith.index_cast %mul3A_306 : i32 to index
          %get3A_308 = tpu.vector_load %arg14[%get3A_307] {strides = array<i32>} : memref<2048xi32, #tpu.memory_space<vmem>>, vector<16xi32>,
          %mul3A_309 = arith.constant 16 : i32
          %mul3A_310 = arith.muli %while3A_303, %mul3A_309 : i32
          %add3A_311 = vector.broadcast %mul3A_310 : i32 to vector<16xi32>
          %add3A_312 = arith.addi %add3A_311, %iota3A : vector<16xi32>
          %gt3A = vector.broadcast %reduce_sum3A_235 : i32 to vector<16xi32>
          %gt3A_313 = arith.cmpi sgt, %get3A_308, %gt3A : vector<16xi32>
          %eq3A_314 = vector.broadcast %reduce_sum3A_235 : i32 to vector<16xi32>
          %eq3A_315 = arith.cmpi eq, %get3A_308, %eq3A_314 : vector<16xi32>
          %lt3A_316 = vector.broadcast %while3A_200 : i32 to vector<16xi32>
          %lt3A_317 = arith.cmpi slt, %add3A_312, %lt3A_316 : vector<16xi32>
          %and3A_318 = arith.andi %eq3A_315, %lt3A_317 : vector<16xi1>
          %or3A = arith.ori %gt3A_313, %and3A_318 : vector<16xi1>
          %lt3A_319 = vector.broadcast %scan3A_50#0 : i32 to vector<16xi32>
          %lt3A_320 = arith.cmpi slt, %add3A_312, %lt3A_319 : vector<16xi32>
          %and3A_321 = arith.andi %or3A, %lt3A_320 : vector<16xi1>
          %jit3A_322 = arith.constant 1 : i32
          %jit3A_323 = arith.constant 0 : i32
          %broadcast_in_dim3A_324 = vector.broadcast %jit3A_322 : i32 to vector<16xi32>
          %broadcast_in_dim3A_325 = vector.broadcast %jit3A_323 : i32 to vector<16xi32>
          %select_n3A_326 = arith.select %and3A_321, %broadcast_in_dim3A_324, %broadcast_in_dim3A_325 : vector<16xi1>, vector<16xi32>
          %add3A_327 = arith.addi %while3A_304, %select_n3A_326 : vector<16xi32>
          scf.yield %add3A_327 : vector<16xi32>
        }
        %reduce_sum3A_275 = arith.constant true
        %reduce_sum3A_276 = vector.broadcast %reduce_sum3A_275 : i1 to vector<16xi1>
        %reduce_sum3A_277 = tpu.scan <sum>, %while3A_274 masked %reduce_sum3A_276 : vector<16xi32>, vector<16xi1> -> vector<16xi32>
        %reduce_sum3A_278 = vector.extract %reduce_sum3A_277[15] : i32 from vector<16xi32>
        %broadcast_in_dim3A_279 = vector.broadcast %reduce_sum3A_278 : i32 to vector<16xi32>
        %broadcast_in_dim3A_280 = vector.broadcast %reduce_sum3A_278 : i32 to vector<16xi32>
        %select_n3A_281 = arith.select %eq3A_5, %broadcast_in_dim3A_279, %broadcast_in_dim3A_280 : vector<16xi1>, vector<16xi32>
        %broadcast_in_dim3A_282 = vector.broadcast %reduce_sum3A_235 : i32 to vector<16xi32>
        %broadcast_in_dim3A_283 = vector.broadcast %reduce_sum3A_235 : i32 to vector<16xi32>
        %select_n3A_284 = arith.select %eq3A_5, %broadcast_in_dim3A_282, %broadcast_in_dim3A_283 : vector<16xi1>, vector<16xi32>
        tpu.vector_store_idx %arg16[%select_n3A_281], %select_n3A_284 masked %eq3A_4 : memref<2048xi32, #tpu.memory_space<vmem>>[vector<16xi32>], vector<16xi32>, vector<16xi1>
        %broadcast_in_dim3A_285 = vector.broadcast %reduce_sum3A_278 : i32 to vector<16xi32>
        %broadcast_in_dim3A_286 = vector.broadcast %reduce_sum3A_278 : i32 to vector<16xi32>
        %select_n3A_287 = arith.select %eq3A_5, %broadcast_in_dim3A_285, %broadcast_in_dim3A_286 : vector<16xi1>, vector<16xi32>
        %get3A_288 = arith.index_cast %mul3A_226 : i32 to index
        %get3A_289 = tpu.vector_load %arg15[%get3A_288] {strides = array<i32>} : memref<2048xi32, #tpu.memory_space<vmem>>, vector<16xi32>,
        %sub3A_290 = arith.subi %while3A_200, %mul3A_226 : i32
        %eq3A_291 = vector.broadcast %sub3A_290 : i32 to vector<16xi32>
        %eq3A_292 = arith.cmpi eq, %iota3A, %eq3A_291 : vector<16xi32>
        %jit3A_293 = arith.constant 0 : i32
        %broadcast_in_dim3A_294 = vector.broadcast %jit3A_293 : i32 to vector<16xi32>
        %select_n3A_295 = arith.select %eq3A_292, %get3A_289, %broadcast_in_dim3A_294 : vector<16xi1>, vector<16xi32>
        %reduce_sum3A_296 = arith.constant true
        %reduce_sum3A_297 = vector.broadcast %reduce_sum3A_296 : i1 to vector<16xi1>
        %reduce_sum3A_298 = tpu.scan <sum>, %select_n3A_295 masked %reduce_sum3A_297 : vector<16xi32>, vector<16xi1> -> vector<16xi32>
        %reduce_sum3A_299 = vector.extract %reduce_sum3A_298[15] : i32 from vector<16xi32>
        %broadcast_in_dim3A_300 = vector.broadcast %reduce_sum3A_299 : i32 to vector<16xi32>
        %broadcast_in_dim3A_301 = vector.broadcast %reduce_sum3A_299 : i32 to vector<16xi32>
        %select_n3A_302 = arith.select %eq3A_5, %broadcast_in_dim3A_300, %broadcast_in_dim3A_301 : vector<16xi1>, vector<16xi32>
        tpu.vector_store_idx %arg17[%select_n3A_287], %select_n3A_302 masked %eq3A_4 : memref<2048xi32, #tpu.memory_space<vmem>>[vector<16xi32>], vector<16xi32>, vector<16xi1>
      }
      %add3A_161 = arith.constant 16 : i32
      %add3A_162 = arith.addi %scan3A_50#0, %add3A_161 : i32
      %sub3A_163 = arith.constant 1 : i32
      %sub3A_164 = arith.subi %add3A_162, %sub3A_163 : i32
      %jit3A_165 = arith.constant 16 : i32
      %div3A_166 = arith.divsi %sub3A_164, %jit3A_165 : i32
      %sign3A_167 = arith.constant 0 : i32
      %sign3A_168 = arith.cmpi sgt, %sub3A_164, %sign3A_167 : i32
      %sign3A_169 = arith.extui %sign3A_168 : i1 to i32
      %sign3A_170 = arith.constant 0 : i32
      %sign3A_171 = arith.cmpi slt, %sub3A_164, %sign3A_170 : i32
      %sign3A_172 = arith.extui %sign3A_171 : i1 to i32
      %sign3A_173 = arith.subi %sign3A_169, %sign3A_172 : i32
      %sign3A_174 = arith.constant 0 : i32
      %sign3A_175 = arith.cmpi sgt, %jit3A_165, %sign3A_174 : i32
      %sign3A_176 = arith.extui %sign3A_175 : i1 to i32
      %sign3A_177 = arith.constant 0 : i32
      %sign3A_178 = arith.cmpi slt, %jit3A_165, %sign3A_177 : i32
      %sign3A_179 = arith.extui %sign3A_178 : i1 to i32
      %sign3A_180 = arith.subi %sign3A_176, %sign3A_179 : i32
      %ne3A_181 = arith.cmpi ne, %sign3A_173, %sign3A_180 : i32
      %rem3A_182 = arith.remsi %sub3A_164, %jit3A_165 : i32
      %ne3A_183 = arith.constant 0 : i32
      %ne3A_184 = arith.cmpi ne, %rem3A_182, %ne3A_183 : i32
      %and3A_185 = arith.andi %ne3A_181, %ne3A_184 : i1
      %sub3A_186 = arith.constant 1 : i32
      %sub3A_187 = arith.subi %div3A_166, %sub3A_186 : i32
      %select_n3A_188 = arith.select %and3A_185, %sub3A_187, %div3A_166 : i32
      %while3A_189 = arith.constant 0 : i32
      %while3A_190 = arith.constant 0 : i32
      %while3A_191 = arith.constant 0 : i32
      %while3A_192:3 = scf.while (%while3A_200 = %while3A_189, %while3A_201 = %while3A_190, %while3A_202 = %while3A_191) : (i32, i32, i32) -> (i32, i32, i32) {
        %lt3A_203 = arith.cmpi slt, %while3A_200, %select_n3A_188 : i32
        %lt3A_204 = arith.constant 100 : i32
        %lt3A_205 = arith.cmpi slt, %while3A_201, %lt3A_204 : i32
        %and3A_206 = arith.andi %lt3A_203, %lt3A_205 : i1
        scf.condition(%and3A_206) %while3A_200, %while3A_201, %while3A_202 : i32, i32, i32
      } do {
      ^bb0(%while3A_200: i32, %while3A_201: i32, %while3A_202: i32):
        %mul3A_203 = arith.constant 16 : i32
        %mul3A_204 = arith.muli %while3A_200, %mul3A_203 : i32
        %add3A_205 = vector.broadcast %mul3A_204 : i32 to vector<16xi32>
        %add3A_206 = arith.addi %add3A_205, %iota3A : vector<16xi32>
        %lt3A_207 = vector.broadcast %scan3A_50#0 : i32 to vector<16xi32>
        %lt3A_208 = arith.cmpi slt, %add3A_206, %lt3A_207 : vector<16xi32>
        %get3A = arith.index_cast %mul3A_204 : i32 to index
        %get3A_209 = tpu.vector_load %arg17[%get3A] {strides = array<i32>} : memref<2048xi32, #tpu.memory_space<vmem>>, vector<16xi32>,
        %jit3A_210 = arith.constant 0 : i32
        %broadcast_in_dim3A = vector.broadcast %jit3A_210 : i32 to vector<16xi32>
        %select_n3A_211 = arith.select %lt3A_208, %get3A_209, %broadcast_in_dim3A : vector<16xi1>, vector<16xi32>
        %jit3A_212 = arith.constant 91 : i32
        %div3A_213 = vector.broadcast %jit3A_212 : i32 to vector<16xi32>
        %div3A_214 = arith.divsi %select_n3A_211, %div3A_213 : vector<16xi32>
        %sign3A_215 = arith.constant 0 : i32
        %sign3A_216 = vector.broadcast %sign3A_215 : i32 to vector<16xi32>
        %sign3A_217 = arith.cmpi sgt, %select_n3A_211, %sign3A_216 : vector<16xi32>
        %sign3A_218 = arith.extui %sign3A_217 : vector<16xi1> to vector<16xi32>
        %sign3A_219 = arith.constant 0 : i32
        %sign3A_220 = vector.broadcast %sign3A_219 : i32 to vector<16xi32>
        %sign3A_221 = arith.cmpi slt, %select_n3A_211, %sign3A_220 : vector<16xi32>
        %sign3A_222 = arith.extui %sign3A_221 : vector<16xi1> to vector<16xi32>
        %sign3A_223 = arith.subi %sign3A_218, %sign3A_222 : vector<16xi32>
        %sign3A_224 = arith.constant 0 : i32
        %sign3A_225 = arith.cmpi sgt, %jit3A_212, %sign3A_224 : i32
        %sign3A_226 = arith.extui %sign3A_225 : i1 to i32
        %sign3A_227 = arith.constant 0 : i32
        %sign3A_228 = arith.cmpi slt, %jit3A_212, %sign3A_227 : i32
        %sign3A_229 = arith.extui %sign3A_228 : i1 to i32
        %sign3A_230 = arith.subi %sign3A_226, %sign3A_229 : i32
        %ne3A_231 = vector.broadcast %sign3A_230 : i32 to vector<16xi32>
        %ne3A_232 = arith.cmpi ne, %sign3A_223, %ne3A_231 : vector<16xi32>
        %rem3A_233 = vector.broadcast %jit3A_212 : i32 to vector<16xi32>
        %rem3A_234 = arith.remsi %select_n3A_211, %rem3A_233 : vector<16xi32>
        %ne3A_235 = arith.constant 0 : i32
        %ne3A_236 = vector.broadcast %ne3A_235 : i32 to vector<16xi32>
        %ne3A_237 = arith.cmpi ne, %rem3A_234, %ne3A_236 : vector<16xi32>
        %and3A_238 = arith.andi %ne3A_232, %ne3A_237 : vector<16xi1>
        %sub3A_239 = arith.constant 1 : i32
        %sub3A_240 = vector.broadcast %sub3A_239 : i32 to vector<16xi32>
        %sub3A_241 = arith.subi %div3A_214, %sub3A_240 : vector<16xi32>
        %select_n3A_242 = arith.select %and3A_238, %sub3A_241, %div3A_214 : vector<16xi1>, vector<16xi32>
        %mul3A_243 = arith.constant 91 : i32
        %mul3A_244 = vector.broadcast %mul3A_243 : i32 to vector<16xi32>
        %mul3A_245 = arith.muli %select_n3A_242, %mul3A_244 : vector<16xi32>
        %sub3A_246 = arith.subi %select_n3A_211, %mul3A_245 : vector<16xi32>
        %convert_element_type3A_247 = arith.sitofp %sub3A_246 : vector<16xi32> to vector<16xf32>
        %mul3A_248 = vector.broadcast %add3A_150 : f32 to vector<16xf32>
        %mul3A_249 = arith.mulf %convert_element_type3A_247, %mul3A_248 : vector<16xf32>
        %gather3A = tpu.vector_load_idx %arg8[%select_n3A_242] : memref<1024xf32, #tpu.memory_space<vmem>>[vector<16xi32>], vector<16xf32>,
        %add3A_250 = arith.addf %gather3A, %mul3A_249 : vector<16xf32>
        %gather3A_251 = tpu.vector_load_idx %arg9[%select_n3A_242] : memref<1024xf32, #tpu.memory_space<vmem>>[vector<16xi32>], vector<16xf32>,
        %add3A_252 = arith.addf %gather3A_251, %mul3A_249 : vector<16xf32>
        %gather3A_253 = tpu.vector_load_idx %arg10[%select_n3A_242] : memref<1024xf32, #tpu.memory_space<vmem>>[vector<16xi32>], vector<16xf32>,
        %add3A_254 = arith.addf %gather3A_253, %mul3A_249 : vector<16xf32>
        %gather3A_255 = tpu.vector_load_idx %arg11[%select_n3A_242] : memref<1024xf32, #tpu.memory_space<vmem>>[vector<16xi32>], vector<16xf32>,
        %add3A_256 = arith.addf %gather3A_255, %mul3A_249 : vector<16xf32>
        %sub3A_257 = arith.subf %add3A_254, %add3A_250 : vector<16xf32>
        %sub3A_258 = arith.subf %add3A_256, %add3A_252 : vector<16xf32>
        %mul3A_259 = arith.mulf %sub3A_257, %sub3A_258 : vector<16xf32>
        %jit3A_260 = arith.constant 1 : i32
        %jit3A_261 = arith.constant 0 : i32
        %broadcast_in_dim3A_262 = vector.broadcast %jit3A_260 : i32 to vector<16xi32>
        %broadcast_in_dim3A_263 = vector.broadcast %jit3A_261 : i32 to vector<16xi32>
        %select_n3A_264 = arith.select %lt3A_208, %broadcast_in_dim3A_262, %broadcast_in_dim3A_263 : vector<16xi1>, vector<16xi32>
        %while3A_265 = arith.constant 0 : i32
        %while3A_266 = arith.subi %while3A_201, %while3A_265 : i32
        %while3A_267 = arith.addi %while3A_265, %while3A_266 : i32
        %while3A_268 = arith.constant 1 : i32
        %while3A_269 = arith.divsi %while3A_266, %while3A_268 : i32
        %while3A_270 = arith.muli %while3A_269, %while3A_268 : i32
        %while3A_271 = arith.addi %while3A_265, %while3A_270 : i32
        %while3A_272 = arith.constant 1 : i32
        %while3A_273 = scf.for %while3A_284 = %while3A_265 to %while3A_271 step %while3A_272 iter_args(%while3A_285 = %select_n3A_264) -> (vector<16xi32>)  : i32 {
          %mul3A_286 = arith.constant 16 : i32
          %mul3A_287 = arith.muli %while3A_284, %mul3A_286 : i32
          %get3A_288 = arith.index_cast %mul3A_287 : i32 to index
          %get3A_289 = tpu.vector_load %arg20[%get3A_288] {strides = array<i32>} : memref<2048xf32, #tpu.memory_space<vmem>>, vector<16xf32>,
          %max3A_290 = arith.maximumf %get3A_289, %add3A_250 : vector<16xf32>
          %get3A_291 = arith.index_cast %mul3A_287 : i32 to index
          %get3A_292 = tpu.vector_load %arg21[%get3A_291] {strides = array<i32>} : memref<2048xf32, #tpu.memory_space<vmem>>, vector<16xf32>,
          %max3A_293 = arith.maximumf %get3A_292, %add3A_252 : vector<16xf32>
          %get3A_294 = arith.index_cast %mul3A_287 : i32 to index
          %get3A_295 = tpu.vector_load %arg22[%get3A_294] {strides = array<i32>} : memref<2048xf32, #tpu.memory_space<vmem>>, vector<16xf32>,
          %min3A = arith.minimumf %get3A_295, %add3A_254 : vector<16xf32>
          %get3A_296 = arith.index_cast %mul3A_287 : i32 to index
          %get3A_297 = tpu.vector_load %arg23[%get3A_296] {strides = array<i32>} : memref<2048xf32, #tpu.memory_space<vmem>>, vector<16xf32>,
          %min3A_298 = arith.minimumf %get3A_297, %add3A_256 : vector<16xf32>
          %sub3A_299 = arith.subf %min3A, %max3A_290 : vector<16xf32>
          %max3A_300 = arith.constant 0.000000e+00 : f32
          %max3A_301 = vector.broadcast %max3A_300 : f32 to vector<16xf32>
          %max3A_302 = arith.maximumf %sub3A_299, %max3A_301 : vector<16xf32>
          %sub3A_303 = arith.subf %min3A_298, %max3A_293 : vector<16xf32>
          %max3A_304 = arith.constant 0.000000e+00 : f32
          %max3A_305 = vector.broadcast %max3A_304 : f32 to vector<16xf32>
          %max3A_306 = arith.maximumf %sub3A_303, %max3A_305 : vector<16xf32>
          %mul3A_307 = arith.mulf %max3A_302, %max3A_306 : vector<16xf32>
          %get3A_308 = arith.index_cast %mul3A_287 : i32 to index
          %get3A_309 = tpu.vector_load %arg24[%get3A_308] {strides = array<i32>} : memref<2048xf32, #tpu.memory_space<vmem>>, vector<16xf32>,
          %add3A_310 = arith.addf %get3A_309, %mul3A_259 : vector<16xf32>
          %sub3A_311 = arith.subf %add3A_310, %mul3A_307 : vector<16xf32>
          %add3A_312 = arith.constant 9.99999996E-13 : f32
          %add3A_313 = vector.broadcast %add3A_312 : f32 to vector<16xf32>
          %add3A_314 = arith.addf %sub3A_311, %add3A_313 : vector<16xf32>
          %div3A_315 = arith.divf %mul3A_307, %add3A_314 : vector<16xf32>
          %gt3A = arith.constant 0.699999988 : f32
          %gt3A_316 = vector.broadcast %gt3A : f32 to vector<16xf32>
          %gt3A_317 = arith.cmpf ogt, %div3A_315, %gt3A_316 : vector<16xf32>
          %jit3A_318 = arith.constant 0 : i32
          %broadcast_in_dim3A_319 = vector.broadcast %jit3A_318 : i32 to vector<16xi32>
          %select_n3A_320 = arith.select %gt3A_317, %broadcast_in_dim3A_319, %while3A_285 : vector<16xi1>, vector<16xi32>
          scf.yield %select_n3A_320 : vector<16xi32>
        }
        %while3A_274 = arith.constant 1 : i32
        %while3A_275 = scf.for %while3A_284 = %while3A_271 to %while3A_267 step %while3A_274 iter_args(%while3A_285 = %while3A_273) -> (vector<16xi32>)  : i32 {
          %mul3A_286 = arith.constant 16 : i32
          %mul3A_287 = arith.muli %while3A_284, %mul3A_286 : i32
          %get3A_288 = arith.index_cast %mul3A_287 : i32 to index
          %get3A_289 = tpu.vector_load %arg20[%get3A_288] {strides = array<i32>} : memref<2048xf32, #tpu.memory_space<vmem>>, vector<16xf32>,
          %max3A_290 = arith.maximumf %get3A_289, %add3A_250 : vector<16xf32>
          %get3A_291 = arith.index_cast %mul3A_287 : i32 to index
          %get3A_292 = tpu.vector_load %arg21[%get3A_291] {strides = array<i32>} : memref<2048xf32, #tpu.memory_space<vmem>>, vector<16xf32>,
          %max3A_293 = arith.maximumf %get3A_292, %add3A_252 : vector<16xf32>
          %get3A_294 = arith.index_cast %mul3A_287 : i32 to index
          %get3A_295 = tpu.vector_load %arg22[%get3A_294] {strides = array<i32>} : memref<2048xf32, #tpu.memory_space<vmem>>, vector<16xf32>,
          %min3A = arith.minimumf %get3A_295, %add3A_254 : vector<16xf32>
          %get3A_296 = arith.index_cast %mul3A_287 : i32 to index
          %get3A_297 = tpu.vector_load %arg23[%get3A_296] {strides = array<i32>} : memref<2048xf32, #tpu.memory_space<vmem>>, vector<16xf32>,
          %min3A_298 = arith.minimumf %get3A_297, %add3A_256 : vector<16xf32>
          %sub3A_299 = arith.subf %min3A, %max3A_290 : vector<16xf32>
          %max3A_300 = arith.constant 0.000000e+00 : f32
          %max3A_301 = vector.broadcast %max3A_300 : f32 to vector<16xf32>
          %max3A_302 = arith.maximumf %sub3A_299, %max3A_301 : vector<16xf32>
          %sub3A_303 = arith.subf %min3A_298, %max3A_293 : vector<16xf32>
          %max3A_304 = arith.constant 0.000000e+00 : f32
          %max3A_305 = vector.broadcast %max3A_304 : f32 to vector<16xf32>
          %max3A_306 = arith.maximumf %sub3A_303, %max3A_305 : vector<16xf32>
          %mul3A_307 = arith.mulf %max3A_302, %max3A_306 : vector<16xf32>
          %get3A_308 = arith.index_cast %mul3A_287 : i32 to index
          %get3A_309 = tpu.vector_load %arg24[%get3A_308] {strides = array<i32>} : memref<2048xf32, #tpu.memory_space<vmem>>, vector<16xf32>,
          %add3A_310 = arith.addf %get3A_309, %mul3A_259 : vector<16xf32>
          %sub3A_311 = arith.subf %add3A_310, %mul3A_307 : vector<16xf32>
          %add3A_312 = arith.constant 9.99999996E-13 : f32
          %add3A_313 = vector.broadcast %add3A_312 : f32 to vector<16xf32>
          %add3A_314 = arith.addf %sub3A_311, %add3A_313 : vector<16xf32>
          %div3A_315 = arith.divf %mul3A_307, %add3A_314 : vector<16xf32>
          %gt3A = arith.constant 0.699999988 : f32
          %gt3A_316 = vector.broadcast %gt3A : f32 to vector<16xf32>
          %gt3A_317 = arith.cmpf ogt, %div3A_315, %gt3A_316 : vector<16xf32>
          %jit3A_318 = arith.constant 0 : i32
          %broadcast_in_dim3A_319 = vector.broadcast %jit3A_318 : i32 to vector<16xi32>
          %select_n3A_320 = arith.select %gt3A_317, %broadcast_in_dim3A_319, %while3A_285 : vector<16xi1>, vector<16xi32>
          scf.yield %select_n3A_320 : vector<16xi32>
        }
        %scan3A_276 = arith.constant 0 : i32
        %scan3A_277 = arith.constant 16 : i32
        %scan3A_278 = arith.addi %scan3A_276, %scan3A_277 : i32
        %scan3A_279 = arith.constant 1 : i32
        %scan3A_280:3 = scf.for %scan3A_284 = %scan3A_276 to %scan3A_278 step %scan3A_279 iter_args(%scan3A_285 = %while3A_275, %scan3A_286 = %while3A_201, %scan3A_287 = %while3A_202) -> (vector<16xi32>, i32, i32)  : i32 {
          %eq3A_288 = vector.broadcast %scan3A_284 : i32 to vector<16xi32>
          %eq3A_289 = arith.cmpi eq, %iota3A, %eq3A_288 : vector<16xi32>
          %jit3A_290 = arith.constant 0 : i32
          %broadcast_in_dim3A_291 = vector.broadcast %jit3A_290 : i32 to vector<16xi32>
          %select_n3A_292 = arith.select %eq3A_289, %scan3A_285, %broadcast_in_dim3A_291 : vector<16xi1>, vector<16xi32>
          %reduce_sum3A = arith.constant true
          %reduce_sum3A_293 = vector.broadcast %reduce_sum3A : i1 to vector<16xi1>
          %reduce_sum3A_294 = tpu.scan <sum>, %select_n3A_292 masked %reduce_sum3A_293 : vector<16xi32>, vector<16xi1> -> vector<16xi32>
          %reduce_sum3A_295 = vector.extract %reduce_sum3A_294[15] : i32 from vector<16xi32>
          %jit3A_296 = arith.constant 1 : i32
          %jit3A_297 = arith.constant 0 : i32
          %broadcast_in_dim3A_298 = vector.broadcast %jit3A_296 : i32 to vector<16xi32>
          %broadcast_in_dim3A_299 = vector.broadcast %jit3A_297 : i32 to vector<16xi32>
          %select_n3A_300 = arith.select %lt3A_208, %broadcast_in_dim3A_298, %broadcast_in_dim3A_299 : vector<16xi1>, vector<16xi32>
          %eq3A_301 = vector.broadcast %scan3A_284 : i32 to vector<16xi32>
          %eq3A_302 = arith.cmpi eq, %iota3A, %eq3A_301 : vector<16xi32>
          %jit3A_303 = arith.constant 0 : i32
          %broadcast_in_dim3A_304 = vector.broadcast %jit3A_303 : i32 to vector<16xi32>
          %select_n3A_305 = arith.select %eq3A_302, %select_n3A_300, %broadcast_in_dim3A_304 : vector<16xi1>, vector<16xi32>
          %reduce_sum3A_306 = arith.constant true
          %reduce_sum3A_307 = vector.broadcast %reduce_sum3A_306 : i1 to vector<16xi1>
          %reduce_sum3A_308 = tpu.scan <sum>, %select_n3A_305 masked %reduce_sum3A_307 : vector<16xi32>, vector<16xi1> -> vector<16xi32>
          %reduce_sum3A_309 = vector.extract %reduce_sum3A_308[15] : i32 from vector<16xi32>
          %gt3A = arith.constant 0 : i32
          %gt3A_310 = arith.cmpi sgt, %reduce_sum3A_309, %gt3A : i32
          %gt3A_311 = arith.constant 0 : i32
          %gt3A_312 = arith.cmpi sgt, %reduce_sum3A_295, %gt3A_311 : i32
          %lt3A_313 = arith.constant 100 : i32
          %lt3A_314 = arith.cmpi slt, %scan3A_286, %lt3A_313 : i32
          %and3A_315 = arith.andi %gt3A_312, %lt3A_314 : i1
          %eq3A_316 = vector.broadcast %scan3A_284 : i32 to vector<16xi32>
          %eq3A_317 = arith.cmpi eq, %iota3A, %eq3A_316 : vector<16xi32>
          %jit3A_318 = arith.constant 0 : i32
          %broadcast_in_dim3A_319 = vector.broadcast %jit3A_318 : i32 to vector<16xi32>
          %select_n3A_320 = arith.select %eq3A_317, %select_n3A_211, %broadcast_in_dim3A_319 : vector<16xi1>, vector<16xi32>
          %reduce_sum3A_321 = arith.constant true
          %reduce_sum3A_322 = vector.broadcast %reduce_sum3A_321 : i1 to vector<16xi1>
          %reduce_sum3A_323 = tpu.scan <sum>, %select_n3A_320 masked %reduce_sum3A_322 : vector<16xi32>, vector<16xi1> -> vector<16xi32>
          %reduce_sum3A_324 = vector.extract %reduce_sum3A_323[15] : i32 from vector<16xi32>
          %eq3A_325 = vector.broadcast %scan3A_284 : i32 to vector<16xi32>
          %eq3A_326 = arith.cmpi eq, %iota3A, %eq3A_325 : vector<16xi32>
          %jit3A_327 = arith.constant 0.000000e+00 : f32
          %broadcast_in_dim3A_328 = vector.broadcast %jit3A_327 : f32 to vector<16xf32>
          %select_n3A_329 = arith.select %eq3A_326, %add3A_250, %broadcast_in_dim3A_328 : vector<16xi1>, vector<16xf32>
          %reduce_sum3A_330 = arith.constant true
          %reduce_sum3A_331 = vector.broadcast %reduce_sum3A_330 : i1 to vector<16xi1>
          %reduce_sum3A_332 = tpu.scan <sum>, %select_n3A_329 masked %reduce_sum3A_331 : vector<16xf32>, vector<16xi1> -> vector<16xf32>
          %reduce_sum3A_333 = vector.extract %reduce_sum3A_332[15] : f32 from vector<16xf32>
          %eq3A_334 = vector.broadcast %scan3A_284 : i32 to vector<16xi32>
          %eq3A_335 = arith.cmpi eq, %iota3A, %eq3A_334 : vector<16xi32>
          %jit3A_336 = arith.constant 0.000000e+00 : f32
          %broadcast_in_dim3A_337 = vector.broadcast %jit3A_336 : f32 to vector<16xf32>
          %select_n3A_338 = arith.select %eq3A_335, %add3A_252, %broadcast_in_dim3A_337 : vector<16xi1>, vector<16xf32>
          %reduce_sum3A_339 = arith.constant true
          %reduce_sum3A_340 = vector.broadcast %reduce_sum3A_339 : i1 to vector<16xi1>
          %reduce_sum3A_341 = tpu.scan <sum>, %select_n3A_338 masked %reduce_sum3A_340 : vector<16xf32>, vector<16xi1> -> vector<16xf32>
          %reduce_sum3A_342 = vector.extract %reduce_sum3A_341[15] : f32 from vector<16xf32>
          %eq3A_343 = vector.broadcast %scan3A_284 : i32 to vector<16xi32>
          %eq3A_344 = arith.cmpi eq, %iota3A, %eq3A_343 : vector<16xi32>
          %jit3A_345 = arith.constant 0.000000e+00 : f32
          %broadcast_in_dim3A_346 = vector.broadcast %jit3A_345 : f32 to vector<16xf32>
          %select_n3A_347 = arith.select %eq3A_344, %add3A_254, %broadcast_in_dim3A_346 : vector<16xi1>, vector<16xf32>
          %reduce_sum3A_348 = arith.constant true
          %reduce_sum3A_349 = vector.broadcast %reduce_sum3A_348 : i1 to vector<16xi1>
          %reduce_sum3A_350 = tpu.scan <sum>, %select_n3A_347 masked %reduce_sum3A_349 : vector<16xf32>, vector<16xi1> -> vector<16xf32>
          %reduce_sum3A_351 = vector.extract %reduce_sum3A_350[15] : f32 from vector<16xf32>
          %eq3A_352 = vector.broadcast %scan3A_284 : i32 to vector<16xi32>
          %eq3A_353 = arith.cmpi eq, %iota3A, %eq3A_352 : vector<16xi32>
          %jit3A_354 = arith.constant 0.000000e+00 : f32
          %broadcast_in_dim3A_355 = vector.broadcast %jit3A_354 : f32 to vector<16xf32>
          %select_n3A_356 = arith.select %eq3A_353, %add3A_256, %broadcast_in_dim3A_355 : vector<16xi1>, vector<16xf32>
          %reduce_sum3A_357 = arith.constant true
          %reduce_sum3A_358 = vector.broadcast %reduce_sum3A_357 : i1 to vector<16xi1>
          %reduce_sum3A_359 = tpu.scan <sum>, %select_n3A_356 masked %reduce_sum3A_358 : vector<16xf32>, vector<16xi1> -> vector<16xf32>
          %reduce_sum3A_360 = vector.extract %reduce_sum3A_359[15] : f32 from vector<16xf32>
          %eq3A_361 = vector.broadcast %scan3A_284 : i32 to vector<16xi32>
          %eq3A_362 = arith.cmpi eq, %iota3A, %eq3A_361 : vector<16xi32>
          %jit3A_363 = arith.constant 0.000000e+00 : f32
          %broadcast_in_dim3A_364 = vector.broadcast %jit3A_363 : f32 to vector<16xf32>
          %select_n3A_365 = arith.select %eq3A_362, %mul3A_259, %broadcast_in_dim3A_364 : vector<16xi1>, vector<16xf32>
          %reduce_sum3A_366 = arith.constant true
          %reduce_sum3A_367 = vector.broadcast %reduce_sum3A_366 : i1 to vector<16xi1>
          %reduce_sum3A_368 = tpu.scan <sum>, %select_n3A_365 masked %reduce_sum3A_367 : vector<16xf32>, vector<16xi1> -> vector<16xf32>
          %reduce_sum3A_369 = vector.extract %reduce_sum3A_368[15] : f32 from vector<16xf32>
          %and3A_370 = vector.broadcast %and3A_315 : i1 to vector<16xi1>
          %and3A_371 = arith.andi %and3A_370, %eq3A_5 : vector<16xi1>
          %mul3A_372 = arith.constant 16 : i32
          %mul3A_373 = arith.muli %scan3A_286, %mul3A_372 : i32
          %add3A_374 = vector.broadcast %mul3A_373 : i32 to vector<16xi32>
          %add3A_375 = arith.addi %add3A_374, %iota3A : vector<16xi32>
          %broadcast_in_dim3A_376 = vector.broadcast %reduce_sum3A_333 : f32 to vector<16xf32>
          %broadcast_in_dim3A_377 = vector.broadcast %reduce_sum3A_333 : f32 to vector<16xf32>
          %select_n3A_378 = arith.select %eq3A_5, %broadcast_in_dim3A_376, %broadcast_in_dim3A_377 : vector<16xi1>, vector<16xf32>
          tpu.vector_store_idx %arg20[%add3A_375], %select_n3A_378 masked %and3A_371 : memref<2048xf32, #tpu.memory_space<vmem>>[vector<16xi32>], vector<16xf32>, vector<16xi1>
          %add3A_379 = vector.broadcast %mul3A_373 : i32 to vector<16xi32>
          %add3A_380 = arith.addi %add3A_379, %iota3A : vector<16xi32>
          %broadcast_in_dim3A_381 = vector.broadcast %reduce_sum3A_342 : f32 to vector<16xf32>
          %broadcast_in_dim3A_382 = vector.broadcast %reduce_sum3A_342 : f32 to vector<16xf32>
          %select_n3A_383 = arith.select %eq3A_5, %broadcast_in_dim3A_381, %broadcast_in_dim3A_382 : vector<16xi1>, vector<16xf32>
          tpu.vector_store_idx %arg21[%add3A_380], %select_n3A_383 masked %and3A_371 : memref<2048xf32, #tpu.memory_space<vmem>>[vector<16xi32>], vector<16xf32>, vector<16xi1>
          %add3A_384 = vector.broadcast %mul3A_373 : i32 to vector<16xi32>
          %add3A_385 = arith.addi %add3A_384, %iota3A : vector<16xi32>
          %broadcast_in_dim3A_386 = vector.broadcast %reduce_sum3A_351 : f32 to vector<16xf32>
          %broadcast_in_dim3A_387 = vector.broadcast %reduce_sum3A_351 : f32 to vector<16xf32>
          %select_n3A_388 = arith.select %eq3A_5, %broadcast_in_dim3A_386, %broadcast_in_dim3A_387 : vector<16xi1>, vector<16xf32>
          tpu.vector_store_idx %arg22[%add3A_385], %select_n3A_388 masked %and3A_371 : memref<2048xf32, #tpu.memory_space<vmem>>[vector<16xi32>], vector<16xf32>, vector<16xi1>
          %add3A_389 = vector.broadcast %mul3A_373 : i32 to vector<16xi32>
          %add3A_390 = arith.addi %add3A_389, %iota3A : vector<16xi32>
          %broadcast_in_dim3A_391 = vector.broadcast %reduce_sum3A_360 : f32 to vector<16xf32>
          %broadcast_in_dim3A_392 = vector.broadcast %reduce_sum3A_360 : f32 to vector<16xf32>
          %select_n3A_393 = arith.select %eq3A_5, %broadcast_in_dim3A_391, %broadcast_in_dim3A_392 : vector<16xi1>, vector<16xf32>
          tpu.vector_store_idx %arg23[%add3A_390], %select_n3A_393 masked %and3A_371 : memref<2048xf32, #tpu.memory_space<vmem>>[vector<16xi32>], vector<16xf32>, vector<16xi1>
          %add3A_394 = vector.broadcast %mul3A_373 : i32 to vector<16xi32>
          %add3A_395 = arith.addi %add3A_394, %iota3A : vector<16xi32>
          %broadcast_in_dim3A_396 = vector.broadcast %reduce_sum3A_369 : f32 to vector<16xf32>
          %broadcast_in_dim3A_397 = vector.broadcast %reduce_sum3A_369 : f32 to vector<16xf32>
          %select_n3A_398 = arith.select %eq3A_5, %broadcast_in_dim3A_396, %broadcast_in_dim3A_397 : vector<16xi1>, vector<16xf32>
          tpu.vector_store_idx %arg24[%add3A_395], %select_n3A_398 masked %and3A_371 : memref<2048xf32, #tpu.memory_space<vmem>>[vector<16xi32>], vector<16xf32>, vector<16xi1>
          %broadcast_in_dim3A_399 = vector.broadcast %scan3A_286 : i32 to vector<16xi32>
          %broadcast_in_dim3A_400 = vector.broadcast %scan3A_286 : i32 to vector<16xi32>
          %select_n3A_401 = arith.select %eq3A_5, %broadcast_in_dim3A_399, %broadcast_in_dim3A_400 : vector<16xi1>, vector<16xi32>
          %broadcast_in_dim3A_402 = vector.broadcast %reduce_sum3A_324 : i32 to vector<16xi32>
          %broadcast_in_dim3A_403 = vector.broadcast %reduce_sum3A_324 : i32 to vector<16xi32>
          %select_n3A_404 = arith.select %eq3A_5, %broadcast_in_dim3A_402, %broadcast_in_dim3A_403 : vector<16xi1>, vector<16xi32>
          %and3A_405 = vector.broadcast %and3A_315 : i1 to vector<16xi1>
          %and3A_406 = arith.andi %and3A_405, %eq3A_4 : vector<16xi1>
          tpu.vector_store_idx %arg25[%select_n3A_401], %select_n3A_404 masked %and3A_406 : memref<128xi32, #tpu.memory_space<vmem>>[vector<16xi32>], vector<16xi32>, vector<16xi1>
          %broadcast_in_dim3A_407 = vector.broadcast %reduce_sum3A_333 : f32 to vector<16xf32>
          %broadcast_in_dim3A_408 = vector.broadcast %reduce_sum3A_333 : f32 to vector<16xf32>
          %select_n3A_409 = arith.select %eq3A_5, %broadcast_in_dim3A_407, %broadcast_in_dim3A_408 : vector<16xi1>, vector<16xf32>
          %max3A_410 = arith.maximumf %select_n3A_409, %add3A_250 : vector<16xf32>
          %broadcast_in_dim3A_411 = vector.broadcast %reduce_sum3A_342 : f32 to vector<16xf32>
          %broadcast_in_dim3A_412 = vector.broadcast %reduce_sum3A_342 : f32 to vector<16xf32>
          %select_n3A_413 = arith.select %eq3A_5, %broadcast_in_dim3A_411, %broadcast_in_dim3A_412 : vector<16xi1>, vector<16xf32>
          %max3A_414 = arith.maximumf %select_n3A_413, %add3A_252 : vector<16xf32>
          %broadcast_in_dim3A_415 = vector.broadcast %reduce_sum3A_351 : f32 to vector<16xf32>
          %broadcast_in_dim3A_416 = vector.broadcast %reduce_sum3A_351 : f32 to vector<16xf32>
          %select_n3A_417 = arith.select %eq3A_5, %broadcast_in_dim3A_415, %broadcast_in_dim3A_416 : vector<16xi1>, vector<16xf32>
          %min3A = arith.minimumf %select_n3A_417, %add3A_254 : vector<16xf32>
          %broadcast_in_dim3A_418 = vector.broadcast %reduce_sum3A_360 : f32 to vector<16xf32>
          %broadcast_in_dim3A_419 = vector.broadcast %reduce_sum3A_360 : f32 to vector<16xf32>
          %select_n3A_420 = arith.select %eq3A_5, %broadcast_in_dim3A_418, %broadcast_in_dim3A_419 : vector<16xi1>, vector<16xf32>
          %min3A_421 = arith.minimumf %select_n3A_420, %add3A_256 : vector<16xf32>
          %sub3A_422 = arith.subf %min3A, %max3A_410 : vector<16xf32>
          %max3A_423 = arith.constant 0.000000e+00 : f32
          %max3A_424 = vector.broadcast %max3A_423 : f32 to vector<16xf32>
          %max3A_425 = arith.maximumf %sub3A_422, %max3A_424 : vector<16xf32>
          %sub3A_426 = arith.subf %min3A_421, %max3A_414 : vector<16xf32>
          %max3A_427 = arith.constant 0.000000e+00 : f32
          %max3A_428 = vector.broadcast %max3A_427 : f32 to vector<16xf32>
          %max3A_429 = arith.maximumf %sub3A_426, %max3A_428 : vector<16xf32>
          %mul3A_430 = arith.mulf %max3A_425, %max3A_429 : vector<16xf32>
          %broadcast_in_dim3A_431 = vector.broadcast %reduce_sum3A_369 : f32 to vector<16xf32>
          %broadcast_in_dim3A_432 = vector.broadcast %reduce_sum3A_369 : f32 to vector<16xf32>
          %select_n3A_433 = arith.select %eq3A_5, %broadcast_in_dim3A_431, %broadcast_in_dim3A_432 : vector<16xi1>, vector<16xf32>
          %add3A_434 = arith.addf %select_n3A_433, %mul3A_259 : vector<16xf32>
          %sub3A_435 = arith.subf %add3A_434, %mul3A_430 : vector<16xf32>
          %add3A_436 = arith.constant 9.99999996E-13 : f32
          %add3A_437 = vector.broadcast %add3A_436 : f32 to vector<16xf32>
          %add3A_438 = arith.addf %sub3A_435, %add3A_437 : vector<16xf32>
          %div3A_439 = arith.divf %mul3A_430, %add3A_438 : vector<16xf32>
          %gt3A_440 = arith.constant 0.699999988 : f32
          %gt3A_441 = vector.broadcast %gt3A_440 : f32 to vector<16xf32>
          %gt3A_442 = arith.cmpf ogt, %div3A_439, %gt3A_441 : vector<16xf32>
          %gt3A_443 = vector.broadcast %scan3A_284 : i32 to vector<16xi32>
          %gt3A_444 = arith.cmpi sgt, %iota3A, %gt3A_443 : vector<16xi32>
          %and3A_445 = arith.andi %gt3A_442, %gt3A_444 : vector<16xi1>
          %and3A_446 = vector.broadcast %and3A_315 : i1 to vector<16xi1>
          %and3A_447 = arith.andi %and3A_445, %and3A_446 : vector<16xi1>
          %jit3A_448 = arith.constant 0 : i32
          %broadcast_in_dim3A_449 = vector.broadcast %jit3A_448 : i32 to vector<16xi32>
          %select_n3A_450 = arith.select %and3A_447, %broadcast_in_dim3A_449, %scan3A_285 : vector<16xi1>, vector<16xi32>
          %eq3A_451 = arith.constant 0 : i32
          %eq3A_452 = arith.cmpi eq, %reduce_sum3A_295, %eq3A_451 : i32
          %and3A_453 = arith.andi %gt3A_310, %eq3A_452 : i1
          %broadcast_in_dim3A_454 = vector.broadcast %scan3A_287 : i32 to vector<16xi32>
          %broadcast_in_dim3A_455 = vector.broadcast %scan3A_287 : i32 to vector<16xi32>
          %select_n3A_456 = arith.select %eq3A_5, %broadcast_in_dim3A_454, %broadcast_in_dim3A_455 : vector<16xi1>, vector<16xi32>
          %broadcast_in_dim3A_457 = vector.broadcast %reduce_sum3A_324 : i32 to vector<16xi32>
          %broadcast_in_dim3A_458 = vector.broadcast %reduce_sum3A_324 : i32 to vector<16xi32>
          %select_n3A_459 = arith.select %eq3A_5, %broadcast_in_dim3A_457, %broadcast_in_dim3A_458 : vector<16xi1>, vector<16xi32>
          %and3A_460 = vector.broadcast %and3A_453 : i1 to vector<16xi1>
          %and3A_461 = arith.andi %and3A_460, %eq3A_4 : vector<16xi1>
          %lt3A_462 = arith.constant 128 : i32
          %lt3A_463 = arith.cmpi slt, %scan3A_287, %lt3A_462 : i32
          %and3A_464 = vector.broadcast %lt3A_463 : i1 to vector<16xi1>
          %and3A_465 = arith.andi %and3A_461, %and3A_464 : vector<16xi1>
          tpu.vector_store_idx %arg26[%select_n3A_456], %select_n3A_459 masked %and3A_465 : memref<128xi32, #tpu.memory_space<vmem>>[vector<16xi32>], vector<16xi32>, vector<16xi1>
          %jit3A_466 = arith.constant 1 : i32
          %jit3A_467 = arith.constant 0 : i32
          %select_n3A_468 = arith.select %and3A_315, %jit3A_466, %jit3A_467 : i32
          %add3A_469 = arith.addi %scan3A_286, %select_n3A_468 : i32
          %jit3A_470 = arith.constant 1 : i32
          %jit3A_471 = arith.constant 0 : i32
          %select_n3A_472 = arith.select %and3A_453, %jit3A_470, %jit3A_471 : i32
          %add3A_473 = arith.addi %scan3A_287, %select_n3A_472 : i32
          %min3A_474 = arith.constant 127 : i32
          %min3A_475 = arith.minsi %add3A_473, %min3A_474 : i32
          scf.yield %select_n3A_450, %add3A_469, %min3A_475 : vector<16xi32>, i32, i32
        }
        %scan3A_281 = arith.constant 16 : i32
        %add3A_282 = arith.constant 1 : i32
        %add3A_283 = arith.addi %while3A_200, %add3A_282 : i32
        scf.yield %add3A_283, %scan3A_280#1, %scan3A_280#2 : i32, i32, i32
      }
      %while3A_193 = arith.constant 2147483647 : i32
      %while3A_194:4 = scf.while (%while3A_200 = %while3A_192#1, %while3A_201 = %while3A_192#2, %while3A_202 = %mul3A_42, %while3A_203 = %while3A_193) : (i32, i32, i32, i32) -> (i32, i32, i32, i32) {
        %lt3A_204 = arith.constant 100 : i32
        %lt3A_205 = arith.cmpi slt, %while3A_200, %lt3A_204 : i32
        %gt3A = arith.cmpi sgt, %while3A_202, %add3A_125 : i32
        %and3A_206 = arith.andi %lt3A_205, %gt3A : i1
        scf.condition(%and3A_206) %while3A_200, %while3A_201, %while3A_202, %while3A_203 : i32, i32, i32, i32
      } do {
      ^bb0(%while3A_200: i32, %while3A_201: i32, %while3A_202: i32, %while3A_203: i32):
        %shift_right_logical3A = arith.constant 17 : i32
        %shift_right_logical3A_204 = arith.shrui %while3A_202, %shift_right_logical3A : i32
        %add3A_205 = arith.constant 1 : i32
        %add3A_206 = arith.addi %while3A_37#4, %add3A_205 : i32
        %sub3A_207 = arith.subi %shift_right_logical3A_204, %add3A_206 : i32
        %max3A_208 = arith.constant 0 : i32
        %max3A_209 = arith.maxsi %sub3A_207, %max3A_208 : i32
        %while3A_210 = arith.constant 0 : i32
        %while3A_211 = arith.constant 0 : i32
        %while3A_212 = arith.constant -1 : i32
        %while3A_213 = arith.subi %max3A_209, %while3A_210 : i32
        %while3A_214 = arith.addi %while3A_210, %while3A_213 : i32
        %while3A_215 = arith.constant 1 : i32
        %while3A_216 = arith.divsi %while3A_213, %while3A_215 : i32
        %while3A_217 = arith.muli %while3A_216, %while3A_215 : i32
        %while3A_218 = arith.addi %while3A_210, %while3A_217 : i32
        %while3A_219 = arith.constant 1 : i32
        %while3A_220:2 = scf.for %while3A_276 = %while3A_210 to %while3A_218 step %while3A_219 iter_args(%while3A_277 = %while3A_211, %while3A_278 = %while3A_212) -> (i32, i32)  : i32 {
          %sub3A_279 = arith.constant 1 : i32
          %sub3A_280 = arith.subi %shift_right_logical3A_204, %sub3A_279 : i32
          %sub3A_281 = arith.subi %sub3A_280, %while3A_276 : i32
          %jit3A_282 = arith.constant 1 : i32
          %div3A_283 = arith.divsi %sub3A_281, %jit3A_282 : i32
          %sign3A_284 = arith.constant 0 : i32
          %sign3A_285 = arith.cmpi sgt, %sub3A_281, %sign3A_284 : i32
          %sign3A_286 = arith.extui %sign3A_285 : i1 to i32
          %sign3A_287 = arith.constant 0 : i32
          %sign3A_288 = arith.cmpi slt, %sub3A_281, %sign3A_287 : i32
          %sign3A_289 = arith.extui %sign3A_288 : i1 to i32
          %sign3A_290 = arith.subi %sign3A_286, %sign3A_289 : i32
          %sign3A_291 = arith.constant 0 : i32
          %sign3A_292 = arith.cmpi sgt, %jit3A_282, %sign3A_291 : i32
          %sign3A_293 = arith.extui %sign3A_292 : i1 to i32
          %sign3A_294 = arith.constant 0 : i32
          %sign3A_295 = arith.cmpi slt, %jit3A_282, %sign3A_294 : i32
          %sign3A_296 = arith.extui %sign3A_295 : i1 to i32
          %sign3A_297 = arith.subi %sign3A_293, %sign3A_296 : i32
          %ne3A_298 = arith.cmpi ne, %sign3A_290, %sign3A_297 : i32
          %rem3A_299 = arith.remsi %sub3A_281, %jit3A_282 : i32
          %ne3A_300 = arith.constant 0 : i32
          %ne3A_301 = arith.cmpi ne, %rem3A_299, %ne3A_300 : i32
          %and3A_302 = arith.andi %ne3A_298, %ne3A_301 : i1
          %sub3A_303 = arith.constant 1 : i32
          %sub3A_304 = arith.subi %div3A_283, %sub3A_303 : i32
          %select_n3A_305 = arith.select %and3A_302, %sub3A_304, %div3A_283 : i32
          %jit3A_306 = arith.constant 16 : i32
          %div3A_307 = arith.divsi %select_n3A_305, %jit3A_306 : i32
          %sign3A_308 = arith.constant 0 : i32
          %sign3A_309 = arith.cmpi sgt, %select_n3A_305, %sign3A_308 : i32
          %sign3A_310 = arith.extui %sign3A_309 : i1 to i32
          %sign3A_311 = arith.constant 0 : i32
          %sign3A_312 = arith.cmpi slt, %select_n3A_305, %sign3A_311 : i32
          %sign3A_313 = arith.extui %sign3A_312 : i1 to i32
          %sign3A_314 = arith.subi %sign3A_310, %sign3A_313 : i32
          %sign3A_315 = arith.constant 0 : i32
          %sign3A_316 = arith.cmpi sgt, %jit3A_306, %sign3A_315 : i32
          %sign3A_317 = arith.extui %sign3A_316 : i1 to i32
          %sign3A_318 = arith.constant 0 : i32
          %sign3A_319 = arith.cmpi slt, %jit3A_306, %sign3A_318 : i32
          %sign3A_320 = arith.extui %sign3A_319 : i1 to i32
          %sign3A_321 = arith.subi %sign3A_317, %sign3A_320 : i32
          %ne3A_322 = arith.cmpi ne, %sign3A_314, %sign3A_321 : i32
          %rem3A_323 = arith.remsi %select_n3A_305, %jit3A_306 : i32
          %ne3A_324 = arith.constant 0 : i32
          %ne3A_325 = arith.cmpi ne, %rem3A_323, %ne3A_324 : i32
          %and3A_326 = arith.andi %ne3A_322, %ne3A_325 : i1
          %sub3A_327 = arith.constant 1 : i32
          %sub3A_328 = arith.subi %div3A_307, %sub3A_327 : i32
          %select_n3A_329 = arith.select %and3A_326, %sub3A_328, %div3A_307 : i32
          %mul3A_330 = arith.constant 16 : i32
          %mul3A_331 = arith.muli %select_n3A_329, %mul3A_330 : i32
          %get3A = arith.index_cast %mul3A_331 : i32 to index
          %get3A_332 = tpu.vector_load %arg6[%get3A] {strides = array<i32>} : memref<8192xi32, #tpu.memory_space<vmem>>, vector<16xi32>,
          %jit3A_333 = arith.constant 16 : i32
          %div3A_334 = arith.divsi %select_n3A_305, %jit3A_333 : i32
          %sign3A_335 = arith.constant 0 : i32
          %sign3A_336 = arith.cmpi sgt, %select_n3A_305, %sign3A_335 : i32
          %sign3A_337 = arith.extui %sign3A_336 : i1 to i32
          %sign3A_338 = arith.constant 0 : i32
          %sign3A_339 = arith.cmpi slt, %select_n3A_305, %sign3A_338 : i32
          %sign3A_340 = arith.extui %sign3A_339 : i1 to i32
          %sign3A_341 = arith.subi %sign3A_337, %sign3A_340 : i32
          %sign3A_342 = arith.constant 0 : i32
          %sign3A_343 = arith.cmpi sgt, %jit3A_333, %sign3A_342 : i32
          %sign3A_344 = arith.extui %sign3A_343 : i1 to i32
          %sign3A_345 = arith.constant 0 : i32
          %sign3A_346 = arith.cmpi slt, %jit3A_333, %sign3A_345 : i32
          %sign3A_347 = arith.extui %sign3A_346 : i1 to i32
          %sign3A_348 = arith.subi %sign3A_344, %sign3A_347 : i32
          %ne3A_349 = arith.cmpi ne, %sign3A_341, %sign3A_348 : i32
          %rem3A_350 = arith.remsi %select_n3A_305, %jit3A_333 : i32
          %ne3A_351 = arith.constant 0 : i32
          %ne3A_352 = arith.cmpi ne, %rem3A_350, %ne3A_351 : i32
          %and3A_353 = arith.andi %ne3A_349, %ne3A_352 : i1
          %sub3A_354 = arith.constant 1 : i32
          %sub3A_355 = arith.subi %div3A_334, %sub3A_354 : i32
          %select_n3A_356 = arith.select %and3A_353, %sub3A_355, %div3A_334 : i32
          %mul3A_357 = arith.constant 16 : i32
          %mul3A_358 = arith.muli %select_n3A_356, %mul3A_357 : i32
          %sub3A_359 = arith.subi %select_n3A_305, %mul3A_358 : i32
          %eq3A_360 = vector.broadcast %sub3A_359 : i32 to vector<16xi32>
          %eq3A_361 = arith.cmpi eq, %iota3A, %eq3A_360 : vector<16xi32>
          %jit3A_362 = arith.constant 0 : i32
          %broadcast_in_dim3A = vector.broadcast %jit3A_362 : i32 to vector<16xi32>
          %select_n3A_363 = arith.select %eq3A_361, %get3A_332, %broadcast_in_dim3A : vector<16xi1>, vector<16xi32>
          %reduce_sum3A = arith.constant true
          %reduce_sum3A_364 = vector.broadcast %reduce_sum3A : i1 to vector<16xi1>
          %reduce_sum3A_365 = tpu.scan <sum>, %select_n3A_363 masked %reduce_sum3A_364 : vector<16xi32>, vector<16xi1> -> vector<16xi32>
          %reduce_sum3A_366 = vector.extract %reduce_sum3A_365[15] : i32 from vector<16xi32>
          %lt3A_367 = arith.constant 128 : i32
          %lt3A_368 = arith.cmpi slt, %while3A_277, %lt3A_367 : i32
          %add3A_369 = arith.addi %while3A_277, %reduce_sum3A_366 : i32
          %ge3A = arith.constant 128 : i32
          %ge3A_370 = arith.cmpi sge, %add3A_369, %ge3A : i32
          %and3A_371 = arith.andi %lt3A_368, %ge3A_370 : i1
          %lt3A_372 = arith.constant 0 : i32
          %lt3A_373 = arith.cmpi slt, %while3A_278, %lt3A_372 : i32
          %and3A_374 = arith.andi %and3A_371, %lt3A_373 : i1
          %select_n3A_375 = arith.select %and3A_374, %select_n3A_305, %while3A_278 : i32
          %add3A_376 = arith.addi %while3A_277, %reduce_sum3A_366 : i32
          scf.yield %add3A_376, %select_n3A_375 : i32, i32
        }
        %while3A_221 = arith.constant 1 : i32
        %while3A_222:2 = scf.for %while3A_276 = %while3A_218 to %while3A_214 step %while3A_221 iter_args(%while3A_277 = %while3A_220#0, %while3A_278 = %while3A_220#1) -> (i32, i32)  : i32 {
          %sub3A_279 = arith.constant 1 : i32
          %sub3A_280 = arith.subi %shift_right_logical3A_204, %sub3A_279 : i32
          %sub3A_281 = arith.subi %sub3A_280, %while3A_276 : i32
          %jit3A_282 = arith.constant 1 : i32
          %div3A_283 = arith.divsi %sub3A_281, %jit3A_282 : i32
          %sign3A_284 = arith.constant 0 : i32
          %sign3A_285 = arith.cmpi sgt, %sub3A_281, %sign3A_284 : i32
          %sign3A_286 = arith.extui %sign3A_285 : i1 to i32
          %sign3A_287 = arith.constant 0 : i32
          %sign3A_288 = arith.cmpi slt, %sub3A_281, %sign3A_287 : i32
          %sign3A_289 = arith.extui %sign3A_288 : i1 to i32
          %sign3A_290 = arith.subi %sign3A_286, %sign3A_289 : i32
          %sign3A_291 = arith.constant 0 : i32
          %sign3A_292 = arith.cmpi sgt, %jit3A_282, %sign3A_291 : i32
          %sign3A_293 = arith.extui %sign3A_292 : i1 to i32
          %sign3A_294 = arith.constant 0 : i32
          %sign3A_295 = arith.cmpi slt, %jit3A_282, %sign3A_294 : i32
          %sign3A_296 = arith.extui %sign3A_295 : i1 to i32
          %sign3A_297 = arith.subi %sign3A_293, %sign3A_296 : i32
          %ne3A_298 = arith.cmpi ne, %sign3A_290, %sign3A_297 : i32
          %rem3A_299 = arith.remsi %sub3A_281, %jit3A_282 : i32
          %ne3A_300 = arith.constant 0 : i32
          %ne3A_301 = arith.cmpi ne, %rem3A_299, %ne3A_300 : i32
          %and3A_302 = arith.andi %ne3A_298, %ne3A_301 : i1
          %sub3A_303 = arith.constant 1 : i32
          %sub3A_304 = arith.subi %div3A_283, %sub3A_303 : i32
          %select_n3A_305 = arith.select %and3A_302, %sub3A_304, %div3A_283 : i32
          %jit3A_306 = arith.constant 16 : i32
          %div3A_307 = arith.divsi %select_n3A_305, %jit3A_306 : i32
          %sign3A_308 = arith.constant 0 : i32
          %sign3A_309 = arith.cmpi sgt, %select_n3A_305, %sign3A_308 : i32
          %sign3A_310 = arith.extui %sign3A_309 : i1 to i32
          %sign3A_311 = arith.constant 0 : i32
          %sign3A_312 = arith.cmpi slt, %select_n3A_305, %sign3A_311 : i32
          %sign3A_313 = arith.extui %sign3A_312 : i1 to i32
          %sign3A_314 = arith.subi %sign3A_310, %sign3A_313 : i32
          %sign3A_315 = arith.constant 0 : i32
          %sign3A_316 = arith.cmpi sgt, %jit3A_306, %sign3A_315 : i32
          %sign3A_317 = arith.extui %sign3A_316 : i1 to i32
          %sign3A_318 = arith.constant 0 : i32
          %sign3A_319 = arith.cmpi slt, %jit3A_306, %sign3A_318 : i32
          %sign3A_320 = arith.extui %sign3A_319 : i1 to i32
          %sign3A_321 = arith.subi %sign3A_317, %sign3A_320 : i32
          %ne3A_322 = arith.cmpi ne, %sign3A_314, %sign3A_321 : i32
          %rem3A_323 = arith.remsi %select_n3A_305, %jit3A_306 : i32
          %ne3A_324 = arith.constant 0 : i32
          %ne3A_325 = arith.cmpi ne, %rem3A_323, %ne3A_324 : i32
          %and3A_326 = arith.andi %ne3A_322, %ne3A_325 : i1
          %sub3A_327 = arith.constant 1 : i32
          %sub3A_328 = arith.subi %div3A_307, %sub3A_327 : i32
          %select_n3A_329 = arith.select %and3A_326, %sub3A_328, %div3A_307 : i32
          %mul3A_330 = arith.constant 16 : i32
          %mul3A_331 = arith.muli %select_n3A_329, %mul3A_330 : i32
          %get3A = arith.index_cast %mul3A_331 : i32 to index
          %get3A_332 = tpu.vector_load %arg6[%get3A] {strides = array<i32>} : memref<8192xi32, #tpu.memory_space<vmem>>, vector<16xi32>,
          %jit3A_333 = arith.constant 16 : i32
          %div3A_334 = arith.divsi %select_n3A_305, %jit3A_333 : i32
          %sign3A_335 = arith.constant 0 : i32
          %sign3A_336 = arith.cmpi sgt, %select_n3A_305, %sign3A_335 : i32
          %sign3A_337 = arith.extui %sign3A_336 : i1 to i32
          %sign3A_338 = arith.constant 0 : i32
          %sign3A_339 = arith.cmpi slt, %select_n3A_305, %sign3A_338 : i32
          %sign3A_340 = arith.extui %sign3A_339 : i1 to i32
          %sign3A_341 = arith.subi %sign3A_337, %sign3A_340 : i32
          %sign3A_342 = arith.constant 0 : i32
          %sign3A_343 = arith.cmpi sgt, %jit3A_333, %sign3A_342 : i32
          %sign3A_344 = arith.extui %sign3A_343 : i1 to i32
          %sign3A_345 = arith.constant 0 : i32
          %sign3A_346 = arith.cmpi slt, %jit3A_333, %sign3A_345 : i32
          %sign3A_347 = arith.extui %sign3A_346 : i1 to i32
          %sign3A_348 = arith.subi %sign3A_344, %sign3A_347 : i32
          %ne3A_349 = arith.cmpi ne, %sign3A_341, %sign3A_348 : i32
          %rem3A_350 = arith.remsi %select_n3A_305, %jit3A_333 : i32
          %ne3A_351 = arith.constant 0 : i32
          %ne3A_352 = arith.cmpi ne, %rem3A_350, %ne3A_351 : i32
          %and3A_353 = arith.andi %ne3A_349, %ne3A_352 : i1
          %sub3A_354 = arith.constant 1 : i32
          %sub3A_355 = arith.subi %div3A_334, %sub3A_354 : i32
          %select_n3A_356 = arith.select %and3A_353, %sub3A_355, %div3A_334 : i32
          %mul3A_357 = arith.constant 16 : i32
          %mul3A_358 = arith.muli %select_n3A_356, %mul3A_357 : i32
          %sub3A_359 = arith.subi %select_n3A_305, %mul3A_358 : i32
          %eq3A_360 = vector.broadcast %sub3A_359 : i32 to vector<16xi32>
          %eq3A_361 = arith.cmpi eq, %iota3A, %eq3A_360 : vector<16xi32>
          %jit3A_362 = arith.constant 0 : i32
          %broadcast_in_dim3A = vector.broadcast %jit3A_362 : i32 to vector<16xi32>
          %select_n3A_363 = arith.select %eq3A_361, %get3A_332, %broadcast_in_dim3A : vector<16xi1>, vector<16xi32>
          %reduce_sum3A = arith.constant true
          %reduce_sum3A_364 = vector.broadcast %reduce_sum3A : i1 to vector<16xi1>
          %reduce_sum3A_365 = tpu.scan <sum>, %select_n3A_363 masked %reduce_sum3A_364 : vector<16xi32>, vector<16xi1> -> vector<16xi32>
          %reduce_sum3A_366 = vector.extract %reduce_sum3A_365[15] : i32 from vector<16xi32>
          %lt3A_367 = arith.constant 128 : i32
          %lt3A_368 = arith.cmpi slt, %while3A_277, %lt3A_367 : i32
          %add3A_369 = arith.addi %while3A_277, %reduce_sum3A_366 : i32
          %ge3A = arith.constant 128 : i32
          %ge3A_370 = arith.cmpi sge, %add3A_369, %ge3A : i32
          %and3A_371 = arith.andi %lt3A_368, %ge3A_370 : i1
          %lt3A_372 = arith.constant 0 : i32
          %lt3A_373 = arith.cmpi slt, %while3A_278, %lt3A_372 : i32
          %and3A_374 = arith.andi %and3A_371, %lt3A_373 : i1
          %select_n3A_375 = arith.select %and3A_374, %select_n3A_305, %while3A_278 : i32
          %add3A_376 = arith.addi %while3A_277, %reduce_sum3A_366 : i32
          scf.yield %add3A_376, %select_n3A_375 : i32, i32
        }
        %lt3A_223 = arith.constant 0 : i32
        %lt3A_224 = arith.cmpi slt, %while3A_222#1, %lt3A_223 : i32
        %mul3A_225 = arith.constant 131072 : i32
        %mul3A_226 = arith.muli %while3A_222#1, %mul3A_225 : i32
        %select_n3A_227 = arith.select %lt3A_224, %add3A_125, %mul3A_226 : i32
        %scan3A_228 = arith.constant 0 : i32
        %scan3A_229 = arith.constant 0 : i32
        %scan3A_230 = arith.constant 0 : i32
        %scan3A_231 = arith.constant 1422 : i32
        %scan3A_232 = arith.addi %scan3A_230, %scan3A_231 : i32
        %scan3A_233 = arith.constant 1 : i32
        %scan3A_234 = scf.for %scan3A_276 = %scan3A_230 to %scan3A_232 step %scan3A_233 iter_args(%scan3A_277 = %scan3A_229) -> (i32)  : i32 {
          %mul3A_278 = arith.constant 4 : i32
          %mul3A_279 = arith.muli %scan3A_276, %mul3A_278 : i32
          %add3A_280 = arith.constant 0 : i32
          %add3A_281 = arith.addi %mul3A_279, %add3A_280 : i32
          %mul3A_282 = arith.constant 16 : i32
          %mul3A_283 = arith.muli %add3A_281, %mul3A_282 : i32
          %get3A = arith.index_cast %mul3A_283 : i32 to index
          %get3A_284 = tpu.vector_load %arg5[%get3A] {strides = array<i32>} : memref<91008xf32, #tpu.memory_space<vmem>>, vector<16xf32>,
          %bitcast3A = vector.bitcast %get3A_284 : vector<16xf32> to vector<16xi32>
          %add3A_285 = vector.broadcast %mul3A_283 : i32 to vector<16xi32>
          %add3A_286 = arith.addi %add3A_285, %iota3A : vector<16xi32>
          %ge3A = vector.broadcast %select_n3A_227 : i32 to vector<16xi32>
          %ge3A_287 = arith.cmpi sge, %bitcast3A, %ge3A : vector<16xi32>
          %lt3A_288 = vector.broadcast %while3A_202 : i32 to vector<16xi32>
          %lt3A_289 = arith.cmpi slt, %bitcast3A, %lt3A_288 : vector<16xi32>
          %and3A_290 = arith.andi %ge3A_287, %lt3A_289 : vector<16xi1>
          %jit3A_291 = arith.constant 1 : i32
          %jit3A_292 = arith.constant 0 : i32
          %broadcast_in_dim3A = vector.broadcast %jit3A_291 : i32 to vector<16xi32>
          %broadcast_in_dim3A_293 = vector.broadcast %jit3A_292 : i32 to vector<16xi32>
          %select_n3A_294 = arith.select %and3A_290, %broadcast_in_dim3A, %broadcast_in_dim3A_293 : vector<16xi1>, vector<16xi32>
          %broadcast_in_dim3A_295 = arith.constant true
          %broadcast_in_dim3A_296 = vector.broadcast %broadcast_in_dim3A_295 : i1 to vector<16xi1>
          %masked_cumsum3A = tpu.scan <sum>, %select_n3A_294 masked %broadcast_in_dim3A_296 : vector<16xi32>, vector<16xi1> -> vector<16xi32>
          %add3A_297 = vector.broadcast %scan3A_277 : i32 to vector<16xi32>
          %add3A_298 = arith.addi %add3A_297, %masked_cumsum3A : vector<16xi32>
          %sub3A_299 = arith.constant 1 : i32
          %sub3A_300 = vector.broadcast %sub3A_299 : i32 to vector<16xi32>
          %sub3A_301 = arith.subi %add3A_298, %sub3A_300 : vector<16xi32>
          %lt3A_302 = arith.constant 2048 : i32
          %lt3A_303 = vector.broadcast %lt3A_302 : i32 to vector<16xi32>
          %lt3A_304 = arith.cmpi slt, %sub3A_301, %lt3A_303 : vector<16xi32>
          %and3A_305 = arith.andi %and3A_290, %lt3A_304 : vector<16xi1>
          tpu.vector_store_idx %arg14[%sub3A_301], %bitcast3A masked %and3A_305 : memref<2048xi32, #tpu.memory_space<vmem>>[vector<16xi32>], vector<16xi32>, vector<16xi1>
          tpu.vector_store_idx %arg15[%sub3A_301], %add3A_286 masked %and3A_305 : memref<2048xi32, #tpu.memory_space<vmem>>[vector<16xi32>], vector<16xi32>, vector<16xi1>
          %eq3A_306 = arith.constant 15 : i32
          %eq3A_307 = vector.broadcast %eq3A_306 : i32 to vector<16xi32>
          %eq3A_308 = arith.cmpi eq, %iota3A, %eq3A_307 : vector<16xi32>
          %jit3A_309 = arith.constant 0 : i32
          %broadcast_in_dim3A_310 = vector.broadcast %jit3A_309 : i32 to vector<16xi32>
          %select_n3A_311 = arith.select %eq3A_308, %masked_cumsum3A, %broadcast_in_dim3A_310 : vector<16xi1>, vector<16xi32>
          %reduce_sum3A = arith.constant true
          %reduce_sum3A_312 = vector.broadcast %reduce_sum3A : i1 to vector<16xi1>
          %reduce_sum3A_313 = tpu.scan <sum>, %select_n3A_311 masked %reduce_sum3A_312 : vector<16xi32>, vector<16xi1> -> vector<16xi32>
          %reduce_sum3A_314 = vector.extract %reduce_sum3A_313[15] : i32 from vector<16xi32>
          %add3A_315 = arith.addi %scan3A_277, %reduce_sum3A_314 : i32
          %min3A = arith.constant 2048 : i32
          %min3A_316 = arith.minsi %add3A_315, %min3A : i32
          %mul3A_317 = arith.constant 4 : i32
          %mul3A_318 = arith.muli %scan3A_276, %mul3A_317 : i32
          %add3A_319 = arith.constant 1 : i32
          %add3A_320 = arith.addi %mul3A_318, %add3A_319 : i32
          %mul3A_321 = arith.constant 16 : i32
          %mul3A_322 = arith.muli %add3A_320, %mul3A_321 : i32
          %get3A_323 = arith.index_cast %mul3A_322 : i32 to index
          %get3A_324 = tpu.vector_load %arg5[%get3A_323] {strides = array<i32>} : memref<91008xf32, #tpu.memory_space<vmem>>, vector<16xf32>,
          %bitcast3A_325 = vector.bitcast %get3A_324 : vector<16xf32> to vector<16xi32>
          %add3A_326 = vector.broadcast %mul3A_322 : i32 to vector<16xi32>
          %add3A_327 = arith.addi %add3A_326, %iota3A : vector<16xi32>
          %ge3A_328 = vector.broadcast %select_n3A_227 : i32 to vector<16xi32>
          %ge3A_329 = arith.cmpi sge, %bitcast3A_325, %ge3A_328 : vector<16xi32>
          %lt3A_330 = vector.broadcast %while3A_202 : i32 to vector<16xi32>
          %lt3A_331 = arith.cmpi slt, %bitcast3A_325, %lt3A_330 : vector<16xi32>
          %and3A_332 = arith.andi %ge3A_329, %lt3A_331 : vector<16xi1>
          %jit3A_333 = arith.constant 1 : i32
          %jit3A_334 = arith.constant 0 : i32
          %broadcast_in_dim3A_335 = vector.broadcast %jit3A_333 : i32 to vector<16xi32>
          %broadcast_in_dim3A_336 = vector.broadcast %jit3A_334 : i32 to vector<16xi32>
          %select_n3A_337 = arith.select %and3A_332, %broadcast_in_dim3A_335, %broadcast_in_dim3A_336 : vector<16xi1>, vector<16xi32>
          %broadcast_in_dim3A_338 = arith.constant true
          %broadcast_in_dim3A_339 = vector.broadcast %broadcast_in_dim3A_338 : i1 to vector<16xi1>
          %masked_cumsum3A_340 = tpu.scan <sum>, %select_n3A_337 masked %broadcast_in_dim3A_339 : vector<16xi32>, vector<16xi1> -> vector<16xi32>
          %add3A_341 = vector.broadcast %min3A_316 : i32 to vector<16xi32>
          %add3A_342 = arith.addi %add3A_341, %masked_cumsum3A_340 : vector<16xi32>
          %sub3A_343 = arith.constant 1 : i32
          %sub3A_344 = vector.broadcast %sub3A_343 : i32 to vector<16xi32>
          %sub3A_345 = arith.subi %add3A_342, %sub3A_344 : vector<16xi32>
          %lt3A_346 = arith.constant 2048 : i32
          %lt3A_347 = vector.broadcast %lt3A_346 : i32 to vector<16xi32>
          %lt3A_348 = arith.cmpi slt, %sub3A_345, %lt3A_347 : vector<16xi32>
          %and3A_349 = arith.andi %and3A_332, %lt3A_348 : vector<16xi1>
          tpu.vector_store_idx %arg14[%sub3A_345], %bitcast3A_325 masked %and3A_349 : memref<2048xi32, #tpu.memory_space<vmem>>[vector<16xi32>], vector<16xi32>, vector<16xi1>
          tpu.vector_store_idx %arg15[%sub3A_345], %add3A_327 masked %and3A_349 : memref<2048xi32, #tpu.memory_space<vmem>>[vector<16xi32>], vector<16xi32>, vector<16xi1>
          %eq3A_350 = arith.constant 15 : i32
          %eq3A_351 = vector.broadcast %eq3A_350 : i32 to vector<16xi32>
          %eq3A_352 = arith.cmpi eq, %iota3A, %eq3A_351 : vector<16xi32>
          %jit3A_353 = arith.constant 0 : i32
          %broadcast_in_dim3A_354 = vector.broadcast %jit3A_353 : i32 to vector<16xi32>
          %select_n3A_355 = arith.select %eq3A_352, %masked_cumsum3A_340, %broadcast_in_dim3A_354 : vector<16xi1>, vector<16xi32>
          %reduce_sum3A_356 = arith.constant true
          %reduce_sum3A_357 = vector.broadcast %reduce_sum3A_356 : i1 to vector<16xi1>
          %reduce_sum3A_358 = tpu.scan <sum>, %select_n3A_355 masked %reduce_sum3A_357 : vector<16xi32>, vector<16xi1> -> vector<16xi32>
          %reduce_sum3A_359 = vector.extract %reduce_sum3A_358[15] : i32 from vector<16xi32>
          %add3A_360 = arith.addi %min3A_316, %reduce_sum3A_359 : i32
          %min3A_361 = arith.constant 2048 : i32
          %min3A_362 = arith.minsi %add3A_360, %min3A_361 : i32
          %mul3A_363 = arith.constant 4 : i32
          %mul3A_364 = arith.muli %scan3A_276, %mul3A_363 : i32
          %add3A_365 = arith.constant 2 : i32
          %add3A_366 = arith.addi %mul3A_364, %add3A_365 : i32
          %mul3A_367 = arith.constant 16 : i32
          %mul3A_368 = arith.muli %add3A_366, %mul3A_367 : i32
          %get3A_369 = arith.index_cast %mul3A_368 : i32 to index
          %get3A_370 = tpu.vector_load %arg5[%get3A_369] {strides = array<i32>} : memref<91008xf32, #tpu.memory_space<vmem>>, vector<16xf32>,
          %bitcast3A_371 = vector.bitcast %get3A_370 : vector<16xf32> to vector<16xi32>
          %add3A_372 = vector.broadcast %mul3A_368 : i32 to vector<16xi32>
          %add3A_373 = arith.addi %add3A_372, %iota3A : vector<16xi32>
          %ge3A_374 = vector.broadcast %select_n3A_227 : i32 to vector<16xi32>
          %ge3A_375 = arith.cmpi sge, %bitcast3A_371, %ge3A_374 : vector<16xi32>
          %lt3A_376 = vector.broadcast %while3A_202 : i32 to vector<16xi32>
          %lt3A_377 = arith.cmpi slt, %bitcast3A_371, %lt3A_376 : vector<16xi32>
          %and3A_378 = arith.andi %ge3A_375, %lt3A_377 : vector<16xi1>
          %jit3A_379 = arith.constant 1 : i32
          %jit3A_380 = arith.constant 0 : i32
          %broadcast_in_dim3A_381 = vector.broadcast %jit3A_379 : i32 to vector<16xi32>
          %broadcast_in_dim3A_382 = vector.broadcast %jit3A_380 : i32 to vector<16xi32>
          %select_n3A_383 = arith.select %and3A_378, %broadcast_in_dim3A_381, %broadcast_in_dim3A_382 : vector<16xi1>, vector<16xi32>
          %broadcast_in_dim3A_384 = arith.constant true
          %broadcast_in_dim3A_385 = vector.broadcast %broadcast_in_dim3A_384 : i1 to vector<16xi1>
          %masked_cumsum3A_386 = tpu.scan <sum>, %select_n3A_383 masked %broadcast_in_dim3A_385 : vector<16xi32>, vector<16xi1> -> vector<16xi32>
          %add3A_387 = vector.broadcast %min3A_362 : i32 to vector<16xi32>
          %add3A_388 = arith.addi %add3A_387, %masked_cumsum3A_386 : vector<16xi32>
          %sub3A_389 = arith.constant 1 : i32
          %sub3A_390 = vector.broadcast %sub3A_389 : i32 to vector<16xi32>
          %sub3A_391 = arith.subi %add3A_388, %sub3A_390 : vector<16xi32>
          %lt3A_392 = arith.constant 2048 : i32
          %lt3A_393 = vector.broadcast %lt3A_392 : i32 to vector<16xi32>
          %lt3A_394 = arith.cmpi slt, %sub3A_391, %lt3A_393 : vector<16xi32>
          %and3A_395 = arith.andi %and3A_378, %lt3A_394 : vector<16xi1>
          tpu.vector_store_idx %arg14[%sub3A_391], %bitcast3A_371 masked %and3A_395 : memref<2048xi32, #tpu.memory_space<vmem>>[vector<16xi32>], vector<16xi32>, vector<16xi1>
          tpu.vector_store_idx %arg15[%sub3A_391], %add3A_373 masked %and3A_395 : memref<2048xi32, #tpu.memory_space<vmem>>[vector<16xi32>], vector<16xi32>, vector<16xi1>
          %eq3A_396 = arith.constant 15 : i32
          %eq3A_397 = vector.broadcast %eq3A_396 : i32 to vector<16xi32>
          %eq3A_398 = arith.cmpi eq, %iota3A, %eq3A_397 : vector<16xi32>
          %jit3A_399 = arith.constant 0 : i32
          %broadcast_in_dim3A_400 = vector.broadcast %jit3A_399 : i32 to vector<16xi32>
          %select_n3A_401 = arith.select %eq3A_398, %masked_cumsum3A_386, %broadcast_in_dim3A_400 : vector<16xi1>, vector<16xi32>
          %reduce_sum3A_402 = arith.constant true
          %reduce_sum3A_403 = vector.broadcast %reduce_sum3A_402 : i1 to vector<16xi1>
          %reduce_sum3A_404 = tpu.scan <sum>, %select_n3A_401 masked %reduce_sum3A_403 : vector<16xi32>, vector<16xi1> -> vector<16xi32>
          %reduce_sum3A_405 = vector.extract %reduce_sum3A_404[15] : i32 from vector<16xi32>
          %add3A_406 = arith.addi %min3A_362, %reduce_sum3A_405 : i32
          %min3A_407 = arith.constant 2048 : i32
          %min3A_408 = arith.minsi %add3A_406, %min3A_407 : i32
          %mul3A_409 = arith.constant 4 : i32
          %mul3A_410 = arith.muli %scan3A_276, %mul3A_409 : i32
          %add3A_411 = arith.constant 3 : i32
          %add3A_412 = arith.addi %mul3A_410, %add3A_411 : i32
          %mul3A_413 = arith.constant 16 : i32
          %mul3A_414 = arith.muli %add3A_412, %mul3A_413 : i32
          %get3A_415 = arith.index_cast %mul3A_414 : i32 to index
          %get3A_416 = tpu.vector_load %arg5[%get3A_415] {strides = array<i32>} : memref<91008xf32, #tpu.memory_space<vmem>>, vector<16xf32>,
          %bitcast3A_417 = vector.bitcast %get3A_416 : vector<16xf32> to vector<16xi32>
          %add3A_418 = vector.broadcast %mul3A_414 : i32 to vector<16xi32>
          %add3A_419 = arith.addi %add3A_418, %iota3A : vector<16xi32>
          %ge3A_420 = vector.broadcast %select_n3A_227 : i32 to vector<16xi32>
          %ge3A_421 = arith.cmpi sge, %bitcast3A_417, %ge3A_420 : vector<16xi32>
          %lt3A_422 = vector.broadcast %while3A_202 : i32 to vector<16xi32>
          %lt3A_423 = arith.cmpi slt, %bitcast3A_417, %lt3A_422 : vector<16xi32>
          %and3A_424 = arith.andi %ge3A_421, %lt3A_423 : vector<16xi1>
          %jit3A_425 = arith.constant 1 : i32
          %jit3A_426 = arith.constant 0 : i32
          %broadcast_in_dim3A_427 = vector.broadcast %jit3A_425 : i32 to vector<16xi32>
          %broadcast_in_dim3A_428 = vector.broadcast %jit3A_426 : i32 to vector<16xi32>
          %select_n3A_429 = arith.select %and3A_424, %broadcast_in_dim3A_427, %broadcast_in_dim3A_428 : vector<16xi1>, vector<16xi32>
          %broadcast_in_dim3A_430 = arith.constant true
          %broadcast_in_dim3A_431 = vector.broadcast %broadcast_in_dim3A_430 : i1 to vector<16xi1>
          %masked_cumsum3A_432 = tpu.scan <sum>, %select_n3A_429 masked %broadcast_in_dim3A_431 : vector<16xi32>, vector<16xi1> -> vector<16xi32>
          %add3A_433 = vector.broadcast %min3A_408 : i32 to vector<16xi32>
          %add3A_434 = arith.addi %add3A_433, %masked_cumsum3A_432 : vector<16xi32>
          %sub3A_435 = arith.constant 1 : i32
          %sub3A_436 = vector.broadcast %sub3A_435 : i32 to vector<16xi32>
          %sub3A_437 = arith.subi %add3A_434, %sub3A_436 : vector<16xi32>
          %lt3A_438 = arith.constant 2048 : i32
          %lt3A_439 = vector.broadcast %lt3A_438 : i32 to vector<16xi32>
          %lt3A_440 = arith.cmpi slt, %sub3A_437, %lt3A_439 : vector<16xi32>
          %and3A_441 = arith.andi %and3A_424, %lt3A_440 : vector<16xi1>
          tpu.vector_store_idx %arg14[%sub3A_437], %bitcast3A_417 masked %and3A_441 : memref<2048xi32, #tpu.memory_space<vmem>>[vector<16xi32>], vector<16xi32>, vector<16xi1>
          tpu.vector_store_idx %arg15[%sub3A_437], %add3A_419 masked %and3A_441 : memref<2048xi32, #tpu.memory_space<vmem>>[vector<16xi32>], vector<16xi32>, vector<16xi1>
          %eq3A_442 = arith.constant 15 : i32
          %eq3A_443 = vector.broadcast %eq3A_442 : i32 to vector<16xi32>
          %eq3A_444 = arith.cmpi eq, %iota3A, %eq3A_443 : vector<16xi32>
          %jit3A_445 = arith.constant 0 : i32
          %broadcast_in_dim3A_446 = vector.broadcast %jit3A_445 : i32 to vector<16xi32>
          %select_n3A_447 = arith.select %eq3A_444, %masked_cumsum3A_432, %broadcast_in_dim3A_446 : vector<16xi1>, vector<16xi32>
          %reduce_sum3A_448 = arith.constant true
          %reduce_sum3A_449 = vector.broadcast %reduce_sum3A_448 : i1 to vector<16xi1>
          %reduce_sum3A_450 = tpu.scan <sum>, %select_n3A_447 masked %reduce_sum3A_449 : vector<16xi32>, vector<16xi1> -> vector<16xi32>
          %reduce_sum3A_451 = vector.extract %reduce_sum3A_450[15] : i32 from vector<16xi32>
          %add3A_452 = arith.addi %min3A_408, %reduce_sum3A_451 : i32
          %min3A_453 = arith.constant 2048 : i32
          %min3A_454 = arith.minsi %add3A_452, %min3A_453 : i32
          scf.yield %min3A_454 : i32
        }
        %scan3A_235 = arith.constant 1422 : i32
        %while3A_236 = arith.constant 0 : i32
        %while3A_237 = arith.constant 0 : i32
        %while3A_238 = arith.subi %scan3A_234, %while3A_237 : i32
        %while3A_239 = arith.addi %while3A_237, %while3A_238 : i32
        %while3A_240 = arith.constant 1 : i32
        %while3A_241 = arith.divsi %while3A_238, %while3A_240 : i32
        %while3A_242 = arith.muli %while3A_241, %while3A_240 : i32
        %while3A_243 = arith.addi %while3A_237, %while3A_242 : i32
        %while3A_244 = arith.constant 1 : i32
        scf.for %while3A_276 = %while3A_237 to %while3A_243 step %while3A_244  : i32 {
          %jit3A_277 = arith.constant 16 : i32
          %div3A_278 = arith.divsi %while3A_276, %jit3A_277 : i32
          %sign3A_279 = arith.constant 0 : i32
          %sign3A_280 = arith.cmpi sgt, %while3A_276, %sign3A_279 : i32
          %sign3A_281 = arith.extui %sign3A_280 : i1 to i32
          %sign3A_282 = arith.constant 0 : i32
          %sign3A_283 = arith.cmpi slt, %while3A_276, %sign3A_282 : i32
          %sign3A_284 = arith.extui %sign3A_283 : i1 to i32
          %sign3A_285 = arith.subi %sign3A_281, %sign3A_284 : i32
          %sign3A_286 = arith.constant 0 : i32
          %sign3A_287 = arith.cmpi sgt, %jit3A_277, %sign3A_286 : i32
          %sign3A_288 = arith.extui %sign3A_287 : i1 to i32
          %sign3A_289 = arith.constant 0 : i32
          %sign3A_290 = arith.cmpi slt, %jit3A_277, %sign3A_289 : i32
          %sign3A_291 = arith.extui %sign3A_290 : i1 to i32
          %sign3A_292 = arith.subi %sign3A_288, %sign3A_291 : i32
          %ne3A_293 = arith.cmpi ne, %sign3A_285, %sign3A_292 : i32
          %rem3A_294 = arith.remsi %while3A_276, %jit3A_277 : i32
          %ne3A_295 = arith.constant 0 : i32
          %ne3A_296 = arith.cmpi ne, %rem3A_294, %ne3A_295 : i32
          %and3A_297 = arith.andi %ne3A_293, %ne3A_296 : i1
          %sub3A_298 = arith.constant 1 : i32
          %sub3A_299 = arith.subi %div3A_278, %sub3A_298 : i32
          %select_n3A_300 = arith.select %and3A_297, %sub3A_299, %div3A_278 : i32
          %mul3A_301 = arith.constant 16 : i32
          %mul3A_302 = arith.muli %select_n3A_300, %mul3A_301 : i32
          %get3A = arith.index_cast %mul3A_302 : i32 to index
          %get3A_303 = tpu.vector_load %arg14[%get3A] {strides = array<i32>} : memref<2048xi32, #tpu.memory_space<vmem>>, vector<16xi32>,
          %sub3A_304 = arith.subi %while3A_276, %mul3A_302 : i32
          %eq3A_305 = vector.broadcast %sub3A_304 : i32 to vector<16xi32>
          %eq3A_306 = arith.cmpi eq, %iota3A, %eq3A_305 : vector<16xi32>
          %jit3A_307 = arith.constant 0 : i32
          %broadcast_in_dim3A = vector.broadcast %jit3A_307 : i32 to vector<16xi32>
          %select_n3A_308 = arith.select %eq3A_306, %get3A_303, %broadcast_in_dim3A : vector<16xi1>, vector<16xi32>
          %reduce_sum3A = arith.constant true
          %reduce_sum3A_309 = vector.broadcast %reduce_sum3A : i1 to vector<16xi1>
          %reduce_sum3A_310 = tpu.scan <sum>, %select_n3A_308 masked %reduce_sum3A_309 : vector<16xi32>, vector<16xi1> -> vector<16xi32>
          %reduce_sum3A_311 = vector.extract %reduce_sum3A_310[15] : i32 from vector<16xi32>
          %add3A_312 = arith.constant 16 : i32
          %add3A_313 = arith.addi %scan3A_234, %add3A_312 : i32
          %sub3A_314 = arith.constant 1 : i32
          %sub3A_315 = arith.subi %add3A_313, %sub3A_314 : i32
          %jit3A_316 = arith.constant 16 : i32
          %div3A_317 = arith.divsi %sub3A_315, %jit3A_316 : i32
          %sign3A_318 = arith.constant 0 : i32
          %sign3A_319 = arith.cmpi sgt, %sub3A_315, %sign3A_318 : i32
          %sign3A_320 = arith.extui %sign3A_319 : i1 to i32
          %sign3A_321 = arith.constant 0 : i32
          %sign3A_322 = arith.cmpi slt, %sub3A_315, %sign3A_321 : i32
          %sign3A_323 = arith.extui %sign3A_322 : i1 to i32
          %sign3A_324 = arith.subi %sign3A_320, %sign3A_323 : i32
          %sign3A_325 = arith.constant 0 : i32
          %sign3A_326 = arith.cmpi sgt, %jit3A_316, %sign3A_325 : i32
          %sign3A_327 = arith.extui %sign3A_326 : i1 to i32
          %sign3A_328 = arith.constant 0 : i32
          %sign3A_329 = arith.cmpi slt, %jit3A_316, %sign3A_328 : i32
          %sign3A_330 = arith.extui %sign3A_329 : i1 to i32
          %sign3A_331 = arith.subi %sign3A_327, %sign3A_330 : i32
          %ne3A_332 = arith.cmpi ne, %sign3A_324, %sign3A_331 : i32
          %rem3A_333 = arith.remsi %sub3A_315, %jit3A_316 : i32
          %ne3A_334 = arith.constant 0 : i32
          %ne3A_335 = arith.cmpi ne, %rem3A_333, %ne3A_334 : i32
          %and3A_336 = arith.andi %ne3A_332, %ne3A_335 : i1
          %sub3A_337 = arith.constant 1 : i32
          %sub3A_338 = arith.subi %div3A_317, %sub3A_337 : i32
          %select_n3A_339 = arith.select %and3A_336, %sub3A_338, %div3A_317 : i32
          %while3A_340 = arith.constant 0 : i32
          %while3A_341 = arith.subi %select_n3A_339, %while3A_340 : i32
          %while3A_342 = arith.addi %while3A_340, %while3A_341 : i32
          %while3A_343 = arith.constant 1 : i32
          %while3A_344 = arith.divsi %while3A_341, %while3A_343 : i32
          %while3A_345 = arith.muli %while3A_344, %while3A_343 : i32
          %while3A_346 = arith.addi %while3A_340, %while3A_345 : i32
          %while3A_347 = arith.constant 1 : i32
          %while3A_348 = scf.for %while3A_379 = %while3A_340 to %while3A_346 step %while3A_347 iter_args(%while3A_380 = %mul3A_8) -> (vector<16xi32>)  : i32 {
            %mul3A_381 = arith.constant 16 : i32
            %mul3A_382 = arith.muli %while3A_379, %mul3A_381 : i32
            %get3A_383 = arith.index_cast %mul3A_382 : i32 to index
            %get3A_384 = tpu.vector_load %arg14[%get3A_383] {strides = array<i32>} : memref<2048xi32, #tpu.memory_space<vmem>>, vector<16xi32>,
            %mul3A_385 = arith.constant 16 : i32
            %mul3A_386 = arith.muli %while3A_379, %mul3A_385 : i32
            %add3A_387 = vector.broadcast %mul3A_386 : i32 to vector<16xi32>
            %add3A_388 = arith.addi %add3A_387, %iota3A : vector<16xi32>
            %gt3A = vector.broadcast %reduce_sum3A_311 : i32 to vector<16xi32>
            %gt3A_389 = arith.cmpi sgt, %get3A_384, %gt3A : vector<16xi32>
            %eq3A_390 = vector.broadcast %reduce_sum3A_311 : i32 to vector<16xi32>
            %eq3A_391 = arith.cmpi eq, %get3A_384, %eq3A_390 : vector<16xi32>
            %lt3A_392 = vector.broadcast %while3A_276 : i32 to vector<16xi32>
            %lt3A_393 = arith.cmpi slt, %add3A_388, %lt3A_392 : vector<16xi32>
            %and3A_394 = arith.andi %eq3A_391, %lt3A_393 : vector<16xi1>
            %or3A = arith.ori %gt3A_389, %and3A_394 : vector<16xi1>
            %lt3A_395 = vector.broadcast %scan3A_234 : i32 to vector<16xi32>
            %lt3A_396 = arith.cmpi slt, %add3A_388, %lt3A_395 : vector<16xi32>
            %and3A_397 = arith.andi %or3A, %lt3A_396 : vector<16xi1>
            %jit3A_398 = arith.constant 1 : i32
            %jit3A_399 = arith.constant 0 : i32
            %broadcast_in_dim3A_400 = vector.broadcast %jit3A_398 : i32 to vector<16xi32>
            %broadcast_in_dim3A_401 = vector.broadcast %jit3A_399 : i32 to vector<16xi32>
            %select_n3A_402 = arith.select %and3A_397, %broadcast_in_dim3A_400, %broadcast_in_dim3A_401 : vector<16xi1>, vector<16xi32>
            %add3A_403 = arith.addi %while3A_380, %select_n3A_402 : vector<16xi32>
            scf.yield %add3A_403 : vector<16xi32>
          }
          %while3A_349 = arith.constant 1 : i32
          %while3A_350 = scf.for %while3A_379 = %while3A_346 to %while3A_342 step %while3A_349 iter_args(%while3A_380 = %while3A_348) -> (vector<16xi32>)  : i32 {
            %mul3A_381 = arith.constant 16 : i32
            %mul3A_382 = arith.muli %while3A_379, %mul3A_381 : i32
            %get3A_383 = arith.index_cast %mul3A_382 : i32 to index
            %get3A_384 = tpu.vector_load %arg14[%get3A_383] {strides = array<i32>} : memref<2048xi32, #tpu.memory_space<vmem>>, vector<16xi32>,
            %mul3A_385 = arith.constant 16 : i32
            %mul3A_386 = arith.muli %while3A_379, %mul3A_385 : i32
            %add3A_387 = vector.broadcast %mul3A_386 : i32 to vector<16xi32>
            %add3A_388 = arith.addi %add3A_387, %iota3A : vector<16xi32>
            %gt3A = vector.broadcast %reduce_sum3A_311 : i32 to vector<16xi32>
            %gt3A_389 = arith.cmpi sgt, %get3A_384, %gt3A : vector<16xi32>
            %eq3A_390 = vector.broadcast %reduce_sum3A_311 : i32 to vector<16xi32>
            %eq3A_391 = arith.cmpi eq, %get3A_384, %eq3A_390 : vector<16xi32>
            %lt3A_392 = vector.broadcast %while3A_276 : i32 to vector<16xi32>
            %lt3A_393 = arith.cmpi slt, %add3A_388, %lt3A_392 : vector<16xi32>
            %and3A_394 = arith.andi %eq3A_391, %lt3A_393 : vector<16xi1>
            %or3A = arith.ori %gt3A_389, %and3A_394 : vector<16xi1>
            %lt3A_395 = vector.broadcast %scan3A_234 : i32 to vector<16xi32>
            %lt3A_396 = arith.cmpi slt, %add3A_388, %lt3A_395 : vector<16xi32>
            %and3A_397 = arith.andi %or3A, %lt3A_396 : vector<16xi1>
            %jit3A_398 = arith.constant 1 : i32
            %jit3A_399 = arith.constant 0 : i32
            %broadcast_in_dim3A_400 = vector.broadcast %jit3A_398 : i32 to vector<16xi32>
            %broadcast_in_dim3A_401 = vector.broadcast %jit3A_399 : i32 to vector<16xi32>
            %select_n3A_402 = arith.select %and3A_397, %broadcast_in_dim3A_400, %broadcast_in_dim3A_401 : vector<16xi1>, vector<16xi32>
            %add3A_403 = arith.addi %while3A_380, %select_n3A_402 : vector<16xi32>
            scf.yield %add3A_403 : vector<16xi32>
          }
          %reduce_sum3A_351 = arith.constant true
          %reduce_sum3A_352 = vector.broadcast %reduce_sum3A_351 : i1 to vector<16xi1>
          %reduce_sum3A_353 = tpu.scan <sum>, %while3A_350 masked %reduce_sum3A_352 : vector<16xi32>, vector<16xi1> -> vector<16xi32>
          %reduce_sum3A_354 = vector.extract %reduce_sum3A_353[15] : i32 from vector<16xi32>
          %broadcast_in_dim3A_355 = vector.broadcast %reduce_sum3A_354 : i32 to vector<16xi32>
          %broadcast_in_dim3A_356 = vector.broadcast %reduce_sum3A_354 : i32 to vector<16xi32>
          %select_n3A_357 = arith.select %eq3A_5, %broadcast_in_dim3A_355, %broadcast_in_dim3A_356 : vector<16xi1>, vector<16xi32>
          %broadcast_in_dim3A_358 = vector.broadcast %reduce_sum3A_311 : i32 to vector<16xi32>
          %broadcast_in_dim3A_359 = vector.broadcast %reduce_sum3A_311 : i32 to vector<16xi32>
          %select_n3A_360 = arith.select %eq3A_5, %broadcast_in_dim3A_358, %broadcast_in_dim3A_359 : vector<16xi1>, vector<16xi32>
          tpu.vector_store_idx %arg16[%select_n3A_357], %select_n3A_360 masked %eq3A_4 : memref<2048xi32, #tpu.memory_space<vmem>>[vector<16xi32>], vector<16xi32>, vector<16xi1>
          %broadcast_in_dim3A_361 = vector.broadcast %reduce_sum3A_354 : i32 to vector<16xi32>
          %broadcast_in_dim3A_362 = vector.broadcast %reduce_sum3A_354 : i32 to vector<16xi32>
          %select_n3A_363 = arith.select %eq3A_5, %broadcast_in_dim3A_361, %broadcast_in_dim3A_362 : vector<16xi1>, vector<16xi32>
          %get3A_364 = arith.index_cast %mul3A_302 : i32 to index
          %get3A_365 = tpu.vector_load %arg15[%get3A_364] {strides = array<i32>} : memref<2048xi32, #tpu.memory_space<vmem>>, vector<16xi32>,
          %sub3A_366 = arith.subi %while3A_276, %mul3A_302 : i32
          %eq3A_367 = vector.broadcast %sub3A_366 : i32 to vector<16xi32>
          %eq3A_368 = arith.cmpi eq, %iota3A, %eq3A_367 : vector<16xi32>
          %jit3A_369 = arith.constant 0 : i32
          %broadcast_in_dim3A_370 = vector.broadcast %jit3A_369 : i32 to vector<16xi32>
          %select_n3A_371 = arith.select %eq3A_368, %get3A_365, %broadcast_in_dim3A_370 : vector<16xi1>, vector<16xi32>
          %reduce_sum3A_372 = arith.constant true
          %reduce_sum3A_373 = vector.broadcast %reduce_sum3A_372 : i1 to vector<16xi1>
          %reduce_sum3A_374 = tpu.scan <sum>, %select_n3A_371 masked %reduce_sum3A_373 : vector<16xi32>, vector<16xi1> -> vector<16xi32>
          %reduce_sum3A_375 = vector.extract %reduce_sum3A_374[15] : i32 from vector<16xi32>
          %broadcast_in_dim3A_376 = vector.broadcast %reduce_sum3A_375 : i32 to vector<16xi32>
          %broadcast_in_dim3A_377 = vector.broadcast %reduce_sum3A_375 : i32 to vector<16xi32>
          %select_n3A_378 = arith.select %eq3A_5, %broadcast_in_dim3A_376, %broadcast_in_dim3A_377 : vector<16xi1>, vector<16xi32>
          tpu.vector_store_idx %arg17[%select_n3A_363], %select_n3A_378 masked %eq3A_4 : memref<2048xi32, #tpu.memory_space<vmem>>[vector<16xi32>], vector<16xi32>, vector<16xi1>
        }
        %while3A_245 = arith.constant 1 : i32
        scf.for %while3A_276 = %while3A_243 to %while3A_239 step %while3A_245  : i32 {
          %jit3A_277 = arith.constant 16 : i32
          %div3A_278 = arith.divsi %while3A_276, %jit3A_277 : i32
          %sign3A_279 = arith.constant 0 : i32
          %sign3A_280 = arith.cmpi sgt, %while3A_276, %sign3A_279 : i32
          %sign3A_281 = arith.extui %sign3A_280 : i1 to i32
          %sign3A_282 = arith.constant 0 : i32
          %sign3A_283 = arith.cmpi slt, %while3A_276, %sign3A_282 : i32
          %sign3A_284 = arith.extui %sign3A_283 : i1 to i32
          %sign3A_285 = arith.subi %sign3A_281, %sign3A_284 : i32
          %sign3A_286 = arith.constant 0 : i32
          %sign3A_287 = arith.cmpi sgt, %jit3A_277, %sign3A_286 : i32
          %sign3A_288 = arith.extui %sign3A_287 : i1 to i32
          %sign3A_289 = arith.constant 0 : i32
          %sign3A_290 = arith.cmpi slt, %jit3A_277, %sign3A_289 : i32
          %sign3A_291 = arith.extui %sign3A_290 : i1 to i32
          %sign3A_292 = arith.subi %sign3A_288, %sign3A_291 : i32
          %ne3A_293 = arith.cmpi ne, %sign3A_285, %sign3A_292 : i32
          %rem3A_294 = arith.remsi %while3A_276, %jit3A_277 : i32
          %ne3A_295 = arith.constant 0 : i32
          %ne3A_296 = arith.cmpi ne, %rem3A_294, %ne3A_295 : i32
          %and3A_297 = arith.andi %ne3A_293, %ne3A_296 : i1
          %sub3A_298 = arith.constant 1 : i32
          %sub3A_299 = arith.subi %div3A_278, %sub3A_298 : i32
          %select_n3A_300 = arith.select %and3A_297, %sub3A_299, %div3A_278 : i32
          %mul3A_301 = arith.constant 16 : i32
          %mul3A_302 = arith.muli %select_n3A_300, %mul3A_301 : i32
          %get3A = arith.index_cast %mul3A_302 : i32 to index
          %get3A_303 = tpu.vector_load %arg14[%get3A] {strides = array<i32>} : memref<2048xi32, #tpu.memory_space<vmem>>, vector<16xi32>,
          %sub3A_304 = arith.subi %while3A_276, %mul3A_302 : i32
          %eq3A_305 = vector.broadcast %sub3A_304 : i32 to vector<16xi32>
          %eq3A_306 = arith.cmpi eq, %iota3A, %eq3A_305 : vector<16xi32>
          %jit3A_307 = arith.constant 0 : i32
          %broadcast_in_dim3A = vector.broadcast %jit3A_307 : i32 to vector<16xi32>
          %select_n3A_308 = arith.select %eq3A_306, %get3A_303, %broadcast_in_dim3A : vector<16xi1>, vector<16xi32>
          %reduce_sum3A = arith.constant true
          %reduce_sum3A_309 = vector.broadcast %reduce_sum3A : i1 to vector<16xi1>
          %reduce_sum3A_310 = tpu.scan <sum>, %select_n3A_308 masked %reduce_sum3A_309 : vector<16xi32>, vector<16xi1> -> vector<16xi32>
          %reduce_sum3A_311 = vector.extract %reduce_sum3A_310[15] : i32 from vector<16xi32>
          %add3A_312 = arith.constant 16 : i32
          %add3A_313 = arith.addi %scan3A_234, %add3A_312 : i32
          %sub3A_314 = arith.constant 1 : i32
          %sub3A_315 = arith.subi %add3A_313, %sub3A_314 : i32
          %jit3A_316 = arith.constant 16 : i32
          %div3A_317 = arith.divsi %sub3A_315, %jit3A_316 : i32
          %sign3A_318 = arith.constant 0 : i32
          %sign3A_319 = arith.cmpi sgt, %sub3A_315, %sign3A_318 : i32
          %sign3A_320 = arith.extui %sign3A_319 : i1 to i32
          %sign3A_321 = arith.constant 0 : i32
          %sign3A_322 = arith.cmpi slt, %sub3A_315, %sign3A_321 : i32
          %sign3A_323 = arith.extui %sign3A_322 : i1 to i32
          %sign3A_324 = arith.subi %sign3A_320, %sign3A_323 : i32
          %sign3A_325 = arith.constant 0 : i32
          %sign3A_326 = arith.cmpi sgt, %jit3A_316, %sign3A_325 : i32
          %sign3A_327 = arith.extui %sign3A_326 : i1 to i32
          %sign3A_328 = arith.constant 0 : i32
          %sign3A_329 = arith.cmpi slt, %jit3A_316, %sign3A_328 : i32
          %sign3A_330 = arith.extui %sign3A_329 : i1 to i32
          %sign3A_331 = arith.subi %sign3A_327, %sign3A_330 : i32
          %ne3A_332 = arith.cmpi ne, %sign3A_324, %sign3A_331 : i32
          %rem3A_333 = arith.remsi %sub3A_315, %jit3A_316 : i32
          %ne3A_334 = arith.constant 0 : i32
          %ne3A_335 = arith.cmpi ne, %rem3A_333, %ne3A_334 : i32
          %and3A_336 = arith.andi %ne3A_332, %ne3A_335 : i1
          %sub3A_337 = arith.constant 1 : i32
          %sub3A_338 = arith.subi %div3A_317, %sub3A_337 : i32
          %select_n3A_339 = arith.select %and3A_336, %sub3A_338, %div3A_317 : i32
          %while3A_340 = arith.constant 0 : i32
          %while3A_341 = arith.subi %select_n3A_339, %while3A_340 : i32
          %while3A_342 = arith.addi %while3A_340, %while3A_341 : i32
          %while3A_343 = arith.constant 1 : i32
          %while3A_344 = arith.divsi %while3A_341, %while3A_343 : i32
          %while3A_345 = arith.muli %while3A_344, %while3A_343 : i32
          %while3A_346 = arith.addi %while3A_340, %while3A_345 : i32
          %while3A_347 = arith.constant 1 : i32
          %while3A_348 = scf.for %while3A_379 = %while3A_340 to %while3A_346 step %while3A_347 iter_args(%while3A_380 = %mul3A_8) -> (vector<16xi32>)  : i32 {
            %mul3A_381 = arith.constant 16 : i32
            %mul3A_382 = arith.muli %while3A_379, %mul3A_381 : i32
            %get3A_383 = arith.index_cast %mul3A_382 : i32 to index
            %get3A_384 = tpu.vector_load %arg14[%get3A_383] {strides = array<i32>} : memref<2048xi32, #tpu.memory_space<vmem>>, vector<16xi32>,
            %mul3A_385 = arith.constant 16 : i32
            %mul3A_386 = arith.muli %while3A_379, %mul3A_385 : i32
            %add3A_387 = vector.broadcast %mul3A_386 : i32 to vector<16xi32>
            %add3A_388 = arith.addi %add3A_387, %iota3A : vector<16xi32>
            %gt3A = vector.broadcast %reduce_sum3A_311 : i32 to vector<16xi32>
            %gt3A_389 = arith.cmpi sgt, %get3A_384, %gt3A : vector<16xi32>
            %eq3A_390 = vector.broadcast %reduce_sum3A_311 : i32 to vector<16xi32>
            %eq3A_391 = arith.cmpi eq, %get3A_384, %eq3A_390 : vector<16xi32>
            %lt3A_392 = vector.broadcast %while3A_276 : i32 to vector<16xi32>
            %lt3A_393 = arith.cmpi slt, %add3A_388, %lt3A_392 : vector<16xi32>
            %and3A_394 = arith.andi %eq3A_391, %lt3A_393 : vector<16xi1>
            %or3A = arith.ori %gt3A_389, %and3A_394 : vector<16xi1>
            %lt3A_395 = vector.broadcast %scan3A_234 : i32 to vector<16xi32>
            %lt3A_396 = arith.cmpi slt, %add3A_388, %lt3A_395 : vector<16xi32>
            %and3A_397 = arith.andi %or3A, %lt3A_396 : vector<16xi1>
            %jit3A_398 = arith.constant 1 : i32
            %jit3A_399 = arith.constant 0 : i32
            %broadcast_in_dim3A_400 = vector.broadcast %jit3A_398 : i32 to vector<16xi32>
            %broadcast_in_dim3A_401 = vector.broadcast %jit3A_399 : i32 to vector<16xi32>
            %select_n3A_402 = arith.select %and3A_397, %broadcast_in_dim3A_400, %broadcast_in_dim3A_401 : vector<16xi1>, vector<16xi32>
            %add3A_403 = arith.addi %while3A_380, %select_n3A_402 : vector<16xi32>
            scf.yield %add3A_403 : vector<16xi32>
          }
          %while3A_349 = arith.constant 1 : i32
          %while3A_350 = scf.for %while3A_379 = %while3A_346 to %while3A_342 step %while3A_349 iter_args(%while3A_380 = %while3A_348) -> (vector<16xi32>)  : i32 {
            %mul3A_381 = arith.constant 16 : i32
            %mul3A_382 = arith.muli %while3A_379, %mul3A_381 : i32
            %get3A_383 = arith.index_cast %mul3A_382 : i32 to index
            %get3A_384 = tpu.vector_load %arg14[%get3A_383] {strides = array<i32>} : memref<2048xi32, #tpu.memory_space<vmem>>, vector<16xi32>,
            %mul3A_385 = arith.constant 16 : i32
            %mul3A_386 = arith.muli %while3A_379, %mul3A_385 : i32
            %add3A_387 = vector.broadcast %mul3A_386 : i32 to vector<16xi32>
            %add3A_388 = arith.addi %add3A_387, %iota3A : vector<16xi32>
            %gt3A = vector.broadcast %reduce_sum3A_311 : i32 to vector<16xi32>
            %gt3A_389 = arith.cmpi sgt, %get3A_384, %gt3A : vector<16xi32>
            %eq3A_390 = vector.broadcast %reduce_sum3A_311 : i32 to vector<16xi32>
            %eq3A_391 = arith.cmpi eq, %get3A_384, %eq3A_390 : vector<16xi32>
            %lt3A_392 = vector.broadcast %while3A_276 : i32 to vector<16xi32>
            %lt3A_393 = arith.cmpi slt, %add3A_388, %lt3A_392 : vector<16xi32>
            %and3A_394 = arith.andi %eq3A_391, %lt3A_393 : vector<16xi1>
            %or3A = arith.ori %gt3A_389, %and3A_394 : vector<16xi1>
            %lt3A_395 = vector.broadcast %scan3A_234 : i32 to vector<16xi32>
            %lt3A_396 = arith.cmpi slt, %add3A_388, %lt3A_395 : vector<16xi32>
            %and3A_397 = arith.andi %or3A, %lt3A_396 : vector<16xi1>
            %jit3A_398 = arith.constant 1 : i32
            %jit3A_399 = arith.constant 0 : i32
            %broadcast_in_dim3A_400 = vector.broadcast %jit3A_398 : i32 to vector<16xi32>
            %broadcast_in_dim3A_401 = vector.broadcast %jit3A_399 : i32 to vector<16xi32>
            %select_n3A_402 = arith.select %and3A_397, %broadcast_in_dim3A_400, %broadcast_in_dim3A_401 : vector<16xi1>, vector<16xi32>
            %add3A_403 = arith.addi %while3A_380, %select_n3A_402 : vector<16xi32>
            scf.yield %add3A_403 : vector<16xi32>
          }
          %reduce_sum3A_351 = arith.constant true
          %reduce_sum3A_352 = vector.broadcast %reduce_sum3A_351 : i1 to vector<16xi1>
          %reduce_sum3A_353 = tpu.scan <sum>, %while3A_350 masked %reduce_sum3A_352 : vector<16xi32>, vector<16xi1> -> vector<16xi32>
          %reduce_sum3A_354 = vector.extract %reduce_sum3A_353[15] : i32 from vector<16xi32>
          %broadcast_in_dim3A_355 = vector.broadcast %reduce_sum3A_354 : i32 to vector<16xi32>
          %broadcast_in_dim3A_356 = vector.broadcast %reduce_sum3A_354 : i32 to vector<16xi32>
          %select_n3A_357 = arith.select %eq3A_5, %broadcast_in_dim3A_355, %broadcast_in_dim3A_356 : vector<16xi1>, vector<16xi32>
          %broadcast_in_dim3A_358 = vector.broadcast %reduce_sum3A_311 : i32 to vector<16xi32>
          %broadcast_in_dim3A_359 = vector.broadcast %reduce_sum3A_311 : i32 to vector<16xi32>
          %select_n3A_360 = arith.select %eq3A_5, %broadcast_in_dim3A_358, %broadcast_in_dim3A_359 : vector<16xi1>, vector<16xi32>
          tpu.vector_store_idx %arg16[%select_n3A_357], %select_n3A_360 masked %eq3A_4 : memref<2048xi32, #tpu.memory_space<vmem>>[vector<16xi32>], vector<16xi32>, vector<16xi1>
          %broadcast_in_dim3A_361 = vector.broadcast %reduce_sum3A_354 : i32 to vector<16xi32>
          %broadcast_in_dim3A_362 = vector.broadcast %reduce_sum3A_354 : i32 to vector<16xi32>
          %select_n3A_363 = arith.select %eq3A_5, %broadcast_in_dim3A_361, %broadcast_in_dim3A_362 : vector<16xi1>, vector<16xi32>
          %get3A_364 = arith.index_cast %mul3A_302 : i32 to index
          %get3A_365 = tpu.vector_load %arg15[%get3A_364] {strides = array<i32>} : memref<2048xi32, #tpu.memory_space<vmem>>, vector<16xi32>,
          %sub3A_366 = arith.subi %while3A_276, %mul3A_302 : i32
          %eq3A_367 = vector.broadcast %sub3A_366 : i32 to vector<16xi32>
          %eq3A_368 = arith.cmpi eq, %iota3A, %eq3A_367 : vector<16xi32>
          %jit3A_369 = arith.constant 0 : i32
          %broadcast_in_dim3A_370 = vector.broadcast %jit3A_369 : i32 to vector<16xi32>
          %select_n3A_371 = arith.select %eq3A_368, %get3A_365, %broadcast_in_dim3A_370 : vector<16xi1>, vector<16xi32>
          %reduce_sum3A_372 = arith.constant true
          %reduce_sum3A_373 = vector.broadcast %reduce_sum3A_372 : i1 to vector<16xi1>
          %reduce_sum3A_374 = tpu.scan <sum>, %select_n3A_371 masked %reduce_sum3A_373 : vector<16xi32>, vector<16xi1> -> vector<16xi32>
          %reduce_sum3A_375 = vector.extract %reduce_sum3A_374[15] : i32 from vector<16xi32>
          %broadcast_in_dim3A_376 = vector.broadcast %reduce_sum3A_375 : i32 to vector<16xi32>
          %broadcast_in_dim3A_377 = vector.broadcast %reduce_sum3A_375 : i32 to vector<16xi32>
          %select_n3A_378 = arith.select %eq3A_5, %broadcast_in_dim3A_376, %broadcast_in_dim3A_377 : vector<16xi1>, vector<16xi32>
          tpu.vector_store_idx %arg17[%select_n3A_363], %select_n3A_378 masked %eq3A_4 : memref<2048xi32, #tpu.memory_space<vmem>>[vector<16xi32>], vector<16xi32>, vector<16xi1>
        }
        %add3A_246 = arith.constant 16 : i32
        %add3A_247 = arith.addi %scan3A_234, %add3A_246 : i32
        %sub3A_248 = arith.constant 1 : i32
        %sub3A_249 = arith.subi %add3A_247, %sub3A_248 : i32
        %jit3A_250 = arith.constant 16 : i32
        %div3A_251 = arith.divsi %sub3A_249, %jit3A_250 : i32
        %sign3A_252 = arith.constant 0 : i32
        %sign3A_253 = arith.cmpi sgt, %sub3A_249, %sign3A_252 : i32
        %sign3A_254 = arith.extui %sign3A_253 : i1 to i32
        %sign3A_255 = arith.constant 0 : i32
        %sign3A_256 = arith.cmpi slt, %sub3A_249, %sign3A_255 : i32
        %sign3A_257 = arith.extui %sign3A_256 : i1 to i32
        %sign3A_258 = arith.subi %sign3A_254, %sign3A_257 : i32
        %sign3A_259 = arith.constant 0 : i32
        %sign3A_260 = arith.cmpi sgt, %jit3A_250, %sign3A_259 : i32
        %sign3A_261 = arith.extui %sign3A_260 : i1 to i32
        %sign3A_262 = arith.constant 0 : i32
        %sign3A_263 = arith.cmpi slt, %jit3A_250, %sign3A_262 : i32
        %sign3A_264 = arith.extui %sign3A_263 : i1 to i32
        %sign3A_265 = arith.subi %sign3A_261, %sign3A_264 : i32
        %ne3A_266 = arith.cmpi ne, %sign3A_258, %sign3A_265 : i32
        %rem3A_267 = arith.remsi %sub3A_249, %jit3A_250 : i32
        %ne3A_268 = arith.constant 0 : i32
        %ne3A_269 = arith.cmpi ne, %rem3A_267, %ne3A_268 : i32
        %and3A_270 = arith.andi %ne3A_266, %ne3A_269 : i1
        %sub3A_271 = arith.constant 1 : i32
        %sub3A_272 = arith.subi %div3A_251, %sub3A_271 : i32
        %select_n3A_273 = arith.select %and3A_270, %sub3A_272, %div3A_251 : i32
        %while3A_274 = arith.constant 0 : i32
        %while3A_275:3 = scf.while (%while3A_276 = %while3A_274, %while3A_277 = %while3A_200, %while3A_278 = %while3A_201) : (i32, i32, i32) -> (i32, i32, i32) {
          %lt3A_279 = arith.cmpi slt, %while3A_276, %select_n3A_273 : i32
          %lt3A_280 = arith.constant 100 : i32
          %lt3A_281 = arith.cmpi slt, %while3A_277, %lt3A_280 : i32
          %and3A_282 = arith.andi %lt3A_279, %lt3A_281 : i1
          scf.condition(%and3A_282) %while3A_276, %while3A_277, %while3A_278 : i32, i32, i32
        } do {
        ^bb0(%while3A_276: i32, %while3A_277: i32, %while3A_278: i32):
          %mul3A_279 = arith.constant 16 : i32
          %mul3A_280 = arith.muli %while3A_276, %mul3A_279 : i32
          %add3A_281 = vector.broadcast %mul3A_280 : i32 to vector<16xi32>
          %add3A_282 = arith.addi %add3A_281, %iota3A : vector<16xi32>
          %lt3A_283 = vector.broadcast %scan3A_234 : i32 to vector<16xi32>
          %lt3A_284 = arith.cmpi slt, %add3A_282, %lt3A_283 : vector<16xi32>
          %get3A = arith.index_cast %mul3A_280 : i32 to index
          %get3A_285 = tpu.vector_load %arg17[%get3A] {strides = array<i32>} : memref<2048xi32, #tpu.memory_space<vmem>>, vector<16xi32>,
          %jit3A_286 = arith.constant 0 : i32
          %broadcast_in_dim3A = vector.broadcast %jit3A_286 : i32 to vector<16xi32>
          %select_n3A_287 = arith.select %lt3A_284, %get3A_285, %broadcast_in_dim3A : vector<16xi1>, vector<16xi32>
          %jit3A_288 = arith.constant 91 : i32
          %div3A_289 = vector.broadcast %jit3A_288 : i32 to vector<16xi32>
          %div3A_290 = arith.divsi %select_n3A_287, %div3A_289 : vector<16xi32>
          %sign3A_291 = arith.constant 0 : i32
          %sign3A_292 = vector.broadcast %sign3A_291 : i32 to vector<16xi32>
          %sign3A_293 = arith.cmpi sgt, %select_n3A_287, %sign3A_292 : vector<16xi32>
          %sign3A_294 = arith.extui %sign3A_293 : vector<16xi1> to vector<16xi32>
          %sign3A_295 = arith.constant 0 : i32
          %sign3A_296 = vector.broadcast %sign3A_295 : i32 to vector<16xi32>
          %sign3A_297 = arith.cmpi slt, %select_n3A_287, %sign3A_296 : vector<16xi32>
          %sign3A_298 = arith.extui %sign3A_297 : vector<16xi1> to vector<16xi32>
          %sign3A_299 = arith.subi %sign3A_294, %sign3A_298 : vector<16xi32>
          %sign3A_300 = arith.constant 0 : i32
          %sign3A_301 = arith.cmpi sgt, %jit3A_288, %sign3A_300 : i32
          %sign3A_302 = arith.extui %sign3A_301 : i1 to i32
          %sign3A_303 = arith.constant 0 : i32
          %sign3A_304 = arith.cmpi slt, %jit3A_288, %sign3A_303 : i32
          %sign3A_305 = arith.extui %sign3A_304 : i1 to i32
          %sign3A_306 = arith.subi %sign3A_302, %sign3A_305 : i32
          %ne3A_307 = vector.broadcast %sign3A_306 : i32 to vector<16xi32>
          %ne3A_308 = arith.cmpi ne, %sign3A_299, %ne3A_307 : vector<16xi32>
          %rem3A_309 = vector.broadcast %jit3A_288 : i32 to vector<16xi32>
          %rem3A_310 = arith.remsi %select_n3A_287, %rem3A_309 : vector<16xi32>
          %ne3A_311 = arith.constant 0 : i32
          %ne3A_312 = vector.broadcast %ne3A_311 : i32 to vector<16xi32>
          %ne3A_313 = arith.cmpi ne, %rem3A_310, %ne3A_312 : vector<16xi32>
          %and3A_314 = arith.andi %ne3A_308, %ne3A_313 : vector<16xi1>
          %sub3A_315 = arith.constant 1 : i32
          %sub3A_316 = vector.broadcast %sub3A_315 : i32 to vector<16xi32>
          %sub3A_317 = arith.subi %div3A_290, %sub3A_316 : vector<16xi32>
          %select_n3A_318 = arith.select %and3A_314, %sub3A_317, %div3A_290 : vector<16xi1>, vector<16xi32>
          %mul3A_319 = arith.constant 91 : i32
          %mul3A_320 = vector.broadcast %mul3A_319 : i32 to vector<16xi32>
          %mul3A_321 = arith.muli %select_n3A_318, %mul3A_320 : vector<16xi32>
          %sub3A_322 = arith.subi %select_n3A_287, %mul3A_321 : vector<16xi32>
          %convert_element_type3A_323 = arith.sitofp %sub3A_322 : vector<16xi32> to vector<16xf32>
          %mul3A_324 = vector.broadcast %add3A_150 : f32 to vector<16xf32>
          %mul3A_325 = arith.mulf %convert_element_type3A_323, %mul3A_324 : vector<16xf32>
          %gather3A = tpu.vector_load_idx %arg8[%select_n3A_318] : memref<1024xf32, #tpu.memory_space<vmem>>[vector<16xi32>], vector<16xf32>,
          %add3A_326 = arith.addf %gather3A, %mul3A_325 : vector<16xf32>
          %gather3A_327 = tpu.vector_load_idx %arg9[%select_n3A_318] : memref<1024xf32, #tpu.memory_space<vmem>>[vector<16xi32>], vector<16xf32>,
          %add3A_328 = arith.addf %gather3A_327, %mul3A_325 : vector<16xf32>
          %gather3A_329 = tpu.vector_load_idx %arg10[%select_n3A_318] : memref<1024xf32, #tpu.memory_space<vmem>>[vector<16xi32>], vector<16xf32>,
          %add3A_330 = arith.addf %gather3A_329, %mul3A_325 : vector<16xf32>
          %gather3A_331 = tpu.vector_load_idx %arg11[%select_n3A_318] : memref<1024xf32, #tpu.memory_space<vmem>>[vector<16xi32>], vector<16xf32>,
          %add3A_332 = arith.addf %gather3A_331, %mul3A_325 : vector<16xf32>
          %sub3A_333 = arith.subf %add3A_330, %add3A_326 : vector<16xf32>
          %sub3A_334 = arith.subf %add3A_332, %add3A_328 : vector<16xf32>
          %mul3A_335 = arith.mulf %sub3A_333, %sub3A_334 : vector<16xf32>
          %jit3A_336 = arith.constant 1 : i32
          %jit3A_337 = arith.constant 0 : i32
          %broadcast_in_dim3A_338 = vector.broadcast %jit3A_336 : i32 to vector<16xi32>
          %broadcast_in_dim3A_339 = vector.broadcast %jit3A_337 : i32 to vector<16xi32>
          %select_n3A_340 = arith.select %lt3A_284, %broadcast_in_dim3A_338, %broadcast_in_dim3A_339 : vector<16xi1>, vector<16xi32>
          %while3A_341 = arith.constant 0 : i32
          %while3A_342 = arith.subi %while3A_277, %while3A_341 : i32
          %while3A_343 = arith.addi %while3A_341, %while3A_342 : i32
          %while3A_344 = arith.constant 1 : i32
          %while3A_345 = arith.divsi %while3A_342, %while3A_344 : i32
          %while3A_346 = arith.muli %while3A_345, %while3A_344 : i32
          %while3A_347 = arith.addi %while3A_341, %while3A_346 : i32
          %while3A_348 = arith.constant 1 : i32
          %while3A_349 = scf.for %while3A_360 = %while3A_341 to %while3A_347 step %while3A_348 iter_args(%while3A_361 = %select_n3A_340) -> (vector<16xi32>)  : i32 {
            %mul3A_362 = arith.constant 16 : i32
            %mul3A_363 = arith.muli %while3A_360, %mul3A_362 : i32
            %get3A_364 = arith.index_cast %mul3A_363 : i32 to index
            %get3A_365 = tpu.vector_load %arg20[%get3A_364] {strides = array<i32>} : memref<2048xf32, #tpu.memory_space<vmem>>, vector<16xf32>,
            %max3A_366 = arith.maximumf %get3A_365, %add3A_326 : vector<16xf32>
            %get3A_367 = arith.index_cast %mul3A_363 : i32 to index
            %get3A_368 = tpu.vector_load %arg21[%get3A_367] {strides = array<i32>} : memref<2048xf32, #tpu.memory_space<vmem>>, vector<16xf32>,
            %max3A_369 = arith.maximumf %get3A_368, %add3A_328 : vector<16xf32>
            %get3A_370 = arith.index_cast %mul3A_363 : i32 to index
            %get3A_371 = tpu.vector_load %arg22[%get3A_370] {strides = array<i32>} : memref<2048xf32, #tpu.memory_space<vmem>>, vector<16xf32>,
            %min3A = arith.minimumf %get3A_371, %add3A_330 : vector<16xf32>
            %get3A_372 = arith.index_cast %mul3A_363 : i32 to index
            %get3A_373 = tpu.vector_load %arg23[%get3A_372] {strides = array<i32>} : memref<2048xf32, #tpu.memory_space<vmem>>, vector<16xf32>,
            %min3A_374 = arith.minimumf %get3A_373, %add3A_332 : vector<16xf32>
            %sub3A_375 = arith.subf %min3A, %max3A_366 : vector<16xf32>
            %max3A_376 = arith.constant 0.000000e+00 : f32
            %max3A_377 = vector.broadcast %max3A_376 : f32 to vector<16xf32>
            %max3A_378 = arith.maximumf %sub3A_375, %max3A_377 : vector<16xf32>
            %sub3A_379 = arith.subf %min3A_374, %max3A_369 : vector<16xf32>
            %max3A_380 = arith.constant 0.000000e+00 : f32
            %max3A_381 = vector.broadcast %max3A_380 : f32 to vector<16xf32>
            %max3A_382 = arith.maximumf %sub3A_379, %max3A_381 : vector<16xf32>
            %mul3A_383 = arith.mulf %max3A_378, %max3A_382 : vector<16xf32>
            %get3A_384 = arith.index_cast %mul3A_363 : i32 to index
            %get3A_385 = tpu.vector_load %arg24[%get3A_384] {strides = array<i32>} : memref<2048xf32, #tpu.memory_space<vmem>>, vector<16xf32>,
            %add3A_386 = arith.addf %get3A_385, %mul3A_335 : vector<16xf32>
            %sub3A_387 = arith.subf %add3A_386, %mul3A_383 : vector<16xf32>
            %add3A_388 = arith.constant 9.99999996E-13 : f32
            %add3A_389 = vector.broadcast %add3A_388 : f32 to vector<16xf32>
            %add3A_390 = arith.addf %sub3A_387, %add3A_389 : vector<16xf32>
            %div3A_391 = arith.divf %mul3A_383, %add3A_390 : vector<16xf32>
            %gt3A = arith.constant 0.699999988 : f32
            %gt3A_392 = vector.broadcast %gt3A : f32 to vector<16xf32>
            %gt3A_393 = arith.cmpf ogt, %div3A_391, %gt3A_392 : vector<16xf32>
            %jit3A_394 = arith.constant 0 : i32
            %broadcast_in_dim3A_395 = vector.broadcast %jit3A_394 : i32 to vector<16xi32>
            %select_n3A_396 = arith.select %gt3A_393, %broadcast_in_dim3A_395, %while3A_361 : vector<16xi1>, vector<16xi32>
            scf.yield %select_n3A_396 : vector<16xi32>
          }
          %while3A_350 = arith.constant 1 : i32
          %while3A_351 = scf.for %while3A_360 = %while3A_347 to %while3A_343 step %while3A_350 iter_args(%while3A_361 = %while3A_349) -> (vector<16xi32>)  : i32 {
            %mul3A_362 = arith.constant 16 : i32
            %mul3A_363 = arith.muli %while3A_360, %mul3A_362 : i32
            %get3A_364 = arith.index_cast %mul3A_363 : i32 to index
            %get3A_365 = tpu.vector_load %arg20[%get3A_364] {strides = array<i32>} : memref<2048xf32, #tpu.memory_space<vmem>>, vector<16xf32>,
            %max3A_366 = arith.maximumf %get3A_365, %add3A_326 : vector<16xf32>
            %get3A_367 = arith.index_cast %mul3A_363 : i32 to index
            %get3A_368 = tpu.vector_load %arg21[%get3A_367] {strides = array<i32>} : memref<2048xf32, #tpu.memory_space<vmem>>, vector<16xf32>,
            %max3A_369 = arith.maximumf %get3A_368, %add3A_328 : vector<16xf32>
            %get3A_370 = arith.index_cast %mul3A_363 : i32 to index
            %get3A_371 = tpu.vector_load %arg22[%get3A_370] {strides = array<i32>} : memref<2048xf32, #tpu.memory_space<vmem>>, vector<16xf32>,
            %min3A = arith.minimumf %get3A_371, %add3A_330 : vector<16xf32>
            %get3A_372 = arith.index_cast %mul3A_363 : i32 to index
            %get3A_373 = tpu.vector_load %arg23[%get3A_372] {strides = array<i32>} : memref<2048xf32, #tpu.memory_space<vmem>>, vector<16xf32>,
            %min3A_374 = arith.minimumf %get3A_373, %add3A_332 : vector<16xf32>
            %sub3A_375 = arith.subf %min3A, %max3A_366 : vector<16xf32>
            %max3A_376 = arith.constant 0.000000e+00 : f32
            %max3A_377 = vector.broadcast %max3A_376 : f32 to vector<16xf32>
            %max3A_378 = arith.maximumf %sub3A_375, %max3A_377 : vector<16xf32>
            %sub3A_379 = arith.subf %min3A_374, %max3A_369 : vector<16xf32>
            %max3A_380 = arith.constant 0.000000e+00 : f32
            %max3A_381 = vector.broadcast %max3A_380 : f32 to vector<16xf32>
            %max3A_382 = arith.maximumf %sub3A_379, %max3A_381 : vector<16xf32>
            %mul3A_383 = arith.mulf %max3A_378, %max3A_382 : vector<16xf32>
            %get3A_384 = arith.index_cast %mul3A_363 : i32 to index
            %get3A_385 = tpu.vector_load %arg24[%get3A_384] {strides = array<i32>} : memref<2048xf32, #tpu.memory_space<vmem>>, vector<16xf32>,
            %add3A_386 = arith.addf %get3A_385, %mul3A_335 : vector<16xf32>
            %sub3A_387 = arith.subf %add3A_386, %mul3A_383 : vector<16xf32>
            %add3A_388 = arith.constant 9.99999996E-13 : f32
            %add3A_389 = vector.broadcast %add3A_388 : f32 to vector<16xf32>
            %add3A_390 = arith.addf %sub3A_387, %add3A_389 : vector<16xf32>
            %div3A_391 = arith.divf %mul3A_383, %add3A_390 : vector<16xf32>
            %gt3A = arith.constant 0.699999988 : f32
            %gt3A_392 = vector.broadcast %gt3A : f32 to vector<16xf32>
            %gt3A_393 = arith.cmpf ogt, %div3A_391, %gt3A_392 : vector<16xf32>
            %jit3A_394 = arith.constant 0 : i32
            %broadcast_in_dim3A_395 = vector.broadcast %jit3A_394 : i32 to vector<16xi32>
            %select_n3A_396 = arith.select %gt3A_393, %broadcast_in_dim3A_395, %while3A_361 : vector<16xi1>, vector<16xi32>
            scf.yield %select_n3A_396 : vector<16xi32>
          }
          %scan3A_352 = arith.constant 0 : i32
          %scan3A_353 = arith.constant 16 : i32
          %scan3A_354 = arith.addi %scan3A_352, %scan3A_353 : i32
          %scan3A_355 = arith.constant 1 : i32
          %scan3A_356:3 = scf.for %scan3A_360 = %scan3A_352 to %scan3A_354 step %scan3A_355 iter_args(%scan3A_361 = %while3A_351, %scan3A_362 = %while3A_277, %scan3A_363 = %while3A_278) -> (vector<16xi32>, i32, i32)  : i32 {
            %eq3A_364 = vector.broadcast %scan3A_360 : i32 to vector<16xi32>
            %eq3A_365 = arith.cmpi eq, %iota3A, %eq3A_364 : vector<16xi32>
            %jit3A_366 = arith.constant 0 : i32
            %broadcast_in_dim3A_367 = vector.broadcast %jit3A_366 : i32 to vector<16xi32>
            %select_n3A_368 = arith.select %eq3A_365, %scan3A_361, %broadcast_in_dim3A_367 : vector<16xi1>, vector<16xi32>
            %reduce_sum3A = arith.constant true
            %reduce_sum3A_369 = vector.broadcast %reduce_sum3A : i1 to vector<16xi1>
            %reduce_sum3A_370 = tpu.scan <sum>, %select_n3A_368 masked %reduce_sum3A_369 : vector<16xi32>, vector<16xi1> -> vector<16xi32>
            %reduce_sum3A_371 = vector.extract %reduce_sum3A_370[15] : i32 from vector<16xi32>
            %jit3A_372 = arith.constant 1 : i32
            %jit3A_373 = arith.constant 0 : i32
            %broadcast_in_dim3A_374 = vector.broadcast %jit3A_372 : i32 to vector<16xi32>
            %broadcast_in_dim3A_375 = vector.broadcast %jit3A_373 : i32 to vector<16xi32>
            %select_n3A_376 = arith.select %lt3A_284, %broadcast_in_dim3A_374, %broadcast_in_dim3A_375 : vector<16xi1>, vector<16xi32>
            %eq3A_377 = vector.broadcast %scan3A_360 : i32 to vector<16xi32>
            %eq3A_378 = arith.cmpi eq, %iota3A, %eq3A_377 : vector<16xi32>
            %jit3A_379 = arith.constant 0 : i32
            %broadcast_in_dim3A_380 = vector.broadcast %jit3A_379 : i32 to vector<16xi32>
            %select_n3A_381 = arith.select %eq3A_378, %select_n3A_376, %broadcast_in_dim3A_380 : vector<16xi1>, vector<16xi32>
            %reduce_sum3A_382 = arith.constant true
            %reduce_sum3A_383 = vector.broadcast %reduce_sum3A_382 : i1 to vector<16xi1>
            %reduce_sum3A_384 = tpu.scan <sum>, %select_n3A_381 masked %reduce_sum3A_383 : vector<16xi32>, vector<16xi1> -> vector<16xi32>
            %reduce_sum3A_385 = vector.extract %reduce_sum3A_384[15] : i32 from vector<16xi32>
            %gt3A = arith.constant 0 : i32
            %gt3A_386 = arith.cmpi sgt, %reduce_sum3A_385, %gt3A : i32
            %gt3A_387 = arith.constant 0 : i32
            %gt3A_388 = arith.cmpi sgt, %reduce_sum3A_371, %gt3A_387 : i32
            %lt3A_389 = arith.constant 100 : i32
            %lt3A_390 = arith.cmpi slt, %scan3A_362, %lt3A_389 : i32
            %and3A_391 = arith.andi %gt3A_388, %lt3A_390 : i1
            %eq3A_392 = vector.broadcast %scan3A_360 : i32 to vector<16xi32>
            %eq3A_393 = arith.cmpi eq, %iota3A, %eq3A_392 : vector<16xi32>
            %jit3A_394 = arith.constant 0 : i32
            %broadcast_in_dim3A_395 = vector.broadcast %jit3A_394 : i32 to vector<16xi32>
            %select_n3A_396 = arith.select %eq3A_393, %select_n3A_287, %broadcast_in_dim3A_395 : vector<16xi1>, vector<16xi32>
            %reduce_sum3A_397 = arith.constant true
            %reduce_sum3A_398 = vector.broadcast %reduce_sum3A_397 : i1 to vector<16xi1>
            %reduce_sum3A_399 = tpu.scan <sum>, %select_n3A_396 masked %reduce_sum3A_398 : vector<16xi32>, vector<16xi1> -> vector<16xi32>
            %reduce_sum3A_400 = vector.extract %reduce_sum3A_399[15] : i32 from vector<16xi32>
            %eq3A_401 = vector.broadcast %scan3A_360 : i32 to vector<16xi32>
            %eq3A_402 = arith.cmpi eq, %iota3A, %eq3A_401 : vector<16xi32>
            %jit3A_403 = arith.constant 0.000000e+00 : f32
            %broadcast_in_dim3A_404 = vector.broadcast %jit3A_403 : f32 to vector<16xf32>
            %select_n3A_405 = arith.select %eq3A_402, %add3A_326, %broadcast_in_dim3A_404 : vector<16xi1>, vector<16xf32>
            %reduce_sum3A_406 = arith.constant true
            %reduce_sum3A_407 = vector.broadcast %reduce_sum3A_406 : i1 to vector<16xi1>
            %reduce_sum3A_408 = tpu.scan <sum>, %select_n3A_405 masked %reduce_sum3A_407 : vector<16xf32>, vector<16xi1> -> vector<16xf32>
            %reduce_sum3A_409 = vector.extract %reduce_sum3A_408[15] : f32 from vector<16xf32>
            %eq3A_410 = vector.broadcast %scan3A_360 : i32 to vector<16xi32>
            %eq3A_411 = arith.cmpi eq, %iota3A, %eq3A_410 : vector<16xi32>
            %jit3A_412 = arith.constant 0.000000e+00 : f32
            %broadcast_in_dim3A_413 = vector.broadcast %jit3A_412 : f32 to vector<16xf32>
            %select_n3A_414 = arith.select %eq3A_411, %add3A_328, %broadcast_in_dim3A_413 : vector<16xi1>, vector<16xf32>
            %reduce_sum3A_415 = arith.constant true
            %reduce_sum3A_416 = vector.broadcast %reduce_sum3A_415 : i1 to vector<16xi1>
            %reduce_sum3A_417 = tpu.scan <sum>, %select_n3A_414 masked %reduce_sum3A_416 : vector<16xf32>, vector<16xi1> -> vector<16xf32>
            %reduce_sum3A_418 = vector.extract %reduce_sum3A_417[15] : f32 from vector<16xf32>
            %eq3A_419 = vector.broadcast %scan3A_360 : i32 to vector<16xi32>
            %eq3A_420 = arith.cmpi eq, %iota3A, %eq3A_419 : vector<16xi32>
            %jit3A_421 = arith.constant 0.000000e+00 : f32
            %broadcast_in_dim3A_422 = vector.broadcast %jit3A_421 : f32 to vector<16xf32>
            %select_n3A_423 = arith.select %eq3A_420, %add3A_330, %broadcast_in_dim3A_422 : vector<16xi1>, vector<16xf32>
            %reduce_sum3A_424 = arith.constant true
            %reduce_sum3A_425 = vector.broadcast %reduce_sum3A_424 : i1 to vector<16xi1>
            %reduce_sum3A_426 = tpu.scan <sum>, %select_n3A_423 masked %reduce_sum3A_425 : vector<16xf32>, vector<16xi1> -> vector<16xf32>
            %reduce_sum3A_427 = vector.extract %reduce_sum3A_426[15] : f32 from vector<16xf32>
            %eq3A_428 = vector.broadcast %scan3A_360 : i32 to vector<16xi32>
            %eq3A_429 = arith.cmpi eq, %iota3A, %eq3A_428 : vector<16xi32>
            %jit3A_430 = arith.constant 0.000000e+00 : f32
            %broadcast_in_dim3A_431 = vector.broadcast %jit3A_430 : f32 to vector<16xf32>
            %select_n3A_432 = arith.select %eq3A_429, %add3A_332, %broadcast_in_dim3A_431 : vector<16xi1>, vector<16xf32>
            %reduce_sum3A_433 = arith.constant true
            %reduce_sum3A_434 = vector.broadcast %reduce_sum3A_433 : i1 to vector<16xi1>
            %reduce_sum3A_435 = tpu.scan <sum>, %select_n3A_432 masked %reduce_sum3A_434 : vector<16xf32>, vector<16xi1> -> vector<16xf32>
            %reduce_sum3A_436 = vector.extract %reduce_sum3A_435[15] : f32 from vector<16xf32>
            %eq3A_437 = vector.broadcast %scan3A_360 : i32 to vector<16xi32>
            %eq3A_438 = arith.cmpi eq, %iota3A, %eq3A_437 : vector<16xi32>
            %jit3A_439 = arith.constant 0.000000e+00 : f32
            %broadcast_in_dim3A_440 = vector.broadcast %jit3A_439 : f32 to vector<16xf32>
            %select_n3A_441 = arith.select %eq3A_438, %mul3A_335, %broadcast_in_dim3A_440 : vector<16xi1>, vector<16xf32>
            %reduce_sum3A_442 = arith.constant true
            %reduce_sum3A_443 = vector.broadcast %reduce_sum3A_442 : i1 to vector<16xi1>
            %reduce_sum3A_444 = tpu.scan <sum>, %select_n3A_441 masked %reduce_sum3A_443 : vector<16xf32>, vector<16xi1> -> vector<16xf32>
            %reduce_sum3A_445 = vector.extract %reduce_sum3A_444[15] : f32 from vector<16xf32>
            %and3A_446 = vector.broadcast %and3A_391 : i1 to vector<16xi1>
            %and3A_447 = arith.andi %and3A_446, %eq3A_5 : vector<16xi1>
            %mul3A_448 = arith.constant 16 : i32
            %mul3A_449 = arith.muli %scan3A_362, %mul3A_448 : i32
            %add3A_450 = vector.broadcast %mul3A_449 : i32 to vector<16xi32>
            %add3A_451 = arith.addi %add3A_450, %iota3A : vector<16xi32>
            %broadcast_in_dim3A_452 = vector.broadcast %reduce_sum3A_409 : f32 to vector<16xf32>
            %broadcast_in_dim3A_453 = vector.broadcast %reduce_sum3A_409 : f32 to vector<16xf32>
            %select_n3A_454 = arith.select %eq3A_5, %broadcast_in_dim3A_452, %broadcast_in_dim3A_453 : vector<16xi1>, vector<16xf32>
            tpu.vector_store_idx %arg20[%add3A_451], %select_n3A_454 masked %and3A_447 : memref<2048xf32, #tpu.memory_space<vmem>>[vector<16xi32>], vector<16xf32>, vector<16xi1>
            %add3A_455 = vector.broadcast %mul3A_449 : i32 to vector<16xi32>
            %add3A_456 = arith.addi %add3A_455, %iota3A : vector<16xi32>
            %broadcast_in_dim3A_457 = vector.broadcast %reduce_sum3A_418 : f32 to vector<16xf32>
            %broadcast_in_dim3A_458 = vector.broadcast %reduce_sum3A_418 : f32 to vector<16xf32>
            %select_n3A_459 = arith.select %eq3A_5, %broadcast_in_dim3A_457, %broadcast_in_dim3A_458 : vector<16xi1>, vector<16xf32>
            tpu.vector_store_idx %arg21[%add3A_456], %select_n3A_459 masked %and3A_447 : memref<2048xf32, #tpu.memory_space<vmem>>[vector<16xi32>], vector<16xf32>, vector<16xi1>
            %add3A_460 = vector.broadcast %mul3A_449 : i32 to vector<16xi32>
            %add3A_461 = arith.addi %add3A_460, %iota3A : vector<16xi32>
            %broadcast_in_dim3A_462 = vector.broadcast %reduce_sum3A_427 : f32 to vector<16xf32>
            %broadcast_in_dim3A_463 = vector.broadcast %reduce_sum3A_427 : f32 to vector<16xf32>
            %select_n3A_464 = arith.select %eq3A_5, %broadcast_in_dim3A_462, %broadcast_in_dim3A_463 : vector<16xi1>, vector<16xf32>
            tpu.vector_store_idx %arg22[%add3A_461], %select_n3A_464 masked %and3A_447 : memref<2048xf32, #tpu.memory_space<vmem>>[vector<16xi32>], vector<16xf32>, vector<16xi1>
            %add3A_465 = vector.broadcast %mul3A_449 : i32 to vector<16xi32>
            %add3A_466 = arith.addi %add3A_465, %iota3A : vector<16xi32>
            %broadcast_in_dim3A_467 = vector.broadcast %reduce_sum3A_436 : f32 to vector<16xf32>
            %broadcast_in_dim3A_468 = vector.broadcast %reduce_sum3A_436 : f32 to vector<16xf32>
            %select_n3A_469 = arith.select %eq3A_5, %broadcast_in_dim3A_467, %broadcast_in_dim3A_468 : vector<16xi1>, vector<16xf32>
            tpu.vector_store_idx %arg23[%add3A_466], %select_n3A_469 masked %and3A_447 : memref<2048xf32, #tpu.memory_space<vmem>>[vector<16xi32>], vector<16xf32>, vector<16xi1>
            %add3A_470 = vector.broadcast %mul3A_449 : i32 to vector<16xi32>
            %add3A_471 = arith.addi %add3A_470, %iota3A : vector<16xi32>
            %broadcast_in_dim3A_472 = vector.broadcast %reduce_sum3A_445 : f32 to vector<16xf32>
            %broadcast_in_dim3A_473 = vector.broadcast %reduce_sum3A_445 : f32 to vector<16xf32>
            %select_n3A_474 = arith.select %eq3A_5, %broadcast_in_dim3A_472, %broadcast_in_dim3A_473 : vector<16xi1>, vector<16xf32>
            tpu.vector_store_idx %arg24[%add3A_471], %select_n3A_474 masked %and3A_447 : memref<2048xf32, #tpu.memory_space<vmem>>[vector<16xi32>], vector<16xf32>, vector<16xi1>
            %broadcast_in_dim3A_475 = vector.broadcast %scan3A_362 : i32 to vector<16xi32>
            %broadcast_in_dim3A_476 = vector.broadcast %scan3A_362 : i32 to vector<16xi32>
            %select_n3A_477 = arith.select %eq3A_5, %broadcast_in_dim3A_475, %broadcast_in_dim3A_476 : vector<16xi1>, vector<16xi32>
            %broadcast_in_dim3A_478 = vector.broadcast %reduce_sum3A_400 : i32 to vector<16xi32>
            %broadcast_in_dim3A_479 = vector.broadcast %reduce_sum3A_400 : i32 to vector<16xi32>
            %select_n3A_480 = arith.select %eq3A_5, %broadcast_in_dim3A_478, %broadcast_in_dim3A_479 : vector<16xi1>, vector<16xi32>
            %and3A_481 = vector.broadcast %and3A_391 : i1 to vector<16xi1>
            %and3A_482 = arith.andi %and3A_481, %eq3A_4 : vector<16xi1>
            tpu.vector_store_idx %arg25[%select_n3A_477], %select_n3A_480 masked %and3A_482 : memref<128xi32, #tpu.memory_space<vmem>>[vector<16xi32>], vector<16xi32>, vector<16xi1>
            %broadcast_in_dim3A_483 = vector.broadcast %reduce_sum3A_409 : f32 to vector<16xf32>
            %broadcast_in_dim3A_484 = vector.broadcast %reduce_sum3A_409 : f32 to vector<16xf32>
            %select_n3A_485 = arith.select %eq3A_5, %broadcast_in_dim3A_483, %broadcast_in_dim3A_484 : vector<16xi1>, vector<16xf32>
            %max3A_486 = arith.maximumf %select_n3A_485, %add3A_326 : vector<16xf32>
            %broadcast_in_dim3A_487 = vector.broadcast %reduce_sum3A_418 : f32 to vector<16xf32>
            %broadcast_in_dim3A_488 = vector.broadcast %reduce_sum3A_418 : f32 to vector<16xf32>
            %select_n3A_489 = arith.select %eq3A_5, %broadcast_in_dim3A_487, %broadcast_in_dim3A_488 : vector<16xi1>, vector<16xf32>
            %max3A_490 = arith.maximumf %select_n3A_489, %add3A_328 : vector<16xf32>
            %broadcast_in_dim3A_491 = vector.broadcast %reduce_sum3A_427 : f32 to vector<16xf32>
            %broadcast_in_dim3A_492 = vector.broadcast %reduce_sum3A_427 : f32 to vector<16xf32>
            %select_n3A_493 = arith.select %eq3A_5, %broadcast_in_dim3A_491, %broadcast_in_dim3A_492 : vector<16xi1>, vector<16xf32>
            %min3A = arith.minimumf %select_n3A_493, %add3A_330 : vector<16xf32>
            %broadcast_in_dim3A_494 = vector.broadcast %reduce_sum3A_436 : f32 to vector<16xf32>
            %broadcast_in_dim3A_495 = vector.broadcast %reduce_sum3A_436 : f32 to vector<16xf32>
            %select_n3A_496 = arith.select %eq3A_5, %broadcast_in_dim3A_494, %broadcast_in_dim3A_495 : vector<16xi1>, vector<16xf32>
            %min3A_497 = arith.minimumf %select_n3A_496, %add3A_332 : vector<16xf32>
            %sub3A_498 = arith.subf %min3A, %max3A_486 : vector<16xf32>
            %max3A_499 = arith.constant 0.000000e+00 : f32
            %max3A_500 = vector.broadcast %max3A_499 : f32 to vector<16xf32>
            %max3A_501 = arith.maximumf %sub3A_498, %max3A_500 : vector<16xf32>
            %sub3A_502 = arith.subf %min3A_497, %max3A_490 : vector<16xf32>
            %max3A_503 = arith.constant 0.000000e+00 : f32
            %max3A_504 = vector.broadcast %max3A_503 : f32 to vector<16xf32>
            %max3A_505 = arith.maximumf %sub3A_502, %max3A_504 : vector<16xf32>
            %mul3A_506 = arith.mulf %max3A_501, %max3A_505 : vector<16xf32>
            %broadcast_in_dim3A_507 = vector.broadcast %reduce_sum3A_445 : f32 to vector<16xf32>
            %broadcast_in_dim3A_508 = vector.broadcast %reduce_sum3A_445 : f32 to vector<16xf32>
            %select_n3A_509 = arith.select %eq3A_5, %broadcast_in_dim3A_507, %broadcast_in_dim3A_508 : vector<16xi1>, vector<16xf32>
            %add3A_510 = arith.addf %select_n3A_509, %mul3A_335 : vector<16xf32>
            %sub3A_511 = arith.subf %add3A_510, %mul3A_506 : vector<16xf32>
            %add3A_512 = arith.constant 9.99999996E-13 : f32
            %add3A_513 = vector.broadcast %add3A_512 : f32 to vector<16xf32>
            %add3A_514 = arith.addf %sub3A_511, %add3A_513 : vector<16xf32>
            %div3A_515 = arith.divf %mul3A_506, %add3A_514 : vector<16xf32>
            %gt3A_516 = arith.constant 0.699999988 : f32
            %gt3A_517 = vector.broadcast %gt3A_516 : f32 to vector<16xf32>
            %gt3A_518 = arith.cmpf ogt, %div3A_515, %gt3A_517 : vector<16xf32>
            %gt3A_519 = vector.broadcast %scan3A_360 : i32 to vector<16xi32>
            %gt3A_520 = arith.cmpi sgt, %iota3A, %gt3A_519 : vector<16xi32>
            %and3A_521 = arith.andi %gt3A_518, %gt3A_520 : vector<16xi1>
            %and3A_522 = vector.broadcast %and3A_391 : i1 to vector<16xi1>
            %and3A_523 = arith.andi %and3A_521, %and3A_522 : vector<16xi1>
            %jit3A_524 = arith.constant 0 : i32
            %broadcast_in_dim3A_525 = vector.broadcast %jit3A_524 : i32 to vector<16xi32>
            %select_n3A_526 = arith.select %and3A_523, %broadcast_in_dim3A_525, %scan3A_361 : vector<16xi1>, vector<16xi32>
            %eq3A_527 = arith.constant 0 : i32
            %eq3A_528 = arith.cmpi eq, %reduce_sum3A_371, %eq3A_527 : i32
            %and3A_529 = arith.andi %gt3A_386, %eq3A_528 : i1
            %broadcast_in_dim3A_530 = vector.broadcast %scan3A_363 : i32 to vector<16xi32>
            %broadcast_in_dim3A_531 = vector.broadcast %scan3A_363 : i32 to vector<16xi32>
            %select_n3A_532 = arith.select %eq3A_5, %broadcast_in_dim3A_530, %broadcast_in_dim3A_531 : vector<16xi1>, vector<16xi32>
            %broadcast_in_dim3A_533 = vector.broadcast %reduce_sum3A_400 : i32 to vector<16xi32>
            %broadcast_in_dim3A_534 = vector.broadcast %reduce_sum3A_400 : i32 to vector<16xi32>
            %select_n3A_535 = arith.select %eq3A_5, %broadcast_in_dim3A_533, %broadcast_in_dim3A_534 : vector<16xi1>, vector<16xi32>
            %and3A_536 = vector.broadcast %and3A_529 : i1 to vector<16xi1>
            %and3A_537 = arith.andi %and3A_536, %eq3A_4 : vector<16xi1>
            %lt3A_538 = arith.constant 128 : i32
            %lt3A_539 = arith.cmpi slt, %scan3A_363, %lt3A_538 : i32
            %and3A_540 = vector.broadcast %lt3A_539 : i1 to vector<16xi1>
            %and3A_541 = arith.andi %and3A_537, %and3A_540 : vector<16xi1>
            tpu.vector_store_idx %arg26[%select_n3A_532], %select_n3A_535 masked %and3A_541 : memref<128xi32, #tpu.memory_space<vmem>>[vector<16xi32>], vector<16xi32>, vector<16xi1>
            %jit3A_542 = arith.constant 1 : i32
            %jit3A_543 = arith.constant 0 : i32
            %select_n3A_544 = arith.select %and3A_391, %jit3A_542, %jit3A_543 : i32
            %add3A_545 = arith.addi %scan3A_362, %select_n3A_544 : i32
            %jit3A_546 = arith.constant 1 : i32
            %jit3A_547 = arith.constant 0 : i32
            %select_n3A_548 = arith.select %and3A_529, %jit3A_546, %jit3A_547 : i32
            %add3A_549 = arith.addi %scan3A_363, %select_n3A_548 : i32
            %min3A_550 = arith.constant 127 : i32
            %min3A_551 = arith.minsi %add3A_549, %min3A_550 : i32
            scf.yield %select_n3A_526, %add3A_545, %min3A_551 : vector<16xi32>, i32, i32
          }
          %scan3A_357 = arith.constant 16 : i32
          %add3A_358 = arith.constant 1 : i32
          %add3A_359 = arith.addi %while3A_276, %add3A_358 : i32
          scf.yield %add3A_359, %scan3A_356#1, %scan3A_356#2 : i32, i32, i32
        }
        scf.yield %while3A_275#1, %while3A_275#2, %select_n3A_227, %while3A_202 : i32, i32, i32, i32
      }
      %lt3A_195 = arith.constant 100 : i32
      %lt3A_196 = arith.cmpi slt, %while3A_194#0, %lt3A_195 : i32
      %convert_element_type3A_197 = arith.extui %lt3A_196 : i1 to i32
      %cond3A_198 = arith.constant 0 : i32
      %cond3A_199 = arith.cmpi ne, %convert_element_type3A_197, %cond3A_198 : i32
      scf.if %cond3A_199 {
        %while3A_200 = arith.constant 0 : i32
        %while3A_201 = arith.constant 100 : i32
        %while3A_202 = arith.subi %while3A_201, %while3A_194#0 : i32
        %while3A_203 = arith.addi %while3A_194#0, %while3A_202 : i32
        %while3A_204 = arith.constant 1 : i32
        %while3A_205 = arith.divsi %while3A_202, %while3A_204 : i32
        %while3A_206 = arith.muli %while3A_205, %while3A_204 : i32
        %while3A_207 = arith.addi %while3A_194#0, %while3A_206 : i32
        %while3A_208 = arith.constant 1 : i32
        scf.for %while3A_210 = %while3A_194#0 to %while3A_207 step %while3A_208  : i32 {
          %sub3A_211 = arith.subi %while3A_210, %while3A_194#0 : i32
          %jit3A_212 = arith.constant 16 : i32
          %div3A_213 = arith.divsi %sub3A_211, %jit3A_212 : i32
          %sign3A_214 = arith.constant 0 : i32
          %sign3A_215 = arith.cmpi sgt, %sub3A_211, %sign3A_214 : i32
          %sign3A_216 = arith.extui %sign3A_215 : i1 to i32
          %sign3A_217 = arith.constant 0 : i32
          %sign3A_218 = arith.cmpi slt, %sub3A_211, %sign3A_217 : i32
          %sign3A_219 = arith.extui %sign3A_218 : i1 to i32
          %sign3A_220 = arith.subi %sign3A_216, %sign3A_219 : i32
          %sign3A_221 = arith.constant 0 : i32
          %sign3A_222 = arith.cmpi sgt, %jit3A_212, %sign3A_221 : i32
          %sign3A_223 = arith.extui %sign3A_222 : i1 to i32
          %sign3A_224 = arith.constant 0 : i32
          %sign3A_225 = arith.cmpi slt, %jit3A_212, %sign3A_224 : i32
          %sign3A_226 = arith.extui %sign3A_225 : i1 to i32
          %sign3A_227 = arith.subi %sign3A_223, %sign3A_226 : i32
          %ne3A_228 = arith.cmpi ne, %sign3A_220, %sign3A_227 : i32
          %rem3A_229 = arith.remsi %sub3A_211, %jit3A_212 : i32
          %ne3A_230 = arith.constant 0 : i32
          %ne3A_231 = arith.cmpi ne, %rem3A_229, %ne3A_230 : i32
          %and3A_232 = arith.andi %ne3A_228, %ne3A_231 : i1
          %sub3A_233 = arith.constant 1 : i32
          %sub3A_234 = arith.subi %div3A_213, %sub3A_233 : i32
          %select_n3A_235 = arith.select %and3A_232, %sub3A_234, %div3A_213 : i32
          %mul3A_236 = arith.constant 16 : i32
          %mul3A_237 = arith.muli %select_n3A_235, %mul3A_236 : i32
          %get3A = arith.index_cast %mul3A_237 : i32 to index
          %get3A_238 = tpu.vector_load %arg26[%get3A] {strides = array<i32>} : memref<128xi32, #tpu.memory_space<vmem>>, vector<16xi32>,
          %jit3A_239 = arith.constant 16 : i32
          %eq3A_240 = arith.constant 0 : i32
          %eq3A_241 = arith.cmpi eq, %jit3A_239, %eq3A_240 : i32
          %jit3A_242 = arith.constant 1 : i32
          %select_n3A_243 = arith.select %eq3A_241, %jit3A_242, %jit3A_239 : i32
          %rem3A_244 = arith.remsi %sub3A_211, %select_n3A_243 : i32
          %ne3A_245 = arith.constant 0 : i32
          %ne3A_246 = arith.cmpi ne, %rem3A_244, %ne3A_245 : i32
          %lt3A_247 = arith.constant 0 : i32
          %lt3A_248 = arith.cmpi slt, %rem3A_244, %lt3A_247 : i32
          %lt3A_249 = arith.constant 0 : i32
          %lt3A_250 = arith.cmpi slt, %select_n3A_243, %lt3A_249 : i32
          %ne3A_251 = arith.xori %lt3A_248, %lt3A_250 : i1
          %and3A_252 = arith.andi %ne3A_251, %ne3A_246 : i1
          %add3A_253 = arith.addi %rem3A_244, %select_n3A_243 : i32
          %select_n3A_254 = arith.select %and3A_252, %add3A_253, %rem3A_244 : i32
          %eq3A_255 = vector.broadcast %select_n3A_254 : i32 to vector<16xi32>
          %eq3A_256 = arith.cmpi eq, %iota3A, %eq3A_255 : vector<16xi32>
          %jit3A_257 = arith.constant 0 : i32
          %broadcast_in_dim3A = vector.broadcast %jit3A_257 : i32 to vector<16xi32>
          %select_n3A_258 = arith.select %eq3A_256, %get3A_238, %broadcast_in_dim3A : vector<16xi1>, vector<16xi32>
          %reduce_sum3A = arith.constant true
          %reduce_sum3A_259 = vector.broadcast %reduce_sum3A : i1 to vector<16xi1>
          %reduce_sum3A_260 = tpu.scan <sum>, %select_n3A_258 masked %reduce_sum3A_259 : vector<16xi32>, vector<16xi1> -> vector<16xi32>
          %reduce_sum3A_261 = vector.extract %reduce_sum3A_260[15] : i32 from vector<16xi32>
          %broadcast_in_dim3A_262 = vector.broadcast %while3A_210 : i32 to vector<16xi32>
          %broadcast_in_dim3A_263 = vector.broadcast %while3A_210 : i32 to vector<16xi32>
          %select_n3A_264 = arith.select %eq3A_5, %broadcast_in_dim3A_262, %broadcast_in_dim3A_263 : vector<16xi1>, vector<16xi32>
          %broadcast_in_dim3A_265 = vector.broadcast %reduce_sum3A_261 : i32 to vector<16xi32>
          %broadcast_in_dim3A_266 = vector.broadcast %reduce_sum3A_261 : i32 to vector<16xi32>
          %select_n3A_267 = arith.select %eq3A_5, %broadcast_in_dim3A_265, %broadcast_in_dim3A_266 : vector<16xi1>, vector<16xi32>
          tpu.vector_store_idx %arg25[%select_n3A_264], %select_n3A_267 masked %eq3A_4 : memref<128xi32, #tpu.memory_space<vmem>>[vector<16xi32>], vector<16xi32>, vector<16xi1>
        }
        %while3A_209 = arith.constant 1 : i32
        scf.for %while3A_210 = %while3A_207 to %while3A_203 step %while3A_209  : i32 {
          %sub3A_211 = arith.subi %while3A_210, %while3A_194#0 : i32
          %jit3A_212 = arith.constant 16 : i32
          %div3A_213 = arith.divsi %sub3A_211, %jit3A_212 : i32
          %sign3A_214 = arith.constant 0 : i32
          %sign3A_215 = arith.cmpi sgt, %sub3A_211, %sign3A_214 : i32
          %sign3A_216 = arith.extui %sign3A_215 : i1 to i32
          %sign3A_217 = arith.constant 0 : i32
          %sign3A_218 = arith.cmpi slt, %sub3A_211, %sign3A_217 : i32
          %sign3A_219 = arith.extui %sign3A_218 : i1 to i32
          %sign3A_220 = arith.subi %sign3A_216, %sign3A_219 : i32
          %sign3A_221 = arith.constant 0 : i32
          %sign3A_222 = arith.cmpi sgt, %jit3A_212, %sign3A_221 : i32
          %sign3A_223 = arith.extui %sign3A_222 : i1 to i32
          %sign3A_224 = arith.constant 0 : i32
          %sign3A_225 = arith.cmpi slt, %jit3A_212, %sign3A_224 : i32
          %sign3A_226 = arith.extui %sign3A_225 : i1 to i32
          %sign3A_227 = arith.subi %sign3A_223, %sign3A_226 : i32
          %ne3A_228 = arith.cmpi ne, %sign3A_220, %sign3A_227 : i32
          %rem3A_229 = arith.remsi %sub3A_211, %jit3A_212 : i32
          %ne3A_230 = arith.constant 0 : i32
          %ne3A_231 = arith.cmpi ne, %rem3A_229, %ne3A_230 : i32
          %and3A_232 = arith.andi %ne3A_228, %ne3A_231 : i1
          %sub3A_233 = arith.constant 1 : i32
          %sub3A_234 = arith.subi %div3A_213, %sub3A_233 : i32
          %select_n3A_235 = arith.select %and3A_232, %sub3A_234, %div3A_213 : i32
          %mul3A_236 = arith.constant 16 : i32
          %mul3A_237 = arith.muli %select_n3A_235, %mul3A_236 : i32
          %get3A = arith.index_cast %mul3A_237 : i32 to index
          %get3A_238 = tpu.vector_load %arg26[%get3A] {strides = array<i32>} : memref<128xi32, #tpu.memory_space<vmem>>, vector<16xi32>,
          %jit3A_239 = arith.constant 16 : i32
          %eq3A_240 = arith.constant 0 : i32
          %eq3A_241 = arith.cmpi eq, %jit3A_239, %eq3A_240 : i32
          %jit3A_242 = arith.constant 1 : i32
          %select_n3A_243 = arith.select %eq3A_241, %jit3A_242, %jit3A_239 : i32
          %rem3A_244 = arith.remsi %sub3A_211, %select_n3A_243 : i32
          %ne3A_245 = arith.constant 0 : i32
          %ne3A_246 = arith.cmpi ne, %rem3A_244, %ne3A_245 : i32
          %lt3A_247 = arith.constant 0 : i32
          %lt3A_248 = arith.cmpi slt, %rem3A_244, %lt3A_247 : i32
          %lt3A_249 = arith.constant 0 : i32
          %lt3A_250 = arith.cmpi slt, %select_n3A_243, %lt3A_249 : i32
          %ne3A_251 = arith.xori %lt3A_248, %lt3A_250 : i1
          %and3A_252 = arith.andi %ne3A_251, %ne3A_246 : i1
          %add3A_253 = arith.addi %rem3A_244, %select_n3A_243 : i32
          %select_n3A_254 = arith.select %and3A_252, %add3A_253, %rem3A_244 : i32
          %eq3A_255 = vector.broadcast %select_n3A_254 : i32 to vector<16xi32>
          %eq3A_256 = arith.cmpi eq, %iota3A, %eq3A_255 : vector<16xi32>
          %jit3A_257 = arith.constant 0 : i32
          %broadcast_in_dim3A = vector.broadcast %jit3A_257 : i32 to vector<16xi32>
          %select_n3A_258 = arith.select %eq3A_256, %get3A_238, %broadcast_in_dim3A : vector<16xi1>, vector<16xi32>
          %reduce_sum3A = arith.constant true
          %reduce_sum3A_259 = vector.broadcast %reduce_sum3A : i1 to vector<16xi1>
          %reduce_sum3A_260 = tpu.scan <sum>, %select_n3A_258 masked %reduce_sum3A_259 : vector<16xi32>, vector<16xi1> -> vector<16xi32>
          %reduce_sum3A_261 = vector.extract %reduce_sum3A_260[15] : i32 from vector<16xi32>
          %broadcast_in_dim3A_262 = vector.broadcast %while3A_210 : i32 to vector<16xi32>
          %broadcast_in_dim3A_263 = vector.broadcast %while3A_210 : i32 to vector<16xi32>
          %select_n3A_264 = arith.select %eq3A_5, %broadcast_in_dim3A_262, %broadcast_in_dim3A_263 : vector<16xi1>, vector<16xi32>
          %broadcast_in_dim3A_265 = vector.broadcast %reduce_sum3A_261 : i32 to vector<16xi32>
          %broadcast_in_dim3A_266 = vector.broadcast %reduce_sum3A_261 : i32 to vector<16xi32>
          %select_n3A_267 = arith.select %eq3A_5, %broadcast_in_dim3A_265, %broadcast_in_dim3A_266 : vector<16xi1>, vector<16xi32>
          tpu.vector_store_idx %arg25[%select_n3A_264], %select_n3A_267 masked %eq3A_4 : memref<128xi32, #tpu.memory_space<vmem>>[vector<16xi32>], vector<16xi32>, vector<16xi1>
        }
      } else {
      }
      "tpu.region"() ({
        %run_scoped3A_200 = tpu.sem_alloc : memref<!tpu.dma_semaphore, #tpu.memory_space<semaphore_mem>>
        %dma_start3A = arith.constant 0 : i32
        %dma_start3A_201 = tpu.memref_slice %arg4[%add3A, %dma_start3A] : memref<8x128xi32, #tpu.memory_space<hbm>> -> memref<1x128xi32, #tpu.memory_space<hbm>>
        %dma_start3A_202 = tpu.memref_squeeze %dma_start3A_201 : memref<1x128xi32, #tpu.memory_space<hbm>> -> memref<128xi32, #tpu.memory_space<hbm>>
        %dma_start3A_203 = arith.constant 0 : i32
        %dma_start3A_204 = tpu.memref_slice %arg4[%add3A, %dma_start3A_203] : memref<8x128xi32, #tpu.memory_space<hbm>> -> memref<1x128xi32, #tpu.memory_space<hbm>>
        %dma_start3A_205 = tpu.memref_squeeze %dma_start3A_204 : memref<1x128xi32, #tpu.memory_space<hbm>> -> memref<128xi32, #tpu.memory_space<hbm>>
        tpu.enqueue_dma source(%arg25 : memref<128xi32, #tpu.memory_space<vmem>>) target(%dma_start3A_205 : memref<128xi32, #tpu.memory_space<hbm>>) target_semaphore(%run_scoped3A_200 : memref<!tpu.dma_semaphore, #tpu.memory_space<semaphore_mem>>)
        %dma_wait3A = arith.constant 0 : i32
        %dma_wait3A_206 = tpu.memref_slice %arg4[%add3A, %dma_wait3A] : memref<8x128xi32, #tpu.memory_space<hbm>> -> memref<1x128xi32, #tpu.memory_space<hbm>>
        %dma_wait3A_207 = tpu.memref_squeeze %dma_wait3A_206 : memref<1x128xi32, #tpu.memory_space<hbm>> -> memref<128xi32, #tpu.memory_space<hbm>>
        %dma_wait3A_208 = arith.constant 0 : i32
        %dma_wait3A_209 = tpu.memref_slice %arg4[%add3A, %dma_wait3A_208] : memref<8x128xi32, #tpu.memory_space<hbm>> -> memref<1x128xi32, #tpu.memory_space<hbm>>
        %dma_wait3A_210 = tpu.memref_squeeze %dma_wait3A_209 : memref<1x128xi32, #tpu.memory_space<hbm>> -> memref<128xi32, #tpu.memory_space<hbm>>
        tpu.wait_dma2 semaphore(%run_scoped3A_200 : memref<!tpu.dma_semaphore, #tpu.memory_space<semaphore_mem>>) src(%arg25 : memref<128xi32, #tpu.memory_space<vmem>>) dst(%dma_wait3A_210 : memref<128xi32, #tpu.memory_space<hbm>>)
        tpu.yield
      }) : () -> ()
    } else {
    }
    return
  }
}

</mosaic_0001>

<sc_bundles>
// kernel: kernel.3.cloned.1.call-start
scs
__scs_entry_jumppad:
0x0: {  	(pc) =	sbr.rel $0x88, $3  }
0x1: {  	(tag) =	ssettag $0x0;
	lr =	simm.s32 $0x1  }
0x2: {  	[smem:$0x3F9E] =	sst lr;
	_ =	strace $0xD0000000  }
0x3: {  	_ = 	snop  }
0x4: {  	_ = 	snop  }
0x5: {  	_ = 	snop  }
0x6: {  	_ = 	snop  }
0x7: {  	_ = 	snop  }
__scs_overlays_trampoline_lowered:
0x8: {  	[smem:$0x3FAD] =	sst s0  }
0x9: {  	[smem:$0x3FAE] =	sst s1  }
0xa: {  	[smem:$0x3FAF] =	sst s2  }
0xb: {  	[smem:$0x3FB0] =	sst s3  }
0xc: {  	[smem:$0x3FB1] =	sst s4  }
0xd: {  	[smem:$0x3FB2] =	sst s5  }
0xe: {  	[smem:$0x3FB3] =	sst s6  }
0xf: {  	[smem:$0x3FB4] =	sst s7  }
0x10: {  	[smem:$0x3FB5] =	sst s8  }
0x11: {  	[smem:$0x3FB6] =	sst s9;
	s0 =	simm.s32 @!p0 $0x0  }
0x12: {  	s1 =	sld [smem:$0x3F9C];
	s0 =	simm.s32 @p0 $0x1  }
0x13: {  	[smem:$0x3FB7] =	sst s0;
	s0 =	simm.s32 @!p1 $0x0  }
0x14: {  	s2 =	sld [smem:$0x3F9B];
	s0 =	simm.s32 @p1 $0x1  }
0x15: {  	[smem:$0x3FB8] =	sst s0;
	s0 =	simm.s32 @!p2 $0x0  }
0x16: {  	s3 =	sld [smem:$0x3FDB];
	s0 =	simm.s32 @p2 $0x1  }
0x17: {  	s4 =	simm.s32 $0x1BF5;
	[smem:$0x3FBA] =	sst s0  }
0x18: {  	s0 =	sld [smem:$0x3F9D];
	_ =	swait.ge [sflag:s4], $0x0  }
0x19: {  	s7 =	sld [smem:$0x3F9E]  }
0x1a: {  	s8 =	sadd.s32 $0xFFFFE003, lr  }
0x1b: {  	s9 =	sadd.s32 $0xFFFFFEF7, lr;
	s5 =	simm.s32 $0xFFFFFFFF;
	p2 =	slt.u32 s8, $0xFFFFF086  }
0x1c: {  	p1 =	slt.u32 s9, $0xF7A;
	s5 =	simm.s32 @!p2 $0x0  }
0x1d: {  	s5 =	simm.s32 @p1 $0x1;
	p0 =	seq.s32 s7, s2  }
0x1e: {  	s7 =	smul.u32 @!p0 $0xF7A, s2;
	p2 =	seq.s32 @!p0 s5, $0x0  }
0x1f: {  	s9 =	smul.u32 $0xF7A, s1;
	s8 =	simm.s32 @!p0 $0x1BF5;
	p2 =	por !p2, p0  }
0x20: {  	[sflag:s8] =	ssyncset.s32 @!p0 $0xFFFFF086;
	s6 =	sadd.s32 @!p0 s3, s7;
	s7 =	simm.s32 @!p0 $0x108  }
0x21: {  	s3 =	sadd.s32 s3, s9;
	s6 =	sadd.s32 @!p0 $0x88, s6;
	s7 =	simm.s32 @p2 $0x1082  }
0x22: {  	[simem:s7], [sflag:s8] =	dma.local @!p0 [hbm:s6], $0xF7A  }
0x23: {  	s9 =	sor.u32 $0xD0000000, s2;
	s6 =	simm.s32 $0x108;
	_ =	swait.ge @!p0 [sflag:s8], $0x0  }
0x24: {  	s3 =	sadd.s32 $0x88, s3;
	s6 =	simm.s32 @!p1 $0x1082;
	[sflag:s4] =	ssyncset.s32 $0xFFFFF086  }
0x25: {  	[simem:s6], [sflag:s4] =	dma.local [hbm:s3], $0xF7A  }
0x26: {  	[smem:$0x3F9E] =	sst s1;
	(tag) =	ssettag s2;
	_ =	strace s9  }
0x27: {  	s1 =	sld [smem:$0x3FAE]  }
0x28: {  	s2 =	sld [smem:$0x3FAF]  }
0x29: {  	s4 =	sld [smem:$0x3FB1]  }
0x2a: {  	p0 =	seq.s32 s5, $0x0;
	s5 =	sld [smem:$0x3FB2]  }
0x2b: {  	s6 =	sld [smem:$0x3FB3]  }
0x2c: {  	s7 =	sld [smem:$0x3FB4]  }
0x2d: {  	s3 =	simm.s32 $0x108;
	s8 =	sld [smem:$0x3FB5]  }
0x2e: {  	s3 =	simm.s32 @!p0 $0x1082;
	s9 =	sld [smem:$0x3FB6]  }
0x2f: {  	lr =	sadd.s32 s0, s3;
	s0 =	sld [smem:$0x3FAD]  }
0x30: {  	s3 =	sld [smem:$0x3FB0]  }
0x31: {  	[smem:$0x3FB9] =	sst s10  }
0x32: {  	s10 =	sld [smem:$0x3FB7];
	_ =	sdelay $0x3  }
0x33: {  	p0 =	seq.s32 s10, $0x1;
	s10 =	sld [smem:$0x3FB9];
	_ =	sdelay $0x3  }
0x34: {  	[smem:$0x3FB9] =	sst s10  }
0x35: {  	s10 =	sld [smem:$0x3FB8];
	_ =	sdelay $0x3  }
0x36: {  	p1 =	seq.s32 s10, $0x1;
	s10 =	sld [smem:$0x3FB9];
	_ =	sdelay $0x3  }
0x37: {  	[smem:$0x3FB9] =	sst s10  }
0x38: {  	s10 =	sld [smem:$0x3FBA]  }
0x39: {  	_ = 	snop;
	(pc) =	sbr.ind lr, $3  }
0x3a: {  	_ = 	snop  }
0x3b: {  	_ = 	snop  }
0x3c: {  	p2 =	seq.s32 s10, $0x1;
	s10 =	sld [smem:$0x3FB9]  }
0x3d: {  	_ =	shalt  }
0x3e: {  	_ =	shalt  }
0x3f: {  	_ =	shalt  }
0x40: {  	_ =	shalt  }
0x41: {  	_ =	shalt  }
0x42: {  	_ =	shalt  }
0x43: {  	_ =	shalt  }
0x44: {  	_ =	shalt  }
0x45: {  	_ =	shalt  }
0x46: {  	_ =	shalt  }
0x47: {  	_ =	shalt  }
0x48: {  	_ =	shalt  }
0x49: {  	_ =	shalt  }
0x4a: {  	_ =	shalt  }
0x4b: {  	_ =	shalt  }
0x4c: {  	_ =	shalt  }
0x4d: {  	_ =	shalt  }
0x4e: {  	_ =	shalt  }
0x4f: {  	_ =	shalt  }
0x50: {  	_ =	shalt  }
0x51: {  	_ =	shalt  }
0x52: {  	_ =	shalt  }
0x53: {  	_ =	shalt  }
0x54: {  	_ =	shalt  }
0x55: {  	_ =	shalt  }
0x56: {  	_ =	shalt  }
0x57: {  	_ =	shalt  }
0x58: {  	_ =	shalt  }
0x59: {  	_ =	shalt  }
0x5a: {  	_ =	shalt  }
0x5b: {  	_ =	shalt  }
0x5c: {  	_ =	shalt  }
0x5d: {  	_ =	shalt  }
0x5e: {  	_ =	shalt  }
0x5f: {  	_ =	shalt  }
0x60: {  	_ =	shalt  }
0x61: {  	_ =	shalt  }
0x62: {  	_ =	shalt  }
0x63: {  	_ =	shalt  }
0x64: {  	_ =	shalt  }
0x65: {  	_ =	shalt  }
0x66: {  	_ =	shalt  }
0x67: {  	_ =	shalt  }
0x68: {  	_ =	shalt  }
0x69: {  	_ =	shalt  }
0x6a: {  	_ =	shalt  }
0x6b: {  	_ =	shalt  }
0x6c: {  	_ =	shalt  }
0x6d: {  	_ =	shalt  }
0x6e: {  	_ =	shalt  }
0x6f: {  	_ =	shalt  }
0x70: {  	_ =	shalt  }
0x71: {  	_ =	shalt  }
0x72: {  	_ =	shalt  }
0x73: {  	_ =	shalt  }
0x74: {  	_ =	shalt  }
0x75: {  	_ =	shalt  }
0x76: {  	_ =	shalt  }
0x77: {  	_ =	shalt  }
0x78: {  	_ =	shalt  }
0x79: {  	_ =	shalt  }
0x7a: {  	_ =	shalt  }
0x7b: {  	_ =	shalt  }
0x7c: {  	_ =	shalt  }
0x7d: {  	_ =	shalt  }
0x7e: {  	_ =	shalt  }
0x7f: {  	_ =	shalt  }
0x80: {  	_ =	shalt  }
0x81: {  	_ =	shalt  }
0x82: {  	_ =	shalt  }
0x83: {  	_ =	shalt  }
0x84: {  	_ =	shalt  }
0x85: {  	_ =	shalt  }
0x86: {  	_ =	shalt  }
0x87: {  	_ =	shalt  }
.Lfunc_end0:
.L_simem_size_0:
called_computation_lowered:
.L_overlay_start_0:
0x88: {  	s2 =	sld [smem:$0x3FD9]  }
0x89: {  	s3 =	sld [smem:$0x3FFE];
	_ =	sdelay $0x1  }
0x8a: {  	s1 =	srdreg.scid  }
0x8b: {  	s0 =	sand.u32 $0x1, s1  }
0x8c: {  	s14 =	sshll.u32 s0, $0xA;
	s2 =	sadd.s32 s3, s2  }
0x8d: {  	s2 =	sadd.s32 s2, s14  }
0x8e: {  	[smem:$0x3FC5] =	sst s2  }
0x8f: {  	_ = 	snop  }
0x90: {  	s2 =	sld [smem:$0x3FD0];
	_ =	sdelay $0x2  }
0x91: {  	s15 =	simm.s32 $0xA;
	s4 =	simm.s32 $0x10  }
0x92: {  	[smem:s4], [sflag:s15] =	dma.local [hbm:s2], $0x1  }
0x93: {  	_ =	swait.eq [sflag:s15], $0x1  }
0x94: {  	[sflag:s15] =	ssyncset.done $0x0  }
0x95: {  	[sflag:s15] =	ssyncadd.s32 $0xFFFFFFFF  }
0x96: {  	s16 =	sld [smem:$0x11];
	(tm) =	ssettm $0x1  }
0x97: {  	s17 =	sld [smem:$0x3FFB];
	_ =	sdelay $0x3  }
0x98: {  	_ =	strace s17  }
0x99: {  	s3 =	sld [smem:$0x3FFC];
	_ =	sdelay $0x3  }
0x9a: {  	_ =	strace s3  }
0x9b: {  	s3 =	sld [smem:$0x3FFD];
	_ =	sdelay $0x3  }
0x9c: {  	_ =	strace s3  }
0x9d: {  	_ =	strace $0x8FFFFFFF  }
0x9e: {  	s18 =	sld [smem:$0x3FDB];
	_ =	sdelay $0x1  }
0x9f: {  	s19 =	simm.s32 $_scs_section_size  }
0xa0: {  	s5 =	simm.s32 $_size__tile_overlayer_lowered;
	s6 =	simm.s32 $_tile_overlayer_lowered  }
0xa1: {  	s22 =	simm.s32 $0x1BFF;
	s21 =	sshll.u32 s6, $0x1;
	s3 =	sadd.s32 s19, s18  }
0xa2: {  	s7 =	simm.s32 $0x0;
	s20 =	sshll.u32 s5, $0x1;
	s5 =	sadd.s32 s21, s3  }
0xa3: {  	[timem:s7], [sflag:s22] =	dma.local [hbm:s5], s20  }
0xa4: {  	_ =	swait.ge [sflag:s22], s20  }
0xa5: {  	s4 =	ssub.s32 $0x0, s20;
	[sflag:s22] =	ssyncset.done $0x0  }
0xa6: {  	[sflag:s22] =	ssyncadd.s32 s4;
	_ =	sdelay $0x1  }
0xa7: {  	s23 =	simm.s32 $0x1B8B  }
0xa8: {  	_ =	swait.ge [sflag:s23], $0x1  }
0xa9: {  	[sflag:s23] =	ssyncset.done $0x0  }
0xaa: {  	s25 =	simm.s32 $0x1B8E;
	s24 =	sld [smem:$0x3FFE];
	[sflag:s23] =	ssyncadd.s32 $0xFFFFFFFF  }
0xab: {  	s26 =	simm.s32 $execute0_lowered;
	[smem:$0x3FD2] =	sst s25  }
0xac: {  	s5 =	sshll.u32 s26, $0x1;
	_ =	strace $0x80000046;
	[dreg:$0x1] =	wrdreg $0xFFFFFFFF  }
0xad: {  	s28 =	simm.s32 $_size_execute0_lowered;
	s3 =	sadd.s32 s3, s5;
	[dreg:$0x0] =	wrdreg $0x0  }
0xae: {  	s5 =	sshll.u32 s28, $0x1;
	[dreg:$0x2] =	wrdreg s3  }
0xaf: {  	[dreg:$0x3] =	wrdreg s5  }
0xb0: {  	[dreg:$0x4] =	wrdreg $0xC0  }
0xb1: {  	_ =	task [dreg:s7], $0x5FFFF  }
0xb2: {  	[dreg:$0x1] =	wrdreg $0xFFFFFFFF  }
0xb3: {  	[dreg:$0x0] =	wrdreg $0x60  }
0xb4: {  	[dreg:$0x2] =	wrdreg s24  }
0xb5: {  	[dreg:$0x3] =	wrdreg s16  }
0xb6: {  	[dreg:$0x4] =	wrdreg $0x9  }
0xb7: {  	_ =	task.clear_ibuf [dreg:s7], $0x5FFFF;
	_ =	strace $0x90000046  }
0xb8: {  	s29 =	simm.s32 $0x9;
	_ =	strace $0x80000048  }
0xb9: {  	_ =	swait.ge [sflag:s29], $0x1  }
0xba: {  	[sflag:s29] =	ssyncadd.s32 $0xFFFFFFFF  }
0xbb: {  	_ =	strace $0x90000048  }
0xbc: {  	_ =	sfence  }
0xbd: {  	s30 =	sld [smem:$0x0];
	_ =	sdelay $0x2  }
0xbe: {  	s31 =	sshll.u32 s1, $0xD;
	s1 =	sshrl.u32 s1, $0x2  }
0xbf: {  	s3 =	sand.u32 $0x4000, s31;
	s1 =	sadd.s32 s1, s30  }
0xc0: {  	s0 =	sor.u32 s3, s0;
	s1 =	sshll.u32 s1, $0x11  }
0xc1: {  	s0 =	sor.u32 s1, s0  }
0xc2: {  	s0 =	sadd.s32 $0x8F2B, s0  }
0xc3: {  	[sflag:s0] =	ssyncadd.remote.s32 $0x1  }
0xc4: {  	_ =	sfence.sel $0xFFFF  }
0xc5: {  	[dreg:$0x0] =	wrdreg $0xFFFFFFFF;
	(pc) =	sbr.abs _section_cstart, $3  }
0xc6: {  	[dreg:$0x1] =	wrdreg $0xFFFFFFFF  }
0xc7: {  	_ =	task.clear_ibuf [dreg:s7], $0x2FFFF;
	_ =	strace $0x9FFFFFFF  }
0xc8: {  	(tm) =	ssettm $0x7FFFFFFF  }
0xc9: {  	_ =	shalt  }
tec
execute0_lowered:
.L_overlay_start_1:
0x0: {  	(tag) =	ssettag $0x1  }
0x1: {  	s2 =	stileid.u32  }
0x2: {  	p0 =	sgt.u32 s2, $0x3  }
.Ltmp0:
0x3: {  	_ = 	snop;
	(pc) =	sbr.rel @p0 .LBB2_55-.Ltmp0, $4  }
0x4: {  	_ = 	snop  }
0x5: {  	s1 =	rddreg [dreg:$0x0];
	s3 =	simm.s32 $0x0  }
0x6: {  	[smem:$0x7FF] =	sst s3  }
0x7: {  	s0 =	rddreg [dreg:$0x1];
	_ =	strace $0x80000047  }
0x8: {  	s2 =	srdreg.scid;
	s3 =	stileid.u32  }
0x9: {  	s5 =	sadd.s32 $0x1200, s1;
	s6 =	simm.s32 $0x1;
	s7 =	simm.s32 $0x16380  }
0xa: {  	s19 =	simm.s32 $0x1A380;
	s2 =	sand.u32 $0x1, s2;
	s3 =	sshll.u32 s3, $0x1  }
0xb: {  	s20 =	simm.s32 $0x1AB80;
	s28 =	simm.s32 $0x1D380;
	s3 =	sor.u32 s2, s3  }
0xc: {  	s29 =	simm.s32 $0x1DB80;
	s4 =	sshll.u32 s3, $0x9;
	s3 =	sshll.u32 s3, $0x4  }
0xd: {  	s30 =	simm.s32 $0x1E380;
	s31 =	simm.s32 $0x1EB80;
	s0 =	sadd.s32 s0, s3  }
0xe: {  	s21 =	sadd.s32 s4, s1;
	s26 =	sadd.s32 s5, s3;
	[dreg:$0x7] =	wrdreg s0  }
0xf: {  	s2 =	ssub.s32 $0x2, s2;
	s4 =	sadd.s32 $0x17600, s21;
	[dreg:$0x8] =	wrdreg s26  }
0x10: {  	v0 =	vimm.s32 $0x0;
	v1 =	vlaneseq.u32;
	v4 =	vimm.s32 $0xECA86420;
	s24 =	sshrl.u32 s2, $0x1;
	s22 =	sadd.s32 $0x17610, s21;
	[dreg:$0x3] =	wrdreg s4  }
.Ltmp1:
0x11: {  	v2 =	vimm.s32 $0x1;
	vm0 =	vmmov $0x7fff;
	vm1 =	vcmask $0xB08;
	s23 =	sadd.s32 $0x17620, s21;
	[dreg:$0x4] =	wrdreg s22;
	(pc) =	sbr.rel .LBB2_2-.Ltmp1, $4  }
0x12: {  	vm2 =	vcmask $0x1310;
	vm3 =	vcmask $0x1B18;
	vm15 =	vcmask $0x300;
	s25 =	ssub.s32 s2, s24;
	s1 =	sadd.s32 $0x17630, s21;
	[dreg:$0x5] =	wrdreg s23  }
0x13: {  	vm5 =	vcmask $0x2320;
	vm6 =	vcmask $0x2B28;
	s11 =	simm.s32 $0x1FC00;
	v5 =	vunpack.c.l.s4.s8 v4;
	s0 =	smax.u32 s25, $0x1;
	[dreg:$0x6] =	wrdreg s1  }
0x14: {  	vm7 =	vcmask $0x3330;
	vm8 =	vcmask $0x3B38;
	vm9 =	vmxor vm9, vm9;
	s3 =	simm.s32 $0x0;
	s21 =	simm.s32 $0x1CB80;
	[dreg:$0x9] =	wrdreg s0  }
0x15: {  	v3 =	vor.u32 $0x80000000, v1;
	v4 =	vmul.u32 $0xFFFFFFFF, v1;
	v5 =	vunpack.c.0.s8.s32 v5;
	s22 =	simm.s32 $0x19F80;
	s0 =	simm.s32 $0x1F380;
	s1 =	simm.s32 $0x1FB80  }
.LBB2_54:
0x16: {  	s2 =	simm.s32 $0x0;
	s3 =	rddreg [dreg:$0x7]  }
0x17: {  	[hbm4b:s3+s2] =	stream.linear.scatter [tilespmem:s1], [sflag:$0x1], $0x80, $0x38;
	[tilespmem:$0x1FC80] =	vst v63  }
0x18: {  	_ =	swait.ge [sflag:s6], $0x80  }
0x19: {  	s25 =	rddreg [dreg:$0xa]  }
0x1a: {  	s26 =	rddreg [dreg:$0x9];
	s3 =	sadd.s32 $0x1, s25  }
0x1b: {  	p0 =	sne.s32 s3, s26  }
.Ltmp2:
0x1c: {  	_ = 	snop;
	(pc) =	sbr.rel @!p0 .LBB2_55-.Ltmp2, $3  }
0x1d: {  	_ =	sdelay $0x1  }
0x1e: {  	[sflag:s6] =	ssyncset.done $0x0  }
0x1f: {  	s7 =	simm.s32 $0x16380;
	[sflag:s6] =	ssyncadd.s32 $0xFFFFFF80  }
.LBB2_2:
0x20: {  	[dreg:$0xa] =	wrdreg s3;
	s2 =	simm.s32 $0x0  }
0x21: {  	s13 =	rddreg [dreg:$0x8];
	s4 =	simm.s32 $0x80;
	s5 =	simm.s32 $0x400  }
0x22: {  	[tilespmem:s2], [sflag:$0x1] =	stream.strided.gather [hbm4b:s13+s4], $0x16380, s5, s4, $0x38;
	[tilespmem:$0x1FC80] =	vst v63  }
0x23: {  	_ =	swait.ge [sflag:s6], $0x16380  }
0x24: {  	s15 =	simm.s32 $0x200;
	[sflag:s6] =	ssyncset.done $0x0  }
0x25: {  	s16 =	simm.s32 $0x18B80;
	s14 =	rddreg [dreg:$0x3];
	[sflag:s6] =	ssyncadd.s32 $0xFFFE9C80  }
0x26: {  	[tilespmem:s16], [sflag:$0x1] =	stream.strided.gather [hbm4b:s14+s4], $0x400, s15, s4, $0x38;
	[tilespmem:$0x1FC80] =	vst v63  }
0x27: {  	_ =	swait.ge [sflag:s6], $0x400  }
0x28: {  	[sflag:s6] =	ssyncset.done $0x0  }
0x29: {  	s18 =	simm.s32 $0x18F80;
	s17 =	rddreg [dreg:$0x4];
	[sflag:s6] =	ssyncadd.s32 $0xFFFFFC00  }
0x2a: {  	[tilespmem:s18], [sflag:$0x1] =	stream.strided.gather [hbm4b:s17+s4], $0x400, s15, s4, $0x38;
	[tilespmem:$0x1FC80] =	vst v63  }
0x2b: {  	_ =	swait.ge [sflag:s6], $0x400  }
0x2c: {  	[sflag:s6] =	ssyncset.done $0x0  }
0x2d: {  	s24 =	simm.s32 $0x19380;
	s23 =	rddreg [dreg:$0x5];
	[sflag:s6] =	ssyncadd.s32 $0xFFFFFC00  }
0x2e: {  	[tilespmem:s24], [sflag:$0x1] =	stream.strided.gather [hbm4b:s23+s4], $0x400, s15, s4, $0x38;
	[tilespmem:$0x1FC80] =	vst v63  }
0x2f: {  	_ =	swait.ge [sflag:s6], $0x400  }
0x30: {  	[sflag:s6] =	ssyncset.done $0x0  }
0x31: {  	s26 =	simm.s32 $0x19780;
	s25 =	rddreg [dreg:$0x6];
	[sflag:s6] =	ssyncadd.s32 $0xFFFFFC00  }
0x32: {  	[tilespmem:s26], [sflag:$0x1] =	stream.strided.gather [hbm4b:s25+s4], $0x400, s15, s4, $0x38;
	[tilespmem:$0x1FC80] =	vst v63  }
0x33: {  	_ =	swait.ge [sflag:s6], $0x400  }
0x34: {  	[sflag:s6] =	ssyncset.done $0x0  }
0x35: {  	s2 =	simm.s32 $0x0;
	[sflag:s6] =	ssyncadd.s32 $0xFFFFFC00  }
0x36: {  	v6 =	vld [tilespmem:s2+$0x18B80]  }
0x37: {  	v8 =	vld [tilespmem:s2+$0x18F80]  }
0x38: {  	v7 =	vld [tilespmem:s2+$0x19380]  }
0x39: {  	v9 =	vld [tilespmem:s2+$0x19780]  }
0x3a: {  	s3 =	simm.s32 $0x0;
	s4 =	simm.s32 $0x40;
	[tilespmem:s2+$0x19F80] =	vst v0  }
.LBB2_3:
0x3b: {  	s5 =	sshra.s32 s4, $0x2;
	v10 =	vmov v6;
	p0 =	sne.s32 s4, $0xFC0  }
.Ltmp3:
0x3c: {  	v6 =	vld [tilespmem:s5+$0x18B80];
	[tilespmem:s5+$0x19F80] =	vst v0;
	v11 =	vmov v8;
	(pc) =	sbr.rel @p0 .LBB2_3-.Ltmp3, $4  }
0x3d: {  	v8 =	vld [tilespmem:s5+$0x18F80]  }
0x3e: {  	s4 =	sadd.s32 $0x40, s4;
	v10 =	vmax.f32 v10, v11;
	v11 =	vmax.f32 v7, v9;
	v7 =	vld [tilespmem:s5+$0x19380]  }
0x3f: {  	v9 =	vld [tilespmem:s5+$0x19780];
	v10 =	vmax.f32 v10, v11  }
0x40: {  	[tilespmem:s3+$0x19B80] =	vst v10;
	s3 =	smov.u32 s5  }
0x41: {  	_ =	sdelay $0x2  }
0x42: {  	v6 =	vmax.f32 v6, v8;
	v7 =	vmax.f32 v7, v9  }
0x43: {  	v6 =	vmax.f32 v6, v7  }
0x44: {  	[tilespmem:s3+$0x19B80] =	vst v6;
	s3 =	simm.s32 $0x200  }
.LBB2_5:
0x45: {  	p0 =	sne.s32 s3, $0x7E00;
	[tilespmem:s2+$0x163F0] =	vst v0  }
0x46: {  	[tilespmem:s2+$0x16380] =	vst v0  }
0x47: {  	[tilespmem:s2+$0x16390] =	vst v0  }
.Ltmp4:
0x48: {  	[tilespmem:s2+$0x163A0] =	vst v0;
	(pc) =	sbr.rel @p0 .LBB2_5-.Ltmp4, $4  }
0x49: {  	[tilespmem:s2+$0x163B0] =	vst v0  }
0x4a: {  	[tilespmem:s2+$0x163C0] =	vst v0  }
0x4b: {  	[tilespmem:s2+$0x163D0] =	vst v0  }
0x4c: {  	[tilespmem:s2+$0x163E0] =	vst v0;
	s2 =	sshra.s32 s3, $0x2;
	s3 =	sadd.s32 $0x200, s3  }
0x4d: {  	[tilespmem:s2+$0x163F0] =	vst v0  }
0x4e: {  	[tilespmem:s2+$0x16380] =	vst v0  }
0x4f: {  	[tilespmem:s2+$0x16390] =	vst v0  }
0x50: {  	[tilespmem:s2+$0x163A0] =	vst v0  }
0x51: {  	[tilespmem:s2+$0x163B0] =	vst v0  }
0x52: {  	[tilespmem:s2+$0x163C0] =	vst v0  }
0x53: {  	[tilespmem:s2+$0x163D0] =	vst v0  }
0x54: {  	s5 =	simm.s32 $0x0;
	[tilespmem:s2+$0x163E0] =	vst v0;
	s3 =	simm.s32 $0x0  }
.LBB2_7:
0x55: {  	s2 =	sshra.s32 s3, $0x2  }
0x56: {  	v6 =	vld [tilespmem:s2+$0x0];
	_ =	sdelay $0x4  }
0x57: {  	v6 =	vshrl.u32 v6, $0x11;
	_ =	sdelay $0x4  }
0x58: {  	[tilespmem:v6+s7+$0x0] =	vst.idx.add.s32.msk $0xffff, v2  }
0x59: {  	v6 =	vld [tilespmem:s2+$0x10];
	_ =	sdelay $0x4  }
0x5a: {  	v6 =	vshrl.u32 v6, $0x11;
	_ =	sdelay $0x4  }
0x5b: {  	[tilespmem:v6+s7+$0x0] =	vst.idx.add.s32.msk $0xffff, v2  }
0x5c: {  	v6 =	vld [tilespmem:s2+$0x20];
	_ =	sdelay $0x4  }
0x5d: {  	v6 =	vshrl.u32 v6, $0x11;
	_ =	sdelay $0x4  }
0x5e: {  	[tilespmem:v6+s7+$0x0] =	vst.idx.add.s32.msk $0xffff, v2  }
0x5f: {  	v6 =	vld [tilespmem:s2+$0x30];
	_ =	sdelay $0x4  }
0x60: {  	p0 =	sne.s32 s3, $0x58D00;
	v6 =	vshrl.u32 v6, $0x11  }
.Ltmp5:
0x61: {  	_ = 	snop;
	(pc) =	sbr.rel @p0 .LBB2_7-.Ltmp5, $3  }
0x62: {  	_ =	sdelay $0x1  }
0x63: {  	s3 =	sadd.s32 $0x100, s3  }
0x64: {  	s4 =	simm.s32 $0xFFFFFFFF;
	s6 =	simm.s32 $0x80001FF0;
	s2 =	simm.s32 $0x18370;
	[tilespmem:v6+s7+$0x0] =	vst.idx.add.s32.msk $0xffff, v2  }
0x65: {  	s7 =	simm.s32 $0x0;
	s3 =	simm.s32 $0xFFFFFFFF;
	s8 =	simm.s32 $0x0  }
.LBB2_9:
0x66: {  	v6 =	vld [tilespmem:s2+$0x0];
	_ =	sdelay $0x4  }
0x67: {  	(xrf0) =	vadd.scan.msk.s32 $0xffff, v6;
	_ =	sdelay $0x5  }
0x68: {  	v7, _, _ =	vpop (xrf0)  }
0x69: {  	(v2sf) =	vpush v7, $0xF;
	_ =	sdelay $0xe  }
0x6a: {  	s9 =	spop (v2sf)  }
0x6b: {  	s9 =	sadd.s32 s5, s9  }
0x6c: {  	v7 =	vsub.s32 s9, v7  }
0x6d: {  	v7 =	vadd.s32 v6, v7  }
0x6e: {  	vm10 =	vgt.s32 v7, $0x7F  }
0x6f: {  	v8 =	vnsel vm10, $0x7FFFFFFF, v3;
	vm10 =	vgt.s32 v7, $0x270F  }
0x70: {  	(xrf0) =	vmax.scan.msk.u32 $0xffff, v8;
	v60 =	vnsel vm10, $0x7FFFFFFF, v3  }
0x71: {  	(xrf0) =	vmax.scan.msk.u32 $0xffff, v60;
	_ =	sdelay $0x4  }
0x72: {  	v61, _, _ =	vpop (xrf0)  }
0x73: {  	(v2sf) =	vpush v61, $0xF;
	v62, _, _ =	vpop (xrf0)  }
0x74: {  	(v2sf) =	vpush v62, $0xF;
	_ =	sdelay $0xd  }
0x75: {  	s10 =	spop (v2sf)  }
0x76: {  	s12 =	spop (v2sf)  }
0x77: {  	s13 =	sxor.u32 $0x80000000, s12  }
0x78: {  	v63 =	vmov s13  }
0x79: {  	vm10 =	veq.s32 v63, v1  }
0x7a: {  	v7 =	vnsel vm10, $0x0, v7  }
0x7b: {  	v6 =	vnsel vm10, $0x0, v6;
	(xrf0) =	vadd.scan.msk.s32 $0xffff, v7  }
0x7c: {  	(xrf0) =	vadd.scan.msk.s32 $0xffff, v6;
	_ =	sdelay $0x4  }
0x7d: {  	v6, _, _ =	vpop (xrf0)  }
0x7e: {  	(v2sf) =	vpush v6, $0xF;
	v6, _, _ =	vpop (xrf0)  }
0x7f: {  	(v2sf) =	vpush v6, $0xF;
	_ =	sdelay $0x5  }
0x80: {  	p1 =	slt.s32 s5, $0x2710;
	p2 =	sgt.s32 s9, $0x270F  }
0x81: {  	p0 =	slt.s32 s5, $0x80;
	p1 =	por !p1, !p2  }
0x82: {  	p2 =	sgt.s32 s9, $0x7F;
	s5 =	sadd.s32 s6, s10;
	s10 =	smov.u32 s4  }
0x83: {  	p1 =	por !p1, !p1;
	s10 =	smov.u32 @p2 s5;
	s5 =	sadd.s32 s6, s12  }
0x84: {  	p2 =	sgt.u32 s8, $0x1FE;
	s3 =	smov.u32 @p1 s5  }
0x85: {  	s4 =	smov.u32 @p0 s10;
	p0 =	slt.s32 @!p2 s3, $0x0  }
0x86: {  	p0 =	por p2, !p0  }
.Ltmp6:
0x87: {  	_ = 	snop;
	(pc) =	sbr.rel @!p0 .LBB2_9-.Ltmp6, $4  }
0x88: {  	s25 =	spop (v2sf)  }
0x89: {  	s26 =	spop (v2sf)  }
0x8a: {  	s2 =	sadd.s32 $0xFFFFFFF0, s2;
	s8 =	sadd.s32 $0x1, s8;
	s5 =	ssub.s32 s25, s26  }
0x8b: {  	s6 =	sadd.s32 $0xFFFFFFF0, s6;
	s7 =	smov.u32 @p1 s5;
	s5 =	smov.u32 s9  }
0x8c: {  	s2 =	simm.s32 $0x20  }
0x8d: {  	s5 =	sadd.s32 $0x1, s3;
	v8 =	vld [tilespmem:s2+$0xFFFFFFE0]  }
0x8e: {  	p0 =	sgt.s32 s4, s5  }
0x8f: {  	[dreg:$0xb] =	wrdreg s5;
	s5 =	smov.u32 @p0 s4  }
0x90: {  	s14 =	sshll.u32 s5, $0x11  }
0x91: {  	v7 =	vmov s14  }
0x92: {  	vm10 =	vge.s32 v8, v7;
	vm11 =	vne.s32 v8, $0x7FFFFFFF  }
0x93: {  	v6 =	vmov s3;
	v9 =	vshrl.u32 v8, $0x11;
	vm10 =	vmand vm10, vm11  }
0x94: {  	vm11 =	veq.s32 v9, v6;
	v10 =	vsel vm10, $0x1, v0  }
0x95: {  	(xrf0) =	vadd.scan.msk.s32 $0xffff, v10;
	v10 =	vsel vm11, $0x1, v0  }
0x96: {  	s12 =	simm.s32 $0x0;
	(xrf0) =	vadd.scan.msk.s32 $0xffff, v10  }
0x97: {  	s6 =	simm.s32 $0x0;
	v10 =	vor.u32 s12, v1  }
0x98: {  	v12 =	vmov s6;
	v11 =	vmulhi.u32 $0x68168169, v10  }
0x99: {  	v12 =	vadd.s32 $0xFFFFFFFF, v12  }
0x9a: {  	v12 =	vbroadcast v12, $0x0;
	v13 =	vsub.s32 v10, v11  }
0x9b: {  	v31 =	vmov s12;
	v13 =	vshrl.u32 v13, $0x1;
	v14, _, _ =	vpop (xrf0)  }
0x9c: {  	v11 =	vadd.s32 v11, v13;
	v15 =	vsel vm0, $0x0, v14;
	v14 =	vadd.s32 v14, v12;
	v16, _, _ =	vpop (xrf0)  }
0x9d: {  	v11 =	vshrl.u32 v11, $0x6;
	(xrf0) =	vadd.scan.msk.s32 $0xffff, v15;
	vm12 =	vlt.s32 v14, $0x800;
	v12 =	vadd.s32 v16, v12  }
0x9e: {  	v32 =	vsel vm0, $0x0, v16;
	v33 =	vmul.u32 $0xFFFFFFA5, v11;
	vm10 =	vmand vm10, vm12  }
0x9f: {  	v34 =	vsub.s32 v4, v31;
	vm12 =	vlt.s32 v12, $0x800;
	(xrf0) =	vadd.scan.msk.s32 $0xffff, v32  }
0xa0: {  	vm11 =	vmand vm11, vm12;
	vm12 =	veq.s32 v31, v1;
	vm13 =	vne.s32 v33, v34  }
0xa1: {  	vm12 =	vmand vm12, vm13  }
0xa2: {  	vm13 =	vgt.s32 v9, v6;
	v9 =	vsel vm12, $0xFFFFFFFF, v0  }
0xa3: {  	v9 =	vadd.s32 v9, v11;
	v35, _, _ =	vpop (xrf0)  }
0xa4: {  	(v2sf) =	vpush v35, $0xF;
	[tilespmem:v14+s19+$0x0] =	vst.idx.msk vm10, v8  }
0xa5: {  	s5 =	simm.s32 $0x1C380;
	v11, _, _ =	vpop (xrf0);
	[tilespmem:v14+s20+$0x0] =	vst.idx.msk vm10, v10  }
0xa6: {  	(v2sf) =	vpush v11, $0xF;
	[tilespmem:v12+s5+$0x0] =	vst.idx.msk vm11, v8  }
0xa7: {  	[tilespmem:v12+s21+$0x0] =	vst.idx.msk vm11, v10  }
0xa8: {  	[tilespmem:v9+s22+$0x0] =	vst.idx.add.s32.msk vm13, v2  }
0xa9: {  	v8 =	vld [tilespmem:s2+$0xFFFFFFF0];
	_ =	sdelay $0x4  }
0xaa: {  	vm10 =	vge.s32 v8, v7;
	vm11 =	vne.s32 v8, $0x7FFFFFFF  }
0xab: {  	vm10 =	vmand vm10, vm11  }
0xac: {  	v9 =	vshrl.u32 v8, $0x11;
	v10 =	vsel vm10, $0x1, v0  }
0xad: {  	vm11 =	veq.s32 v9, v6;
	(xrf0) =	vadd.scan.msk.s32 $0xffff, v10  }
0xae: {  	v11 =	vsel vm11, $0x1, v0  }
0xaf: {  	(xrf0) =	vadd.scan.msk.s32 $0xffff, v11;
	s13 =	spop (v2sf)  }
0xb0: {  	s4 =	sadd.s32 $0x0, s13  }
0xb1: {  	s15 =	spop (v2sf);
	p0 =	slt.s32 s4, $0x800  }
0xb2: {  	s6 =	sadd.s32 $0x0, s15;
	s4 =	simm.s32 @!p0 $0x800  }
0xb3: {  	p0 =	slt.s32 s6, $0x800;
	v10 =	vmov s4;
	v11, _, _ =	vpop (xrf0)  }
0xb4: {  	s6 =	simm.s32 @!p0 $0x800;
	v10 =	vadd.s32 $0xFFFFFFFF, v10;
	v36 =	vsel vm0, $0x0, v11  }
0xb5: {  	v37, _, _ =	vpop (xrf0);
	v38 =	vmov s6;
	v10 =	vbroadcast v10, $0x0;
	(xrf0) =	vadd.scan.msk.s32 $0xffff, v36  }
0xb6: {  	v39 =	vsel vm0, $0x0, v37;
	v40 =	vadd.s32 $0xFFFFFFFF, v38  }
0xb7: {  	s8 =	simm.s32 $0x10;
	(xrf0) =	vadd.scan.msk.s32 $0xffff, v39;
	v10 =	vadd.s32 v11, v10;
	v11 =	vbroadcast v40, $0x0  }
0xb8: {  	v41 =	vor.u32 s8, v1;
	vm12 =	vlt.s32 v10, $0x800  }
0xb9: {  	v42 =	vmulhi.u32 $0x68168169, v41;
	vm10 =	vmand vm10, vm12;
	v11 =	vadd.s32 v37, v11  }
0xba: {  	vm12 =	vlt.s32 v11, $0x800  }
0xbb: {  	v43 =	vsub.s32 v41, v42;
	vm11 =	vmand vm11, vm12;
	v44, _, _ =	vpop (xrf0)  }
0xbc: {  	v14 =	vshrl.u32 v43, $0x1;
	(v2sf) =	vpush v44, $0xF  }
0xbd: {  	vm12 =	vgt.s32 v9, v6;
	v9 =	vadd.s32 v42, v14;
	v45, _, _ =	vpop (xrf0)  }
0xbe: {  	v9 =	vshrl.u32 v9, $0x6;
	(v2sf) =	vpush v45, $0xF  }
0xbf: {  	[tilespmem:v10+s19+$0x0] =	vst.idx.msk vm10, v8  }
0xc0: {  	[tilespmem:v10+s20+$0x0] =	vst.idx.msk vm10, v41  }
0xc1: {  	[tilespmem:v11+s5+$0x0] =	vst.idx.msk vm11, v8  }
0xc2: {  	[tilespmem:v11+s21+$0x0] =	vst.idx.msk vm11, v41  }
0xc3: {  	[tilespmem:v9+s22+$0x0] =	vst.idx.add.s32.msk vm12, v2  }
0xc4: {  	v8 =	vld [tilespmem:s2+$0x0];
	_ =	sdelay $0x4  }
0xc5: {  	vm10 =	vge.s32 v8, v7;
	vm11 =	vne.s32 v8, $0x7FFFFFFF  }
0xc6: {  	vm10 =	vmand vm10, vm11  }
0xc7: {  	v9 =	vshrl.u32 v8, $0x11;
	v10 =	vsel vm10, $0x1, v0;
	s16 =	spop (v2sf)  }
0xc8: {  	vm11 =	veq.s32 v9, v6;
	(xrf0) =	vadd.scan.msk.s32 $0xffff, v10;
	s4 =	sadd.s32 s4, s16  }
0xc9: {  	v10 =	vsel vm11, $0x1, v0;
	s17 =	spop (v2sf);
	p0 =	slt.s32 s4, $0x800  }
0xca: {  	s6 =	sadd.s32 s6, s17;
	(xrf0) =	vadd.scan.msk.s32 $0xffff, v10;
	s4 =	simm.s32 @!p0 $0x800  }
0xcb: {  	p0 =	slt.s32 s6, $0x800;
	v10 =	vmov s4  }
0xcc: {  	s6 =	simm.s32 @!p0 $0x800;
	v10 =	vadd.s32 $0xFFFFFFFF, v10  }
0xcd: {  	s18 =	simm.s32 $0x20;
	v11 =	vmov s6;
	v10 =	vbroadcast v10, $0x0  }
0xce: {  	v49 =	vor.u32 s18, v1;
	v11 =	vadd.s32 $0xFFFFFFFF, v11;
	v46, _, _ =	vpop (xrf0)  }
0xcf: {  	v11 =	vbroadcast v11, $0x0;
	v47 =	vsel vm0, $0x0, v46;
	v10 =	vadd.s32 v46, v10  }
0xd0: {  	v50 =	vmulhi.u32 $0x68168169, v49;
	v48, _, _ =	vpop (xrf0);
	(xrf0) =	vadd.scan.msk.s32 $0xffff, v47;
	vm12 =	vlt.s32 v10, $0x800  }
0xd1: {  	v11 =	vadd.s32 v48, v11;
	v12 =	vsel vm0, $0x0, v48;
	vm10 =	vmand vm10, vm12  }
0xd2: {  	vm12 =	vlt.s32 v11, $0x800;
	(xrf0) =	vadd.scan.msk.s32 $0xffff, v12  }
0xd3: {  	v51 =	vsub.s32 v49, v50;
	vm11 =	vmand vm11, vm12  }
0xd4: {  	v12 =	vshrl.u32 v51, $0x1  }
0xd5: {  	vm12 =	vgt.s32 v9, v6;
	v9 =	vadd.s32 v50, v12  }
0xd6: {  	v9 =	vshrl.u32 v9, $0x6;
	v52, _, _ =	vpop (xrf0)  }
0xd7: {  	(v2sf) =	vpush v52, $0xF;
	[tilespmem:v10+s19+$0x0] =	vst.idx.msk vm10, v8  }
0xd8: {  	v53, _, _ =	vpop (xrf0);
	[tilespmem:v10+s20+$0x0] =	vst.idx.msk vm10, v49  }
0xd9: {  	(v2sf) =	vpush v53, $0xF;
	[tilespmem:v11+s5+$0x0] =	vst.idx.msk vm11, v8  }
0xda: {  	[tilespmem:v11+s21+$0x0] =	vst.idx.msk vm11, v49  }
0xdb: {  	[tilespmem:v9+s22+$0x0] =	vst.idx.add.s32.msk vm12, v2  }
0xdc: {  	v8 =	vld [tilespmem:s2+$0x10];
	_ =	sdelay $0x4  }
0xdd: {  	vm10 =	vge.s32 v8, v7;
	vm11 =	vne.s32 v8, $0x7FFFFFFF  }
0xde: {  	v9 =	vshrl.u32 v8, $0x11;
	vm10 =	vmand vm10, vm11  }
0xdf: {  	vm11 =	veq.s32 v9, v6;
	v10 =	vsel vm10, $0x1, v0  }
0xe0: {  	v11 =	vsel vm11, $0x1, v0;
	(xrf0) =	vadd.scan.msk.s32 $0xffff, v10  }
0xe1: {  	(xrf0) =	vadd.scan.msk.s32 $0xffff, v11  }
0xe2: {  	s23 =	spop (v2sf)  }
0xe3: {  	s2 =	sadd.s32 s4, s23  }
0xe4: {  	s24 =	spop (v2sf);
	p0 =	slt.s32 s2, $0x800  }
0xe5: {  	s10 =	sadd.s32 s6, s24;
	s2 =	simm.s32 @!p0 $0x800  }
0xe6: {  	p0 =	slt.s32 s10, $0x800;
	v10 =	vmov s2;
	v11, _, _ =	vpop (xrf0)  }
0xe7: {  	s10 =	simm.s32 @!p0 $0x800;
	v10 =	vadd.s32 $0xFFFFFFFF, v10;
	v54 =	vsel vm0, $0x0, v11;
	v55, _, _ =	vpop (xrf0)  }
0xe8: {  	v56 =	vmov s10;
	v10 =	vbroadcast v10, $0x0;
	v57 =	vsel vm0, $0x0, v55;
	(xrf0) =	vadd.scan.msk.s32 $0xffff, v54  }
0xe9: {  	v58 =	vadd.s32 $0xFFFFFFFF, v56;
	(xrf0) =	vadd.scan.msk.s32 $0xffff, v57  }
0xea: {  	s25 =	simm.s32 $0x30;
	v10 =	vadd.s32 v11, v10;
	v11 =	vbroadcast v58, $0x0  }
0xeb: {  	v59 =	vor.u32 s25, v1;
	vm12 =	vlt.s32 v10, $0x800  }
0xec: {  	v60 =	vmulhi.u32 $0x68168169, v59;
	vm10 =	vmand vm10, vm12;
	v11 =	vadd.s32 v55, v11  }
0xed: {  	vm12 =	vlt.s32 v11, $0x800  }
0xee: {  	v61 =	vsub.s32 v59, v60;
	vm11 =	vmand vm11, vm12;
	v62, _, _ =	vpop (xrf0)  }
0xef: {  	v14 =	vshrl.u32 v61, $0x1;
	(v2sf) =	vpush v62, $0xF;
	v63, _, _ =	vpop (xrf0)  }
0xf0: {  	vm12 =	vgt.s32 v9, v6;
	v9 =	vadd.s32 v60, v14;
	(v2sf) =	vpush v63, $0xF  }
0xf1: {  	v9 =	vshrl.u32 v9, $0x6  }
0xf2: {  	[tilespmem:v10+s19+$0x0] =	vst.idx.msk vm10, v8  }
0xf3: {  	[tilespmem:v10+s20+$0x0] =	vst.idx.msk vm10, v59  }
0xf4: {  	[tilespmem:v11+s5+$0x0] =	vst.idx.msk vm11, v8  }
0xf5: {  	[tilespmem:v11+s21+$0x0] =	vst.idx.msk vm11, v59  }
0xf6: {  	s8 =	simm.s32 $0x60;
	[tilespmem:v9+s22+$0x0] =	vst.idx.add.s32.msk vm12, v2  }
0xf7: {  	v8 =	vld [tilespmem:s8+$0xFFFFFFE0];
	_ =	sdelay $0x4  }
0xf8: {  	vm10 =	vge.s32 v8, v7;
	vm11 =	vne.s32 v8, $0x7FFFFFFF  }
0xf9: {  	v9 =	vshrl.u32 v8, $0x11;
	vm11 =	vmand vm10, vm11  }
0xfa: {  	s18 =	simm.s32 $0xB0;
	s12 =	simm.s32 $0x40;
	vm10 =	veq.s32 v9, v6;
	v10 =	vsel vm11, $0x1, v0;
	s26 =	spop (v2sf)  }
0xfb: {  	s6 =	simm.s32 $0x70;
	(xrf0) =	vadd.scan.msk.s32 $0xffff, v10;
	v10 =	vsel vm10, $0x1, v0;
	s2 =	sadd.s32 s2, s26;
	s4 =	spop (v2sf)  }
.LBB2_11:
0xfc: {  	p1 =	slt.s32 s2, $0x800  }
0xfd: {  	v11 =	vor.u32 s12, v1;
	(xrf0) =	vadd.scan.msk.s32 $0xffff, v10;
	s4 =	sadd.s32 s10, s4;
	s13 =	smov.u32 s18;
	s9 =	sadd.s32 $0x40, s18  }
0xfe: {  	p0 =	sne.s32 s18, $0x16370;
	v10 =	vmulhi.u32 $0x68168169, v11;
	s2 =	simm.s32 @!p1 $0x800;
	p1 =	slt.s32 s4, $0x800  }
0xff: {  	v12 =	vmov s2;
	s4 =	simm.s32 @!p1 $0x800  }
0x100: {  	v12 =	vadd.s32 $0xFFFFFFFF, v12;
	v13 =	vmov s4;
	v14 =	vsub.s32 v11, v10  }
0x101: {  	v12 =	vbroadcast v12, $0x0;
	v13 =	vadd.s32 $0xFFFFFFFF, v13;
	v14 =	vshrl.u32 v14, $0x1;
	v15, _, _ =	vpop (xrf0)  }
0x102: {  	v16 =	vsel vm0, $0x0, v15;
	v13 =	vbroadcast v13, $0x0;
	v10 =	vadd.s32 v10, v14  }
0x103: {  	v14 =	vmov s12;
	v12 =	vadd.s32 v15, v12;
	v10 =	vshrl.u32 v10, $0x6;
	(xrf0) =	vadd.scan.msk.s32 $0xffff, v16;
	v15, _, _ =	vpop (xrf0)  }
0x104: {  	vm12 =	vlt.s32 v12, $0x800;
	v13 =	vadd.s32 v15, v13;
	v15 =	vsel vm0, $0x0, v15  }
0x105: {  	v16 =	vmul.u32 $0xFFFFFFA5, v10;
	vm11 =	vmand vm11, vm12;
	vm12 =	vlt.s32 v13, $0x800;
	(xrf0) =	vadd.scan.msk.s32 $0xffff, v15  }
0x106: {  	vm10 =	vmand vm10, vm12;
	vm12 =	veq.s32 v14, v1;
	v14 =	vsub.s32 v4, v14  }
0x107: {  	vm13 =	vne.s32 v16, v14  }
0x108: {  	vm14 =	vgt.s32 v9, v6;
	vm12 =	vmand vm12, vm13  }
0x109: {  	v9 =	vsel vm12, $0xFFFFFFFF, v0;
	v14, _, _ =	vpop (xrf0)  }
0x10a: {  	v9 =	vadd.s32 v9, v10;
	(v2sf) =	vpush v14, $0xF  }
0x10b: {  	[tilespmem:v12+s19+$0x0] =	vst.idx.msk vm11, v8;
	v10, _, _ =	vpop (xrf0)  }
0x10c: {  	[tilespmem:v12+s20+$0x0] =	vst.idx.msk vm11, v11;
	(v2sf) =	vpush v10, $0xF  }
0x10d: {  	[tilespmem:v13+s5+$0x0] =	vst.idx.msk vm10, v8  }
0x10e: {  	[tilespmem:v13+s21+$0x0] =	vst.idx.msk vm10, v11  }
0x10f: {  	[tilespmem:v9+s22+$0x0] =	vst.idx.add.s32.msk vm14, v2  }
0x110: {  	v8 =	vld [tilespmem:s8+$0xFFFFFFF0];
	_ =	sdelay $0x4  }
0x111: {  	vm10 =	vge.s32 v8, v7;
	vm11 =	vne.s32 v8, $0x7FFFFFFF;
	v9 =	vshrl.u32 v8, $0x11  }
0x112: {  	vm11 =	vmand vm10, vm11  }
0x113: {  	vm10 =	veq.s32 v9, v6;
	v10 =	vsel vm11, $0x1, v0  }
0x114: {  	v11 =	vsel vm10, $0x1, v0;
	(xrf0) =	vadd.scan.msk.s32 $0xffff, v10  }
0x115: {  	s10 =	spop (v2sf);
	(xrf0) =	vadd.scan.msk.s32 $0xffff, v11  }
0x116: {  	s2 =	sadd.s32 s2, s10  }
0x117: {  	p1 =	slt.s32 s2, $0x800;
	s10 =	spop (v2sf)  }
0x118: {  	s2 =	simm.s32 @!p1 $0x800;
	s10 =	sadd.s32 s4, s10  }
0x119: {  	p1 =	slt.s32 s10, $0x800;
	v10 =	vmov s2  }
0x11a: {  	s10 =	simm.s32 @!p1 $0x800;
	v10 =	vadd.s32 $0xFFFFFFFF, v10;
	v11, _, _ =	vpop (xrf0)  }
0x11b: {  	v10 =	vbroadcast v10, $0x0;
	v12 =	vsel vm0, $0x0, v11;
	v13 =	vmov s10;
	v14, _, _ =	vpop (xrf0)  }
0x11c: {  	v13 =	vadd.s32 $0xFFFFFFFF, v13;
	v15 =	vsel vm0, $0x0, v14;
	(xrf0) =	vadd.scan.msk.s32 $0xffff, v12  }
0x11d: {  	s4 =	sadd.s32 $0xFFFFFFE0, s6;
	v10 =	vadd.s32 v11, v10;
	v11 =	vbroadcast v13, $0x0;
	(xrf0) =	vadd.scan.msk.s32 $0xffff, v15  }
0x11e: {  	v12 =	vor.u32 s4, v1;
	vm12 =	vlt.s32 v10, $0x800  }
0x11f: {  	v13 =	vmulhi.u32 $0x68168169, v12;
	vm11 =	vmand vm11, vm12;
	v11 =	vadd.s32 v14, v11  }
0x120: {  	vm12 =	vlt.s32 v11, $0x800  }
0x121: {  	v14 =	vsub.s32 v12, v13;
	vm10 =	vmand vm10, vm12  }
0x122: {  	v14 =	vshrl.u32 v14, $0x1;
	v15, _, _ =	vpop (xrf0)  }
0x123: {  	vm12 =	vgt.s32 v9, v6;
	v9 =	vadd.s32 v13, v14;
	(v2sf) =	vpush v15, $0xF;
	v13, _, _ =	vpop (xrf0)  }
0x124: {  	v9 =	vshrl.u32 v9, $0x6;
	(v2sf) =	vpush v13, $0xF  }
0x125: {  	[tilespmem:v10+s19+$0x0] =	vst.idx.msk vm11, v8  }
0x126: {  	[tilespmem:v10+s20+$0x0] =	vst.idx.msk vm11, v12  }
0x127: {  	[tilespmem:v11+s5+$0x0] =	vst.idx.msk vm10, v8  }
0x128: {  	[tilespmem:v11+s21+$0x0] =	vst.idx.msk vm10, v12  }
0x129: {  	[tilespmem:v9+s22+$0x0] =	vst.idx.add.s32.msk vm12, v2  }
0x12a: {  	v8 =	vld [tilespmem:s8+$0x0];
	_ =	sdelay $0x4  }
0x12b: {  	vm10 =	vge.s32 v8, v7;
	vm11 =	vne.s32 v8, $0x7FFFFFFF;
	v9 =	vshrl.u32 v8, $0x11  }
0x12c: {  	vm11 =	vmand vm10, vm11  }
0x12d: {  	v10 =	vsel vm11, $0x1, v0  }
0x12e: {  	vm10 =	veq.s32 v9, v6;
	s4 =	spop (v2sf);
	(xrf0) =	vadd.scan.msk.s32 $0xffff, v10  }
0x12f: {  	v10 =	vsel vm10, $0x1, v0;
	s4 =	sadd.s32 s2, s4;
	s2 =	spop (v2sf)  }
0x130: {  	p1 =	slt.s32 s4, $0x800;
	s2 =	sadd.s32 s10, s2;
	(xrf0) =	vadd.scan.msk.s32 $0xffff, v10  }
0x131: {  	s4 =	simm.s32 @!p1 $0x800;
	p1 =	slt.s32 s2, $0x800  }
0x132: {  	s2 =	simm.s32 @!p1 $0x800;
	v10 =	vmov s4  }
0x133: {  	v10 =	vadd.s32 $0xFFFFFFFF, v10;
	v11 =	vmov s2  }
0x134: {  	v10 =	vbroadcast v10, $0x0;
	v11 =	vadd.s32 $0xFFFFFFFF, v11;
	v12, _, _ =	vpop (xrf0)  }
0x135: {  	s10 =	sadd.s32 $0xFFFFFFF0, s6;
	v13 =	vsel vm0, $0x0, v12;
	v11 =	vbroadcast v11, $0x0  }
0x136: {  	v14 =	vor.u32 s10, v1;
	v10 =	vadd.s32 v12, v10;
	(xrf0) =	vadd.scan.msk.s32 $0xffff, v13;
	v12, _, _ =	vpop (xrf0)  }
0x137: {  	vm12 =	vlt.s32 v10, $0x800;
	v11 =	vadd.s32 v12, v11;
	v12 =	vsel vm0, $0x0, v12  }
0x138: {  	v13 =	vmulhi.u32 $0x68168169, v14;
	vm11 =	vmand vm11, vm12;
	vm12 =	vlt.s32 v11, $0x800;
	(xrf0) =	vadd.scan.msk.s32 $0xffff, v12;
	_ =	sdelay $0x1  }
0x139: {  	v15 =	vsub.s32 v14, v13;
	vm10 =	vmand vm10, vm12  }
0x13a: {  	vm12 =	vgt.s32 v9, v6;
	v9 =	vshrl.u32 v15, $0x1  }
0x13b: {  	v9 =	vadd.s32 v13, v9;
	v12, _, _ =	vpop (xrf0)  }
0x13c: {  	v9 =	vshrl.u32 v9, $0x6;
	(v2sf) =	vpush v12, $0xF  }
0x13d: {  	[tilespmem:v10+s19+$0x0] =	vst.idx.msk vm11, v8;
	v12, _, _ =	vpop (xrf0)  }
0x13e: {  	[tilespmem:v10+s20+$0x0] =	vst.idx.msk vm11, v14;
	(v2sf) =	vpush v12, $0xF  }
0x13f: {  	[tilespmem:v11+s5+$0x0] =	vst.idx.msk vm10, v8  }
0x140: {  	[tilespmem:v11+s21+$0x0] =	vst.idx.msk vm10, v14  }
0x141: {  	[tilespmem:v9+s22+$0x0] =	vst.idx.add.s32.msk vm12, v2  }
0x142: {  	v8 =	vld [tilespmem:s8+$0x10];
	_ =	sdelay $0x4  }
0x143: {  	vm10 =	vge.s32 v8, v7;
	vm11 =	vne.s32 v8, $0x7FFFFFFF;
	v9 =	vshrl.u32 v8, $0x11  }
0x144: {  	vm11 =	vmand vm10, vm11  }
0x145: {  	vm10 =	veq.s32 v9, v6;
	v10 =	vsel vm11, $0x1, v0  }
0x146: {  	v11 =	vsel vm10, $0x1, v0;
	(xrf0) =	vadd.scan.msk.s32 $0xffff, v10  }
0x147: {  	s10 =	spop (v2sf);
	(xrf0) =	vadd.scan.msk.s32 $0xffff, v11  }
0x148: {  	s4 =	sadd.s32 s4, s10  }
0x149: {  	p1 =	slt.s32 s4, $0x800;
	s10 =	spop (v2sf)  }
0x14a: {  	s4 =	simm.s32 @!p1 $0x800;
	s10 =	sadd.s32 s2, s10  }
0x14b: {  	p1 =	slt.s32 s10, $0x800;
	v10 =	vmov s4  }
0x14c: {  	s10 =	simm.s32 @!p1 $0x800;
	v10 =	vadd.s32 $0xFFFFFFFF, v10;
	v11, _, _ =	vpop (xrf0)  }
0x14d: {  	v10 =	vbroadcast v10, $0x0;
	v12 =	vsel vm0, $0x0, v11;
	v13 =	vmov s10;
	v14, _, _ =	vpop (xrf0)  }
0x14e: {  	v13 =	vadd.s32 $0xFFFFFFFF, v13;
	v15 =	vsel vm0, $0x0, v14;
	(xrf0) =	vadd.scan.msk.s32 $0xffff, v12  }
0x14f: {  	v10 =	vadd.s32 v11, v10;
	v11 =	vbroadcast v13, $0x0;
	(xrf0) =	vadd.scan.msk.s32 $0xffff, v15  }
0x150: {  	v12 =	vor.u32 s6, v1;
	s6 =	smov.u32 s13;
	vm12 =	vlt.s32 v10, $0x800  }
0x151: {  	v13 =	vmulhi.u32 $0x68168169, v12;
	vm11 =	vmand vm11, vm12;
	v11 =	vadd.s32 v14, v11  }
0x152: {  	vm12 =	vlt.s32 v11, $0x800  }
0x153: {  	v14 =	vsub.s32 v12, v13;
	vm10 =	vmand vm10, vm12  }
0x154: {  	v14 =	vshrl.u32 v14, $0x1;
	v15, _, _ =	vpop (xrf0)  }
0x155: {  	vm12 =	vgt.s32 v9, v6;
	v9 =	vadd.s32 v13, v14;
	(v2sf) =	vpush v15, $0xF;
	v13, _, _ =	vpop (xrf0)  }
0x156: {  	v9 =	vshrl.u32 v9, $0x6;
	(v2sf) =	vpush v13, $0xF  }
0x157: {  	[tilespmem:v10+s19+$0x0] =	vst.idx.msk vm11, v8  }
0x158: {  	[tilespmem:v10+s20+$0x0] =	vst.idx.msk vm11, v12  }
0x159: {  	[tilespmem:v11+s5+$0x0] =	vst.idx.msk vm10, v8  }
0x15a: {  	[tilespmem:v11+s21+$0x0] =	vst.idx.msk vm10, v12  }
0x15b: {  	s8 =	sadd.s32 $0x40, s8;
	[tilespmem:v9+s22+$0x0] =	vst.idx.add.s32.msk vm12, v2  }
0x15c: {  	v8 =	vld [tilespmem:s8+$0xFFFFFFE0];
	_ =	sdelay $0x4  }
.Ltmp7:
0x15d: {  	vm10 =	vge.s32 v8, v7;
	vm11 =	vne.s32 v8, $0x7FFFFFFF;
	v9 =	vshrl.u32 v8, $0x11;
	(pc) =	sbr.rel @p0 .LBB2_11-.Ltmp7, $4  }
0x15e: {  	vm11 =	vmand vm10, vm11  }
0x15f: {  	v10 =	vsel vm11, $0x1, v0  }
0x160: {  	s18 =	smov.u32 s9;
	vm10 =	veq.s32 v9, v6;
	(xrf0) =	vadd.scan.msk.s32 $0xffff, v10;
	s2 =	spop (v2sf)  }
0x161: {  	s12 =	sadd.s32 $0xFFFFFFD0, s6;
	v10 =	vsel vm10, $0x1, v0;
	s2 =	sadd.s32 s4, s2;
	s4 =	spop (v2sf)  }
0x162: {  	(xrf0) =	vadd.scan.msk.s32 $0xffff, v10;
	p0 =	slt.s32 s2, $0x800;
	s4 =	sadd.s32 s10, s4  }
0x163: {  	v59 =	vor.u32 s12, v1;
	s2 =	simm.s32 @!p0 $0x800;
	p0 =	slt.s32 s4, $0x800  }
0x164: {  	v11 =	vmulhi.u32 $0x68168169, v59;
	v12 =	vmov s2;
	s4 =	simm.s32 @!p0 $0x800  }
0x165: {  	v12 =	vadd.s32 $0xFFFFFFFF, v12;
	v13 =	vmov s4  }
0x166: {  	v14 =	vsub.s32 v59, v11;
	v12 =	vbroadcast v12, $0x0;
	v13 =	vadd.s32 $0xFFFFFFFF, v13  }
0x167: {  	v60 =	vmov s12;
	v15, _, _ =	vpop (xrf0);
	v14 =	vshrl.u32 v14, $0x1;
	v13 =	vbroadcast v13, $0x0  }
0x168: {  	v16 =	vsel vm0, $0x0, v15;
	v11 =	vadd.s32 v11, v14;
	v12 =	vadd.s32 v15, v12;
	v61, _, _ =	vpop (xrf0)  }
0x169: {  	v11 =	vshrl.u32 v11, $0x6;
	(xrf0) =	vadd.scan.msk.s32 $0xffff, v16;
	vm12 =	vlt.s32 v12, $0x800;
	v13 =	vadd.s32 v61, v13  }
0x16a: {  	v15 =	vsel vm0, $0x0, v61;
	v62 =	vmul.u32 $0xFFFFFFA5, v11;
	vm11 =	vmand vm11, vm12  }
0x16b: {  	v63 =	vsub.s32 v4, v60;
	vm12 =	vlt.s32 v13, $0x800;
	(xrf0) =	vadd.scan.msk.s32 $0xffff, v15  }
0x16c: {  	vm10 =	vmand vm10, vm12;
	vm12 =	veq.s32 v60, v1;
	vm13 =	vne.s32 v62, v63  }
0x16d: {  	vm12 =	vmand vm12, vm13  }
0x16e: {  	vm13 =	vgt.s32 v9, v6;
	v18 =	vsel vm12, $0xFFFFFFFF, v0  }
0x16f: {  	v19, _, _ =	vpop (xrf0);
	v9 =	vadd.s32 v18, v11  }
0x170: {  	(v2sf) =	vpush v19, $0xF;
	[tilespmem:v12+s19+$0x0] =	vst.idx.msk vm11, v8  }
0x171: {  	v20, _, _ =	vpop (xrf0);
	[tilespmem:v12+s20+$0x0] =	vst.idx.msk vm11, v59  }
0x172: {  	(v2sf) =	vpush v20, $0xF;
	[tilespmem:v13+s5+$0x0] =	vst.idx.msk vm10, v8  }
0x173: {  	[tilespmem:v13+s21+$0x0] =	vst.idx.msk vm10, v59  }
0x174: {  	[tilespmem:v9+s22+$0x0] =	vst.idx.add.s32.msk vm13, v2  }
0x175: {  	v8 =	vld [tilespmem:s8+$0xFFFFFFF0];
	_ =	sdelay $0x4  }
0x176: {  	vm10 =	vge.s32 v8, v7;
	vm11 =	vne.s32 v8, $0x7FFFFFFF  }
0x177: {  	vm10 =	vmand vm10, vm11  }
0x178: {  	v21 =	vshrl.u32 v8, $0x11;
	v22 =	vsel vm10, $0x1, v0  }
0x179: {  	vm11 =	veq.s32 v21, v6;
	(xrf0) =	vadd.scan.msk.s32 $0xffff, v22  }
0x17a: {  	v23 =	vsel vm11, $0x1, v0  }
0x17b: {  	s9 =	spop (v2sf);
	(xrf0) =	vadd.scan.msk.s32 $0xffff, v23  }
0x17c: {  	s2 =	sadd.s32 s2, s9  }
0x17d: {  	p0 =	slt.s32 s2, $0x800;
	s13 =	spop (v2sf)  }
0x17e: {  	s2 =	simm.s32 @!p0 $0x800;
	s4 =	sadd.s32 s4, s13  }
0x17f: {  	p0 =	slt.s32 s4, $0x800;
	v24 =	vmov s2;
	v25, _, _ =	vpop (xrf0)  }
0x180: {  	s4 =	simm.s32 @!p0 $0x800;
	v10 =	vadd.s32 $0xFFFFFFFF, v24;
	v26 =	vsel vm0, $0x0, v25  }
0x181: {  	v10 =	vbroadcast v10, $0x0;
	v27 =	vmov s4;
	v28, _, _ =	vpop (xrf0);
	(xrf0) =	vadd.scan.msk.s32 $0xffff, v26  }
0x182: {  	v29 =	vadd.s32 $0xFFFFFFFF, v27;
	v30 =	vsel vm0, $0x0, v28  }
0x183: {  	s15 =	sadd.s32 $0xFFFFFFE0, s6;
	v10 =	vadd.s32 v25, v10;
	v31 =	vbroadcast v29, $0x0;
	(xrf0) =	vadd.scan.msk.s32 $0xffff, v30  }
0x184: {  	v32 =	vor.u32 s15, v1;
	vm12 =	vlt.s32 v10, $0x800  }
0x185: {  	v33 =	vmulhi.u32 $0x68168169, v32;
	vm10 =	vmand vm10, vm12;
	v11 =	vadd.s32 v28, v31  }
0x186: {  	vm12 =	vlt.s32 v11, $0x800  }
0x187: {  	v34 =	vsub.s32 v32, v33;
	vm11 =	vmand vm11, vm12;
	v35, _, _ =	vpop (xrf0)  }
0x188: {  	v14 =	vshrl.u32 v34, $0x1;
	(v2sf) =	vpush v35, $0xF  }
0x189: {  	v36 =	vadd.s32 v33, v14;
	vm12 =	vgt.s32 v21, v6;
	v37, _, _ =	vpop (xrf0)  }
0x18a: {  	v9 =	vshrl.u32 v36, $0x6;
	(v2sf) =	vpush v37, $0xF  }
0x18b: {  	[tilespmem:v10+s19+$0x0] =	vst.idx.msk vm10, v8  }
0x18c: {  	[tilespmem:v10+s20+$0x0] =	vst.idx.msk vm10, v32  }
0x18d: {  	[tilespmem:v11+s5+$0x0] =	vst.idx.msk vm11, v8  }
0x18e: {  	[tilespmem:v11+s21+$0x0] =	vst.idx.msk vm11, v32  }
0x18f: {  	[tilespmem:v9+s22+$0x0] =	vst.idx.add.s32.msk vm12, v2  }
0x190: {  	v8 =	vld [tilespmem:s8+$0x0];
	_ =	sdelay $0x4  }
0x191: {  	vm10 =	vge.s32 v8, v7;
	vm11 =	vne.s32 v8, $0x7FFFFFFF  }
0x192: {  	vm10 =	vmand vm10, vm11  }
0x193: {  	v38 =	vshrl.u32 v8, $0x11;
	v39 =	vsel vm10, $0x1, v0;
	s16 =	spop (v2sf)  }
0x194: {  	vm11 =	veq.s32 v38, v6;
	(xrf0) =	vadd.scan.msk.s32 $0xffff, v39;
	s9 =	sadd.s32 s2, s16  }
0x195: {  	v40 =	vsel vm11, $0x1, v0;
	s17 =	spop (v2sf);
	p0 =	slt.s32 s9, $0x800  }
0x196: {  	(xrf0) =	vadd.scan.msk.s32 $0xffff, v40;
	s2 =	sadd.s32 s4, s17;
	s9 =	simm.s32 @!p0 $0x800  }
0x197: {  	p0 =	slt.s32 s2, $0x800;
	v41 =	vmov s9  }
0x198: {  	s2 =	simm.s32 @!p0 $0x800;
	v10 =	vadd.s32 $0xFFFFFFFF, v41  }
0x199: {  	v42 =	vmov s2;
	v10 =	vbroadcast v10, $0x0  }
0x19a: {  	v11 =	vadd.s32 $0xFFFFFFFF, v42;
	v43, _, _ =	vpop (xrf0)  }
0x19b: {  	s18 =	sadd.s32 $0xFFFFFFF0, s6;
	v11 =	vbroadcast v11, $0x0;
	v10 =	vadd.s32 v43, v10  }
0x19c: {  	v44 =	vor.u32 s18, v1;
	v45, _, _ =	vpop (xrf0);
	vm12 =	vlt.s32 v10, $0x800  }
0x19d: {  	v46 =	vmulhi.u32 $0x68168169, v44;
	v11 =	vadd.s32 v45, v11;
	vm10 =	vmand vm10, vm12  }
0x19e: {  	vm12 =	vlt.s32 v11, $0x800  }
0x19f: {  	v47 =	vsub.s32 v44, v46;
	vm11 =	vmand vm11, vm12  }
0x1a0: {  	v16 =	vshrl.u32 v47, $0x1  }
0x1a1: {  	v48 =	vadd.s32 v46, v16;
	vm12 =	vgt.s32 v38, v6  }
0x1a2: {  	v9 =	vshrl.u32 v48, $0x6  }
0x1a3: {  	[tilespmem:v10+s19+$0x0] =	vst.idx.msk vm10, v8  }
0x1a4: {  	[tilespmem:v10+s20+$0x0] =	vst.idx.msk vm10, v44  }
0x1a5: {  	[tilespmem:v11+s5+$0x0] =	vst.idx.msk vm11, v8  }
0x1a6: {  	[tilespmem:v11+s21+$0x0] =	vst.idx.msk vm11, v44  }
0x1a7: {  	v49 =	vsel vm0, $0x0, v43;
	[tilespmem:v9+s22+$0x0] =	vst.idx.add.s32.msk vm12, v2  }
0x1a8: {  	(xrf0) =	vadd.scan.msk.s32 $0xffff, v49;
	v50 =	vld [tilespmem:s8+$0x10]  }
0x1a9: {  	v51 =	vsel vm0, $0x0, v45  }
0x1aa: {  	(xrf0) =	vadd.scan.msk.s32 $0xffff, v51;
	_ =	sdelay $0x2  }
0x1ab: {  	vm10 =	vge.s32 v50, v7;
	vm11 =	vne.s32 v50, $0x7FFFFFFF  }
0x1ac: {  	v7, _, _ =	vpop (xrf0);
	v52 =	vshrl.u32 v50, $0x11;
	vm11 =	vmand vm10, vm11  }
0x1ad: {  	(v2sf) =	vpush v7, $0xF;
	vm10 =	veq.s32 v52, v6;
	v7 =	vsel vm11, $0x1, v0  }
0x1ae: {  	v53, _, _ =	vpop (xrf0);
	v54 =	vsel vm10, $0x1, v0;
	(xrf0) =	vadd.scan.msk.s32 $0xffff, v7  }
0x1af: {  	(v2sf) =	vpush v53, $0xF;
	(xrf0) =	vadd.scan.msk.s32 $0xffff, v54;
	_ =	sdelay $0x4  }
0x1b0: {  	v7, _, _ =	vpop (xrf0)  }
0x1b1: {  	v55 =	vsel vm0, $0x0, v7;
	v11, _, _ =	vpop (xrf0)  }
0x1b2: {  	v56 =	vsel vm0, $0x0, v11;
	(xrf0) =	vadd.scan.msk.s32 $0xffff, v55  }
0x1b3: {  	(xrf0) =	vadd.scan.msk.s32 $0xffff, v56;
	_ =	sdelay $0x4  }
0x1b4: {  	s23 =	spop (v2sf);
	v10, _, _ =	vpop (xrf0)  }
0x1b5: {  	s4 =	sadd.s32 s9, s23;
	(v2sf) =	vpush v10, $0xF;
	v57, _, _ =	vpop (xrf0)  }
0x1b6: {  	s24 =	spop (v2sf);
	p0 =	slt.s32 s4, $0x800;
	(v2sf) =	vpush v57, $0xF  }
0x1b7: {  	s2 =	sadd.s32 s2, s24;
	s4 =	simm.s32 @!p0 $0x800  }
0x1b8: {  	p0 =	slt.s32 s2, $0x800;
	v58 =	vmov s4  }
0x1b9: {  	s2 =	simm.s32 @!p0 $0x800;
	v10 =	vadd.s32 $0xFFFFFFFF, v58  }
0x1ba: {  	v59 =	vmov s2;
	v10 =	vbroadcast v10, $0x0  }
0x1bb: {  	v12 =	vadd.s32 $0xFFFFFFFF, v59  }
0x1bc: {  	v60 =	vbroadcast v12, $0x0;
	v7 =	vadd.s32 v7, v10  }
0x1bd: {  	v61 =	vor.u32 s6, v1;
	vm12 =	vlt.s32 v7, $0x800  }
0x1be: {  	v62 =	vmulhi.u32 $0x68168169, v61;
	v10 =	vadd.s32 v11, v60;
	vm11 =	vmand vm11, vm12  }
0x1bf: {  	vm12 =	vlt.s32 v10, $0x800  }
0x1c0: {  	v63 =	vsub.s32 v61, v62;
	vm10 =	vmand vm10, vm12  }
0x1c1: {  	v13 =	vshrl.u32 v63, $0x1  }
0x1c2: {  	vm12 =	vgt.s32 v52, v6;
	v6 =	vadd.s32 v62, v13  }
0x1c3: {  	v6 =	vshrl.u32 v6, $0x6  }
0x1c4: {  	[tilespmem:v7+s19+$0x0] =	vst.idx.msk vm11, v50;
	s25 =	spop (v2sf)  }
0x1c5: {  	[tilespmem:v7+s20+$0x0] =	vst.idx.msk vm11, v61;
	s9 =	sadd.s32 s4, s25;
	s26 =	spop (v2sf)  }
0x1c6: {  	[tilespmem:v10+s5+$0x0] =	vst.idx.msk vm10, v50;
	p0 =	slt.s32 s9, $0x800;
	s4 =	sadd.s32 s2, s26;
	s16 =	smov.u32 s9  }
0x1c7: {  	[tilespmem:v10+s21+$0x0] =	vst.idx.msk vm10, v61;
	s16 =	simm.s32 @!p0 $0x800;
	p0 =	slt.s32 s4, $0x800;
	s2 =	smov.u32 s4  }
0x1c8: {  	s6 =	simm.s32 $0x0;
	s8 =	simm.s32 $0x40;
	[tilespmem:v6+s22+$0x0] =	vst.idx.add.s32.msk vm12, v2;
	s2 =	simm.s32 @!p0 $0x800  }
.LBB2_13:
0x1c9: {  	p0 =	sne.s32 s8, $0x1FC0;
	[tilespmem:s6+$0x18380] =	vst v0;
	s6 =	smov.u32 s8;
	s8 =	sadd.s32 $0x40, s8  }
.Ltmp8:
0x1ca: {  	(pc) =	sbr.rel @p0 .LBB2_13-.Ltmp8, $2  }
0x1cb: {  	_ =	sdelay $0x2  }
0x1cc: {  	s6 =	sshra.s32 s6, $0x2  }
0x1cd: {  	s8 =	sadd.s32 $0xF, s2  }
0x1ce: {  	s10 =	sand.u32 $0xF, s8  }
0x1cf: {  	p0 =	slt.s32 s4, $0xFFFFFFF2;
	s26 =	sshra.s32 s8, $0x1F;
	p1 =	sne.s32 s10, $0x0  }
0x1d0: {  	s4 =	sshrl.u32 s26, $0x1C;
	p0 =	por !p0, !p1  }
0x1d1: {  	s4 =	sadd.s32 s4, s8;
	s8 =	simm.s32 $0x1;
	p0 =	por !p0, !p0  }
0x1d2: {  	s4 =	sshra.s32 s4, $0x4;
	s8 =	simm.s32 @!p0 $0x0  }
0x1d3: {  	s21 =	ssub.s32 s4, s8  }
0x1d4: {  	p0 =	slt.s32 s21, $0x1  }
.Ltmp9:
0x1d5: {  	_ = 	snop;
	(pc) =	sbr.rel @p0 .LBB2_21-.Ltmp9, $2  }
0x1d6: {  	_ =	sdelay $0x2  }
0x1d7: {  	[tilespmem:s6+$0x18380] =	vst v0;
	v6 =	vmov s2;
	s13 =	simm.s32 $0x18380  }
0x1d8: {  	p2 =	seq.s32 s21, $0x1  }
.Ltmp10:
0x1d9: {  	_ = 	snop;
	(pc) =	sbr.rel @p2 .LBB2_16-.Ltmp10, $3  }
0x1da: {  	_ =	sdelay $0x1  }
0x1db: {  	s4 =	simm.s32 $0x1C380  }
0x1dc: {  	s2 =	simm.s32 $0x0;
	p1 =	por $0x0, $0x0;
	v7 =	vld [tilespmem:s4+$0x0];
	s4 =	sadd.s32 $0xFFFFFFFF, s21  }
0x1dd: {  	_ =	sdelay $0x2  }
0x1de: {  	v8 =	vor.u32 s2, v1  }
0x1df: {  	vm10 =	vlt.s32 v8, v6;
	v7 =	vshrl.u32 v7, $0x6  }
0x1e0: {  	v7 =	vand.u32 $0x7FF, v7  }
0x1e1: {  	p2 =	seq.s32 s4, $0x1  }
.Ltmp11:
0x1e2: {  	_ = 	snop;
	(pc) =	sbr.rel @p2 .LBB2_18-.Ltmp11, $3  }
0x1e3: {  	_ =	sdelay $0x1  }
0x1e4: {  	s6 =	simm.s32 $0x1C390;
	[tilespmem:v7+s13+$0x0] =	vst.idx.add.s32.msk vm10, v2  }
0x1e5: {  	s8 =	sadd.s32 $0xFFFFFFFF, s4;
	p1 =	por $0x1, $0x1;
	s4 =	simm.s32 $0x0;
	v7 =	vld [tilespmem:s6+$0x0]  }
.LBB2_19:
0x1e6: {  	p2 =	seq.s32 s8, $0x1;
	_ =	sdelay $0x1  }
0x1e7: {  	s4 =	sadd.s32 $0x10, s4  }
0x1e8: {  	v8 =	vor.u32 s4, v1  }
0x1e9: {  	vm10 =	vlt.s32 v8, v6;
	v7 =	vshrl.u32 v7, $0x6  }
0x1ea: {  	v7 =	vand.u32 $0x7FF, v7;
	_ =	sdelay $0x1  }
.Ltmp12:
0x1eb: {  	(pc) =	sbr.rel @!p2 .LBB2_19-.Ltmp12, $3  }
0x1ec: {  	_ =	sdelay $0x1  }
0x1ed: {  	s6 =	sadd.s32 $0x10, s6;
	[tilespmem:v7+s13+$0x0] =	vst.idx.add.s32.msk vm10, v2  }
0x1ee: {  	s8 =	sadd.s32 $0xFFFFFFFF, s8;
	v7 =	vld [tilespmem:s6+$0x0]  }
.LBB2_20:
0x1ef: {  	_ = 	snop  }
0x1f0: {  	s4 =	sadd.s32 @p1 $0x10, s4  }
0x1f1: {  	s2 =	smov.u32 @p1 s4  }
0x1f2: {  	v8 =	vor.u32 s2, v1  }
0x1f3: {  	vm10 =	vlt.s32 v8, v6;
	v7 =	vshrl.u32 v7, $0x6  }
0x1f4: {  	v7 =	vand.u32 $0x7FF, v7;
	_ =	sdelay $0x4  }
0x1f5: {  	[tilespmem:v7+s13+$0x0] =	vst.idx.add.s32.msk vm10, v2  }
.LBB2_21:
0x1f6: {  	[dreg:$0x10] =	wrdreg s9  }
0x1f7: {  	[dreg:$0xc] =	wrdreg s14;
	s2 =	ssub.s32 $0x2710, s7;
	s25 =	simm.s32 $0x0  }
0x1f8: {  	s15 =	simm.s32 $0xFFFFFFFF;
	s12 =	simm.s32 $0x18B70;
	s18 =	simm.s32 $0x800007F0  }
0x1f9: {  	s10 =	simm.s32 $0x0;
	s6 =	simm.s32 $0xFFFFFFFF;
	s24 =	simm.s32 $0x0;
	v7 =	vmov s2  }
.LBB2_22:
0x1fa: {  	v8 =	vld [tilespmem:s12+$0x0];
	_ =	sdelay $0x4  }
0x1fb: {  	(xrf0) =	vadd.scan.msk.s32 $0xffff, v8;
	_ =	sdelay $0x5  }
0x1fc: {  	v9, _, _ =	vpop (xrf0)  }
0x1fd: {  	(v2sf) =	vpush v9, $0xF;
	_ =	sdelay $0xe  }
0x1fe: {  	s8 =	spop (v2sf)  }
0x1ff: {  	s8 =	sadd.s32 s25, s8  }
0x200: {  	v9 =	vsub.s32 s8, v9  }
0x201: {  	v9 =	vadd.s32 v8, v9  }
0x202: {  	vm10 =	vlt.s32 v9, v7  }
0x203: {  	v10 =	vsel vm10, $0x7FFFFFFF, v3  }
0x204: {  	(xrf0) =	vmax.scan.msk.u32 $0xffff, v10;
	_ =	sdelay $0x5  }
0x205: {  	v10, _, _ =	vpop (xrf0)  }
0x206: {  	(v2sf) =	vpush v10, $0xF;
	_ =	sdelay $0xe  }
0x207: {  	s26 =	spop (v2sf)  }
0x208: {  	s9 =	sxor.u32 $0x80000000, s26  }
0x209: {  	v62 =	vmov s9  }
0x20a: {  	vm10 =	veq.s32 v62, v1  }
0x20b: {  	v10 =	vnsel vm10, $0x0, v9  }
0x20c: {  	v8 =	vnsel vm10, $0x0, v8;
	vm10 =	vgt.s32 v9, $0xF423E;
	(xrf0) =	vadd.scan.msk.s32 $0xffff, v10  }
0x20d: {  	(xrf0) =	vadd.scan.msk.s32 $0xffff, v8;
	v8 =	vnsel vm10, $0x7FFFFFFF, v3  }
0x20e: {  	(xrf0) =	vmax.scan.msk.u32 $0xffff, v8;
	_ =	sdelay $0x3  }
0x20f: {  	v8, _, _ =	vpop (xrf0)  }
0x210: {  	v63, _, _ =	vpop (xrf0);
	(v2sf) =	vpush v8, $0xF  }
0x211: {  	(v2sf) =	vpush v63, $0xF;
	v8, _, _ =	vpop (xrf0)  }
0x212: {  	(v2sf) =	vpush v8, $0xF;
	_ =	sdelay $0xc  }
0x213: {  	s23 =	spop (v2sf)  }
0x214: {  	s5 =	spop (v2sf)  }
0x215: {  	s14 =	spop (v2sf)  }
0x216: {  	s4 =	smov.u32 s15;
	p1 =	sgt.s32 s8, $0xF423E;
	s14 =	sadd.s32 s18, s14  }
0x217: {  	p2 =	slt.s32 s25, s2;
	p3 =	slt.s32 s25, $0xF423F;
	s4 =	smov.u32 @p1 s14  }
0x218: {  	p6 =	sge.s32 s8, s2;
	s15 =	smov.u32 @p3 s4;
	p3 =	sgt.u32 s24, $0x7E  }
0x219: {  	p1 =	por !p2, !p6;
	p2 =	slt.s32 @!p3 s15, $0x0  }
0x21a: {  	p2 =	por p3, !p2  }
.Ltmp13:
0x21b: {  	_ = 	snop;
	(pc) =	sbr.rel @!p2 .LBB2_22-.Ltmp13, $4  }
0x21c: {  	_ = 	snop  }
0x21d: {  	s12 =	sadd.s32 $0xFFFFFFF0, s12;
	p1 =	por !p1, !p1;
	s4 =	sadd.s32 s18, s26  }
0x21e: {  	s25 =	smov.u32 s8;
	s6 =	smov.u32 @p1 s4;
	s4 =	ssub.s32 s23, s5  }
0x21f: {  	s24 =	sadd.s32 $0x1, s24;
	s18 =	sadd.s32 $0xFFFFFFF0, s18;
	s10 =	smov.u32 @p1 s4  }
.Ltmp14:
0x220: {  	(pc) =	sbr.rel @p0 .LBB2_30-.Ltmp14, $4  }
0x221: {  	[tilespmem:$0x18380] =	vst v0  }
0x222: {  	[tilespmem:$0x18390] =	vst v0  }
0x223: {  	[tilespmem:$0x183A0] =	vst v0  }
0x224: {  	[tilespmem:$0x183B0] =	vst v0  }
0x225: {  	p2 =	seq.s32 s21, $0x1  }
.Ltmp15:
0x226: {  	_ = 	snop;
	(pc) =	sbr.rel @p2 .LBB2_25-.Ltmp15, $3  }
0x227: {  	_ =	sdelay $0x1  }
0x228: {  	s8 =	simm.s32 $0x1C380  }
0x229: {  	v7 =	vmov s6;
	s4 =	simm.s32 $0x0;
	p1 =	por $0x0, $0x0;
	v8 =	vld [tilespmem:s8+$0x0];
	s8 =	sadd.s32 $0xFFFFFFFF, s21  }
0x22a: {  	_ =	sdelay $0x3  }
0x22b: {  	v9 =	vshrl.u32 v8, $0x6  }
0x22c: {  	v10 =	vor.u32 s4, v1;
	v9 =	vand.u32 $0x7FF, v9  }
0x22d: {  	vm10 =	vlt.s32 v10, v6;
	vm11 =	veq.s32 v9, v7  }
0x22e: {  	vm10 =	vmand vm10, vm11  }
0x22f: {  	v8 =	vand.u32 $0x3F, v8  }
0x230: {  	p2 =	seq.s32 s8, $0x1  }
.Ltmp16:
0x231: {  	_ = 	snop;
	(pc) =	sbr.rel @p2 .LBB2_27-.Ltmp16, $3  }
0x232: {  	_ =	sdelay $0x1  }
0x233: {  	s12 =	simm.s32 $0x1C390;
	[tilespmem:v8+s13+$0x0] =	vst.idx.add.s32.msk vm10, v2  }
0x234: {  	s18 =	sadd.s32 $0xFFFFFFFF, s8;
	p1 =	por $0x1, $0x1;
	s8 =	simm.s32 $0x0;
	v8 =	vld [tilespmem:s12+$0x0]  }
.LBB2_28:
0x235: {  	p2 =	seq.s32 s18, $0x1;
	_ =	sdelay $0x3  }
0x236: {  	s8 =	sadd.s32 $0x10, s8;
	v9 =	vshrl.u32 v8, $0x6  }
0x237: {  	v10 =	vor.u32 s8, v1;
	v9 =	vand.u32 $0x7FF, v9  }
0x238: {  	vm10 =	vlt.s32 v10, v6;
	vm11 =	veq.s32 v9, v7  }
0x239: {  	vm10 =	vmand vm10, vm11  }
0x23a: {  	v8 =	vand.u32 $0x3F, v8;
	_ =	sdelay $0x1  }
.Ltmp17:
0x23b: {  	(pc) =	sbr.rel @!p2 .LBB2_28-.Ltmp17, $3  }
0x23c: {  	_ =	sdelay $0x1  }
0x23d: {  	s12 =	sadd.s32 $0x10, s12;
	[tilespmem:v8+s13+$0x0] =	vst.idx.add.s32.msk vm10, v2  }
0x23e: {  	s18 =	sadd.s32 $0xFFFFFFFF, s18;
	v8 =	vld [tilespmem:s12+$0x0]  }
.LBB2_29:
0x23f: {  	_ =	sdelay $0x2  }
0x240: {  	s5 =	sadd.s32 @p1 $0x10, s8  }
0x241: {  	s4 =	smov.u32 @p1 s5;
	v9 =	vshrl.u32 v8, $0x6  }
0x242: {  	v10 =	vor.u32 s4, v1;
	v9 =	vand.u32 $0x7FF, v9  }
0x243: {  	vm10 =	vlt.s32 v10, v6;
	vm11 =	veq.s32 v9, v7  }
0x244: {  	vm10 =	vmand vm10, vm11  }
0x245: {  	v7 =	vand.u32 $0x3F, v8;
	_ =	sdelay $0x4  }
0x246: {  	[tilespmem:v7+s13+$0x0] =	vst.idx.add.s32.msk vm10, v2  }
.LBB2_30:
0x247: {  	[dreg:$0x11] =	wrdreg s16;
	s4 =	ssub.s32 s2, s10;
	s8 =	simm.s32 $0x0  }
0x248: {  	s17 =	simm.s32 $0xFFFFFFFF;
	s24 =	simm.s32 $0x183B0;
	s25 =	simm.s32 $0x80000030  }
0x249: {  	s2 =	simm.s32 $0x0;
	s18 =	simm.s32 $0xFFFFFFFF;
	s26 =	simm.s32 $0x0;
	v7 =	vmov s4  }
.LBB2_31:
0x24a: {  	v8 =	vld [tilespmem:s24+$0x0];
	_ =	sdelay $0x4  }
0x24b: {  	(xrf0) =	vadd.scan.msk.s32 $0xffff, v8;
	_ =	sdelay $0x5  }
0x24c: {  	v9, _, _ =	vpop (xrf0)  }
0x24d: {  	(v2sf) =	vpush v9, $0xF;
	_ =	sdelay $0xe  }
0x24e: {  	s5 =	spop (v2sf)  }
0x24f: {  	s5 =	sadd.s32 s8, s5  }
0x250: {  	v9 =	vsub.s32 s5, v9  }
0x251: {  	v9 =	vadd.s32 v8, v9  }
0x252: {  	vm10 =	vlt.s32 v9, v7  }
0x253: {  	v10 =	vsel vm10, $0x7FFFFFFF, v3  }
0x254: {  	(xrf0) =	vmax.scan.msk.u32 $0xffff, v10;
	_ =	sdelay $0x5  }
0x255: {  	v10, _, _ =	vpop (xrf0)  }
0x256: {  	(v2sf) =	vpush v10, $0xF;
	_ =	sdelay $0xe  }
0x257: {  	s9 =	spop (v2sf)  }
0x258: {  	s14 =	sxor.u32 $0x80000000, s9  }
0x259: {  	v62 =	vmov s14  }
0x25a: {  	vm10 =	veq.s32 v62, v1  }
0x25b: {  	v10 =	vnsel vm10, $0x0, v9  }
0x25c: {  	v8 =	vnsel vm10, $0x0, v8;
	vm10 =	vgt.s32 v9, $0xF423E;
	(xrf0) =	vadd.scan.msk.s32 $0xffff, v10  }
0x25d: {  	(xrf0) =	vadd.scan.msk.s32 $0xffff, v8;
	v8 =	vnsel vm10, $0x7FFFFFFF, v3  }
0x25e: {  	(xrf0) =	vmax.scan.msk.u32 $0xffff, v8;
	_ =	sdelay $0x3  }
0x25f: {  	v8, _, _ =	vpop (xrf0)  }
0x260: {  	v63, _, _ =	vpop (xrf0);
	(v2sf) =	vpush v8, $0xF  }
0x261: {  	(v2sf) =	vpush v63, $0xF;
	v8, _, _ =	vpop (xrf0)  }
0x262: {  	(v2sf) =	vpush v8, $0xF;
	_ =	sdelay $0xc  }
0x263: {  	s23 =	spop (v2sf)  }
0x264: {  	s15 =	spop (v2sf)  }
0x265: {  	s16 =	spop (v2sf)  }
0x266: {  	s12 =	smov.u32 s17;
	p1 =	sgt.s32 s5, $0xF423E;
	s16 =	sadd.s32 s25, s16  }
0x267: {  	p2 =	slt.s32 s8, s4;
	p3 =	slt.s32 s8, $0xF423F;
	s12 =	smov.u32 @p1 s16  }
0x268: {  	p6 =	sge.s32 s5, s4;
	s17 =	smov.u32 @p3 s12;
	p3 =	sgt.u32 s26, $0x2  }
0x269: {  	p1 =	por !p2, !p6;
	p2 =	slt.s32 @!p3 s17, $0x0  }
0x26a: {  	p2 =	por p3, !p2  }
.Ltmp18:
0x26b: {  	_ = 	snop;
	(pc) =	sbr.rel @!p2 .LBB2_31-.Ltmp18, $4  }
0x26c: {  	_ = 	snop  }
0x26d: {  	s24 =	sadd.s32 $0xFFFFFFF0, s24;
	s8 =	sadd.s32 s25, s9;
	p1 =	por !p1, !p1  }
0x26e: {  	s25 =	sadd.s32 $0xFFFFFFF0, s25;
	s18 =	smov.u32 @p1 s8;
	s8 =	ssub.s32 s23, s15  }
0x26f: {  	s26 =	sadd.s32 $0x1, s26;
	s2 =	smov.u32 @p1 s8;
	s8 =	smov.u32 s5  }
.Ltmp19:
0x270: {  	(pc) =	sbr.rel @p0 .LBB2_35-.Ltmp19, $4  }
0x271: {  	s4 =	sshll.u32 s3, $0x11;
	s5 =	sshll.u32 s6, $0x6  }
0x272: {  	s4 =	sadd.s32 s4, s5  }
0x273: {  	s4 =	sadd.s32 s18, s4  }
0x274: {  	[dreg:$0xd] =	wrdreg s4  }
0x275: {  	s4 =	sadd.s32 s10, s7  }
0x276: {  	s2 =	sadd.s32 s2, s4  }
0x277: {  	s23 =	simm.s32 $0x1C380;
	s26 =	rddreg [dreg:$0xd];
	s4 =	ssub.s32 $0x2710, s2  }
0x278: {  	s7 =	simm.s32 $0x1CB80;
	s10 =	simm.s32 $0x0;
	s12 =	simm.s32 $0x0;
	v7 =	vmov s26;
	v8 =	vmov s4  }
.LBB2_34:
0x279: {  	v9 =	vld [tilespmem:s7+$0x0];
	_ =	sdelay $0x4  }
0x27a: {  	(v2sf) =	vpush v9, $0xD;
	_ =	sdelay $0x1  }
0x27b: {  	(v2sf) =	vpush v9, $0xC;
	_ =	sdelay $0x1  }
0x27c: {  	(v2sf) =	vpush v9, $0xE  }
0x27d: {  	(v2sf) =	vpush v9, $0xF  }
0x27e: {  	(v2sf) =	vpush v9, $0x9;
	_ =	sdelay $0x1  }
0x27f: {  	(v2sf) =	vpush v9, $0x8;
	_ =	sdelay $0x1  }
0x280: {  	(v2sf) =	vpush v9, $0xA;
	_ =	sdelay $0x1  }
0x281: {  	(v2sf) =	vpush v9, $0xB;
	_ =	sdelay $0x2  }
0x282: {  	(v2sf) =	vpush v9, $0x1;
	s4 =	spop (v2sf)  }
0x283: {  	(v2sf) =	vpush v9, $0x0;
	s5 =	smulhi.u32 $0xB40B40B5, s4;
	s6 =	sshra.s32 s4, $0x1F  }
0x284: {  	s8 =	spop (v2sf);
	s6 =	smul.u32 $0xB40B40B5, s6  }
0x285: {  	[dreg:$0x12] =	wrdreg s21;
	s14 =	smulhi.u32 $0xB40B40B5, s8;
	s15 =	sshra.s32 s8, $0x1F  }
0x286: {  	s9 =	spop (v2sf);
	s15 =	smul.u32 $0xB40B40B5, s15  }
0x287: {  	s16 =	spop (v2sf);
	s17 =	smulhi.u32 $0xB40B40B5, s9;
	s18 =	sshra.s32 s9, $0x1F  }
0x288: {  	(v2sf) =	vpush v9, $0x2;
	s4 =	ssub.s32 s5, s4;
	s24 =	spop (v2sf);
	s18 =	smul.u32 $0xB40B40B5, s18  }
0x289: {  	s5 =	smulhi.u32 $0xB40B40B5, s16;
	s25 =	sshra.s32 s16, $0x1F;
	s4 =	sadd.s32 s6, s4  }
0x28a: {  	(v2sf) =	vpush v9, $0x3;
	s22 =	ssub.s32 s14, s8;
	s26 =	spop (v2sf);
	s2 =	smul.u32 $0xB40B40B5, s25  }
0x28b: {  	(v2sf) =	vpush v9, $0x4;
	s14 =	smulhi.u32 $0xB40B40B5, s24;
	s13 =	sshra.s32 s24, $0x1F;
	s15 =	sadd.s32 s15, s22  }
0x28c: {  	s17 =	ssub.s32 s17, s9;
	s25 =	spop (v2sf);
	s9 =	smul.u32 $0xB40B40B5, s13  }
0x28d: {  	s13 =	smulhi.u32 $0xB40B40B5, s26;
	s22 =	sshra.s32 s26, $0x1F;
	s6 =	sadd.s32 s18, s17  }
0x28e: {  	(v2sf) =	vpush v9, $0x5;
	s5 =	ssub.s32 s5, s16;
	s21 =	spop (v2sf);
	s16 =	smul.u32 $0xB40B40B5, s22  }
0x28f: {  	s17 =	smulhi.u32 $0xB40B40B5, s25;
	s18 =	sshra.s32 s25, $0x1F;
	s2 =	sadd.s32 s2, s5  }
0x290: {  	v10 =	vld [tilespmem:s23+$0x0];
	(v2sf) =	vpush v9, $0x6;
	s8 =	ssub.s32 s14, s24;
	s5 =	smov.u32 s23;
	s14 =	smul.u32 $0xB40B40B5, s18  }
0x291: {  	s22 =	spop (v2sf);
	s18 =	smulhi.u32 $0xB40B40B5, s21;
	s24 =	sshra.s32 s21, $0x1F  }
0x292: {  	s8 =	sadd.s32 s9, s8;
	s9 =	smul.u32 $0xB40B40B5, s24;
	s23 =	spop (v2sf);
	(v2sf) =	vpush v9, $0x7  }
0x293: {  	[dreg:$0x13] =	wrdreg s2;
	s13 =	ssub.s32 s13, s26;
	s24 =	smulhi.u32 $0xB40B40B5, s22  }
0x294: {  	v11 =	vor.u32 s10, v1;
	s26 =	sshra.s32 s22, $0x1F;
	s13 =	sadd.s32 s16, s13;
	s25 =	ssub.s32 s17, s25  }
0x295: {  	vm10 =	vlt.s32 v11, v6;
	vm11 =	veq.s32 v10, v7;
	s17 =	smul.u32 $0xB40B40B5, s26;
	s14 =	sadd.s32 s14, s25;
	s18 =	ssub.s32 s18, s21  }
0x296: {  	vm12 =	vmand vm10, vm11;
	s22 =	ssub.s32 s24, s22;
	s16 =	smulhi.u32 $0xB40B40B5, s23;
	s25 =	sshra.s32 s23, $0x1F  }
0x297: {  	v11 =	vsel vm12, $0x1, v0;
	s9 =	sadd.s32 s9, s18;
	s2 =	spop (v2sf);
	s21 =	smul.u32 $0xB40B40B5, s25  }
0x298: {  	(xrf0) =	vadd.scan.msk.s32 $0xffff, v11;
	s17 =	sadd.s32 s17, s22;
	s24 =	smulhi.u32 $0xB40B40B5, s2;
	s25 =	sshra.s32 s2, $0x1F  }
0x299: {  	s26 =	spop (v2sf);
	s18 =	smul.u32 $0xB40B40B5, s25;
	s16 =	ssub.s32 s16, s23  }
0x29a: {  	s22 =	smulhi.u32 $0xB40B40B5, s26;
	s23 =	sshra.s32 s26, $0x1F;
	s25 =	spop (v2sf)  }
0x29b: {  	s16 =	sadd.s32 s21, s16;
	s21 =	smul.u32 $0xB40B40B5, s23;
	s2 =	ssub.s32 s24, s2  }
0x29c: {  	s23 =	smulhi.u32 $0xB40B40B5, s25;
	s24 =	sshra.s32 s25, $0x1F;
	s2 =	sadd.s32 s18, s2  }
0x29d: {  	s18 =	spop (v2sf);
	s24 =	smul.u32 $0xB40B40B5, s24;
	v12 =	vmov s16;
	s16 =	ssub.s32 s22, s26  }
0x29e: {  	v11, _, _ =	vpop (xrf0);
	s22 =	smulhi.u32 $0xB40B40B5, s18;
	s26 =	sshra.s32 s18, $0x1F;
	s16 =	sadd.s32 s21, s16;
	v12 =	vnsel vm15, $0x0, v12  }
0x29f: {  	v13 =	vsel vm0, $0x0, v11;
	s21 =	spop (v2sf);
	s26 =	smul.u32 $0xB40B40B5, s26;
	v12 =	vsel vm1, s17, v12;
	s17 =	ssub.s32 s23, s25  }
0x2a0: {  	(xrf0) =	vadd.scan.msk.s32 $0xffff, v13;
	v60 =	vmov s15;
	s23 =	smulhi.u32 $0xB40B40B5, s21;
	s25 =	sshra.s32 s21, $0x1F;
	s17 =	sadd.s32 s24, s17  }
0x2a1: {  	v13 =	vsel vm1, s4, v60;
	v14 =	vmov s13;
	v12 =	vsel vm2, s2, v12;
	s13 =	smul.u32 $0xB40B40B5, s25;
	s18 =	ssub.s32 s22, s18;
	s15 =	spop (v2sf)  }
0x2a2: {  	v13 =	vsel vm2, s6, v13;
	v14 =	vsel vm1, s8, v14;
	v12 =	vsel vm3, s16, v12;
	s6 =	sadd.s32 s26, s18;
	s24 =	smulhi.u32 $0xB40B40B5, s15;
	s25 =	sshra.s32 s15, $0x1F  }
0x2a3: {  	v14 =	vsel vm2, s14, v14;
	s18 =	ssub.s32 s23, s21;
	v12 =	vsel vm5, s17, v12;
	s17 =	rddreg [dreg:$0x13];
	s16 =	smul.u32 $0xB40B40B5, s25  }
0x2a4: {  	v14 =	vsel vm3, s9, v14;
	s18 =	sadd.s32 s13, s18;
	v13 =	vsel vm3, s17, v13;
	v12 =	vsel vm6, s6, v12;
	s24 =	ssub.s32 s24, s15  }
0x2a5: {  	v61 =	vmul.u32 $0x2, v1;
	v13 =	vcombine.low v14, v13;
	v12 =	vsel vm7, s18, v12;
	s25 =	sadd.s32 s16, s24  }
0x2a6: {  	v15, _, _ =	vpop (xrf0);
	v12 =	vsel vm8, s25, v12  }
0x2a7: {  	v13 =	vperm.xlane v13, v5;
	(v2sf) =	vpush v15, $0xF;
	v12 =	vperm.xlane v12, v61  }
0x2a8: {  	vm12 =	vmmov $0xff  }
0x2a9: {  	v12 =	vsel vm12, v12, v13  }
0x2aa: {  	v12 =	vadd.s32 v9, v12  }
0x2ab: {  	v62 =	vshrl.u32 v12, $0x1F;
	v12 =	vshra.s32 v12, $0x6  }
0x2ac: {  	v11 =	vadd.s32 s12, v11;
	v12 =	vadd.s32 v62, v12  }
0x2ad: {  	vm12 =	vle.s32 v11, v8;
	v11 =	vmul.u32 $0xFFFFFFA5, v12  }
0x2ae: {  	v63 =	vsub.s32 $0x0, v9;
	vm13 =	vgt.s32 v10, v7  }
0x2af: {  	vm14 =	vlt.s32 v9, $0x1;
	vm11 =	vmand vm11, vm12;
	vm12 =	vne.s32 v11, v63  }
0x2b0: {  	vm11 =	vmor vm13, vm11;
	vm12 =	vmand vm14, vm12  }
0x2b1: {  	s14 =	rddreg [dreg:$0x12];
	vm10 =	vmand vm10, vm11;
	v9 =	vsel vm12, $0xFFFFFFFF, v0  }
0x2b2: {  	p0 =	sne.s32 s14, $0x1;
	v9 =	vadd.s32 v9, v12  }
.Ltmp20:
0x2b3: {  	_ = 	snop;
	(pc) =	sbr.rel @p0 .LBB2_34-.Ltmp20, $4  }
0x2b4: {  	_ = 	snop  }
0x2b5: {  	s7 =	sadd.s32 $0x10, s7;
	s10 =	sadd.s32 $0x10, s10  }
0x2b6: {  	s22 =	simm.s32 $0x19F80;
	s21 =	smov.u32 s5;
	s26 =	spop (v2sf)  }
0x2b7: {  	s23 =	sadd.s32 $0x10, s21;
	s21 =	sadd.s32 $0xFFFFFFFF, s14;
	s12 =	sadd.s32 s12, s26;
	[tilespmem:v9+s22+$0x0] =	vst.idx.add.s32.msk vm10, v2  }
.LBB2_35:
0x2b8: {  	s2 =	simm.s32 $0x0  }
0x2b9: {  	v6 =	vld [tilespmem:s2+$0x19F80]  }
0x2ba: {  	s24 =	simm.s32 $0x10;
	v7 =	vld [tilespmem:s2+$0x19B80]  }
0x2bb: {  	v8 =	vld [tilespmem:s24+$0x19F80]  }
0x2bc: {  	s25 =	simm.s32 $0x20;
	v9 =	vld [tilespmem:s24+$0x19B80]  }
0x2bd: {  	v10 =	vld [tilespmem:s25+$0x19F80]  }
0x2be: {  	v11 =	vld [tilespmem:s25+$0x19B80]  }
0x2bf: {  	vm10 =	vgt.s32 v6, $0x0  }
0x2c0: {  	v6 =	vnsel vm10, $0xFF61B1E6, v7  }
0x2c1: {  	vm10 =	vgt.s32 v8, $0x0;
	(xrf0) =	vmax.scan.msk.f32 $0xffff, v6  }
0x2c2: {  	v6 =	vnsel vm10, $0xFF61B1E6, v9;
	vm10 =	vgt.s32 v10, $0x0  }
0x2c3: {  	s26 =	simm.s32 $0x30;
	(xrf0) =	vmax.scan.msk.f32 $0xffff, v6;
	v6 =	vnsel vm10, $0xFF61B1E6, v11  }
0x2c4: {  	v7 =	vld [tilespmem:s26+$0x19F80];
	(xrf0) =	vmax.scan.msk.f32 $0xffff, v6  }
0x2c5: {  	v8 =	vld [tilespmem:s26+$0x19B80];
	_ =	sdelay $0x1  }
0x2c6: {  	v6, _, _ =	vpop (xrf0)  }
0x2c7: {  	(v2sf) =	vpush v6, $0xF  }
0x2c8: {  	vm10 =	vgt.s32 v7, $0x0;
	v6, _, _ =	vpop (xrf0)  }
0x2c9: {  	v7 =	vnsel vm10, $0xFF61B1E6, v8;
	(v2sf) =	vpush v6, $0xF;
	v8, _, _ =	vpop (xrf0)  }
0x2ca: {  	(v2sf) =	vpush v8, $0xF;
	_ =	sdelay $0x5  }
0x2cb: {  	s5 =	simm.s32 $0x40  }
0x2cc: {  	v6 =	vld [tilespmem:s5+$0x19F80]  }
0x2cd: {  	(xrf0) =	vmax.scan.msk.f32 $0xffff, v7;
	v7 =	vld [tilespmem:s5+$0x19B80]  }
0x2ce: {  	s4 =	simm.s32 $0x140;
	s2 =	simm.f32 $-3.000000010e+38  }
.LBB2_36:
0x2cf: {  	p0 =	sne.s32 s4, $0xFC0  }
.Ltmp21:
0x2d0: {  	s5 =	sshra.s32 s4, $0x2;
	(pc) =	sbr.rel @p0 .LBB2_36-.Ltmp21, $4  }
0x2d1: {  	s4 =	sadd.s32 $0x40, s4;
	s6 =	spop (v2sf);
	vm10 =	vgt.s32 v6, $0x0  }
0x2d2: {  	s2 =	smax.f32 s2, s6;
	v6 =	vld [tilespmem:s5+$0x19F80];
	v9 =	vnsel vm10, $0xFF61B1E6, v7  }
0x2d3: {  	v7 =	vld [tilespmem:s5+$0x19B80];
	(xrf0) =	vmax.scan.msk.f32 $0xffff, v9;
	v8, _, _ =	vpop (xrf0)  }
0x2d4: {  	(v2sf) =	vpush v8, $0xF  }
0x2d5: {  	_ =	sdelay $0x1  }
0x2d6: {  	vm10 =	vgt.s32 v6, $0x0  }
0x2d7: {  	v6 =	vnsel vm10, $0xFF61B1E6, v7  }
0x2d8: {  	(xrf0) =	vmax.scan.msk.f32 $0xffff, v6;
	_ =	sdelay $0x4  }
0x2d9: {  	v6, _, _ =	vpop (xrf0)  }
0x2da: {  	(v2sf) =	vpush v6, $0xF;
	v6, _, _ =	vpop (xrf0)  }
0x2db: {  	(v2sf) =	vpush v6, $0xF;
	_ =	sdelay $0x9  }
0x2dc: {  	s4 =	spop (v2sf);
	s15 =	rddreg [dreg:$0x10]  }
0x2dd: {  	s16 =	rddreg [dreg:$0x11];
	s2 =	smax.f32 s2, s4;
	p0 =	slt.s32 s15, $0x1  }
.Ltmp22:
0x2de: {  	s23 =	spop (v2sf);
	(pc) =	sbr.rel @p0 .LBB2_48-.Ltmp22, $4  }
0x2df: {  	s2 =	smax.f32 s2, s23;
	s24 =	spop (v2sf)  }
0x2e0: {  	s21 =	simm.s32 $0x1CB80;
	s2 =	smax.f32 s2, s24;
	s25 =	spop (v2sf)  }
0x2e1: {  	s9 =	simm.s32 $0x1B380;
	s2 =	smax.f32 s2, s25;
	s26 =	spop (v2sf)  }
0x2e2: {  	s14 =	simm.s32 $0x1BB80;
	s4 =	sadd.s32 $0xF, s16;
	v7 =	vmov s16;
	s2 =	smax.f32 s2, s26  }
.Ltmp23:
0x2e3: {  	(pc) =	sbr.rel .LBB2_39-.Ltmp23, $3  }
0x2e4: {  	_ =	sdelay $0x1  }
0x2e5: {  	s5 =	sshrl.u32 s4, $0x4  }
0x2e6: {  	s10 =	simm.s32 $0x0;
	s7 =	ssub.s32 $0x0, s5;
	p0 =	seq.s32 s5, $0x0  }
.LBB2_40:
0x2e7: {  	v8 =	vimm.s32 $0x0  }
.LBB2_47:
0x2e8: {  	(xrf0) =	vadd.scan.msk.s32 $0xffff, v8;
	_ =	sdelay $0x5  }
0x2e9: {  	v8, _, _ =	vpop (xrf0)  }
0x2ea: {  	v8 =	vbroadcast v8, $0xF;
	_ =	sdelay $0x5  }
0x2eb: {  	[tilespmem:v8+s9+$0x0] =	vst.idx.msk $0x1, v6  }
0x2ec: {  	v6 =	vld [tilespmem:s6+$0x1AB80];
	_ =	sdelay $0x4  }
0x2ed: {  	v6 =	vnsel vm10, $0x0, v6  }
0x2ee: {  	(xrf0) =	vadd.scan.msk.s32 $0xffff, v6;
	_ =	sdelay $0x2  }
0x2ef: {  	s10 =	sadd.s32 $0x1, s10  }
0x2f0: {  	p1 =	sne.s32 s10, s16  }
.Ltmp24:
0x2f1: {  	_ = 	snop;
	(pc) =	sbr.rel @!p1 .LBB2_48-.Ltmp24, $3  }
0x2f2: {  	v6, _, _ =	vpop (xrf0)  }
0x2f3: {  	v6 =	vbroadcast v6, $0xF;
	_ =	sdelay $0x1  }
0x2f4: {  	[tilespmem:v8+s14+$0x0] =	vst.idx.msk $0x1, v6  }
.LBB2_39:
0x2f5: {  	s6 =	sand.u32 $0x7FFFFFF0, s10  }
0x2f6: {  	v6 =	vld [tilespmem:s6+$0x1A380];
	_ =	sdelay $0x1  }
0x2f7: {  	s5 =	sand.u32 $0xF, s10  }
0x2f8: {  	v8 =	vmov s5  }
0x2f9: {  	vm10 =	veq.s32 v8, v1  }
0x2fa: {  	v6 =	vnsel vm10, $0x0, v6  }
0x2fb: {  	(xrf0) =	vadd.scan.msk.s32 $0xffff, v6;
	_ =	sdelay $0x2  }
.Ltmp25:
0x2fc: {  	_ = 	snop;
	(pc) =	sbr.rel @p0 .LBB2_40-.Ltmp25, $3  }
0x2fd: {  	_ =	sdelay $0x1  }
0x2fe: {  	v6, _, _ =	vpop (xrf0)  }
0x2ff: {  	v6 =	vbroadcast v6, $0xF  }
0x300: {  	s12 =	sadd.s32 $0x1, s7  }
0x301: {  	p2 =	seq.s32 s12, $0x0  }
.Ltmp26:
0x302: {  	_ = 	snop;
	(pc) =	sbr.rel @p2 .LBB2_42-.Ltmp26, $3  }
0x303: {  	_ =	sdelay $0x1  }
0x304: {  	s5 =	simm.s32 $0x1A380  }
0x305: {  	v9 =	vmov s10;
	v8 =	vimm.s32 $0x0;
	s8 =	simm.s32 $0x0;
	p1 =	por $0x0, $0x0;
	v11 =	vld [tilespmem:s5+$0x0]  }
0x306: {  	_ =	sdelay $0x1  }
0x307: {  	s12 =	sadd.s32 $0x1, s12  }
0x308: {  	v10 =	vor.u32 s8, v1;
	p2 =	seq.s32 s12, $0x0  }
.Ltmp27:
0x309: {  	vm12 =	vlt.s32 v10, v9;
	vm11 =	veq.s32 v11, v6;
	(pc) =	sbr.rel @p2 .LBB2_44-.Ltmp27, $4  }
0x30a: {  	s13 =	simm.s32 $0x1A390;
	vm13 =	vgt.s32 v11, v6;
	vm11 =	vmand vm12, vm11  }
0x30b: {  	v11 =	vld [tilespmem:s13+$0x0];
	vm12 =	vlt.s32 v10, v7;
	vm11 =	vmor vm13, vm11  }
0x30c: {  	vm11 =	vmand vm12, vm11  }
0x30d: {  	s8 =	simm.s32 $0x10;
	p1 =	por $0x1, $0x1;
	v10 =	vimm.s32 $0x0;
	v12 =	vsel vm11, $0x1, v0  }
.LBB2_45:
0x30e: {  	s12 =	sadd.s32 $0x1, s12  }
0x30f: {  	v13 =	vor.u32 s8, v1;
	v10 =	vadd.s32 v12, v10;
	p2 =	seq.s32 s12, $0x0  }
.Ltmp28:
0x310: {  	s13 =	sadd.s32 $0x10, s13;
	vm11 =	veq.s32 v11, v6;
	vm12 =	vlt.s32 v13, v9;
	(pc) =	sbr.rel @!p2 .LBB2_45-.Ltmp28, $4  }
0x311: {  	vm13 =	vgt.s32 v11, v6;
	v11 =	vld [tilespmem:s13+$0x0];
	vm11 =	vmand vm12, vm11  }
0x312: {  	vm12 =	vlt.s32 v13, v7;
	vm11 =	vmor vm13, vm11  }
0x313: {  	vm11 =	vmand vm12, vm11  }
0x314: {  	s8 =	sadd.s32 $0x10, s8;
	v12 =	vsel vm11, $0x1, v0  }
.LBB2_46:
0x315: {  	v13 =	vor.u32 s8, v1  }
0x316: {  	vm11 =	veq.s32 v11, v6;
	vm12 =	vlt.s32 v13, v9  }
.Ltmp29:
0x317: {  	vm13 =	vgt.s32 v11, v6;
	vm11 =	vmand vm12, vm11;
	(pc) =	sbr.rel .LBB2_47-.Ltmp29, $4  }
0x318: {  	vm12 =	vlt.s32 v13, v7;
	vm11 =	vmor vm13, vm11  }
0x319: {  	v9 =	vadd.s32 @p1 v12, v10;
	vm11 =	vmand vm12, vm11  }
0x31a: {  	v8 =	vpsel p1, v9, v8;
	v10 =	vsel vm11, $0x1, v0  }
0x31b: {  	v8 =	vadd.s32 v10, v8  }
.LBB2_42:
.Ltmp30:
0x31c: {  	(pc) =	sbr.rel .LBB2_46-.Ltmp30, $2  }
0x31d: {  	_ =	sdelay $0x2  }
0x31e: {  	v10 =	vimm.s32 $0x0  }
.LBB2_44:
.Ltmp31:
0x31f: {  	(pc) =	sbr.rel .LBB2_46-.Ltmp31, $2  }
0x320: {  	_ =	sdelay $0x2  }
0x321: {  	v10 =	vimm.s32 $0x0  }
.LBB2_48:
0x322: {  	s5 =	sand.u32 $0xF, s4  }
0x323: {  	s6 =	sshra.s32 s4, $0x1F;
	p0 =	slt.s32 s15, $0xFFFFFFF2;
	p1 =	sne.s32 s5, $0x0  }
0x324: {  	s25 =	sshrl.u32 s6, $0x1C;
	p0 =	por !p0, !p1  }
0x325: {  	s5 =	simm.s32 $0x1;
	s26 =	sadd.s32 s25, s4;
	p0 =	por !p0, !p0  }
0x326: {  	s4 =	sshra.s32 s26, $0x4;
	s5 =	simm.s32 @!p0 $0x0  }
0x327: {  	s4 =	ssub.s32 s4, s5  }
0x328: {  	p0 =	slt.s32 s4, $0x1  }
.Ltmp32:
0x329: {  	_ = 	snop;
	(pc) =	sbr.rel @p0 .LBB2_49-.Ltmp32, $3  }
0x32a: {  	_ = 	snop  }
0x32b: {  	s2 =	sadd.f32 $1.000000000e+00, s2;
	_ =	sdelay $0x1  }
0x32c: {  	v6 =	vmov s2;
	[dreg:$0xf] =	wrdreg s4  }
0x32d: {  	s4 =	simm.s32 $0x0;
	s7 =	simm.s32 $0x0;
	s13 =	simm.s32 $0x0  }
.LBB2_57:
0x32e: {  	s2 =	sshll.u32 s13, $0x4  }
0x32f: {  	v8 =	vld [tilespmem:s2+$0x1BB80];
	_ =	sdelay $0x2  }
0x330: {  	v9 =	vor.u32 s2, v1  }
0x331: {  	vm10 =	vlt.s32 v9, v7  }
0x332: {  	v8 =	vnsel vm10, $0x0, v8  }
0x333: {  	(v2sf) =	vpush v8, $0xD;
	_ =	sdelay $0x1  }
0x334: {  	(v2sf) =	vpush v8, $0xC;
	_ =	sdelay $0x1  }
0x335: {  	(v2sf) =	vpush v8, $0xE  }
0x336: {  	(v2sf) =	vpush v8, $0xF  }
0x337: {  	(v2sf) =	vpush v8, $0x9;
	_ =	sdelay $0x1  }
0x338: {  	(v2sf) =	vpush v8, $0x8;
	_ =	sdelay $0x1  }
0x339: {  	(v2sf) =	vpush v8, $0xA;
	_ =	sdelay $0x1  }
0x33a: {  	(v2sf) =	vpush v8, $0xB;
	_ =	sdelay $0x1  }
0x33b: {  	(v2sf) =	vpush v8, $0x1  }
0x33c: {  	s26 =	spop (v2sf);
	(v2sf) =	vpush v8, $0x0  }
0x33d: {  	s5 =	smulhi.u32 $0xB40B40B5, s26;
	s6 =	sshra.s32 s26, $0x1F  }
0x33e: {  	s8 =	spop (v2sf);
	s6 =	smul.u32 $0xB40B40B5, s6  }
0x33f: {  	s10 =	smulhi.u32 $0xB40B40B5, s8;
	s14 =	sshra.s32 s8, $0x1F  }
0x340: {  	s12 =	spop (v2sf);
	s14 =	smul.u32 $0xB40B40B5, s14  }
0x341: {  	(v2sf) =	vpush v8, $0x2;
	s15 =	spop (v2sf);
	s16 =	smulhi.u32 $0xB40B40B5, s12;
	s17 =	sshra.s32 s12, $0x1F  }
0x342: {  	s2 =	ssub.s32 s5, s26;
	s18 =	spop (v2sf);
	s17 =	smul.u32 $0xB40B40B5, s17  }
0x343: {  	(v2sf) =	vpush v8, $0x3;
	s9 =	smulhi.u32 $0xB40B40B5, s15;
	s22 =	sshra.s32 s15, $0x1F;
	s2 =	sadd.s32 s6, s2  }
0x344: {  	s10 =	ssub.s32 s10, s8;
	s21 =	spop (v2sf);
	s8 =	smul.u32 $0xB40B40B5, s22  }
0x345: {  	(v2sf) =	vpush v8, $0x4;
	s22 =	smulhi.u32 $0xB40B40B5, s18;
	s23 =	sshra.s32 s18, $0x1F;
	s10 =	sadd.s32 s14, s10  }
0x346: {  	s25 =	ssub.s32 s16, s12;
	s24 =	spop (v2sf);
	s12 =	smul.u32 $0xB40B40B5, s23  }
0x347: {  	(v2sf) =	vpush v8, $0x5;
	s14 =	smulhi.u32 $0xB40B40B5, s21;
	s26 =	sshra.s32 s21, $0x1F;
	s6 =	sadd.s32 s17, s25  }
0x348: {  	s5 =	ssub.s32 s9, s15;
	s23 =	spop (v2sf);
	s15 =	smul.u32 $0xB40B40B5, s26  }
0x349: {  	(v2sf) =	vpush v8, $0x6;
	s16 =	smulhi.u32 $0xB40B40B5, s24;
	s9 =	sshra.s32 s24, $0x1F;
	s8 =	sadd.s32 s8, s5  }
0x34a: {  	s5 =	ssub.s32 s22, s18;
	s25 =	spop (v2sf);
	s17 =	smul.u32 $0xB40B40B5, s9  }
0x34b: {  	s18 =	smulhi.u32 $0xB40B40B5, s23;
	s22 =	sshra.s32 s23, $0x1F;
	s26 =	spop (v2sf);
	(v2sf) =	vpush v8, $0x7  }
0x34c: {  	s5 =	sadd.s32 s12, s5;
	s14 =	ssub.s32 s14, s21;
	s12 =	smul.u32 $0xB40B40B5, s22  }
0x34d: {  	s21 =	smulhi.u32 $0xB40B40B5, s25;
	s22 =	sshra.s32 s25, $0x1F;
	s24 =	ssub.s32 s16, s24  }
0x34e: {  	s14 =	sadd.s32 s15, s14;
	s16 =	smul.u32 $0xB40B40B5, s22;
	s15 =	sadd.s32 s17, s24  }
0x34f: {  	s18 =	ssub.s32 s18, s23;
	s17 =	smulhi.u32 $0xB40B40B5, s26;
	s22 =	sshra.s32 s26, $0x1F  }
0x350: {  	s21 =	ssub.s32 s21, s25;
	s9 =	spop (v2sf);
	s22 =	smul.u32 $0xB40B40B5, s22  }
0x351: {  	s12 =	sadd.s32 s12, s18;
	s23 =	smulhi.u32 $0xB40B40B5, s9;
	s25 =	sshra.s32 s9, $0x1F  }
0x352: {  	s16 =	sadd.s32 s16, s21;
	s24 =	spop (v2sf);
	s18 =	smul.u32 $0xB40B40B5, s25  }
0x353: {  	s17 =	ssub.s32 s17, s26;
	s21 =	smulhi.u32 $0xB40B40B5, s24;
	s25 =	sshra.s32 s24, $0x1F  }
0x354: {  	s26 =	spop (v2sf);
	s17 =	sadd.s32 s22, s17;
	s22 =	smul.u32 $0xB40B40B5, s25  }
0x355: {  	s9 =	ssub.s32 s23, s9;
	s23 =	smulhi.u32 $0xB40B40B5, s26;
	s25 =	sshra.s32 s26, $0x1F  }
0x356: {  	s9 =	sadd.s32 s18, s9;
	s18 =	spop (v2sf);
	s25 =	smul.u32 $0xB40B40B5, s25  }
0x357: {  	v9 =	vmov s17;
	s17 =	ssub.s32 s21, s24;
	s21 =	smulhi.u32 $0xB40B40B5, s18;
	s24 =	sshra.s32 s18, $0x1F  }
0x358: {  	s17 =	sadd.s32 s22, s17;
	s22 =	spop (v2sf);
	v9 =	vnsel vm15, $0x0, v9;
	s24 =	smul.u32 $0xB40B40B5, s24  }
0x359: {  	v9 =	vsel vm1, s16, v9;
	s16 =	ssub.s32 s23, s26;
	s23 =	smulhi.u32 $0xB40B40B5, s22;
	s26 =	sshra.s32 s22, $0x1F  }
0x35a: {  	v10 =	vmov s10;
	v11 =	vmov s14;
	v9 =	vsel vm2, s9, v9;
	s16 =	sadd.s32 s25, s16;
	s10 =	smul.u32 $0xB40B40B5, s26;
	s14 =	spop (v2sf)  }
0x35b: {  	v10 =	vsel vm1, s2, v10;
	v11 =	vsel vm1, s5, v11;
	s21 =	ssub.s32 s21, s18;
	v9 =	vsel vm3, s17, v9;
	s25 =	smulhi.u32 $0xB40B40B5, s14;
	s26 =	sshra.s32 s14, $0x1F  }
0x35c: {  	v10 =	vsel vm2, s6, v10;
	v11 =	vsel vm2, s15, v11;
	s2 =	sadd.s32 s24, s21;
	s17 =	ssub.s32 s23, s22;
	v9 =	vsel vm5, s16, v9;
	s18 =	smul.u32 $0xB40B40B5, s26  }
0x35d: {  	v10 =	vsel vm3, s8, v10;
	v11 =	vsel vm3, s12, v11;
	s21 =	sadd.s32 s10, s17;
	v9 =	vsel vm6, s2, v9;
	s5 =	ssub.s32 s25, s14  }
0x35e: {  	v10 =	vcombine.low v11, v10;
	v11 =	vmul.u32 $0x2, v1;
	v9 =	vsel vm7, s21, v9;
	s22 =	sadd.s32 s18, s5  }
0x35f: {  	v9 =	vsel vm8, s22, v9  }
0x360: {  	v10 =	vperm.xlane v10, v5;
	v9 =	vperm.xlane v9, v11  }
0x361: {  	vm11 =	vmmov $0xff  }
0x362: {  	v9 =	vsel vm11, v9, v10  }
0x363: {  	v9 =	vadd.s32 v8, v9  }
0x364: {  	v10 =	vshrl.u32 v9, $0x1F;
	v9 =	vshra.s32 v9, $0x6  }
0x365: {  	v9 =	vadd.s32 v10, v9  }
0x366: {  	v10 =	vmul.u32 $0xFFFFFFA5, v9  }
0x367: {  	v11 =	vsub.s32 $0x0, v8  }
0x368: {  	vm11 =	vlt.s32 v8, $0x1;
	vm12 =	vne.s32 v10, v11  }
0x369: {  	vm11 =	vmand vm11, vm12  }
0x36a: {  	v10 =	vsel vm11, $0xFFFFFFFF, v0  }
0x36b: {  	v9 =	vadd.s32 v10, v9;
	_ =	sdelay $0x3  }
0x36c: {  	s23 =	simm.s32 $0x18B80  }
0x36d: {  	s24 =	simm.s32 $0x18F80;
	v10 =	vmul.u32 $0xFFFFFFA5, v9;
	v11 =	vld.idx.msk [tilespmem:v9+s23+$0x0], $0xffff  }
0x36e: {  	s25 =	simm.s32 $0x19380;
	v12 =	vld.idx.msk [tilespmem:v9+s24+$0x0], $0xffff  }
0x36f: {  	s26 =	simm.s32 $0x19780;
	v10 =	vadd.s32 v8, v10;
	v13 =	vld.idx.msk [tilespmem:v9+s25+$0x0], $0xffff  }
0x370: {  	v10 =	vcvt.s32.f32 v10;
	v9 =	vld.idx.msk [tilespmem:v9+s26+$0x0], $0xffff;
	_ =	sdelay $0x1  }
0x371: {  	v14 =	vmul.f32 v10, v6;
	_ =	sdelay $0x1  }
0x372: {  	p0 =	slt.s32 s7, $0x1;
	v11 =	vadd.f32 v14, v11;
	v10 =	vadd.f32 v14, v12  }
.Ltmp33:
0x373: {  	v13 =	vadd.f32 v14, v13;
	v12 =	vadd.f32 v14, v9;
	(pc) =	sbr.rel @p0 .LBB2_71-.Ltmp33, $4  }
0x374: {  	_ = 	snop  }
0x375: {  	v9 =	vsub.f32 v13, v11;
	v15 =	vsub.f32 v12, v10  }
0x376: {  	v14 =	vsel vm10, $0x1, v0  }
0x377: {  	v19 =	vmov v14;
	v9 =	vmul.f32 v15, v9  }
0x378: {  	s2 =	simm.s32 $0x1D380;
	p4 =	sne.s32 s7, $0x1  }
.Ltmp34:
0x379: {  	s5 =	simm.s32 $0x1DB80;
	v18 =	vld [tilespmem:s2+$0x0];
	(pc) =	sbr.rel @!p4 .LBB2_59-.Ltmp34, $4  }
0x37a: {  	s25 =	simm.s32 $0x1E380;
	v17 =	vld [tilespmem:s5+$0x0]  }
0x37b: {  	s26 =	simm.s32 $0x1EB80;
	s8 =	simm.s32 $0x1F380;
	v28 =	vld [tilespmem:s25+$0x0]  }
0x37c: {  	s6 =	simm.s32 $0x1D390;
	p0 =	por $0x0, $0x0;
	p1 =	por $0x0, $0x0;
	v15 =	vld [tilespmem:s26+$0x0]  }
0x37d: {  	p2 =	por $0x0, $0x0;
	p3 =	por $0x0, $0x0;
	s2 =	sadd.s32 $0xFFFFFFFF, s7;
	v16 =	vld [tilespmem:s8+$0x0]  }
0x37e: {  	_ = 	snop  }
0x37f: {  	p4 =	sne.s32 s2, $0x1  }
.Ltmp35:
0x380: {  	v23 =	vld [tilespmem:s6+$0x0];
	s5 =	simm.s32 $0x1DB90;
	v18 =	vmax.f32 v18, v11;
	(pc) =	sbr.rel @!p4 .LBB2_61-.Ltmp35, $4  }
0x381: {  	s26 =	simm.s32 $0x1F390;
	v26 =	vld [tilespmem:s5+$0x0];
	v17 =	vmax.f32 v17, v10;
	v19 =	vmin.f32 v28, v13;
	v15 =	vmin.f32 v15, v12  }
0x382: {  	s24 =	simm.s32 $0x1E390;
	v25 =	vld [tilespmem:s26+$0x0];
	v18 =	vsub.f32 v19, v18;
	v17 =	vsub.f32 v15, v17  }
0x383: {  	s25 =	simm.s32 $0x1EB90;
	v28 =	vld [tilespmem:s24+$0x0]  }
0x384: {  	s2 =	sadd.s32 $0xFFFFFFFF, s2;
	s6 =	simm.s32 $0x1D3A0;
	p0 =	por $0x1, $0x1;
	v15 =	vld [tilespmem:s25+$0x0];
	v19 =	vadd.f32 v16, v9;
	v27 =	vmax.f32 v18, $0.0e+00;
	v29 =	vmax.f32 v17, $0.0e+00  }
0x385: {  	_ =	sdelay $0x1  }
0x386: {  	v16 =	vmul.f32 v29, v27;
	p4 =	sne.s32 s2, $0x1  }
.Ltmp36:
0x387: {  	v20 =	vld [tilespmem:s6+$0x0];
	s5 =	simm.s32 $0x1DBA0;
	v17 =	vmax.f32 v23, v11;
	v18 =	vmax.f32 v26, v10;
	(pc) =	sbr.rel @!p4 .LBB2_63-.Ltmp36, $4  }
0x388: {  	s26 =	simm.s32 $0x1F3A0;
	v26 =	vld [tilespmem:s5+$0x0];
	v19 =	vsub.f32 v19, v16;
	v21 =	vmin.f32 v28, v13;
	v15 =	vmin.f32 v15, v12  }
0x389: {  	s24 =	simm.s32 $0x1E3A0;
	v31 =	vld [tilespmem:s26+$0x0];
	v17 =	vsub.f32 v21, v17;
	v18 =	vsub.f32 v15, v18  }
0x38a: {  	s25 =	simm.s32 $0x1EBA0;
	v28 =	vld [tilespmem:s24+$0x0];
	v21 =	vadd.f32 $9.999999960e-13, v19  }
0x38b: {  	s2 =	sadd.s32 $0xFFFFFFFF, s2;
	s6 =	simm.s32 $0x1D3B0;
	p1 =	por $0x1, $0x1;
	v19 =	vadd.f32 v25, v9;
	v15 =	vld [tilespmem:s25+$0x0];
	v27 =	vmax.f32 v17, $0.0e+00;
	v29 =	vmax.f32 v18, $0.0e+00  }
0x38c: {  	_ =	sdelay $0x1  }
0x38d: {  	v17 =	vmul.f32 v29, v27;
	p4 =	sne.s32 s2, $0x1  }
.Ltmp37:
0x38e: {  	v23 =	vld [tilespmem:s6+$0x0];
	s5 =	simm.s32 $0x1DBB0;
	v18 =	vmax.f32 v20, v11;
	v20 =	vmax.f32 v26, v10;
	(pc) =	sbr.rel @!p4 .LBB2_65-.Ltmp37, $4  }
0x38f: {  	s26 =	simm.s32 $0x1F3B0;
	v26 =	vld [tilespmem:s5+$0x0];
	v19 =	vsub.f32 v19, v17;
	v22 =	vmin.f32 v28, v13;
	v15 =	vmin.f32 v15, v12  }
0x390: {  	s24 =	simm.s32 $0x1E3B0;
	v25 =	vld [tilespmem:s26+$0x0];
	v18 =	vsub.f32 v22, v18;
	v22 =	vsub.f32 v15, v20  }
0x391: {  	s25 =	simm.s32 $0x1EBB0;
	(erf) = vrcp.f32 v21;
	v28 =	vld [tilespmem:s24+$0x0];
	v20 =	vadd.f32 $9.999999960e-13, v19  }
0x392: {  	s12 =	sadd.s32 $0xFFFFFFFF, s2;
	s2 =	simm.s32 $0x1D3C0;
	p2 =	por $0x1, $0x1;
	v15 =	vld [tilespmem:s25+$0x0];
	v19 =	vadd.f32 v31, v9;
	v27 =	vmax.f32 v18, $0.0e+00;
	v29 =	vmax.f32 v22, $0.0e+00  }
0x393: {  	_ =	sdelay $0x5  }
0x394: {  	v18 =	vmul.f32 v29, v27  }
0x395: {  	v32 =	vld [tilespmem:s2+$0x0];
	s2 =	simm.s32 $0x1DBC0;
	p4 =	sne.s32 s12, $0x1;
	v22 =	vmax.f32 v26, v10;
	v15 =	vmin.f32 v15, v12;
	v24 =	vpop (erf);
	(erf) = vrcp.f32 v20  }
.Ltmp38:
0x396: {  	s6 =	simm.s32 $0x1E3C0;
	v26 =	vld [tilespmem:s2+$0x0];
	v22 =	vsub.f32 v15, v22;
	(pc) =	sbr.rel @!p4 .LBB2_67-.Ltmp38, $4  }
0x397: {  	v21 =	vmax.f32 v23, v11;
	s8 =	simm.s32 $0x1EBC0;
	v19 =	vsub.f32 v19, v18;
	v23 =	vmin.f32 v28, v13;
	v28 =	vld [tilespmem:s6+$0x0]  }
0x398: {  	v23 =	vsub.f32 v23, v21;
	v15 =	vld [tilespmem:s8+$0x0]  }
0x399: {  	s10 =	simm.s32 $0x1F3C0;
	v21 =	vadd.f32 $9.999999960e-13, v19;
	v24 =	vmul.f32 v24, v16  }
0x39a: {  	s12 =	sadd.s32 $0xFFFFFFFF, s12;
	s18 =	simm.s32 $0x1D3D0;
	p3 =	por $0x1, $0x1;
	v30 =	vmovc v17;
	v31 =	vld [tilespmem:s10+$0x0];
	v19 =	vadd.f32 v25, v9;
	v27 =	vmax.f32 v23, $0.0e+00;
	v29 =	vmax.f32 v22, $0.0e+00;
	v22 =	vmovc v14  }
.LBB2_68:
0x39b: {  	v23 =	vld [tilespmem:s18+$0x0];
	s2 =	sadd.s32 $0x10, s2;
	v25 =	vmul.f32 v29, v27;
	(erf) = vrcp.f32 v21;
	vm10 =	vgt.f32 v24, $6.999999880e-01;
	p4 =	sne.s32 s12, $0x1  }
.Ltmp39:
0x39c: {  	v21 =	vmax.f32 v32, v11;
	v32 =	vmax.f32 v26, v10;
	s6 =	sadd.s32 $0x10, s6;
	v26 =	vld [tilespmem:s2+$0x0];
	v22 =	vsel vm10, $0x0, v22;
	(pc) =	sbr.rel @p4 .LBB2_68-.Ltmp39, $4  }
0x39d: {  	s8 =	sadd.s32 $0x10, s8;
	v27 =	vmin.f32 v28, v13;
	v28 =	vld [tilespmem:s6+$0x0];
	v29 =	vmin.f32 v15, v12;
	v19 =	vsub.f32 v19, v25  }
0x39e: {  	s12 =	sadd.s32 $0xFFFFFFFF, s12;
	v27 =	vsub.f32 v27, v21;
	v15 =	vld [tilespmem:s8+$0x0];
	v29 =	vsub.f32 v29, v32;
	v24 =	vpop (erf)  }
0x39f: {  	s10 =	sadd.s32 $0x10, s10;
	v21 =	vadd.f32 $9.999999960e-13, v19;
	v24 =	vmul.f32 v24, v30;
	v30 =	vmovc v18;
	v18 =	vmov v25  }
0x3a0: {  	s18 =	sadd.s32 $0x10, s18;
	v27 =	vmax.f32 v27, $0.0e+00;
	v19 =	vadd.f32 v31, v9;
	v29 =	vmax.f32 v29, $0.0e+00;
	v31 =	vld [tilespmem:s10+$0x0];
	v32 =	vmovc v23  }
0x3a1: {  	_ =	sdelay $0x3  }
0x3a2: {  	v23 =	vmov v32;
	v25 =	vmov v31  }
.LBB2_70:
0x3a3: {  	v27 =	vmul.f32 @p0 v29, v27;
	v23 =	vmax.f32 v23, v11  }
0x3a4: {  	v26 =	vmax.f32 v26, v10;
	v28 =	vmin.f32 v28, v13;
	v15 =	vmin.f32 v15, v12  }
0x3a5: {  	v23 =	vsub.f32 v28, v23;
	v15 =	vsub.f32 v15, v26  }
0x3a6: {  	v19 =	vsub.f32 @p0 v19, v27  }
0x3a7: {  	v23 =	vmax.f32 v23, $0.0e+00;
	v15 =	vmax.f32 v15, $0.0e+00  }
0x3a8: {  	v25 =	vadd.f32 v25, v9;
	v19 =	vadd.f32 @p0 $9.999999960e-13, v19;
	v15 =	vmul.f32 v15, v23;
	_ =	sdelay $0x1  }
0x3a9: {  	v19 =	vpsel p0, v19, v20;
	v20 =	vsub.f32 v25, v15  }
0x3aa: {  	(erf) = vrcp.f32 @p1 v21  }
0x3ab: {  	(erf) = vrcp.f32 @p0 v19;
	v19 =	vadd.f32 $9.999999960e-13, v20;
	_ =	sdelay $0x3  }
0x3ac: {  	(erf) = vrcp.f32 v19;
	v19 =	vpop @p2 (erf)  }
0x3ad: {  	v19 =	vmul.f32 @p2 v19, v30  }
0x3ae: {  	vm10 =	vgt.f32 @p3 v24, $6.999999880e-01  }
0x3af: {  	v16 =	vpsel p1, v18, v16;
	v18 =	vsel @p3 vm10, $0x0, v22;
	v19 =	vpsel p2, v19, v0  }
0x3b0: {  	v18 =	vpsel p3, v18, v14;
	v20 =	vmov @p0 v27;
	v21 =	vpop @p1 (erf);
	vm10 =	vgt.f32 @p2 v19, $6.999999880e-01  }
0x3b1: {  	v17 =	vpsel p0, v20, v17;
	v16 =	vmul.f32 @p1 v21, v16;
	v18 =	vsel @p2 vm10, $0x0, v18  }
0x3b2: {  	v17 =	vpsel p0, v17, v0;
	v19 =	vpop @p0 (erf);
	v18 =	vpsel p2, v18, v14  }
0x3b3: {  	v16 =	vpsel p1, v16, v0;
	v17 =	vmul.f32 @p0 v19, v17  }
0x3b4: {  	vm10 =	vgt.f32 @p1 v16, $6.999999880e-01  }
0x3b5: {  	v16 =	vsel @p1 vm10, $0x0, v18;
	v17 =	vpsel p0, v17, v0;
	v18 =	vpop (erf)  }
0x3b6: {  	v16 =	vpsel p1, v16, v14;
	vm10 =	vgt.f32 @p0 v17, $6.999999880e-01;
	v15 =	vmul.f32 v18, v15  }
0x3b7: {  	v16 =	vsel @p0 vm10, $0x0, v16  }
0x3b8: {  	v16 =	vpsel p0, v16, v14;
	vm10 =	vgt.f32 v15, $6.999999880e-01  }
0x3b9: {  	v19 =	vsel vm10, $0x0, v16  }
.LBB2_71:
0x3ba: {  	s2 =	simm.s32 $0x0  }
0x3bb: {  	v24 =	vmov s2  }
0x3bc: {  	vm10 =	veq.s32 v24, v1  }
0x3bd: {  	v15 =	vnsel vm10, $0x0, v11  }
0x3be: {  	v16 =	vnsel vm10, $0x0, v13;
	(xrf2) =	vadd.scan.msk.f32 $0xffff, v15  }
0x3bf: {  	v15 =	vnsel vm10, $0x0, v10;
	(xrf2) =	vadd.scan.msk.f32 $0xffff, v16  }
0x3c0: {  	v16 =	vnsel vm10, $0x0, v12;
	(xrf2) =	vadd.scan.msk.f32 $0xffff, v15  }
0x3c1: {  	(xrf2) =	vadd.scan.msk.f32 $0xffff, v16;
	_ =	sdelay $0x2  }
0x3c2: {  	v15 =	vnsel vm10, $0x0, v9  }
0x3c3: {  	(xrf2) =	vadd.scan.msk.f32 $0xffff, v15;
	_ =	sdelay $0x2  }
0x3c4: {  	v15 =	vnsel vm10, $0x0, v14;
	v16, _, _ =	vpop (xrf2)  }
0x3c5: {  	(xrf0) =	vadd.scan.msk.s32 $0xffff, v15;
	v15 =	vnsel vm10, $0x0, v8;
	v17, _, _ =	vpop (xrf2)  }
0x3c6: {  	(xrf0) =	vadd.scan.msk.s32 $0xffff, v15;
	v20, _, _ =	vpop (xrf2);
	v15 =	vbroadcast v17, $0xF  }
0x3c7: {  	v21 =	vnsel vm10, $0x0, v19;
	v18 =	vbroadcast v16, $0xF;
	v16, _, _ =	vpop (xrf2)  }
0x3c8: {  	(xrf0) =	vadd.scan.msk.s32 $0xffff, v21;
	v17 =	vbroadcast v20, $0xF;
	v16 =	vbroadcast v16, $0xF;
	v21 =	vmin.f32 v15, v13;
	_ =	sdelay $0x1  }
0x3c9: {  	v20 =	vmax.f32 v18, v11;
	v23 =	vmax.f32 v17, v10;
	v25 =	vmin.f32 v16, v12  }
0x3ca: {  	v26 =	vsub.f32 v21, v20;
	v21, _, _ =	vpop (xrf2);
	v23 =	vsub.f32 v25, v23  }
0x3cb: {  	v22, _, _ =	vpop (xrf0);
	v21 =	vbroadcast v21, $0xF  }
0x3cc: {  	(v2sf) =	vpush v22, $0xF;
	v22 =	vmax.f32 v26, $0.0e+00;
	v23 =	vmax.f32 v23, $0.0e+00  }
0x3cd: {  	v26 =	vadd.f32 v21, v9;
	v22 =	vmul.f32 v23, v22;
	_ =	sdelay $0x1  }
0x3ce: {  	v20, _, _ =	vpop (xrf0);
	v23 =	vsub.f32 v26, v22  }
0x3cf: {  	v25, _, _ =	vpop (xrf0)  }
0x3d0: {  	(v2sf) =	vpush v25, $0xF;
	v25 =	vadd.f32 $9.999999960e-13, v23;
	_ =	sdelay $0x1  }
0x3d1: {  	s24 =	simm.s32 $0x1;
	(erf) = vrcp.f32 v25  }
0x3d2: {  	v23 =	vmov s24  }
0x3d3: {  	vm11 =	veq.s32 v23, v1  }
0x3d4: {  	v25 =	vnsel vm11, $0x0, v11  }
0x3d5: {  	(xrf2) =	vadd.scan.msk.f32 $0xffff, v25;
	v25 =	vnsel vm11, $0x0, v14  }
0x3d6: {  	(xrf0) =	vadd.scan.msk.s32 $0xffff, v25;
	_ =	sdelay $0x3  }
0x3d7: {  	v26 =	vnsel vm11, $0x0, v13;
	v25 =	vpop (erf)  }
0x3d8: {  	(xrf2) =	vadd.scan.msk.f32 $0xffff, v26;
	v25 =	vmul.f32 v25, v22;
	v22 =	vnsel vm11, $0x0, v10  }
0x3d9: {  	v27, _, _ =	vpop (xrf0);
	(xrf2) =	vadd.scan.msk.f32 $0xffff, v22  }
0x3da: {  	s25 =	spop (v2sf);
	v26 =	vnsel vm11, $0x0, v8;
	(v2sf) =	vpush v27, $0xF  }
0x3db: {  	v28 =	vnsel vm11, $0x0, v12;
	(xrf0) =	vadd.scan.msk.s32 $0xffff, v26  }
0x3dc: {  	vm13 =	vgt.f32 v25, $6.999999880e-01;
	v25, _, _ =	vpop (xrf2);
	(xrf2) =	vadd.scan.msk.f32 $0xffff, v28;
	_ =	sdelay $0x1  }
0x3dd: {  	p0 =	slt.s32 s7, $0x64;
	s26 =	sshll.u32 s7, $0x4;
	v26 =	vnsel vm11, $0x0, v9;
	s5 =	spop (v2sf)  }
0x3de: {  	p2 =	sgt.s32 s25, $0x0;
	p1 =	sgt.s32 s5, $0x0;
	p3 =	seq.s32 s5, $0x0;
	(xrf2) =	vadd.scan.msk.f32 $0xffff, v26  }
0x3df: {  	vm12 =	vmmov vm9;
	s6 =	simm.s32 $0x1;
	vm10 =	vlt.u32 v24, v1;
	p0 =	por !p0, !p1;
	p6 =	por !p2, !p3  }
0x3e0: {  	s8 =	simm.s32 $0x1;
	p0 =	por !p0, !p0;
	p1 =	por !p6, !p6;
	v22, _, _ =	vpop (xrf0);
	vm14 =	vmand vm10, vm13;
	vm13 =	vmmov vm9;
	v25 =	vbroadcast v25, $0xF  }
0x3e1: {  	s2 =	simm.s32 $0x2;
	v24 =	vor.u32 s26, v1;
	vm12 =	vmneg @p0 vm12;
	s6 =	simm.s32 @!p0 $0x0;
	s8 =	simm.s32 @!p1 $0x0;
	vm13 =	vmneg @p1 vm13;
	v26, _, _ =	vpop (xrf2)  }
.LBB2_72:
0x3e2: {  	p0 =	sne.s32 s2, $0xF;
	v26 =	vbroadcast v26, $0xF;
	v27 =	vmax.f32 v25, v11;
	v28, _, _ =	vpop (xrf2);
	vm10 =	vmand vm12, vm14;
	s5 =	smov.u32 s2;
	s2 =	sadd.s32 $0x1, s2  }
0x3e3: {  	v19 =	vsel vm10, $0x0, v19  }
0x3e4: {  	v30 =	vmov s7;
	vm10 =	vmmov $0x1;
	v32 =	vnsel vm11, $0x0, v19  }
0x3e5: {  	v28 =	vbroadcast v28, $0xF;
	v31 =	vmin.f32 v26, v13;
	vm14 =	vmand vm12, vm10;
	(xrf0) =	vadd.scan.msk.s32 $0xffff, v32;
	v29, _, _ =	vpop (xrf2)  }
0x3e6: {  	vm13 =	vmand vm13, vm10;
	v27 =	vsub.f32 v31, v27;
	v29 =	vbroadcast v29, $0xF  }
0x3e7: {  	v31 =	vmax.f32 v28, v10;
	v32 =	vmov s4;
	[tilespmem:v24+s28+$0x0] =	vst.idx.msk vm12, v18;
	v18 =	vmov v25  }
0x3e8: {  	v27 =	vmax.f32 v27, $0.0e+00;
	v25 =	vmin.f32 v29, v12;
	s10 =	spop (v2sf);
	v33, _, _ =	vpop (xrf2);
	[tilespmem:v24+s29+$0x0] =	vst.idx.msk vm12, v17;
	v17 =	vmov v28  }
0x3e9: {  	v28 =	vbroadcast v33, $0xF;
	v25 =	vsub.f32 v25, v31;
	[tilespmem:v24+s30+$0x0] =	vst.idx.msk vm12, v15;
	v31 =	vbroadcast v20, $0xF;
	v15 =	vmovc v26  }
0x3ea: {  	s4 =	sadd.s32 s8, s4;
	v20 =	vmov v22;
	[tilespmem:v24+s31+$0x0] =	vst.idx.msk vm12, v16;
	v16 =	vmov v29  }
0x3eb: {  	p1 =	slt.s32 s4, $0x7F;
	v29 =	vmov s5;
	v22 =	vmax.f32 v25, $0.0e+00;
	v25 =	vadd.f32 v28, v9;
	v26, _, _ =	vpop (xrf0);
	[tilespmem:v24+s0+$0x0] =	vst.idx.msk vm12, v21  }
0x3ec: {  	s7 =	sadd.s32 s6, s7;
	s4 =	simm.s32 @!p1 $0x7F;
	vm11 =	veq.s32 v29, v1;
	v24 =	vmul.f32 v22, v27;
	(v2sf) =	vpush v26, $0xF;
	[tilespmem:v30+s1+$0x0] =	vst.idx.msk vm14, v31  }
0x3ed: {  	v21 =	vmovc v28;
	v22 =	vnsel vm11, $0x0, v11;
	v26 =	vnsel vm11, $0x0, v10;
	v27 =	vnsel vm11, $0x0, v9;
	[tilespmem:v32+s11+$0x0] =	vst.idx.msk vm13, v31  }
0x3ee: {  	v28 =	vnsel vm11, $0x0, v13;
	v30 =	vnsel vm11, $0x0, v12;
	v25 =	vsub.f32 v25, v24  }
0x3ef: {  	v31 =	vnsel vm11, $0x0, v14;
	v32 =	vnsel vm11, $0x0, v8;
	(xrf2) =	vadd.scan.msk.f32 $0xffff, v22  }
0x3f0: {  	(xrf0) =	vadd.scan.msk.s32 $0xffff, v31;
	v22 =	vadd.f32 $9.999999960e-13, v25  }
0x3f1: {  	(xrf0) =	vadd.scan.msk.s32 $0xffff, v32  }
0x3f2: {  	(erf) = vrcp.f32 v22  }
0x3f3: {  	(xrf2) =	vadd.scan.msk.f32 $0xffff, v28;
	_ =	sdelay $0x2  }
0x3f4: {  	v22, _, _ =	vpop (xrf0);
	(xrf2) =	vadd.scan.msk.f32 $0xffff, v26  }
0x3f5: {  	(v2sf) =	vpush v22, $0xF;
	v22, _, _ =	vpop (xrf0);
	_ =	sdelay $0x1  }
0x3f6: {  	v25, _, _ =	vpop (xrf2);
	(xrf2) =	vadd.scan.msk.f32 $0xffff, v30;
	_ =	sdelay $0x1  }
0x3f7: {  	p1 =	slt.s32 s7, $0x64;
	s5 =	spop (v2sf);
	v26 =	vpop (erf)  }
.Ltmp40:
0x3f8: {  	s6 =	simm.s32 $0x1;
	(xrf2) =	vadd.scan.msk.f32 $0xffff, v27;
	v27 =	vmul.f32 v26, v24;
	(pc) =	sbr.rel @p0 .LBB2_72-.Ltmp40, $4  }
0x3f9: {  	p2 =	sgt.s32 s10, $0x0;
	vm12 =	vmmov vm9;
	vm13 =	vlt.u32 v23, v1;
	p3 =	sgt.s32 s5, $0x0;
	p4 =	seq.s32 s5, $0x0  }
0x3fa: {  	v23 =	vmov v29;
	v25 =	vbroadcast v25, $0xF;
	s5 =	sshll.u32 s7, $0x4;
	v26, _, _ =	vpop (xrf2);
	p1 =	por !p1, !p3;
	p2 =	por !p2, !p4;
	vm14 =	vgt.f32 v27, $6.999999880e-01  }
0x3fb: {  	s8 =	simm.s32 $0x1;
	v24 =	vor.u32 s5, v1;
	p1 =	por !p1, !p1;
	p2 =	por !p2, !p2;
	vm14 =	vmand vm13, vm14;
	vm13 =	vmmov vm9  }
0x3fc: {  	vm12 =	vmneg @p1 vm12;
	s6 =	simm.s32 @!p1 $0x0;
	s8 =	simm.s32 @!p2 $0x0;
	vm13 =	vmneg @p2 vm13  }
0x3fd: {  	vm14 =	vmand vm12, vm14  }
0x3fe: {  	v8 =	vsel vm14, $0x0, v19  }
0x3ff: {  	v8 =	vnsel vm11, $0x0, v8  }
0x400: {  	(xrf0) =	vadd.scan.msk.s32 $0xffff, v8;
	_ =	sdelay $0x5  }
0x401: {  	v8, _, _ =	vpop (xrf0)  }
0x402: {  	(v2sf) =	vpush v8, $0xF;
	_ =	sdelay $0x7  }
0x403: {  	v8, _, _ =	vpop (xrf2)  }
0x404: {  	v14 =	vbroadcast v26, $0xF;
	v54, _, _ =	vpop (xrf2)  }
0x405: {  	v8 =	vbroadcast v8, $0xF;
	v19 =	vbroadcast v54, $0xF  }
0x406: {  	v11 =	vmax.f32 v25, v11  }
0x407: {  	v13 =	vmin.f32 v14, v13;
	v10 =	vmax.f32 v8, v10;
	v12 =	vmin.f32 v19, v12  }
0x408: {  	v11 =	vsub.f32 v13, v11;
	v55, _, _ =	vpop (xrf2);
	v10 =	vsub.f32 v12, v10  }
0x409: {  	s2 =	spop (v2sf);
	v56 =	vbroadcast v55, $0xF  }
0x40a: {  	s5 =	sadd.s32 s6, s7;
	v11 =	vmax.f32 v11, $0.0e+00;
	v10 =	vmax.f32 v10, $0.0e+00;
	s24 =	spop (v2sf)  }
0x40b: {  	p0 =	slt.s32 s5, $0x64;
	v9 =	vadd.f32 v56, v9;
	v10 =	vmul.f32 v10, v11;
	p1 =	sgt.s32 s24, $0x0  }
0x40c: {  	v57 =	vmov s7;
	vm14 =	vmand vm12, vm10;
	p0 =	por !p0, !p1  }
0x40d: {  	vm13 =	vmand vm13, vm10;
	[tilespmem:v24+s28+$0x0] =	vst.idx.msk vm12, v18;
	vm11 =	vmmov vm9;
	v9 =	vsub.f32 v9, v10;
	p0 =	por !p0, !p0  }
0x40e: {  	v58 =	vmov s4;
	[tilespmem:v24+s29+$0x0] =	vst.idx.msk vm12, v17;
	s25 =	sshll.u32 s5, $0x4;
	vm11 =	vmneg @p0 vm11  }
0x40f: {  	s6 =	simm.s32 $0x1;
	v59 =	vor.u32 s25, v1;
	[tilespmem:v24+s30+$0x0] =	vst.idx.msk vm12, v15;
	v9 =	vadd.f32 $9.999999960e-13, v9  }
0x410: {  	v60 =	vbroadcast v20, $0xF;
	s13 =	sadd.s32 $0x1, s13;
	[tilespmem:v24+s31+$0x0] =	vst.idx.msk vm12, v16;
	p6 =	sgt.s32 s2, $0x0;
	p2 =	seq.s32 s24, $0x0  }
0x411: {  	[tilespmem:v24+s0+$0x0] =	vst.idx.msk vm12, v21;
	s2 =	sadd.s32 s8, s4;
	s4 =	simm.s32 $0x1;
	(erf) = vrcp.f32 v9;
	p1 =	por !p6, !p2  }
0x412: {  	s26 =	rddreg [dreg:$0xf];
	vm12 =	vmmov vm9;
	[tilespmem:v57+s1+$0x0] =	vst.idx.msk vm14, v60;
	p1 =	por !p1, !p1;
	s4 =	simm.s32 @!p0 $0x0  }
0x413: {  	[tilespmem:v58+s11+$0x0] =	vst.idx.msk vm13, v60;
	p2 =	slt.s32 s2, $0x7F;
	vm12 =	vmneg @p1 vm12;
	p0 =	sge.s32 s13, s26;
	vm13 =	vmand vm11, vm10;
	s7 =	sadd.s32 s4, s5  }
0x414: {  	v61 =	vmov s5;
	s2 =	simm.s32 @!p2 $0x7F;
	s6 =	simm.s32 @!p1 $0x0;
	vm10 =	vmand vm12, vm10;
	p1 =	slt.s32 @!p0 s7, $0x64;
	[tilespmem:v59+s28+$0x0] =	vst.idx.msk vm11, v25  }
0x415: {  	v62 =	vmov s2;
	p1 =	por p0, !p1;
	[tilespmem:v59+s29+$0x0] =	vst.idx.msk vm11, v8  }
.Ltmp41:
0x416: {  	[tilespmem:v59+s30+$0x0] =	vst.idx.msk vm11, v14;
	(pc) =	sbr.rel @!p1 .LBB2_57-.Ltmp41, $4  }
.Ltmp42:
0x417: {  	v8 =	vbroadcast v22, $0xF;
	[tilespmem:v59+s31+$0x0] =	vst.idx.msk vm11, v19;
	(pc) =	sbr.rel @p1 .LBB2_74-.Ltmp42, $4  }
0x418: {  	s4 =	sadd.s32 s6, s2;
	[tilespmem:v59+s0+$0x0] =	vst.idx.msk vm11, v56  }
0x419: {  	p2 =	slt.s32 s4, $0x7F;
	[tilespmem:v61+s1+$0x0] =	vst.idx.msk vm13, v8  }
0x41a: {  	s4 =	simm.s32 @!p2 $0x7F;
	v63 =	vpop (erf);
	[tilespmem:v62+s11+$0x0] =	vst.idx.msk vm10, v8  }
0x41b: {  	_ = 	snop  }
.LBB2_59:
.Ltmp43:
0x41c: {  	_ = 	snop;
	(pc) =	sbr.rel .LBB2_70-.Ltmp43, $2  }
0x41d: {  	_ =	sdelay $0x2  }
0x41e: {  	v23 =	vmovc v18;
	v22 =	vmov v14;
	v26 =	vmov v17;
	v25 =	vmov v16  }
.LBB2_61:
.Ltmp44:
0x41f: {  	(pc) =	sbr.rel .LBB2_70-.Ltmp44, $2  }
0x420: {  	_ =	sdelay $0x2  }
0x421: {  	v22 =	vmov v14  }
.LBB2_63:
.Ltmp45:
0x422: {  	(pc) =	sbr.rel .LBB2_70-.Ltmp45, $2  }
0x423: {  	_ =	sdelay $0x2  }
0x424: {  	v18 =	vmovc v16;
	v23 =	vmov v20;
	v22 =	vmov v14;
	v25 =	vmov v31  }
.LBB2_65:
.Ltmp46:
0x425: {  	(pc) =	sbr.rel .LBB2_70-.Ltmp46, $2  }
0x426: {  	_ =	sdelay $0x2  }
0x427: {  	v21 =	vmovc v20;
	v22 =	vmov v14;
	v30 =	vmov v16;
	v18 =	vmov v17  }
.LBB2_67:
.Ltmp47:
0x428: {  	_ = 	snop;
	(pc) =	sbr.rel .LBB2_70-.Ltmp47, $2  }
0x429: {  	_ =	sdelay $0x2  }
0x42a: {  	v23 =	vmovc v32;
	v22 =	vmov v14;
	v30 =	vmov v17;
	v25 =	vmov v31  }
.LBB2_74:
.Ltmp48:
0x42b: {  	(pc) =	sbr.rel .LBB2_50-.Ltmp48, $3  }
0x42c: {  	_ =	sdelay $0x1  }
0x42d: {  	s7 =	smov.u32 @p0 s7  }
0x42e: {  	s4 =	smov.u32 @p0 s4;
	s21 =	simm.s32 $0x1CB80;
	s22 =	simm.s32 $0x19F80  }
.LBB2_49:
0x42f: {  	s7 =	simm.s32 $0x0;
	s4 =	simm.s32 $0x0  }
.LBB2_50:
0x430: {  	s14 =	rddreg [dreg:$0xc]  }
0x431: {  	p1 =	sgt.s32 s7, $0x63;
	s2 =	rddreg [dreg:$0xd]  }
0x432: {  	p0 =	sle.s32 @!p1 s14, s2  }
0x433: {  	p0 =	por p1, p0  }
.Ltmp49:
0x434: {  	_ = 	snop;
	(pc) =	sbr.rel @p0 .LBB2_51-.Ltmp49, $1  }
0x435: {  	_ =	sdelay $0x3  }
.Ltmp50:
0x436: {  	(pc) =	sbr.rel .LBB2_78-.Ltmp50, $2  }
0x437: {  	_ =	sdelay $0x2  }
0x438: {  	s23 =	simm.s32 $0x1B380;
	s16 =	simm.s32 $0x1BB80  }
.LBB2_124:
0x439: {  	s7 =	smov.u32 @p0 s7  }
0x43a: {  	s4 =	smov.u32 @p0 s4;
	s21 =	simm.s32 $0x1CB80;
	s22 =	simm.s32 $0x19F80  }
0x43b: {  	s23 =	simm.s32 $0x1B380;
	s16 =	simm.s32 $0x1BB80;
	s14 =	rddreg [dreg:$0xc]  }
.LBB2_75:
0x43c: {  	p1 =	sgt.s32 s7, $0x63;
	s2 =	rddreg [dreg:$0xd]  }
0x43d: {  	p0 =	sle.s32 @!p1 s14, s2  }
0x43e: {  	p0 =	por p1, p0  }
.Ltmp51:
0x43f: {  	_ = 	snop;
	(pc) =	sbr.rel @p0 .LBB2_76-.Ltmp51, $1  }
0x440: {  	_ =	sdelay $0x3  }
.LBB2_78:
0x441: {  	s2 =	sshrl.u32 s14, $0x11;
	s5 =	rddreg [dreg:$0xb]  }
0x442: {  	s5 =	ssub.s32 s2, s5  }
0x443: {  	p0 =	slt.s32 s5, $0x1  }
.Ltmp52:
0x444: {  	_ = 	snop;
	(pc) =	sbr.rel @p0 .LBB2_91-.Ltmp52, $2  }
0x445: {  	_ =	sdelay $0x2  }
0x446: {  	s9 =	smov.u32 s14  }
0x447: {  	s26 =	sadd.s32 $0xFFFFFFFF, s2  }
0x448: {  	s5 =	sshra.s32 s26, $0x1F  }
0x449: {  	s2 =	sand.u32 $0xF, s26;
	s25 =	sshrl.u32 s5, $0x1C  }
0x44a: {  	p1 =	sne.s32 s2, $0x0;
	s2 =	sadd.s32 s25, s26  }
0x44b: {  	s6 =	sshrl.u32 s2, $0x4;
	s2 =	sadd.s32 $0xFFFFFFFF, s26  }
0x44c: {  	p0 =	slt.s32 s26, $0x1;
	p3 =	sne.s32 s3, s2  }
.Ltmp53:
0x44d: {  	p0 =	por !p0, !p1;
	(pc) =	sbr.rel @!p3 .LBB2_80-.Ltmp53, $4  }
0x44e: {  	s5 =	simm.s32 $0x1;
	p0 =	por !p0, !p0  }
0x44f: {  	s13 =	simm.s32 $0x0;
	s5 =	simm.s32 @!p0 $0x0  }
0x450: {  	p2 =	por $0x0, $0x0;
	p1 =	por $0x0, $0x0;
	s6 =	ssub.s32 s6, s5  }
0x451: {  	p0 =	por $0x0, $0x0;
	s5 =	simm.s32 $0xFFFFFFFF;
	s18 =	sshll.u32 s6, $0x4  }
0x452: {  	s6 =	sand.u32 $0xF, s2;
	s8 =	sshra.s32 s2, $0x1F;
	p0 =	slt.s32 s2, $0x1  }
0x453: {  	v7 =	vld [tilespmem:s18+$0x16380];
	p3 =	sne.s32 s6, $0x0;
	s24 =	sshrl.u32 s8, $0x1C;
	s8 =	sadd.s32 $0xFFFFFFFF, s2  }
0x454: {  	p0 =	por !p0, !p3;
	p3 =	sne.s32 s3, s8  }
.Ltmp54:
0x455: {  	s25 =	ssub.s32 s26, s18;
	(pc) =	sbr.rel @!p3 .LBB2_82-.Ltmp54, $4  }
0x456: {  	s10 =	simm.s32 $0x1;
	v8 =	vmov s25;
	s6 =	sadd.s32 s24, s2;
	p0 =	por !p0, !p0  }
0x457: {  	vm10 =	veq.s32 v8, v1;
	s6 =	sshrl.u32 s6, $0x4;
	s10 =	simm.s32 @!p0 $0x0  }
0x458: {  	v7 =	vnsel vm10, $0x0, v7;
	s6 =	ssub.s32 s6, s10  }
0x459: {  	p0 =	por $0x1, $0x1;
	(xrf0) =	vadd.scan.msk.s32 $0xffff, v7;
	s18 =	sshll.u32 s6, $0x4  }
0x45a: {  	_ = 	snop  }
0x45b: {  	s25 =	ssub.s32 s2, s18  }
0x45c: {  	v8 =	vmov s25;
	_ =	sdelay $0x2  }
0x45d: {  	vm10 =	veq.s32 v8, v1;
	v8, _, _ =	vpop (xrf0)  }
0x45e: {  	(v2sf) =	vpush v8, $0xF;
	_ =	sdelay $0x4  }
0x45f: {  	s6 =	sand.u32 $0xF, s8;
	s10 =	sshra.s32 s8, $0x1F;
	p1 =	slt.s32 s8, $0x1  }
0x460: {  	v7 =	vld [tilespmem:s18+$0x16380];
	p3 =	sne.s32 s6, $0x0;
	s24 =	sshrl.u32 s10, $0x1C;
	s10 =	sadd.s32 $0xFFFFFFFF, s8  }
0x461: {  	p1 =	por !p1, !p3;
	p3 =	sne.s32 s3, s10  }
.Ltmp55:
0x462: {  	_ = 	snop;
	(pc) =	sbr.rel @!p3 .LBB2_84-.Ltmp55, $4  }
0x463: {  	s12 =	simm.s32 $0x1;
	s6 =	sadd.s32 s24, s8;
	p1 =	por !p1, !p1  }
0x464: {  	s6 =	sshrl.u32 s6, $0x4;
	s12 =	simm.s32 @!p1 $0x0  }
0x465: {  	v7 =	vnsel vm10, $0x0, v7;
	s6 =	ssub.s32 s6, s12  }
0x466: {  	p1 =	por $0x1, $0x1;
	(xrf0) =	vadd.scan.msk.s32 $0xffff, v7;
	s18 =	sshll.u32 s6, $0x4  }
0x467: {  	_ = 	snop  }
0x468: {  	s25 =	ssub.s32 s8, s18  }
0x469: {  	s12 =	sshra.s32 s10, $0x1F;
	v8 =	vmov s25  }
0x46a: {  	s6 =	sand.u32 $0xF, s10;
	p2 =	slt.s32 s10, $0x1;
	s24 =	sshrl.u32 s12, $0x1C  }
0x46b: {  	v7 =	vld [tilespmem:s18+$0x16380];
	p3 =	sne.s32 s6, $0x0;
	s6 =	sadd.s32 s24, s10;
	s24 =	sadd.s32 $0xFFFFFFFF, s10  }
0x46c: {  	p2 =	por !p2, !p3;
	vm10 =	veq.s32 v8, v1;
	p3 =	sne.s32 s3, s24;
	v8, _, _ =	vpop (xrf0)  }
.Ltmp56:
0x46d: {  	(v2sf) =	vpush v8, $0xF;
	(pc) =	sbr.rel @!p3 .LBB2_86-.Ltmp56, $4  }
0x46e: {  	s14 =	simm.s32 $0x1;
	p2 =	por !p2, !p2  }
0x46f: {  	s6 =	sshrl.u32 s6, $0x4;
	s14 =	simm.s32 @!p2 $0x0  }
0x470: {  	s12 =	smov.u32 s26;
	s25 =	simm.s32 $0xFFFFFFFF;
	s6 =	ssub.s32 s6, s14;
	v7 =	vnsel vm10, $0x0, v7  }
0x471: {  	p2 =	por $0x1, $0x1;
	s18 =	sshll.u32 s6, $0x4;
	(xrf0) =	vadd.scan.msk.s32 $0xffff, v7;
	s6 =	simm.s32 $0x0  }
.LBB2_87:
0x472: {  	s14 =	sshra.s32 s24, $0x1F;
	p4 =	slt.s32 s24, $0x1;
	s15 =	sand.u32 $0xF, s24  }
0x473: {  	v7 =	vld [tilespmem:s18+$0x16380];
	s16 =	smov.u32 s24;
	s17 =	smov.u32 s6;
	s24 =	sadd.s32 $0xFFFFFFFF, s24  }
0x474: {  	s18 =	ssub.s32 s10, s18;
	p5 =	sne.s32 s15, $0x0;
	s15 =	spop (v2sf)  }
0x475: {  	s14 =	sshrl.u32 s14, $0x1C;
	p3 =	sne.s32 s3, s24;
	s6 =	sadd.s32 s6, s15  }
0x476: {  	s14 =	sadd.s32 s14, s16;
	p4 =	por !p4, !p5;
	p5 =	slt.s32 s17, $0x80  }
0x477: {  	v8 =	vmov s18;
	s15 =	smov.u32 s25;
	v9, _, _ =	vpop (xrf0);
	p6 =	sgt.s32 s6, $0x7F;
	p4 =	por !p4, !p4  }
.Ltmp57:
0x478: {  	vm10 =	veq.s32 v8, v1;
	(v2sf) =	vpush v9, $0xF;
	s15 =	smov.u32 @p6 s12;
	s12 =	smov.u32 s25;
	(pc) =	sbr.rel @p3 .LBB2_87-.Ltmp57, $4  }
0x479: {  	p6 =	slt.s32 s25, $0x0;
	v7 =	vnsel vm10, $0x0, v7;
	s12 =	smov.u32 @p5 s15;
	s15 =	simm.s32 $0x1  }
0x47a: {  	s14 =	sshrl.u32 s14, $0x4;
	s15 =	simm.s32 @!p4 $0x0;
	(xrf0) =	vadd.scan.msk.s32 $0xffff, v7;
	s25 =	smov.u32 @p6 s12  }
0x47b: {  	s12 =	smov.u32 s2;
	s2 =	smov.u32 s8;
	s14 =	ssub.s32 s14, s15  }
0x47c: {  	s8 =	smov.u32 s10;
	s10 =	smov.u32 s16;
	s18 =	sshll.u32 s14, $0x4  }
0x47d: {  	s24 =	smov.u32 s2;
	s2 =	smov.u32 s8;
	s16 =	simm.s32 $0x1BB80  }
.LBB2_89:
0x47e: {  	v7 =	vld [tilespmem:s18+$0x16380];
	_ =	sdelay $0x1  }
0x47f: {  	s8 =	ssub.s32 s10, s18  }
0x480: {  	v8 =	vmov s8  }
0x481: {  	vm10 =	veq.s32 v8, v1  }
0x482: {  	v7 =	vnsel vm10, $0x0, v7  }
0x483: {  	v8, _, _ =	vpop @p0 (xrf0);
	(xrf0) =	vadd.scan.msk.s32 $0xffff, v7  }
0x484: {  	(v2sf) =	vpush @p0 v8, $0xF;
	_ =	sdelay $0x3  }
0x485: {  	s8 =	spop @p2 (v2sf)  }
0x486: {  	s8 =	sadd.s32 @p2 s6, s8;
	v7, _, _ =	vpop (xrf0)  }
0x487: {  	p4 =	slt.s32 @p2 s6, $0x80;
	s14 =	simm.s32 $0x0;
	p3 =	sgt.s32 @p2 s8, $0x7F;
	(v2sf) =	vpush v7, $0xF  }
0x488: {  	s15 =	smov.u32 @p1 s24;
	s26 =	smov.u32 @p0 s2;
	p3 =	por !p3, !p2  }
0x489: {  	p4 =	por !p4, !p2;
	s12 =	smov.u32 @p3 s25;
	p3 =	slt.s32 @p2 s25, $0x0  }
0x48a: {  	s14 =	smov.u32 @p2 s8;
	s12 =	smov.u32 @p4 s25;
	p3 =	por !p3, !p2  }
0x48b: {  	s8 =	smov.u32 @p1 s15;
	s15 =	simm.s32 $0xFFFFFFFF;
	s12 =	smov.u32 @p3 s25  }
0x48c: {  	s15 =	smov.u32 @p2 s12;
	s12 =	smov.u32 @p1 s14;
	s6 =	spop @p1 (v2sf)  }
0x48d: {  	s2 =	simm.s32 $0x0;
	p3 =	slt.s32 @p1 s12, $0x80;
	s6 =	sadd.s32 @p1 s14, s6  }
0x48e: {  	s12 =	smov.u32 @p0 s26;
	p3 =	por !p3, !p1;
	p2 =	sgt.s32 @p1 s6, $0x7F  }
0x48f: {  	s12 =	smov.u32 @p0 s12;
	s2 =	smov.u32 @p1 s6;
	p2 =	por !p2, !p1  }
0x490: {  	s8 =	smov.u32 @p2 s15;
	p2 =	slt.s32 @p1 s15, $0x0;
	s6 =	spop @p0 (v2sf)  }
0x491: {  	s8 =	smov.u32 @p3 s15;
	p2 =	por !p2, !p1;
	s6 =	sadd.s32 @p0 s2, s6  }
0x492: {  	s14 =	simm.s32 $0xFFFFFFFF;
	s8 =	smov.u32 @p2 s15;
	p2 =	sgt.s32 @p0 s6, $0x7F  }
0x493: {  	s14 =	smov.u32 @p1 s8;
	p1 =	slt.s32 @p0 s2, $0x80;
	p2 =	por !p2, !p0  }
0x494: {  	p1 =	por !p1, !p0;
	s12 =	smov.u32 @p2 s14;
	p2 =	slt.s32 @p0 s14, $0x0  }
0x495: {  	s12 =	smov.u32 @p1 s14;
	p1 =	por !p2, !p0  }
0x496: {  	s13 =	smov.u32 @p0 s6;
	s12 =	smov.u32 @p1 s14;
	s26 =	spop (v2sf)  }
0x497: {  	s5 =	smov.u32 @p0 s12;
	s2 =	sadd.s32 s13, s26  }
0x498: {  	p0 =	sgt.s32 s2, $0x7F;
	s2 =	smov.u32 s5  }
0x499: {  	p1 =	slt.s32 s13, $0x80;
	s6 =	smov.u32 s5;
	s2 =	smov.u32 @p0 s10  }
0x49a: {  	p0 =	slt.s32 s5, $0x0;
	s6 =	smov.u32 @p1 s2  }
0x49b: {  	s5 =	smov.u32 @p0 s6  }
0x49c: {  	p0 =	sgt.s32 s5, $0xFFFFFFFF  }
.Ltmp58:
0x49d: {  	_ = 	snop;
	(pc) =	sbr.rel @!p0 .LBB2_91-.Ltmp58, $1  }
0x49e: {  	_ =	sdelay $0x3  }
.Ltmp59:
0x49f: {  	(pc) =	sbr.rel .LBB2_92-.Ltmp59, $2  }
0x4a0: {  	_ =	sdelay $0x2  }
0x4a1: {  	s14 =	sshll.u32 s5, $0x11  }
.LBB2_91:
0x4a2: {  	s14 =	rddreg [dreg:$0xd]  }
.LBB2_92:
0x4a3: {  	s6 =	simm.s32 $0x20  }
0x4a4: {  	v9 =	vld [tilespmem:s6+$0xFFFFFFE0];
	_ =	sdelay $0x3  }
0x4a5: {  	v7 =	vmov s14;
	v8 =	vmov s9  }
0x4a6: {  	vm10 =	vge.s32 v9, v7;
	vm11 =	vlt.s32 v9, v8  }
0x4a7: {  	vm10 =	vmand vm10, vm11  }
0x4a8: {  	v10 =	vsel vm10, $0x1, v0  }
0x4a9: {  	(xrf0) =	vadd.scan.msk.s32 $0xffff, v10;
	_ =	sdelay $0x1  }
0x4aa: {  	s8 =	simm.s32 $0x0  }
0x4ab: {  	v10 =	vmov s8  }
0x4ac: {  	v10 =	vadd.s32 $0xFFFFFFFF, v10  }
0x4ad: {  	v10 =	vbroadcast v10, $0x0  }
0x4ae: {  	v11, _, _ =	vpop (xrf0)  }
0x4af: {  	v10 =	vadd.s32 v11, v10;
	v11 =	vsel vm0, $0x0, v11  }
0x4b0: {  	(xrf0) =	vadd.scan.msk.s32 $0xffff, v11  }
0x4b1: {  	vm11 =	vlt.s32 v10, $0x800  }
0x4b2: {  	vm10 =	vmand vm10, vm11;
	_ =	sdelay $0x3  }
0x4b3: {  	v11, _, _ =	vpop (xrf0)  }
0x4b4: {  	s5 =	simm.s32 $0x0;
	(v2sf) =	vpush v11, $0xF  }
0x4b5: {  	v12 =	vor.u32 s5, v1;
	[tilespmem:v10+s19+$0x0] =	vst.idx.msk vm10, v9  }
0x4b6: {  	[tilespmem:v10+s20+$0x0] =	vst.idx.msk vm10, v12  }
0x4b7: {  	v9 =	vld [tilespmem:s6+$0xFFFFFFF0];
	_ =	sdelay $0x4  }
0x4b8: {  	vm10 =	vge.s32 v9, v7;
	vm11 =	vlt.s32 v9, v8  }
0x4b9: {  	vm10 =	vmand vm10, vm11  }
0x4ba: {  	v10 =	vsel vm10, $0x1, v0  }
0x4bb: {  	(xrf0) =	vadd.scan.msk.s32 $0xffff, v10;
	_ =	sdelay $0x3  }
0x4bc: {  	s15 =	spop (v2sf)  }
0x4bd: {  	s5 =	sadd.s32 $0x0, s15  }
0x4be: {  	v10, _, _ =	vpop (xrf0);
	p0 =	slt.s32 s5, $0x800  }
0x4bf: {  	v11 =	vsel vm0, $0x0, v10;
	s5 =	simm.s32 @!p0 $0x800  }
0x4c0: {  	(xrf0) =	vadd.scan.msk.s32 $0xffff, v11;
	v11 =	vmov s5  }
0x4c1: {  	v11 =	vadd.s32 $0xFFFFFFFF, v11  }
0x4c2: {  	v11 =	vbroadcast v11, $0x0;
	_ =	sdelay $0x2  }
0x4c3: {  	v10 =	vadd.s32 v10, v11  }
0x4c4: {  	vm11 =	vlt.s32 v10, $0x800;
	v11, _, _ =	vpop (xrf0)  }
0x4c5: {  	vm10 =	vmand vm10, vm11;
	(v2sf) =	vpush v11, $0xF;
	_ =	sdelay $0x4  }
0x4c6: {  	s17 =	simm.s32 $0x10  }
0x4c7: {  	v11 =	vor.u32 s17, v1;
	[tilespmem:v10+s19+$0x0] =	vst.idx.msk vm10, v9  }
0x4c8: {  	[tilespmem:v10+s20+$0x0] =	vst.idx.msk vm10, v11  }
0x4c9: {  	v9 =	vld [tilespmem:s6+$0x0];
	_ =	sdelay $0x4  }
0x4ca: {  	vm10 =	vge.s32 v9, v7;
	vm11 =	vlt.s32 v9, v8  }
0x4cb: {  	vm10 =	vmand vm10, vm11  }
0x4cc: {  	v10 =	vsel vm10, $0x1, v0;
	s18 =	spop (v2sf)  }
0x4cd: {  	(xrf0) =	vadd.scan.msk.s32 $0xffff, v10;
	s5 =	sadd.s32 s5, s18  }
0x4ce: {  	p0 =	slt.s32 s5, $0x800  }
0x4cf: {  	s5 =	simm.s32 @!p0 $0x800  }
0x4d0: {  	v10 =	vmov s5  }
0x4d1: {  	v10 =	vadd.s32 $0xFFFFFFFF, v10  }
0x4d2: {  	v10 =	vbroadcast v10, $0x0  }
0x4d3: {  	v11, _, _ =	vpop (xrf0)  }
0x4d4: {  	v10 =	vadd.s32 v11, v10;
	v11 =	vsel vm0, $0x0, v11  }
0x4d5: {  	(xrf0) =	vadd.scan.msk.s32 $0xffff, v11  }
0x4d6: {  	vm11 =	vlt.s32 v10, $0x800  }
0x4d7: {  	vm10 =	vmand vm10, vm11;
	_ =	sdelay $0x3  }
0x4d8: {  	v11, _, _ =	vpop (xrf0)  }
0x4d9: {  	s24 =	simm.s32 $0x20;
	(v2sf) =	vpush v11, $0xF  }
0x4da: {  	v63 =	vor.u32 s24, v1;
	[tilespmem:v10+s19+$0x0] =	vst.idx.msk vm10, v9  }
0x4db: {  	[tilespmem:v10+s20+$0x0] =	vst.idx.msk vm10, v63  }
0x4dc: {  	v9 =	vld [tilespmem:s6+$0x10];
	_ =	sdelay $0x4  }
0x4dd: {  	vm10 =	vge.s32 v9, v7;
	vm11 =	vlt.s32 v9, v8  }
0x4de: {  	vm10 =	vmand vm10, vm11  }
0x4df: {  	v10 =	vsel vm10, $0x1, v0  }
0x4e0: {  	(xrf0) =	vadd.scan.msk.s32 $0xffff, v10;
	_ =	sdelay $0x3  }
0x4e1: {  	s25 =	spop (v2sf)  }
0x4e2: {  	s5 =	sadd.s32 s5, s25  }
0x4e3: {  	v10, _, _ =	vpop (xrf0);
	p0 =	slt.s32 s5, $0x800  }
0x4e4: {  	v11 =	vsel vm0, $0x0, v10;
	s5 =	simm.s32 @!p0 $0x800  }
0x4e5: {  	(xrf0) =	vadd.scan.msk.s32 $0xffff, v11;
	v11 =	vmov s5  }
0x4e6: {  	v11 =	vadd.s32 $0xFFFFFFFF, v11  }
0x4e7: {  	v11 =	vbroadcast v11, $0x0;
	_ =	sdelay $0x3  }
0x4e8: {  	v10 =	vadd.s32 v10, v11;
	v11, _, _ =	vpop (xrf0)  }
0x4e9: {  	vm11 =	vlt.s32 v10, $0x800;
	(v2sf) =	vpush v11, $0xF  }
0x4ea: {  	vm10 =	vmand vm10, vm11;
	_ =	sdelay $0x4  }
0x4eb: {  	s2 =	simm.s32 $0x30  }
0x4ec: {  	v11 =	vor.u32 s2, v1;
	[tilespmem:v10+s19+$0x0] =	vst.idx.msk vm10, v9  }
0x4ed: {  	s13 =	simm.s32 $0x60;
	[tilespmem:v10+s20+$0x0] =	vst.idx.msk vm10, v11  }
0x4ee: {  	v9 =	vld [tilespmem:s13+$0xFFFFFFE0];
	_ =	sdelay $0x4  }
0x4ef: {  	vm10 =	vge.s32 v9, v7;
	vm11 =	vlt.s32 v9, v8  }
0x4f0: {  	vm10 =	vmand vm10, vm11;
	s26 =	spop (v2sf)  }
0x4f1: {  	v10 =	vsel vm10, $0x1, v0;
	s6 =	sadd.s32 s5, s26  }
0x4f2: {  	s9 =	simm.s32 $0x70;
	s10 =	simm.s32 $0xB0;
	(xrf0) =	vadd.scan.msk.s32 $0xffff, v10;
	p1 =	slt.s32 s6, $0x800  }
.LBB2_93:
0x4f3: {  	p0 =	seq.s32 s10, $0x16370  }
0x4f4: {  	s6 =	simm.s32 @!p1 $0x800;
	s2 =	smov.u32 s10;
	s10 =	sadd.s32 $0x40, s10  }
0x4f5: {  	v10 =	vmov s6  }
0x4f6: {  	v10 =	vadd.s32 $0xFFFFFFFF, v10  }
0x4f7: {  	v10 =	vbroadcast v10, $0x0  }
0x4f8: {  	v11, _, _ =	vpop (xrf0)  }
0x4f9: {  	v10 =	vadd.s32 v11, v10;
	v11 =	vsel vm0, $0x0, v11  }
0x4fa: {  	vm11 =	vlt.s32 v10, $0x800;
	(xrf0) =	vadd.scan.msk.s32 $0xffff, v11  }
0x4fb: {  	vm10 =	vmand vm10, vm11;
	_ =	sdelay $0x4  }
0x4fc: {  	s5 =	sadd.s32 $0xFFFFFFD0, s9;
	v11, _, _ =	vpop (xrf0)  }
0x4fd: {  	v12 =	vor.u32 s5, v1;
	[tilespmem:v10+s19+$0x0] =	vst.idx.msk vm10, v9;
	(v2sf) =	vpush v11, $0xF  }
0x4fe: {  	[tilespmem:v10+s20+$0x0] =	vst.idx.msk vm10, v12  }
0x4ff: {  	v9 =	vld [tilespmem:s13+$0xFFFFFFF0];
	_ =	sdelay $0x4  }
0x500: {  	vm10 =	vge.s32 v9, v7;
	vm11 =	vlt.s32 v9, v8  }
0x501: {  	vm10 =	vmand vm10, vm11  }
0x502: {  	v10 =	vsel vm10, $0x1, v0  }
0x503: {  	(xrf0) =	vadd.scan.msk.s32 $0xffff, v10;
	_ =	sdelay $0x4  }
0x504: {  	s5 =	spop (v2sf)  }
0x505: {  	s5 =	sadd.s32 s6, s5;
	v10, _, _ =	vpop (xrf0)  }
0x506: {  	p1 =	slt.s32 s5, $0x800;
	v11 =	vsel vm0, $0x0, v10  }
0x507: {  	s5 =	simm.s32 @!p1 $0x800;
	(xrf0) =	vadd.scan.msk.s32 $0xffff, v11  }
0x508: {  	v11 =	vmov s5  }
0x509: {  	v11 =	vadd.s32 $0xFFFFFFFF, v11  }
0x50a: {  	v12 =	vbroadcast v11, $0x0;
	_ =	sdelay $0x1  }
0x50b: {  	v10 =	vadd.s32 v10, v12  }
0x50c: {  	vm11 =	vlt.s32 v10, $0x800;
	v11, _, _ =	vpop (xrf0)  }
0x50d: {  	vm10 =	vmand vm10, vm11;
	(v2sf) =	vpush v11, $0xF;
	_ =	sdelay $0x4  }
0x50e: {  	s6 =	sadd.s32 $0xFFFFFFE0, s9  }
0x50f: {  	v11 =	vor.u32 s6, v1;
	[tilespmem:v10+s19+$0x0] =	vst.idx.msk vm10, v9  }
0x510: {  	[tilespmem:v10+s20+$0x0] =	vst.idx.msk vm10, v11  }
0x511: {  	v9 =	vld [tilespmem:s13+$0x0];
	_ =	sdelay $0x4  }
0x512: {  	vm10 =	vge.s32 v9, v7;
	vm11 =	vlt.s32 v9, v8  }
0x513: {  	vm10 =	vmand vm10, vm11  }
0x514: {  	v10 =	vsel vm10, $0x1, v0;
	s6 =	spop (v2sf)  }
0x515: {  	s5 =	sadd.s32 s5, s6;
	(xrf0) =	vadd.scan.msk.s32 $0xffff, v10  }
0x516: {  	p1 =	slt.s32 s5, $0x800  }
0x517: {  	s5 =	simm.s32 @!p1 $0x800  }
0x518: {  	v10 =	vmov s5  }
0x519: {  	v10 =	vadd.s32 $0xFFFFFFFF, v10  }
0x51a: {  	v10 =	vbroadcast v10, $0x0  }
0x51b: {  	v11, _, _ =	vpop (xrf0)  }
0x51c: {  	v10 =	vadd.s32 v11, v10;
	v11 =	vsel vm0, $0x0, v11  }
0x51d: {  	vm11 =	vlt.s32 v10, $0x800;
	(xrf0) =	vadd.scan.msk.s32 $0xffff, v11  }
0x51e: {  	vm10 =	vmand vm10, vm11;
	_ =	sdelay $0x4  }
0x51f: {  	s6 =	sadd.s32 $0xFFFFFFF0, s9;
	v11, _, _ =	vpop (xrf0)  }
0x520: {  	v12 =	vor.u32 s6, v1;
	[tilespmem:v10+s19+$0x0] =	vst.idx.msk vm10, v9;
	(v2sf) =	vpush v11, $0xF  }
0x521: {  	[tilespmem:v10+s20+$0x0] =	vst.idx.msk vm10, v12  }
0x522: {  	v9 =	vld [tilespmem:s13+$0x10];
	_ =	sdelay $0x4  }
0x523: {  	vm10 =	vge.s32 v9, v7;
	vm11 =	vlt.s32 v9, v8  }
0x524: {  	vm10 =	vmand vm10, vm11  }
0x525: {  	v10 =	vsel vm10, $0x1, v0  }
0x526: {  	(xrf0) =	vadd.scan.msk.s32 $0xffff, v10;
	_ =	sdelay $0x4  }
0x527: {  	s6 =	spop (v2sf)  }
0x528: {  	s5 =	sadd.s32 s5, s6;
	v10, _, _ =	vpop (xrf0)  }
0x529: {  	p1 =	slt.s32 s5, $0x800;
	v11 =	vsel vm0, $0x0, v10  }
0x52a: {  	s5 =	simm.s32 @!p1 $0x800;
	(xrf0) =	vadd.scan.msk.s32 $0xffff, v11  }
0x52b: {  	v11 =	vmov s5  }
0x52c: {  	v11 =	vadd.s32 $0xFFFFFFFF, v11  }
0x52d: {  	v12 =	vbroadcast v11, $0x0;
	_ =	sdelay $0x1  }
0x52e: {  	v10 =	vadd.s32 v10, v12  }
0x52f: {  	vm11 =	vlt.s32 v10, $0x800;
	v11, _, _ =	vpop (xrf0)  }
0x530: {  	vm10 =	vmand vm10, vm11;
	(v2sf) =	vpush v11, $0xF;
	_ =	sdelay $0x5  }
0x531: {  	v11 =	vor.u32 s9, v1;
	s9 =	smov.u32 s2;
	[tilespmem:v10+s19+$0x0] =	vst.idx.msk vm10, v9  }
0x532: {  	s13 =	sadd.s32 $0x40, s13;
	[tilespmem:v10+s20+$0x0] =	vst.idx.msk vm10, v11  }
0x533: {  	v9 =	vld [tilespmem:s13+$0xFFFFFFE0];
	_ =	sdelay $0x4  }
.Ltmp60:
0x534: {  	vm10 =	vge.s32 v9, v7;
	vm11 =	vlt.s32 v9, v8;
	(pc) =	sbr.rel @!p0 .LBB2_93-.Ltmp60, $4  }
0x535: {  	vm10 =	vmand vm10, vm11  }
0x536: {  	v10 =	vsel vm10, $0x1, v0;
	s2 =	spop (v2sf)  }
0x537: {  	(xrf0) =	vadd.scan.msk.s32 $0xffff, v10;
	s6 =	sadd.s32 s5, s2  }
0x538: {  	p1 =	slt.s32 s6, $0x800  }
0x539: {  	s6 =	simm.s32 @!p1 $0x800  }
0x53a: {  	v10 =	vmov s6  }
0x53b: {  	v10 =	vadd.s32 $0xFFFFFFFF, v10  }
0x53c: {  	v10 =	vbroadcast v10, $0x0  }
0x53d: {  	v11, _, _ =	vpop (xrf0)  }
0x53e: {  	v10 =	vadd.s32 v11, v10;
	v11 =	vsel vm0, $0x0, v11  }
0x53f: {  	vm11 =	vlt.s32 v10, $0x800;
	(xrf0) =	vadd.scan.msk.s32 $0xffff, v11  }
0x540: {  	vm10 =	vmand vm10, vm11;
	_ =	sdelay $0x4  }
0x541: {  	s2 =	sadd.s32 $0xFFFFFFD0, s9;
	v11, _, _ =	vpop (xrf0)  }
0x542: {  	v12 =	vor.u32 s2, v1;
	[tilespmem:v10+s19+$0x0] =	vst.idx.msk vm10, v9;
	(v2sf) =	vpush v11, $0xF  }
0x543: {  	[tilespmem:v10+s20+$0x0] =	vst.idx.msk vm10, v12  }
0x544: {  	v9 =	vld [tilespmem:s13+$0xFFFFFFF0];
	_ =	sdelay $0x4  }
0x545: {  	vm10 =	vge.s32 v9, v7;
	vm11 =	vlt.s32 v9, v8  }
0x546: {  	vm10 =	vmand vm10, vm11  }
0x547: {  	v54 =	vsel vm10, $0x1, v0  }
0x548: {  	(xrf0) =	vadd.scan.msk.s32 $0xffff, v54;
	_ =	sdelay $0x4  }
0x549: {  	s17 =	spop (v2sf)  }
0x54a: {  	s2 =	sadd.s32 s6, s17;
	v10, _, _ =	vpop (xrf0)  }
0x54b: {  	p0 =	slt.s32 s2, $0x800;
	v55 =	vsel vm0, $0x0, v10  }
0x54c: {  	s2 =	simm.s32 @!p0 $0x800;
	(xrf0) =	vadd.scan.msk.s32 $0xffff, v55  }
0x54d: {  	v56 =	vmov s2  }
0x54e: {  	v11 =	vadd.s32 $0xFFFFFFFF, v56  }
0x54f: {  	v11 =	vbroadcast v11, $0x0;
	_ =	sdelay $0x1  }
0x550: {  	v10 =	vadd.s32 v10, v11  }
0x551: {  	vm11 =	vlt.s32 v10, $0x800;
	v57, _, _ =	vpop (xrf0)  }
0x552: {  	vm10 =	vmand vm10, vm11;
	(v2sf) =	vpush v57, $0xF;
	_ =	sdelay $0x4  }
0x553: {  	s5 =	sadd.s32 $0xFFFFFFE0, s9  }
0x554: {  	v58 =	vor.u32 s5, v1;
	[tilespmem:v10+s19+$0x0] =	vst.idx.msk vm10, v9  }
0x555: {  	[tilespmem:v10+s20+$0x0] =	vst.idx.msk vm10, v58  }
0x556: {  	v9 =	vld [tilespmem:s13+$0x0];
	_ =	sdelay $0x4  }
0x557: {  	vm10 =	vge.s32 v9, v7;
	vm11 =	vlt.s32 v9, v8  }
0x558: {  	vm10 =	vmand vm10, vm11  }
0x559: {  	v59 =	vsel vm10, $0x1, v0;
	s18 =	spop (v2sf)  }
0x55a: {  	s2 =	sadd.s32 s2, s18;
	(xrf0) =	vadd.scan.msk.s32 $0xffff, v59  }
0x55b: {  	p0 =	slt.s32 s2, $0x800  }
0x55c: {  	s2 =	simm.s32 @!p0 $0x800  }
0x55d: {  	v60 =	vmov s2  }
0x55e: {  	v10 =	vadd.s32 $0xFFFFFFFF, v60  }
0x55f: {  	v10 =	vbroadcast v10, $0x0  }
0x560: {  	v61, _, _ =	vpop (xrf0)  }
0x561: {  	v10 =	vadd.s32 v61, v10  }
0x562: {  	vm11 =	vlt.s32 v10, $0x800  }
0x563: {  	vm10 =	vmand vm10, vm11;
	_ =	sdelay $0x4  }
0x564: {  	s24 =	sadd.s32 $0xFFFFFFF0, s9  }
0x565: {  	v62 =	vor.u32 s24, v1;
	[tilespmem:v10+s19+$0x0] =	vst.idx.msk vm10, v9  }
0x566: {  	[tilespmem:v10+s20+$0x0] =	vst.idx.msk vm10, v62  }
0x567: {  	v9 =	vld [tilespmem:s13+$0x10]  }
0x568: {  	v63 =	vsel vm0, $0x0, v61  }
0x569: {  	(xrf0) =	vadd.scan.msk.s32 $0xffff, v63;
	_ =	sdelay $0x2  }
0x56a: {  	vm10 =	vge.s32 v9, v7;
	vm11 =	vlt.s32 v9, v8  }
0x56b: {  	vm10 =	vmand vm10, vm11  }
0x56c: {  	v7 =	vsel vm10, $0x1, v0  }
0x56d: {  	v8, _, _ =	vpop (xrf0);
	(xrf0) =	vadd.scan.msk.s32 $0xffff, v7;
	_ =	sdelay $0x5  }
0x56e: {  	(v2sf) =	vpush v8, $0xF;
	v7, _, _ =	vpop (xrf0)  }
0x56f: {  	v8 =	vsel vm0, $0x0, v7  }
0x570: {  	(xrf0) =	vadd.scan.msk.s32 $0xffff, v8;
	_ =	sdelay $0x5  }
0x571: {  	v8, _, _ =	vpop (xrf0)  }
0x572: {  	(v2sf) =	vpush v8, $0xF;
	_ =	sdelay $0x5  }
0x573: {  	s25 =	spop (v2sf)  }
0x574: {  	s2 =	sadd.s32 s2, s25  }
0x575: {  	p0 =	slt.s32 s2, $0x800  }
0x576: {  	s2 =	simm.s32 @!p0 $0x800  }
0x577: {  	v8 =	vmov s2  }
0x578: {  	v8 =	vadd.s32 $0xFFFFFFFF, v8  }
0x579: {  	v8 =	vbroadcast v8, $0x0;
	_ =	sdelay $0x1  }
0x57a: {  	v7 =	vadd.s32 v7, v8  }
0x57b: {  	vm11 =	vlt.s32 v7, $0x800;
	s26 =	spop (v2sf)  }
0x57c: {  	vm10 =	vmand vm10, vm11;
	s2 =	sadd.s32 s2, s26  }
0x57d: {  	v8 =	vor.u32 s9, v1;
	p0 =	slt.s32 s2, $0x800;
	s9 =	smov.u32 s2  }
0x57e: {  	s9 =	simm.s32 @!p0 $0x800;
	p0 =	slt.s32 s2, $0x1  }
.Ltmp61:
0x57f: {  	_ = 	snop;
	(pc) =	sbr.rel @p0 .LBB2_105-.Ltmp61, $3  }
0x580: {  	_ =	sdelay $0x1  }
0x581: {  	[tilespmem:v7+s19+$0x0] =	vst.idx.msk vm10, v9  }
0x582: {  	[tilespmem:v7+s20+$0x0] =	vst.idx.msk vm10, v8;
	s8 =	sadd.s32 $0xF, s9;
	v7 =	vmov s9  }
.Ltmp62:
0x583: {  	(pc) =	sbr.rel .LBB2_96-.Ltmp62, $3  }
0x584: {  	_ =	sdelay $0x1  }
0x585: {  	s5 =	sshrl.u32 s8, $0x4  }
0x586: {  	s12 =	simm.s32 $0x0;
	s10 =	ssub.s32 $0x0, s5;
	p0 =	seq.s32 s5, $0x0  }
.LBB2_97:
0x587: {  	v9 =	vimm.s32 $0x0  }
.LBB2_104:
0x588: {  	(xrf0) =	vadd.scan.msk.s32 $0xffff, v9;
	_ =	sdelay $0x5  }
0x589: {  	v9, _, _ =	vpop (xrf0)  }
0x58a: {  	v9 =	vbroadcast v9, $0xF;
	_ =	sdelay $0x5  }
0x58b: {  	[tilespmem:v9+s23+$0x0] =	vst.idx.msk $0x1, v8  }
0x58c: {  	v8 =	vld [tilespmem:s6+$0x1AB80];
	_ =	sdelay $0x4  }
0x58d: {  	v8 =	vnsel vm10, $0x0, v8  }
0x58e: {  	(xrf0) =	vadd.scan.msk.s32 $0xffff, v8;
	_ =	sdelay $0x2  }
0x58f: {  	s12 =	sadd.s32 $0x1, s12  }
0x590: {  	p1 =	sne.s32 s12, s9  }
.Ltmp63:
0x591: {  	_ = 	snop;
	(pc) =	sbr.rel @!p1 .LBB2_105-.Ltmp63, $3  }
0x592: {  	v8, _, _ =	vpop (xrf0)  }
0x593: {  	v8 =	vbroadcast v8, $0xF;
	_ =	sdelay $0x1  }
0x594: {  	[tilespmem:v9+s16+$0x0] =	vst.idx.msk $0x1, v8  }
.LBB2_96:
0x595: {  	s6 =	sand.u32 $0x7FFFFFF0, s12  }
0x596: {  	v8 =	vld [tilespmem:s6+$0x1A380];
	_ =	sdelay $0x1  }
0x597: {  	s5 =	sand.u32 $0xF, s12  }
0x598: {  	v9 =	vmov s5  }
0x599: {  	vm10 =	veq.s32 v9, v1  }
0x59a: {  	v8 =	vnsel vm10, $0x0, v8  }
0x59b: {  	(xrf0) =	vadd.scan.msk.s32 $0xffff, v8;
	_ =	sdelay $0x2  }
.Ltmp64:
0x59c: {  	_ = 	snop;
	(pc) =	sbr.rel @p0 .LBB2_97-.Ltmp64, $3  }
0x59d: {  	_ =	sdelay $0x1  }
0x59e: {  	v8, _, _ =	vpop (xrf0)  }
0x59f: {  	v8 =	vbroadcast v8, $0xF  }
0x5a0: {  	s18 =	sadd.s32 $0x1, s10  }
0x5a1: {  	p2 =	seq.s32 s18, $0x0  }
.Ltmp65:
0x5a2: {  	_ = 	snop;
	(pc) =	sbr.rel @p2 .LBB2_99-.Ltmp65, $3  }
0x5a3: {  	_ =	sdelay $0x1  }
0x5a4: {  	s5 =	simm.s32 $0x1A380  }
0x5a5: {  	v10 =	vmov s12;
	v9 =	vimm.s32 $0x0;
	s13 =	simm.s32 $0x0;
	p1 =	por $0x0, $0x0;
	v12 =	vld [tilespmem:s5+$0x0]  }
0x5a6: {  	_ =	sdelay $0x1  }
0x5a7: {  	s18 =	sadd.s32 $0x1, s18  }
0x5a8: {  	v11 =	vor.u32 s13, v1;
	p2 =	seq.s32 s18, $0x0  }
.Ltmp66:
0x5a9: {  	vm12 =	vlt.s32 v11, v10;
	vm11 =	veq.s32 v12, v8;
	(pc) =	sbr.rel @p2 .LBB2_101-.Ltmp66, $4  }
0x5aa: {  	s24 =	simm.s32 $0x1A390;
	vm13 =	vgt.s32 v12, v8;
	vm11 =	vmand vm12, vm11  }
0x5ab: {  	v12 =	vld [tilespmem:s24+$0x0];
	vm12 =	vlt.s32 v11, v7;
	vm11 =	vmor vm13, vm11  }
0x5ac: {  	vm11 =	vmand vm12, vm11  }
0x5ad: {  	s13 =	simm.s32 $0x10;
	p1 =	por $0x1, $0x1;
	v11 =	vimm.s32 $0x0;
	v13 =	vsel vm11, $0x1, v0  }
.LBB2_102:
0x5ae: {  	s18 =	sadd.s32 $0x1, s18  }
0x5af: {  	v14 =	vor.u32 s13, v1;
	v11 =	vadd.s32 v13, v11;
	p2 =	seq.s32 s18, $0x0  }
.Ltmp67:
0x5b0: {  	s24 =	sadd.s32 $0x10, s24;
	vm11 =	veq.s32 v12, v8;
	vm12 =	vlt.s32 v14, v10;
	(pc) =	sbr.rel @!p2 .LBB2_102-.Ltmp67, $4  }
0x5b1: {  	vm13 =	vgt.s32 v12, v8;
	v12 =	vld [tilespmem:s24+$0x0];
	vm11 =	vmand vm12, vm11  }
0x5b2: {  	vm12 =	vlt.s32 v14, v7;
	vm11 =	vmor vm13, vm11  }
0x5b3: {  	vm11 =	vmand vm12, vm11  }
0x5b4: {  	s13 =	sadd.s32 $0x10, s13;
	v13 =	vsel vm11, $0x1, v0  }
.LBB2_103:
0x5b5: {  	v14 =	vor.u32 s13, v1  }
0x5b6: {  	vm11 =	veq.s32 v12, v8;
	vm12 =	vlt.s32 v14, v10  }
.Ltmp68:
0x5b7: {  	vm13 =	vgt.s32 v12, v8;
	vm11 =	vmand vm12, vm11;
	(pc) =	sbr.rel .LBB2_104-.Ltmp68, $4  }
0x5b8: {  	vm12 =	vlt.s32 v14, v7;
	vm11 =	vmor vm13, vm11  }
0x5b9: {  	v10 =	vadd.s32 @p1 v13, v11;
	vm11 =	vmand vm12, vm11  }
0x5ba: {  	v9 =	vpsel p1, v10, v9;
	v11 =	vsel vm11, $0x1, v0  }
0x5bb: {  	v9 =	vadd.s32 v11, v9  }
.LBB2_99:
.Ltmp69:
0x5bc: {  	(pc) =	sbr.rel .LBB2_103-.Ltmp69, $2  }
0x5bd: {  	_ =	sdelay $0x2  }
0x5be: {  	v11 =	vimm.s32 $0x0  }
.LBB2_101:
.Ltmp70:
0x5bf: {  	(pc) =	sbr.rel .LBB2_103-.Ltmp70, $2  }
0x5c0: {  	_ =	sdelay $0x2  }
0x5c1: {  	v11 =	vimm.s32 $0x0  }
.LBB2_105:
0x5c2: {  	s5 =	sand.u32 $0xF, s8  }
0x5c3: {  	s6 =	sshra.s32 s8, $0x1F;
	p0 =	slt.s32 s2, $0xFFFFFFF2;
	p1 =	sne.s32 s5, $0x0  }
0x5c4: {  	s26 =	sshrl.u32 s6, $0x1C;
	p0 =	por !p0, !p1  }
0x5c5: {  	s5 =	simm.s32 $0x1;
	s2 =	sadd.s32 s26, s8;
	p0 =	por !p0, !p0  }
0x5c6: {  	s2 =	sshra.s32 s2, $0x4;
	s5 =	simm.s32 @!p0 $0x0  }
0x5c7: {  	s2 =	ssub.s32 s2, s5  }
0x5c8: {  	p0 =	slt.s32 s2, $0x1  }
.Ltmp71:
0x5c9: {  	_ = 	snop;
	(pc) =	sbr.rel @p0 .LBB2_75-.Ltmp71, $2  }
0x5ca: {  	_ =	sdelay $0x2  }
0x5cb: {  	[dreg:$0xe] =	wrdreg s2  }
0x5cc: {  	[dreg:$0xc] =	wrdreg s14;
	s13 =	simm.s32 $0x0  }
.LBB2_107:
0x5cd: {  	s2 =	sshll.u32 s13, $0x4  }
0x5ce: {  	v8 =	vld [tilespmem:s2+$0x1BB80];
	_ =	sdelay $0x2  }
0x5cf: {  	v9 =	vor.u32 s2, v1  }
0x5d0: {  	vm10 =	vlt.s32 v9, v7  }
0x5d1: {  	v8 =	vnsel vm10, $0x0, v8  }
0x5d2: {  	(v2sf) =	vpush v8, $0xD;
	_ =	sdelay $0x1  }
0x5d3: {  	(v2sf) =	vpush v8, $0xC;
	_ =	sdelay $0x1  }
0x5d4: {  	(v2sf) =	vpush v8, $0xE  }
0x5d5: {  	(v2sf) =	vpush v8, $0xF  }
0x5d6: {  	(v2sf) =	vpush v8, $0x9;
	_ =	sdelay $0x1  }
0x5d7: {  	(v2sf) =	vpush v8, $0x8;
	_ =	sdelay $0x1  }
0x5d8: {  	(v2sf) =	vpush v8, $0xA;
	_ =	sdelay $0x1  }
0x5d9: {  	(v2sf) =	vpush v8, $0xB;
	_ =	sdelay $0x1  }
0x5da: {  	(v2sf) =	vpush v8, $0x1  }
0x5db: {  	s26 =	spop (v2sf);
	(v2sf) =	vpush v8, $0x0  }
0x5dc: {  	s5 =	smulhi.u32 $0xB40B40B5, s26;
	s6 =	sshra.s32 s26, $0x1F  }
0x5dd: {  	s8 =	spop (v2sf);
	s6 =	smul.u32 $0xB40B40B5, s6  }
0x5de: {  	s10 =	smulhi.u32 $0xB40B40B5, s8;
	s14 =	sshra.s32 s8, $0x1F  }
0x5df: {  	s12 =	spop (v2sf);
	s14 =	smul.u32 $0xB40B40B5, s14  }
0x5e0: {  	(v2sf) =	vpush v8, $0x2;
	s15 =	spop (v2sf);
	s16 =	smulhi.u32 $0xB40B40B5, s12;
	s17 =	sshra.s32 s12, $0x1F  }
0x5e1: {  	s2 =	ssub.s32 s5, s26;
	s18 =	spop (v2sf);
	s17 =	smul.u32 $0xB40B40B5, s17  }
0x5e2: {  	(v2sf) =	vpush v8, $0x3;
	s9 =	smulhi.u32 $0xB40B40B5, s15;
	s22 =	sshra.s32 s15, $0x1F;
	s2 =	sadd.s32 s6, s2  }
0x5e3: {  	s10 =	ssub.s32 s10, s8;
	s21 =	spop (v2sf);
	s8 =	smul.u32 $0xB40B40B5, s22  }
0x5e4: {  	(v2sf) =	vpush v8, $0x4;
	s22 =	smulhi.u32 $0xB40B40B5, s18;
	s23 =	sshra.s32 s18, $0x1F;
	s10 =	sadd.s32 s14, s10  }
0x5e5: {  	s25 =	ssub.s32 s16, s12;
	s24 =	spop (v2sf);
	s12 =	smul.u32 $0xB40B40B5, s23  }
0x5e6: {  	(v2sf) =	vpush v8, $0x5;
	s14 =	smulhi.u32 $0xB40B40B5, s21;
	s26 =	sshra.s32 s21, $0x1F;
	s6 =	sadd.s32 s17, s25  }
0x5e7: {  	s5 =	ssub.s32 s9, s15;
	s23 =	spop (v2sf);
	s15 =	smul.u32 $0xB40B40B5, s26  }
0x5e8: {  	(v2sf) =	vpush v8, $0x6;
	s16 =	smulhi.u32 $0xB40B40B5, s24;
	s9 =	sshra.s32 s24, $0x1F;
	s8 =	sadd.s32 s8, s5  }
0x5e9: {  	s5 =	ssub.s32 s22, s18;
	s25 =	spop (v2sf);
	s17 =	smul.u32 $0xB40B40B5, s9  }
0x5ea: {  	s18 =	smulhi.u32 $0xB40B40B5, s23;
	s22 =	sshra.s32 s23, $0x1F;
	s26 =	spop (v2sf);
	(v2sf) =	vpush v8, $0x7  }
0x5eb: {  	s5 =	sadd.s32 s12, s5;
	s14 =	ssub.s32 s14, s21;
	s12 =	smul.u32 $0xB40B40B5, s22  }
0x5ec: {  	s21 =	smulhi.u32 $0xB40B40B5, s25;
	s22 =	sshra.s32 s25, $0x1F;
	s24 =	ssub.s32 s16, s24  }
0x5ed: {  	s14 =	sadd.s32 s15, s14;
	s16 =	smul.u32 $0xB40B40B5, s22;
	s15 =	sadd.s32 s17, s24  }
0x5ee: {  	s18 =	ssub.s32 s18, s23;
	s17 =	smulhi.u32 $0xB40B40B5, s26;
	s22 =	sshra.s32 s26, $0x1F  }
0x5ef: {  	s21 =	ssub.s32 s21, s25;
	s9 =	spop (v2sf);
	s22 =	smul.u32 $0xB40B40B5, s22  }
0x5f0: {  	s12 =	sadd.s32 s12, s18;
	s23 =	smulhi.u32 $0xB40B40B5, s9;
	s25 =	sshra.s32 s9, $0x1F  }
0x5f1: {  	s16 =	sadd.s32 s16, s21;
	s24 =	spop (v2sf);
	s18 =	smul.u32 $0xB40B40B5, s25  }
0x5f2: {  	s17 =	ssub.s32 s17, s26;
	s21 =	smulhi.u32 $0xB40B40B5, s24;
	s25 =	sshra.s32 s24, $0x1F  }
0x5f3: {  	s26 =	spop (v2sf);
	s17 =	sadd.s32 s22, s17;
	s22 =	smul.u32 $0xB40B40B5, s25  }
0x5f4: {  	s9 =	ssub.s32 s23, s9;
	s23 =	smulhi.u32 $0xB40B40B5, s26;
	s25 =	sshra.s32 s26, $0x1F  }
0x5f5: {  	s9 =	sadd.s32 s18, s9;
	s18 =	spop (v2sf);
	s25 =	smul.u32 $0xB40B40B5, s25  }
0x5f6: {  	v9 =	vmov s17;
	s17 =	ssub.s32 s21, s24;
	s21 =	smulhi.u32 $0xB40B40B5, s18;
	s24 =	sshra.s32 s18, $0x1F  }
0x5f7: {  	s17 =	sadd.s32 s22, s17;
	s22 =	spop (v2sf);
	v9 =	vnsel vm15, $0x0, v9;
	s24 =	smul.u32 $0xB40B40B5, s24  }
0x5f8: {  	v9 =	vsel vm1, s16, v9;
	s16 =	ssub.s32 s23, s26;
	s23 =	smulhi.u32 $0xB40B40B5, s22;
	s26 =	sshra.s32 s22, $0x1F  }
0x5f9: {  	v10 =	vmov s10;
	v11 =	vmov s14;
	v9 =	vsel vm2, s9, v9;
	s16 =	sadd.s32 s25, s16;
	s10 =	smul.u32 $0xB40B40B5, s26;
	s14 =	spop (v2sf)  }
0x5fa: {  	v10 =	vsel vm1, s2, v10;
	v11 =	vsel vm1, s5, v11;
	s21 =	ssub.s32 s21, s18;
	v9 =	vsel vm3, s17, v9;
	s25 =	smulhi.u32 $0xB40B40B5, s14;
	s26 =	sshra.s32 s14, $0x1F  }
0x5fb: {  	v10 =	vsel vm2, s6, v10;
	v11 =	vsel vm2, s15, v11;
	s2 =	sadd.s32 s24, s21;
	s17 =	ssub.s32 s23, s22;
	v9 =	vsel vm5, s16, v9;
	s18 =	smul.u32 $0xB40B40B5, s26  }
0x5fc: {  	v10 =	vsel vm3, s8, v10;
	v11 =	vsel vm3, s12, v11;
	s21 =	sadd.s32 s10, s17;
	v9 =	vsel vm6, s2, v9;
	s5 =	ssub.s32 s25, s14  }
0x5fd: {  	v10 =	vcombine.low v11, v10;
	v11 =	vmul.u32 $0x2, v1;
	v9 =	vsel vm7, s21, v9;
	s22 =	sadd.s32 s18, s5  }
0x5fe: {  	v9 =	vsel vm8, s22, v9  }
0x5ff: {  	v10 =	vperm.xlane v10, v5;
	v9 =	vperm.xlane v9, v11  }
0x600: {  	vm11 =	vmmov $0xff  }
0x601: {  	v9 =	vsel vm11, v9, v10  }
0x602: {  	v9 =	vadd.s32 v8, v9  }
0x603: {  	v10 =	vshrl.u32 v9, $0x1F;
	v9 =	vshra.s32 v9, $0x6  }
0x604: {  	v9 =	vadd.s32 v10, v9  }
0x605: {  	v10 =	vmul.u32 $0xFFFFFFA5, v9  }
0x606: {  	v11 =	vsub.s32 $0x0, v8  }
0x607: {  	vm11 =	vlt.s32 v8, $0x1;
	vm12 =	vne.s32 v10, v11  }
0x608: {  	vm11 =	vmand vm11, vm12  }
0x609: {  	v10 =	vsel vm11, $0xFFFFFFFF, v0  }
0x60a: {  	v9 =	vadd.s32 v10, v9;
	_ =	sdelay $0x3  }
0x60b: {  	s23 =	simm.s32 $0x18B80  }
0x60c: {  	s24 =	simm.s32 $0x18F80;
	v10 =	vmul.u32 $0xFFFFFFA5, v9;
	v11 =	vld.idx.msk [tilespmem:v9+s23+$0x0], $0xffff  }
0x60d: {  	s25 =	simm.s32 $0x19380;
	v12 =	vld.idx.msk [tilespmem:v9+s24+$0x0], $0xffff  }
0x60e: {  	s26 =	simm.s32 $0x19780;
	v10 =	vadd.s32 v8, v10;
	v14 =	vld.idx.msk [tilespmem:v9+s25+$0x0], $0xffff  }
0x60f: {  	v10 =	vcvt.s32.f32 v10;
	v9 =	vld.idx.msk [tilespmem:v9+s26+$0x0], $0xffff;
	_ =	sdelay $0x1  }
0x610: {  	v15 =	vmul.f32 v10, v6;
	_ =	sdelay $0x1  }
0x611: {  	p0 =	slt.s32 s7, $0x1;
	v10 =	vadd.f32 v15, v11;
	v13 =	vadd.f32 v15, v12  }
.Ltmp72:
0x612: {  	v11 =	vadd.f32 v15, v14;
	v12 =	vadd.f32 v15, v9;
	(pc) =	sbr.rel @p0 .LBB2_121-.Ltmp72, $4  }
0x613: {  	_ = 	snop  }
0x614: {  	v9 =	vsub.f32 v11, v10;
	v15 =	vsub.f32 v12, v13  }
0x615: {  	v14 =	vsel vm10, $0x1, v0  }
0x616: {  	v23 =	vmov v14;
	v9 =	vmul.f32 v15, v9  }
0x617: {  	s2 =	simm.s32 $0x1D380;
	p4 =	sne.s32 s7, $0x1  }
.Ltmp73:
0x618: {  	s5 =	simm.s32 $0x1DB80;
	v18 =	vld [tilespmem:s2+$0x0];
	(pc) =	sbr.rel @!p4 .LBB2_109-.Ltmp73, $4  }
0x619: {  	s25 =	simm.s32 $0x1E380;
	v17 =	vld [tilespmem:s5+$0x0]  }
0x61a: {  	s26 =	simm.s32 $0x1EB80;
	s8 =	simm.s32 $0x1F380;
	v28 =	vld [tilespmem:s25+$0x0]  }
0x61b: {  	s6 =	simm.s32 $0x1D390;
	p0 =	por $0x0, $0x0;
	p1 =	por $0x0, $0x0;
	v15 =	vld [tilespmem:s26+$0x0]  }
0x61c: {  	p2 =	por $0x0, $0x0;
	p3 =	por $0x0, $0x0;
	s2 =	sadd.s32 $0xFFFFFFFF, s7;
	v16 =	vld [tilespmem:s8+$0x0]  }
0x61d: {  	_ = 	snop  }
0x61e: {  	p4 =	sne.s32 s2, $0x1  }
.Ltmp74:
0x61f: {  	v23 =	vld [tilespmem:s6+$0x0];
	s5 =	simm.s32 $0x1DB90;
	v18 =	vmax.f32 v18, v10;
	(pc) =	sbr.rel @!p4 .LBB2_111-.Ltmp74, $4  }
0x620: {  	s26 =	simm.s32 $0x1F390;
	v26 =	vld [tilespmem:s5+$0x0];
	v17 =	vmax.f32 v17, v13;
	v19 =	vmin.f32 v28, v11;
	v15 =	vmin.f32 v15, v12  }
0x621: {  	s24 =	simm.s32 $0x1E390;
	v25 =	vld [tilespmem:s26+$0x0];
	v18 =	vsub.f32 v19, v18;
	v17 =	vsub.f32 v15, v17  }
0x622: {  	s25 =	simm.s32 $0x1EB90;
	v28 =	vld [tilespmem:s24+$0x0]  }
0x623: {  	s2 =	sadd.s32 $0xFFFFFFFF, s2;
	s6 =	simm.s32 $0x1D3A0;
	p0 =	por $0x1, $0x1;
	v15 =	vld [tilespmem:s25+$0x0];
	v19 =	vadd.f32 v16, v9;
	v27 =	vmax.f32 v18, $0.0e+00;
	v29 =	vmax.f32 v17, $0.0e+00  }
0x624: {  	_ =	sdelay $0x1  }
0x625: {  	v16 =	vmul.f32 v29, v27;
	p4 =	sne.s32 s2, $0x1  }
.Ltmp75:
0x626: {  	v20 =	vld [tilespmem:s6+$0x0];
	s5 =	simm.s32 $0x1DBA0;
	v17 =	vmax.f32 v23, v10;
	v18 =	vmax.f32 v26, v13;
	(pc) =	sbr.rel @!p4 .LBB2_113-.Ltmp75, $4  }
0x627: {  	s26 =	simm.s32 $0x1F3A0;
	v26 =	vld [tilespmem:s5+$0x0];
	v19 =	vsub.f32 v19, v16;
	v21 =	vmin.f32 v28, v11;
	v15 =	vmin.f32 v15, v12  }
0x628: {  	s24 =	simm.s32 $0x1E3A0;
	v31 =	vld [tilespmem:s26+$0x0];
	v17 =	vsub.f32 v21, v17;
	v18 =	vsub.f32 v15, v18  }
0x629: {  	s25 =	simm.s32 $0x1EBA0;
	v28 =	vld [tilespmem:s24+$0x0];
	v21 =	vadd.f32 $9.999999960e-13, v19  }
0x62a: {  	s2 =	sadd.s32 $0xFFFFFFFF, s2;
	s6 =	simm.s32 $0x1D3B0;
	p1 =	por $0x1, $0x1;
	v19 =	vadd.f32 v25, v9;
	v15 =	vld [tilespmem:s25+$0x0];
	v27 =	vmax.f32 v17, $0.0e+00;
	v29 =	vmax.f32 v18, $0.0e+00  }
0x62b: {  	_ =	sdelay $0x1  }
0x62c: {  	v17 =	vmul.f32 v29, v27;
	p4 =	sne.s32 s2, $0x1  }
.Ltmp76:
0x62d: {  	v23 =	vld [tilespmem:s6+$0x0];
	s5 =	simm.s32 $0x1DBB0;
	v18 =	vmax.f32 v20, v10;
	v20 =	vmax.f32 v26, v13;
	(pc) =	sbr.rel @!p4 .LBB2_115-.Ltmp76, $4  }
0x62e: {  	s26 =	simm.s32 $0x1F3B0;
	v26 =	vld [tilespmem:s5+$0x0];
	v19 =	vsub.f32 v19, v17;
	v22 =	vmin.f32 v28, v11;
	v15 =	vmin.f32 v15, v12  }
0x62f: {  	s24 =	simm.s32 $0x1E3B0;
	v25 =	vld [tilespmem:s26+$0x0];
	v18 =	vsub.f32 v22, v18;
	v22 =	vsub.f32 v15, v20  }
0x630: {  	s25 =	simm.s32 $0x1EBB0;
	(erf) = vrcp.f32 v21;
	v28 =	vld [tilespmem:s24+$0x0];
	v20 =	vadd.f32 $9.999999960e-13, v19  }
0x631: {  	s12 =	sadd.s32 $0xFFFFFFFF, s2;
	s2 =	simm.s32 $0x1D3C0;
	p2 =	por $0x1, $0x1;
	v15 =	vld [tilespmem:s25+$0x0];
	v19 =	vadd.f32 v31, v9;
	v27 =	vmax.f32 v18, $0.0e+00;
	v29 =	vmax.f32 v22, $0.0e+00  }
0x632: {  	_ =	sdelay $0x5  }
0x633: {  	v18 =	vmul.f32 v29, v27  }
0x634: {  	v32 =	vld [tilespmem:s2+$0x0];
	s2 =	simm.s32 $0x1DBC0;
	p4 =	sne.s32 s12, $0x1;
	v22 =	vmax.f32 v26, v13;
	v15 =	vmin.f32 v15, v12;
	v24 =	vpop (erf);
	(erf) = vrcp.f32 v20  }
.Ltmp77:
0x635: {  	s6 =	simm.s32 $0x1E3C0;
	v26 =	vld [tilespmem:s2+$0x0];
	v22 =	vsub.f32 v15, v22;
	(pc) =	sbr.rel @!p4 .LBB2_117-.Ltmp77, $4  }
0x636: {  	v21 =	vmax.f32 v23, v10;
	s8 =	simm.s32 $0x1EBC0;
	v19 =	vsub.f32 v19, v18;
	v23 =	vmin.f32 v28, v11;
	v28 =	vld [tilespmem:s6+$0x0]  }
0x637: {  	v23 =	vsub.f32 v23, v21;
	v15 =	vld [tilespmem:s8+$0x0]  }
0x638: {  	s10 =	simm.s32 $0x1F3C0;
	v21 =	vadd.f32 $9.999999960e-13, v19;
	v24 =	vmul.f32 v24, v16  }
0x639: {  	s12 =	sadd.s32 $0xFFFFFFFF, s12;
	s18 =	simm.s32 $0x1D3D0;
	p3 =	por $0x1, $0x1;
	v30 =	vmovc v17;
	v31 =	vld [tilespmem:s10+$0x0];
	v19 =	vadd.f32 v25, v9;
	v27 =	vmax.f32 v23, $0.0e+00;
	v29 =	vmax.f32 v22, $0.0e+00;
	v22 =	vmovc v14  }
.LBB2_118:
0x63a: {  	v23 =	vld [tilespmem:s18+$0x0];
	s2 =	sadd.s32 $0x10, s2;
	v25 =	vmul.f32 v29, v27;
	(erf) = vrcp.f32 v21;
	vm10 =	vgt.f32 v24, $6.999999880e-01;
	p4 =	sne.s32 s12, $0x1  }
.Ltmp78:
0x63b: {  	v21 =	vmax.f32 v32, v10;
	v32 =	vmax.f32 v26, v13;
	s6 =	sadd.s32 $0x10, s6;
	v26 =	vld [tilespmem:s2+$0x0];
	v22 =	vsel vm10, $0x0, v22;
	(pc) =	sbr.rel @p4 .LBB2_118-.Ltmp78, $4  }
0x63c: {  	s8 =	sadd.s32 $0x10, s8;
	v27 =	vmin.f32 v28, v11;
	v28 =	vld [tilespmem:s6+$0x0];
	v29 =	vmin.f32 v15, v12;
	v19 =	vsub.f32 v19, v25  }
0x63d: {  	s12 =	sadd.s32 $0xFFFFFFFF, s12;
	v27 =	vsub.f32 v27, v21;
	v15 =	vld [tilespmem:s8+$0x0];
	v29 =	vsub.f32 v29, v32;
	v24 =	vpop (erf)  }
0x63e: {  	s10 =	sadd.s32 $0x10, s10;
	v21 =	vadd.f32 $9.999999960e-13, v19;
	v24 =	vmul.f32 v24, v30;
	v30 =	vmovc v18;
	v18 =	vmov v25  }
0x63f: {  	s18 =	sadd.s32 $0x10, s18;
	v27 =	vmax.f32 v27, $0.0e+00;
	v19 =	vadd.f32 v31, v9;
	v29 =	vmax.f32 v29, $0.0e+00;
	v31 =	vld [tilespmem:s10+$0x0];
	v32 =	vmovc v23  }
0x640: {  	_ =	sdelay $0x3  }
0x641: {  	v23 =	vmov v32;
	v25 =	vmov v31  }
.LBB2_120:
0x642: {  	v27 =	vmul.f32 @p0 v29, v27;
	v23 =	vmax.f32 v23, v10  }
0x643: {  	v26 =	vmax.f32 v26, v13;
	v28 =	vmin.f32 v28, v11;
	v15 =	vmin.f32 v15, v12  }
0x644: {  	v23 =	vsub.f32 v28, v23;
	v15 =	vsub.f32 v15, v26  }
0x645: {  	v19 =	vsub.f32 @p0 v19, v27  }
0x646: {  	v23 =	vmax.f32 v23, $0.0e+00;
	v15 =	vmax.f32 v15, $0.0e+00  }
0x647: {  	v25 =	vadd.f32 v25, v9;
	v19 =	vadd.f32 @p0 $9.999999960e-13, v19;
	v15 =	vmul.f32 v15, v23  }
0x648: {  	(erf) = vrcp.f32 @p1 v21  }
0x649: {  	v19 =	vpsel p0, v19, v20;
	v20 =	vsub.f32 v25, v15  }
0x64a: {  	(erf) = vrcp.f32 @p0 v19  }
0x64b: {  	v62 =	vadd.f32 $9.999999960e-13, v20;
	_ =	sdelay $0x1  }
0x64c: {  	v19 =	vpop @p2 (erf);
	(erf) = vrcp.f32 v62  }
0x64d: {  	v19 =	vmul.f32 @p2 v19, v30;
	_ =	sdelay $0x1  }
0x64e: {  	v19 =	vpsel p2, v19, v0  }
0x64f: {  	vm10 =	vgt.f32 @p3 v24, $6.999999880e-01;
	v16 =	vpsel p1, v18, v16;
	v20 =	vmov @p0 v27;
	v21 =	vpop @p1 (erf)  }
0x650: {  	v18 =	vsel @p3 vm10, $0x0, v22;
	v17 =	vpsel p0, v20, v17;
	v16 =	vmul.f32 @p1 v21, v16  }
0x651: {  	v18 =	vpsel p3, v18, v14;
	v17 =	vpsel p0, v17, v0;
	vm10 =	vgt.f32 @p2 v19, $6.999999880e-01;
	v19 =	vpop @p0 (erf)  }
0x652: {  	v16 =	vpsel p1, v16, v0;
	v18 =	vsel @p2 vm10, $0x0, v18;
	v17 =	vmul.f32 @p0 v19, v17  }
0x653: {  	vm10 =	vgt.f32 @p1 v16, $6.999999880e-01;
	v18 =	vpsel p2, v18, v14  }
0x654: {  	v16 =	vsel @p1 vm10, $0x0, v18;
	v17 =	vpsel p0, v17, v0;
	v63 =	vpop (erf)  }
0x655: {  	v16 =	vpsel p1, v16, v14;
	vm10 =	vgt.f32 @p0 v17, $6.999999880e-01;
	v15 =	vmul.f32 v63, v15  }
0x656: {  	v16 =	vsel @p0 vm10, $0x0, v16  }
0x657: {  	v16 =	vpsel p0, v16, v14;
	vm10 =	vgt.f32 v15, $6.999999880e-01  }
0x658: {  	v23 =	vsel vm10, $0x0, v16  }
.LBB2_121:
0x659: {  	s2 =	simm.s32 $0x0  }
0x65a: {  	v22 =	vmov s2  }
0x65b: {  	vm10 =	veq.s32 v22, v1  }
0x65c: {  	v15 =	vnsel vm10, $0x0, v10  }
0x65d: {  	v16 =	vnsel vm10, $0x0, v13;
	(xrf2) =	vadd.scan.msk.f32 $0xffff, v15  }
0x65e: {  	v15 =	vnsel vm10, $0x0, v11;
	(xrf2) =	vadd.scan.msk.f32 $0xffff, v16  }
0x65f: {  	(xrf2) =	vadd.scan.msk.f32 $0xffff, v15  }
0x660: {  	v16 =	vnsel vm10, $0x0, v12  }
0x661: {  	(xrf2) =	vadd.scan.msk.f32 $0xffff, v16;
	_ =	sdelay $0x1  }
0x662: {  	v15 =	vnsel vm10, $0x0, v9  }
0x663: {  	(xrf2) =	vadd.scan.msk.f32 $0xffff, v15;
	v15 =	vnsel vm10, $0x0, v14  }
0x664: {  	v16 =	vnsel vm10, $0x0, v8;
	_ =	sdelay $0x1  }
0x665: {  	(xrf0) =	vadd.scan.msk.s32 $0xffff, v15;
	v15, _, _ =	vpop (xrf2)  }
0x666: {  	(xrf0) =	vadd.scan.msk.s32 $0xffff, v16;
	v16, _, _ =	vpop (xrf2)  }
0x667: {  	v17 =	vnsel vm10, $0x0, v23;
	v18, _, _ =	vpop (xrf2)  }
0x668: {  	(xrf0) =	vadd.scan.msk.s32 $0xffff, v17;
	v17 =	vbroadcast v18, $0xF  }
0x669: {  	v20 =	vbroadcast v15, $0xF;
	v15, _, _ =	vpop (xrf2)  }
0x66a: {  	v16 =	vbroadcast v16, $0xF;
	v15 =	vbroadcast v15, $0xF;
	v25 =	vmin.f32 v17, v11;
	_ =	sdelay $0x1  }
0x66b: {  	v18, _, _ =	vpop (xrf0);
	v24 =	vmax.f32 v20, v10;
	v21 =	vmax.f32 v16, v13;
	v26 =	vmin.f32 v15, v12  }
0x66c: {  	v24 =	vsub.f32 v25, v24;
	v21 =	vsub.f32 v26, v21;
	v25, _, _ =	vpop (xrf2)  }
0x66d: {  	v19, _, _ =	vpop (xrf0);
	(v2sf) =	vpush v18, $0xF;
	v18 =	vbroadcast v25, $0xF  }
0x66e: {  	v24 =	vmax.f32 v24, $0.0e+00;
	v25, _, _ =	vpop (xrf0);
	v21 =	vmax.f32 v21, $0.0e+00  }
0x66f: {  	(v2sf) =	vpush v25, $0xF;
	v24 =	vmul.f32 v21, v24;
	v25 =	vadd.f32 v18, v9;
	_ =	sdelay $0x1  }
0x670: {  	v21 =	vsub.f32 v25, v24  }
0x671: {  	s24 =	simm.s32 $0x1  }
0x672: {  	v25 =	vadd.f32 $9.999999960e-13, v21;
	v21 =	vmov s24  }
0x673: {  	vm14 =	veq.s32 v21, v1  }
0x674: {  	(erf) = vrcp.f32 v25;
	v25 =	vnsel vm14, $0x0, v10  }
0x675: {  	v26 =	vnsel vm14, $0x0, v13;
	(xrf2) =	vadd.scan.msk.f32 $0xffff, v25  }
0x676: {  	(xrf2) =	vadd.scan.msk.f32 $0xffff, v26  }
0x677: {  	v25 =	vnsel vm14, $0x0, v14  }
0x678: {  	(xrf0) =	vadd.scan.msk.s32 $0xffff, v25;
	_ =	sdelay $0x1  }
0x679: {  	v25 =	vnsel vm14, $0x0, v8;
	_ =	sdelay $0x1  }
0x67a: {  	vm3 =	vmmov vm2;
	v26 =	vnsel vm14, $0x0, v11  }
0x67b: {  	vm2 =	vmmov vm1;
	vm1 =	vmmov vm8;
	vm8 =	vmmov vm7;
	(xrf0) =	vadd.scan.msk.s32 $0xffff, v25;
	v25 =	vpop (erf)  }
0x67c: {  	vm7 =	vmmov vm6;
	vm6 =	vmmov vm5;
	(xrf2) =	vadd.scan.msk.f32 $0xffff, v26;
	v24 =	vmul.f32 v25, v24;
	v25, _, _ =	vpop (xrf0)  }
0x67d: {  	vm5 =	vmmov vm15;
	vm15 =	vlt.u32 v22, v1;
	v22 =	vnsel vm14, $0x0, v12;
	v26, _, _ =	vpop (xrf2)  }
0x67e: {  	s25 =	spop (v2sf);
	(v2sf) =	vpush v25, $0xF;
	v28, _, _ =	vpop (xrf2);
	(xrf2) =	vadd.scan.msk.f32 $0xffff, v22  }
0x67f: {  	p0 =	slt.s32 s7, $0x64  }
0x680: {  	s26 =	sshll.u32 s7, $0x4;
	p6 =	slt.s32 s4, $0x80;
	v27 =	vnsel vm14, $0x0, v9;
	s5 =	spop (v2sf)  }
0x681: {  	p1 =	sgt.s32 s25, $0x0;
	p2 =	sgt.s32 s5, $0x0;
	p3 =	seq.s32 s5, $0x0;
	(xrf2) =	vadd.scan.msk.f32 $0xffff, v27  }
0x682: {  	vm11 =	vmmov $0x1;
	s6 =	simm.s32 $0x1;
	p0 =	por !p0, !p2;
	p1 =	por !p1, !p3  }
0x683: {  	vm13 =	vmmov vm9;
	vm10 =	vmmov vm11;
	s5 =	simm.s32 $0x1;
	p0 =	por !p0, !p0;
	p1 =	por !p1, !p1;
	vm4 =	vgt.f32 v24, $6.999999880e-01  }
0x684: {  	vm13 =	vmneg @p0 vm13;
	p2 =	por !p6, !p1;
	s5 =	simm.s32 @!p0 $0x0;
	s6 =	simm.s32 @!p1 $0x0;
	v24 =	vor.u32 s26, v1;
	vm4 =	vmand vm15, vm4  }
0x685: {  	v22, _, _ =	vpop (xrf0);
	p0 =	por !p2, !p2;
	s10 =	sadd.s32 s5, s7;
	s8 =	sadd.s32 s6, s4;
	vm15 =	vmmov vm9;
	v25 =	vbroadcast v28, $0xF;
	vm4 =	vmand vm13, vm4  }
0x686: {  	s12 =	simm.s32 $0x2;
	vm12 =	vmmov vm10;
	v27, _, _ =	vpop (xrf2);
	s2 =	sshll.u32 s10, $0x4;
	vm15 =	vmneg @p0 vm15;
	p1 =	slt.s32 s8, $0x7F;
	v23 =	vsel vm4, $0x0, v23  }
.LBB2_122:
0x687: {  	p0 =	sne.s32 s12, $0xF;
	v30 =	vnsel vm14, $0x0, v23;
	v29 =	vmax.f32 v25, v13;
	s5 =	smov.u32 s12;
	s12 =	sadd.s32 $0x1, s12  }
0x688: {  	v26 =	vbroadcast v26, $0xF;
	v27 =	vbroadcast v27, $0xF;
	vm14 =	vmand vm13, vm12;
	(xrf0) =	vadd.scan.msk.s32 $0xffff, v30;
	v28, _, _ =	vpop (xrf2)  }
0x689: {  	vm15 =	vmand vm15, vm12;
	v30 =	vmov s7;
	s7 =	smov.u32 s10;
	v28 =	vbroadcast v28, $0xF  }
0x68a: {  	v33 =	vmov s4;
	v31 =	vmax.f32 v26, v10;
	v34 =	vmin.f32 v27, v11;
	[tilespmem:v24+s28+$0x0] =	vst.idx.msk vm13, v20;
	v20 =	vmovc v26  }
0x68b: {  	v31 =	vsub.f32 v34, v31;
	v26 =	vmin.f32 v28, v12;
	v32, _, _ =	vpop (xrf2);
	[tilespmem:v24+s29+$0x0] =	vst.idx.msk vm13, v16;
	v16 =	vmov v25  }
0x68c: {  	s4 =	smov.u32 s8;
	v25 =	vbroadcast v32, $0xF;
	v26 =	vsub.f32 v26, v29;
	[tilespmem:v24+s30+$0x0] =	vst.idx.msk vm13, v17;
	v29 =	vbroadcast v19, $0xF;
	v17 =	vmovc v27  }
0x68d: {  	vm12 =	vmmov vm10;
	vm10 =	vmmov vm11;
	s4 =	simm.s32 @!p1 $0x7F;
	v27 =	vmax.f32 v31, $0.0e+00;
	v19 =	vmovc v22;
	s6 =	spop (v2sf);
	[tilespmem:v24+s31+$0x0] =	vst.idx.msk vm13, v15;
	v15 =	vmovc v28  }
0x68e: {  	v22 =	vmax.f32 v26, $0.0e+00;
	v26 =	vadd.f32 v25, v9;
	v28, _, _ =	vpop (xrf0);
	[tilespmem:v24+s0+$0x0] =	vst.idx.msk vm13, v18;
	v18 =	vmov v25  }
0x68f: {  	v22 =	vmul.f32 v22, v27;
	(v2sf) =	vpush v28, $0xF;
	[tilespmem:v30+s1+$0x0] =	vst.idx.msk vm14, v29  }
0x690: {  	v24 =	vmov s5;
	[tilespmem:v33+s11+$0x0] =	vst.idx.msk vm15, v29  }
0x691: {  	vm14 =	veq.s32 v24, v1;
	v25 =	vsub.f32 v26, v22  }
0x692: {  	v27 =	vnsel vm14, $0x0, v13;
	v28 =	vnsel vm14, $0x0, v9;
	v26 =	vnsel vm14, $0x0, v10  }
0x693: {  	v29 =	vnsel vm14, $0x0, v11;
	v30 =	vnsel vm14, $0x0, v12;
	(xrf2) =	vadd.scan.msk.f32 $0xffff, v26;
	v25 =	vadd.f32 $9.999999960e-13, v25  }
0x694: {  	v31 =	vnsel vm14, $0x0, v8;
	v26 =	vnsel vm14, $0x0, v14  }
0x695: {  	(xrf0) =	vadd.scan.msk.s32 $0xffff, v26;
	(erf) = vrcp.f32 v25  }
0x696: {  	(xrf2) =	vadd.scan.msk.f32 $0xffff, v27;
	_ =	sdelay $0x2  }
0x697: {  	(xrf2) =	vadd.scan.msk.f32 $0xffff, v29;
	_ =	sdelay $0x1  }
0x698: {  	v25, _, _ =	vpop (xrf0);
	(xrf0) =	vadd.scan.msk.s32 $0xffff, v31  }
0x699: {  	(v2sf) =	vpush v25, $0xF;
	(xrf2) =	vadd.scan.msk.f32 $0xffff, v30  }
0x69a: {  	p1 =	slt.s32 s10, $0x64;
	v26, _, _ =	vpop (xrf2)  }
0x69b: {  	vm4 =	vlt.u32 v21, v1;
	p2 =	sgt.s32 s6, $0x0;
	v21 =	vmov v24;
	v24 =	vor.u32 s2, v1;
	s2 =	simm.s32 $0x1;
	s5 =	spop (v2sf);
	v25 =	vpop (erf)  }
0x69c: {  	(xrf2) =	vadd.scan.msk.f32 $0xffff, v28;
	p3 =	sgt.s32 s5, $0x0;
	v25 =	vmul.f32 v25, v22;
	p4 =	seq.s32 s5, $0x0;
	s5 =	simm.s32 $0x1  }
.Ltmp79:
0x69d: {  	v27, _, _ =	vpop (xrf2);
	p1 =	por !p1, !p3;
	p2 =	por !p2, !p4;
	(pc) =	sbr.rel @p0 .LBB2_122-.Ltmp79, $4  }
0x69e: {  	vm13 =	vmmov vm9;
	p3 =	slt.s32 s4, $0x80;
	v22, _, _ =	vpop (xrf0);
	p1 =	por !p1, !p1;
	vm15 =	vgt.f32 v25, $6.999999880e-01;
	p2 =	por !p2, !p2  }
0x69f: {  	vm13 =	vmneg @p1 vm13;
	vm4 =	vmand vm4, vm15;
	p3 =	por !p3, !p2;
	s2 =	simm.s32 @!p1 $0x0;
	s5 =	simm.s32 @!p2 $0x0  }
0x6a0: {  	v25 =	vbroadcast v27, $0xF;
	vm15 =	vmmov vm9;
	v27, _, _ =	vpop (xrf2);
	vm4 =	vmand vm13, vm4;
	p1 =	por !p3, !p3;
	s10 =	sadd.s32 s2, s10;
	s8 =	sadd.s32 s5, s4  }
0x6a1: {  	s2 =	sshll.u32 s10, $0x4;
	v23 =	vsel vm4, $0x0, v23;
	vm15 =	vmneg @p1 vm15;
	p1 =	slt.s32 s8, $0x7F  }
0x6a2: {  	v8 =	vnsel vm14, $0x0, v23  }
0x6a3: {  	(xrf0) =	vadd.scan.msk.s32 $0xffff, v8;
	_ =	sdelay $0x5  }
0x6a4: {  	v8, _, _ =	vpop (xrf0)  }
0x6a5: {  	(v2sf) =	vpush v8, $0xF;
	_ =	sdelay $0x8  }
0x6a6: {  	v21 =	vbroadcast v27, $0xF;
	v14, _, _ =	vpop (xrf2)  }
0x6a7: {  	v14 =	vbroadcast v14, $0xF;
	v8 =	vbroadcast v26, $0xF  }
0x6a8: {  	v13 =	vmax.f32 v25, v13  }
0x6a9: {  	v11 =	vmin.f32 v21, v11;
	v12 =	vmin.f32 v14, v12;
	v10 =	vmax.f32 v8, v10  }
0x6aa: {  	v56, _, _ =	vpop (xrf2);
	v12 =	vsub.f32 v12, v13;
	v10 =	vsub.f32 v11, v10  }
0x6ab: {  	s5 =	spop (v2sf);
	v11 =	vbroadcast v56, $0xF  }
0x6ac: {  	v12 =	vmax.f32 v12, $0.0e+00;
	v10 =	vmax.f32 v10, $0.0e+00;
	s6 =	spop (v2sf)  }
0x6ad: {  	p0 =	slt.s32 s10, $0x64;
	v9 =	vadd.f32 v11, v9;
	v10 =	vmul.f32 v12, v10;
	p2 =	sgt.s32 s6, $0x0  }
0x6ae: {  	vm4 =	vmand vm13, vm12;
	v57 =	vmov s7;
	p0 =	por !p0, !p2  }
0x6af: {  	vm12 =	vmand vm15, vm12;
	[tilespmem:v24+s28+$0x0] =	vst.idx.msk vm13, v20;
	vm11 =	vmmov vm9;
	v9 =	vsub.f32 v9, v10;
	p0 =	por !p0, !p0  }
0x6b0: {  	v58 =	vmov s4;
	[tilespmem:v24+s29+$0x0] =	vst.idx.msk vm13, v16;
	p4 =	sgt.s32 s5, $0x0;
	p3 =	seq.s32 s6, $0x0;
	vm11 =	vmneg @p0 vm11  }
0x6b1: {  	s8 =	simm.s32 @!p1 $0x7F;
	v59 =	vor.u32 s2, v1;
	[tilespmem:v24+s30+$0x0] =	vst.idx.msk vm13, v17;
	v9 =	vadd.f32 $9.999999960e-13, v9;
	p5 =	por !p4, !p3  }
0x6b2: {  	v60 =	vbroadcast v19, $0xF;
	p6 =	slt.s32 s8, $0x80;
	[tilespmem:v24+s31+$0x0] =	vst.idx.msk vm13, v15;
	p1 =	por !p5, !p5  }
0x6b3: {  	s2 =	simm.s32 $0x1;
	s13 =	sadd.s32 $0x1, s13;
	[tilespmem:v24+s0+$0x0] =	vst.idx.msk vm13, v18;
	(erf) = vrcp.f32 v9;
	p2 =	por !p6, !p1  }
0x6b4: {  	vm10 =	vmmov vm10;
	s26 =	rddreg [dreg:$0xe];
	[tilespmem:v57+s1+$0x0] =	vst.idx.msk vm4, v60;
	vm4 =	vmmov vm9;
	s2 =	simm.s32 @!p0 $0x0;
	p2 =	por !p2, !p2  }
0x6b5: {  	s4 =	simm.s32 $0x1;
	[tilespmem:v58+s11+$0x0] =	vst.idx.msk vm12, v60;
	p0 =	sge.s32 s13, s26;
	vm12 =	vmand vm11, vm10;
	s7 =	sadd.s32 s2, s10;
	vm4 =	vmneg @p2 vm4  }
0x6b6: {  	v61 =	vmov s10;
	s4 =	simm.s32 @!p1 $0x0;
	p1 =	slt.s32 @!p0 s7, $0x64;
	vm4 =	vmand vm4, vm10;
	[tilespmem:v59+s28+$0x0] =	vst.idx.msk vm11, v8  }
0x6b7: {  	p1 =	por p0, !p1;
	v8 =	vmov s8;
	[tilespmem:v59+s29+$0x0] =	vst.idx.msk vm11, v25  }
.Ltmp80:
0x6b8: {  	[tilespmem:v59+s30+$0x0] =	vst.idx.msk vm11, v21;
	(pc) =	sbr.rel @!p1 .LBB2_107-.Ltmp80, $4  }
.Ltmp81:
0x6b9: {  	v62 =	vbroadcast v22, $0xF;
	[tilespmem:v59+s31+$0x0] =	vst.idx.msk vm11, v14;
	(pc) =	sbr.rel @p1 .LBB2_124-.Ltmp81, $4  }
0x6ba: {  	vm15 =	vmmov vm5;
	vm5 =	vmmov vm6;
	s4 =	sadd.s32 s4, s8;
	[tilespmem:v59+s0+$0x0] =	vst.idx.msk vm11, v11  }
0x6bb: {  	vm6 =	vmmov vm7;
	vm7 =	vmmov vm8;
	vm8 =	vmmov vm1;
	p2 =	slt.s32 s4, $0x7F;
	[tilespmem:v61+s1+$0x0] =	vst.idx.msk vm12, v62  }
0x6bc: {  	vm1 =	vmmov vm2;
	vm2 =	vmmov vm3;
	vm3 =	vcmask $0x1B18;
	v63 =	vpop (erf);
	s4 =	simm.s32 @!p2 $0x7F;
	[tilespmem:v8+s11+$0x0] =	vst.idx.msk vm4, v62  }
0x6bd: {  	_ = 	snop  }
.LBB2_109:
.Ltmp82:
0x6be: {  	_ = 	snop;
	(pc) =	sbr.rel .LBB2_120-.Ltmp82, $2  }
0x6bf: {  	_ =	sdelay $0x2  }
0x6c0: {  	v23 =	vmovc v18;
	v22 =	vmov v14;
	v26 =	vmov v17;
	v25 =	vmov v16  }
.LBB2_111:
.Ltmp83:
0x6c1: {  	(pc) =	sbr.rel .LBB2_120-.Ltmp83, $2  }
0x6c2: {  	_ =	sdelay $0x2  }
0x6c3: {  	v22 =	vmov v14  }
.LBB2_113:
.Ltmp84:
0x6c4: {  	(pc) =	sbr.rel .LBB2_120-.Ltmp84, $2  }
0x6c5: {  	_ =	sdelay $0x2  }
0x6c6: {  	v18 =	vmovc v16;
	v23 =	vmov v20;
	v22 =	vmov v14;
	v25 =	vmov v31  }
.LBB2_115:
.Ltmp85:
0x6c7: {  	(pc) =	sbr.rel .LBB2_120-.Ltmp85, $2  }
0x6c8: {  	_ =	sdelay $0x2  }
0x6c9: {  	v21 =	vmovc v20;
	v22 =	vmov v14;
	v30 =	vmov v16;
	v18 =	vmov v17  }
.LBB2_117:
.Ltmp86:
0x6ca: {  	_ = 	snop;
	(pc) =	sbr.rel .LBB2_120-.Ltmp86, $2  }
0x6cb: {  	_ =	sdelay $0x2  }
0x6cc: {  	v23 =	vmovc v32;
	v22 =	vmov v14;
	v30 =	vmov v17;
	v25 =	vmov v31  }
.LBB2_80:
.Ltmp87:
0x6cd: {  	(pc) =	sbr.rel .LBB2_89-.Ltmp87, $2  }
0x6ce: {  	_ =	sdelay $0x2  }
0x6cf: {  	s10 =	smov.u32 s26;
	s6 =	simm.s32 $0x0;
	s25 =	simm.s32 $0xFFFFFFFF  }
.LBB2_82:
.Ltmp88:
0x6d0: {  	(pc) =	sbr.rel .LBB2_89-.Ltmp88, $3  }
0x6d1: {  	_ =	sdelay $0x1  }
0x6d2: {  	s10 =	smov.u32 s2  }
0x6d3: {  	s2 =	smov.u32 s26;
	s6 =	simm.s32 $0x0;
	s25 =	simm.s32 $0xFFFFFFFF  }
.LBB2_84:
.Ltmp89:
0x6d4: {  	(pc) =	sbr.rel .LBB2_89-.Ltmp89, $3  }
0x6d5: {  	_ =	sdelay $0x1  }
0x6d6: {  	s6 =	simm.s32 $0x0  }
0x6d7: {  	s10 =	smov.u32 s8;
	s25 =	simm.s32 $0xFFFFFFFF;
	s24 =	smov.u32 s26  }
.LBB2_86:
.Ltmp90:
0x6d8: {  	(pc) =	sbr.rel .LBB2_89-.Ltmp90, $3  }
0x6d9: {  	_ =	sdelay $0x1  }
0x6da: {  	s24 =	smov.u32 s2;
	s6 =	simm.s32 $0x0;
	s12 =	smov.u32 s26  }
0x6db: {  	s25 =	simm.s32 $0xFFFFFFFF;
	s2 =	smov.u32 s8;
	s16 =	simm.s32 $0x1BB80  }
.LBB2_76:
.Ltmp91:
0x6dc: {  	(pc) =	sbr.rel .LBB2_52-.Ltmp91, $3  }
0x6dd: {  	_ =	sdelay $0x1  }
0x6de: {  	p0 =	slt.s32 s7, $0x64  }
0x6df: {  	s7 =	smov.u32 @p1 s7;
	p0 =	por @!p1 p0, p0  }
.LBB2_51:
0x6e0: {  	p0 =	slt.s32 s7, $0x64  }
0x6e1: {  	s7 =	smov.u32 @p1 s7;
	p0 =	por @!p1 p0, p0  }
.LBB2_52:
0x6e2: {  	p1 =	sgt.s32 @p0 s7, $0x63  }
0x6e3: {  	p0 =	por !p0, p1  }
.Ltmp92:
0x6e4: {  	_ = 	snop;
	(pc) =	sbr.rel @p0 .LBB2_54-.Ltmp92, $2  }
0x6e5: {  	_ =	sdelay $0x2  }
0x6e6: {  	s2 =	simm.s32 $0x0;
	s6 =	simm.s32 $0x1  }
.LBB2_53:
0x6e7: {  	s3 =	sshra.s32 s2, $0x1F  }
0x6e8: {  	p0 =	sne.s32 s2, $0x0;
	s5 =	simm.s32 $0x1;
	s4 =	sshrl.u32 s3, $0x1C  }
0x6e9: {  	s5 =	simm.s32 @!p0 $0x0;
	s4 =	sadd.s32 s4, s2  }
0x6ea: {  	s3 =	sor.u32 s5, s3;
	s23 =	sand.u32 $0xFFFFFFF0, s4  }
0x6eb: {  	p6 =	sne.s32 s3, $0x1;
	p1 =	sne.s32 s2, s23  }
0x6ec: {  	p0 =	por !p1, !p6  }
0x6ed: {  	s3 =	simm.s32 $0x1;
	p0 =	por !p0, !p0  }
0x6ee: {  	s4 =	sshrl.u32 s4, $0x4;
	s3 =	simm.s32 @!p0 $0x0  }
0x6ef: {  	s3 =	ssub.s32 s4, s3  }
0x6f0: {  	s3 =	sshll.u32 s3, $0x6  }
0x6f1: {  	s3 =	sshra.s32 s3, $0x2  }
0x6f2: {  	v6 =	vld [tilespmem:s3+$0x1FC00];
	_ =	sdelay $0x1  }
0x6f3: {  	s24 =	sand.u32 $0xF, s2  }
0x6f4: {  	v7 =	vmov s24  }
0x6f5: {  	vm4 =	veq.s32 v7, v1  }
0x6f6: {  	v6 =	vnsel vm4, $0x0, v6  }
0x6f7: {  	(xrf0) =	vadd.scan.msk.s32 $0xffff, v6;
	_ =	sdelay $0x1  }
0x6f8: {  	s25 =	sadd.s32 s2, s7;
	s2 =	sadd.s32 $0x1, s2  }
0x6f9: {  	s26 =	sadd.s32 s2, s7  }
0x6fa: {  	p0 =	sne.s32 s26, $0x64;
	v6 =	vmov s25  }
.Ltmp93:
0x6fb: {  	_ = 	snop;
	(pc) =	sbr.rel @p0 .LBB2_53-.Ltmp93, $3  }
0x6fc: {  	v7, _, _ =	vpop (xrf0)  }
0x6fd: {  	v7 =	vbroadcast v7, $0xF;
	_ =	sdelay $0x1  }
0x6fe: {  	[tilespmem:v6+s1+$0x0] =	vst.idx.msk $0x1, v7  }
.Ltmp94:
0x6ff: {  	_ = 	snop;
	(pc) =	sbr.rel .LBB2_54-.Ltmp94, $1  }
0x700: {  	_ =	sdelay $0x3  }
.LBB2_16:
.Ltmp95:
0x701: {  	(pc) =	sbr.rel .LBB2_20-.Ltmp95, $2  }
0x702: {  	_ =	sdelay $0x2  }
0x703: {  	s4 =	simm.s32 $0x0  }
.LBB2_25:
.Ltmp96:
0x704: {  	(pc) =	sbr.rel .LBB2_29-.Ltmp96, $2  }
0x705: {  	_ =	sdelay $0x2  }
0x706: {  	s8 =	simm.s32 $0x0  }
.LBB2_18:
.Ltmp97:
0x707: {  	(pc) =	sbr.rel .LBB2_20-.Ltmp97, $2  }
0x708: {  	_ =	sdelay $0x2  }
0x709: {  	s4 =	simm.s32 $0x0  }
.LBB2_27:
.Ltmp98:
0x70a: {  	(pc) =	sbr.rel .LBB2_29-.Ltmp98, $2  }
0x70b: {  	_ =	sdelay $0x2  }
0x70c: {  	s8 =	simm.s32 $0x0  }
.LBB2_55:
0x70d: {  	_ =	sfence.sel $0x180000  }
0x70e: {  	[bflag:$0x0] =	sbarrier.arrive $0xFFFF  }
0x70f: {  	_ =	strace $0x90000047  }
0x710: {  	s0 =	stileid.u32;
	[bflag:$0x2] =	sbarrier.arrive $0xFFFF  }
0x711: {  	p0 =	sne.s32 s0, $0x0;
	s0 =	rddreg [dreg:$0x2]  }
0x712: {  	s0 =	sadd.s32 @!p0 $0x100000, s0  }
0x713: {  	[sflag:s0] =	ssyncadd.tile.s32 @!p0 $0x1;
	_ =	shalt  }
.Lfunc_end2:
_tile_overlayer_lowered:
.L_overlay_start_2:
0x714: {  	(tag) =	ssettag $0x2  }
0x715: {  	s0 =	rddreg [dreg:$0x0];
	s2 =	stileid.u32  }
0x716: {  	s1 =	rddreg [dreg:$0x1];
	p0 =	sne.s32 s2, $0x0  }
0x717: {  	s3 =	rddreg [dreg:$0x2];
	[bflag:$0x3] =	sbarrier.arrive $0xFFFF;
	s2 =	simm.s32 @!p0 $0x1C01  }
0x718: {  	[timem:s3], [sflag:s2] =	dma.local @!p0 [hbm:s0], s1  }
0x719: {  	s0 =	simm.s32 @!p0 $0x1  }
0x71a: {  	_ =	swait.ge @!p0 [sflag:s0], s1  }
0x71b: {  	s1 =	ssub.s32 @!p0 $0x0, s1;
	[sflag:s0] =	ssyncset.done @!p0 $0x0  }
0x71c: {  	[sflag:s0] =	ssyncadd.s32 @!p0 s1  }
0x71d: {  	[bflag:$0x3] =	sbarrier.arrive $0xFFFF  }
0x71e: {  	_ =	shalt  }

</sc_bundles>
